<compile_context>
chip_gen: v7x
topology: tpu7x:2x2x1
jax: 0.10.2.dev20260603
libtpu: 0.0.44.dev20260713+nightly
codegen_flags: <defaults>
</compile_context>

<pallas_src>
import functools

import jax
import jax.numpy as jnp
from jax import lax
from jax.experimental import pallas as pl
from jax.experimental.pallas import tpu as pltpu
from jax.experimental.pallas import tpu_sc as plsc

F32 = jnp.float32
NC, NS = 2, 16
EW = 80

def _dot(a, b):
    return jax.lax.dot_general(a, b, (((1,), (0,)), ((), ())),
                               preferred_element_type=F32)


def _dot_t(a, bT):
    return jax.lax.dot_general(a, bT, (((1,), (1,)), ((), ())),
                               preferred_element_type=F32)


def _sc_degree(packed3, zeros_n, n):
    nwt = packed3.shape[1]

    mesh = plsc.VectorSubcoreMesh(core_axis_name="c", subcore_axis_name="s",
                                  num_cores=NC, num_subcores=NS)

    @functools.partial(
        pl.kernel, mesh=mesh,
        out_type=jax.ShapeDtypeStruct((NC, 1, n), F32),
        scratch_types=[
            pltpu.VMEM((nwt, EW), jnp.int32),
            pltpu.VMEM((EW,), F32),
            pltpu.VMEM((EW,), jnp.int32),
            pltpu.VMEM((EW,), jnp.int32),
            pltpu.VMEM_SHARED((n,), F32),
            pltpu.SemaphoreType.DMA,
            pltpu.SemaphoreType.DMA,
        ],
    )
    def k(pk_hbm, zeros_hbm, out_hbm, pk, ones_v, db0, db1, acc, sem0, sem1):
        cid = lax.axis_index("c")
        sid = lax.axis_index("s")

        for kk in range(EW // 16):
            ones_v[pl.ds(kk * 16, 16)] = jnp.ones((16,), F32)
        wid = cid * NS + sid
        pltpu.sync_copy(pk_hbm.at[wid], pk)

        @pl.when(sid == 0)
        def _():
            pltpu.sync_copy(zeros_hbm, acc)
        plsc.subcore_barrier()

        dbs = (db0, db1)
        sems = (sem0, sem1)

        def s_launch(b, j):
            for kk in range(EW // 16):
                dbs[b][pl.ds(kk * 16, 16)] = lax.shift_right_logical(
                    pk[j, pl.ds(kk * 16, 16)], 16)
            pltpu.async_copy(ones_v, acc.at[dbs[b]], sems[b], add=True)

        def s_wait(b):
            pltpu.make_async_copy(ones_v, acc.at[dbs[b]], sems[b]).wait()

        s_launch(0, 0)
        s_launch(1, 1)

        def body(t, carry):
            j = 2 * t
            for b in range(2):
                s_wait(b)

                @pl.when(j + b + 2 < nwt)
                def _():
                    s_launch(b, j + b + 2)
            return carry

        lax.fori_loop(0, nwt // 2, body, 0)
        if nwt % 2 == 1:
            s_wait(0)
        plsc.subcore_barrier()

        @pl.when(sid == 0)
        def _():
            pltpu.sync_copy(acc, out_hbm.at[cid, 0])

    return k(packed3, zeros_n)


def _sc_aggregate(packed3, v, n, h):
    nwt = packed3.shape[1]
    wb = (n // NS) & ~7
    wb_last = n - (NS - 1) * wb
    NB = 3

    mesh = plsc.VectorSubcoreMesh(core_axis_name="c", subcore_axis_name="s",
                                  num_cores=NC, num_subcores=NS)

    @functools.partial(
        pl.kernel, mesh=mesh,
        out_type=jax.ShapeDtypeStruct((NC, n, h), F32),
        scratch_types=[
            pltpu.VMEM((nwt, EW), jnp.int32),
            *[pltpu.VMEM((EW,), jnp.int32) for _ in range(2 * NB)],
            *[pltpu.VMEM((EW, h), F32) for _ in range(NB)],
            pltpu.VMEM_SHARED((n, h), F32),
            *[pltpu.SemaphoreType.DMA for _ in range(2 * NB)],
        ],
    )
    def k(pk_hbm, v_hbm, out_hbm, pk, *bufs):
        sbs = bufs[0:2 * NB:2]
        dbs = bufs[1:2 * NB:2]
        rows = bufs[2 * NB:3 * NB]
        acc = bufs[3 * NB]
        sems = bufs[3 * NB + 1:3 * NB + 1 + NB]
        ssems = bufs[3 * NB + 1 + NB:]
        cid = lax.axis_index("c")
        sid = lax.axis_index("s")
        wid = cid * NS + sid
        pltpu.sync_copy(pk_hbm.at[wid], pk)

        def zbody(r, c):
            for kk in range(h // 16):
                rows[0][r, pl.ds(kk * 16, 16)] = jnp.zeros((16,), F32)
            return c

        lax.fori_loop(0, EW, zbody, 0)
        zc = 48
        base = sid * wb
        for c in range(wb // zc):
            pltpu.sync_copy(rows[0].at[pl.ds(0, zc)],
                            acc.at[pl.ds(base + c * zc, zc)])
        if wb % zc:
            pltpu.sync_copy(rows[0].at[pl.ds(0, wb % zc)],
                            acc.at[pl.ds(base + (wb // zc) * zc, wb % zc)])

        @pl.when(sid == NS - 1)
        def _():
            ext = wb_last - wb
            pltpu.sync_copy(rows[0].at[pl.ds(0, ext)],
                            acc.at[pl.ds(NS * wb, ext)])
        plsc.subcore_barrier()

        def unpack(j, sb, db):
            for kk in range(EW // 16):
                pv = pk[j, pl.ds(kk * 16, 16)]
                sb[pl.ds(kk * 16, 16)] = pv & 0xFFFF
                db[pl.ds(kk * 16, 16)] = lax.shift_right_logical(pv, 16)

        def g_start(b, j):
            unpack(j, sbs[b], dbs[b])
            pltpu.make_async_copy(v_hbm.at[sbs[b]], rows[b], sems[b]).start()

        def g_wait(b):
            pltpu.make_async_copy(v_hbm.at[sbs[b]], rows[b], sems[b]).wait()

        for b in range(NB):
            g_start(b, b)

        def body(t, carry):
            j = NB * t
            for b in range(NB):
                g_wait(b)
                pltpu.sync_copy(rows[b], acc.at[dbs[b]], add=True)

                @pl.when(j + b + NB < nwt)
                def _():
                    g_start(b, j + b + NB)
            return carry

        lax.fori_loop(0, nwt // NB, body, 0)
        for jr in range(nwt - nwt % NB, nwt):
            b = jr % NB
            g_wait(b)
            pltpu.sync_copy(rows[b], acc.at[dbs[b]], add=True)
        plsc.subcore_barrier()

        @pl.when(sid < NS - 1)
        def _():
            pltpu.sync_copy(acc.at[pl.ds(sid * wb, wb)],
                            out_hbm.at[cid, pl.ds(sid * wb, wb)])

        @pl.when(sid == NS - 1)
        def _():
            pltpu.sync_copy(acc.at[pl.ds((NS - 1) * wb, wb_last)],
                            out_hbm.at[cid, pl.ds((NS - 1) * wb, wb_last)])

    return k(packed3, v)


def _tc_input(x, W_in, b_in, W_g1, dp, bn):
    n, d_in = x.shape
    h1 = W_g1.shape[1]
    grid = (n // bn,)

    def body(x_r, wi_r, bi_r, wg_r, d_r, t1s_r, dis_r):
        h0 = jnp.tanh(_dot(x_r[...], wi_r[...]) + bi_r[...])
        d = d_r[0] + d_r[1]
        dis = jnp.where(d > 0, 1.0 / jnp.sqrt(jnp.maximum(d, 1.0)), 0.0)
        t1s_r[...] = _dot(h0, wg_r[...]) * dis
        dis_r[...] = dis

    return pl.pallas_call(
        body,
        grid=grid,
        in_specs=[
            pl.BlockSpec((bn, d_in), lambda i: (i, 0)),
            pl.BlockSpec((d_in, h1), lambda i: (0, 0)),
            pl.BlockSpec((1, h1), lambda i: (0, 0)),
            pl.BlockSpec((h1, h1), lambda i: (0, 0)),
            pl.BlockSpec((NC, bn, 1), lambda i: (0, i, 0)),
        ],
        out_specs=[
            pl.BlockSpec((bn, h1), lambda i: (i, 0)),
            pl.BlockSpec((bn, 1), lambda i: (i, 0)),
        ],
        out_shape=[
            jax.ShapeDtypeStruct((n, h1), F32),
            jax.ShapeDtypeStruct((n, 1), F32),
        ],
    )(x, W_in, b_in, W_g1, dp)


def _tc_middle(p, dis, b_g1, W_l, b_l, W_g2, bn):
    _, n, h1 = p.shape
    h2 = W_g2.shape[1]
    grid = (n // bn,)

    def body(p_r, dis_r, bg1_r, wl_r, bl_r, wg2_r, out_r):
        dis = dis_r[...]
        h1v = jnp.tanh((p_r[0] + p_r[1]) * dis + bg1_r[...])
        h2v = jnp.tanh(_dot(h1v, wl_r[...]) + bl_r[...])
        t2 = _dot(h2v, wg2_r[...]) * dis
        out_r[...] = jnp.concatenate(
            [t2, jnp.zeros((t2.shape[0], h1 - h2), F32)], axis=1)

    return pl.pallas_call(
        body,
        grid=grid,
        in_specs=[
            pl.BlockSpec((NC, bn, h1), lambda i: (0, i, 0)),
            pl.BlockSpec((bn, 1), lambda i: (i, 0)),
            pl.BlockSpec((1, h1), lambda i: (0, 0)),
            pl.BlockSpec((h1, h1), lambda i: (0, 0)),
            pl.BlockSpec((1, h1), lambda i: (0, 0)),
            pl.BlockSpec((h1, h2), lambda i: (0, 0)),
        ],
        out_specs=pl.BlockSpec((bn, h1), lambda i: (i, 0)),
        out_shape=jax.ShapeDtypeStruct((n, h1), F32),
    )(p, dis, b_g1, W_l, b_l, W_g2)


def _tc_embed(q, dis, b_g2, h2, bn):
    _, n, hp = q.shape
    grid = (n // bn,)

    def body(q_r, dis_r, bg2_r, out_r):
        qs = q_r[0, :, :h2] + q_r[1, :, :h2]
        out_r[...] = jnp.tanh(qs * dis_r[...] + bg2_r[...])

    return pl.pallas_call(
        body,
        grid=grid,
        in_specs=[
            pl.BlockSpec((NC, bn, hp), lambda i: (0, i, 0)),
            pl.BlockSpec((bn, 1), lambda i: (i, 0)),
            pl.BlockSpec((1, h2), lambda i: (0, 0)),
        ],
        out_specs=pl.BlockSpec((bn, h2), lambda i: (i, 0)),
        out_shape=jax.ShapeDtypeStruct((n, h2), F32),
    )(q, dis, b_g2)


def _tc_heads(flat, W_p1T, b_p1, W_p2, b_p2, W_v1T, b_v1, W_v2, b_v2, kb):
    ktot = flat.shape[1]
    p_hid = W_p1T.shape[0]
    n_out = W_p2.shape[1]
    nsteps = ktot // kb
    grid = (nsteps,)

    def body(f_r, wp1_r, wv1_r, pp_r, pv_r):
        f = f_r[...]
        pp_r[...] = _dot_t(f, wp1_r[...])[None]
        pv_r[...] = _dot_t(f, wv1_r[...])[None]

    pp, pv = pl.pallas_call(
        body,
        grid=grid,
        in_specs=[
            pl.BlockSpec((1, kb), lambda i: (0, i)),
            pl.BlockSpec((p_hid, kb), lambda i: (0, i)),
            pl.BlockSpec((p_hid, kb), lambda i: (0, i)),
        ],
        out_specs=[
            pl.BlockSpec((1, 1, p_hid), lambda i: (i, 0, 0)),
            pl.BlockSpec((1, 1, p_hid), lambda i: (i, 0, 0)),
        ],
        out_shape=[
            jax.ShapeDtypeStruct((nsteps, 1, p_hid), F32),
            jax.ShapeDtypeStruct((nsteps, 1, p_hid), F32),
        ],
    )(flat, W_p1T, W_v1T)

    def body2(pp_r, pv_r, bp1_r, wp2_r, bp2_r, bv1_r, wv2_r, bv2_r,
              lp_r, lv_r):
        sp = jnp.sum(pp_r[...], axis=0)
        sv = jnp.sum(pv_r[...], axis=0)
        pi = jnp.tanh(sp + bp1_r[...])
        lp_r[...] = _dot(pi, wp2_r[...]) + bp2_r[...]
        vf = jnp.tanh(sv + bv1_r[...])
        lv_r[...] = _dot(vf, wv2_r[...]) + bv2_r[...]

    return pl.pallas_call(
        body2,
        in_specs=[
            pl.BlockSpec((nsteps, 1, p_hid), lambda: (0, 0, 0)),
            pl.BlockSpec((nsteps, 1, p_hid), lambda: (0, 0, 0)),
            pl.BlockSpec((1, p_hid), lambda: (0, 0)),
            pl.BlockSpec((p_hid, n_out), lambda: (0, 0)),
            pl.BlockSpec((1, n_out), lambda: (0, 0)),
            pl.BlockSpec((1, p_hid), lambda: (0, 0)),
            pl.BlockSpec((p_hid, 1), lambda: (0, 0)),
            pl.BlockSpec((1, 1), lambda: (0, 0)),
        ],
        out_specs=[
            pl.BlockSpec((1, n_out), lambda: (0, 0)),
            pl.BlockSpec((1, 1), lambda: (0, 0)),
        ],
        out_shape=[
            jax.ShapeDtypeStruct((1, n_out), F32),
            jax.ShapeDtypeStruct((1, 1), F32),
        ],
    )(pp, pv, b_p1, W_p2, b_p2, b_v1, W_v2, b_v2)


def kernel(x, edge_index, W_in, b_in, W_g1, b_g1, W_l, b_l, W_g2, b_g2,
           W_p1, b_p1, W_p2, b_p2, W_v1, b_v1, W_v2, b_v2):
    n, d_in = x.shape
    e = edge_index.shape[1]
    h1 = W_g1.shape[1]
    h2 = W_g2.shape[1]
    bn = 1000

    nwt = e // (NC * NS * EW)
    packed3 = ((edge_index[1] << 16) | edge_index[0]).reshape(NC * NS, nwt, EW)
    zeros_n = jnp.zeros((n,), F32)

    degp = _sc_degree(packed3, zeros_n, n)
    dp = degp.reshape(NC, n, 1)
    t1s, dis = _tc_input(x, W_in, b_in.reshape(1, -1), W_g1, dp, bn)
    p = _sc_aggregate(packed3, t1s, n, h1)
    t2s = _tc_middle(p, dis, b_g1.reshape(1, -1), W_l,
                     b_l.reshape(1, -1), W_g2, bn)
    q = _sc_aggregate(packed3, t2s, n, h1)
    h3 = _tc_embed(q, dis, b_g2.reshape(1, -1), h2, bn)
    flat = h3.reshape(1, n * h2)
    latent_pi, latent_vf = _tc_heads(flat, W_p1.T, b_p1.reshape(1, -1), W_p2,
                                     b_p2.reshape(1, -1), W_v1.T,
                                     b_v1.reshape(1, -1), W_v2,
                                     b_v2.reshape(1, -1), 16000)
    return latent_pi, latent_vf

# --- scband reference (transcript-rebuilt; emitter-appended) ---
"""Pipeline reference for scband-nerve-net-gnn-v0-47201690583598 (READ-ONLY COPY).

The authoritative reference and input builder live on the scoring server;
editing this copy changes nothing except your own understanding.
"""

import jax, jax.numpy as jnp
import numpy as np

N = 10000
E = 320000
D_IN = 128
H1 = 128
H2 = 64
P_HID = 64
N_OUT = 8

def setup_inputs(seed: int = 0):
    key = jax.random.key(seed)
    ks = jax.random.split(key, 20)
    def lin(k, fi, fo):
        return jax.random.normal(k, (fi, fo), dtype=jnp.float32) / np.sqrt(fi)
    inp = {}
    inp['x'] = jax.random.normal(ks[0], (N, D_IN), dtype=jnp.float32)
    inp['edge_index'] = jax.random.randint(ks[1], (2, E), 0, N, dtype=jnp.int32)
    inp['W_in'] = lin(ks[2], D_IN, H1); inp['b_in'] = jnp.zeros((H1,), jnp.float32)
    inp['W_g1'] = lin(ks[3], H1, H1); inp['b_g1'] = jnp.zeros((H1,), jnp.float32)
    inp['W_l'] = lin(ks[4], H1, H1); inp['b_l'] = jnp.zeros((H1,), jnp.float32)
    inp['W_g2'] = lin(ks[5], H1, H2); inp['b_g2'] = jnp.zeros((H2,), jnp.float32)
    inp['W_p1'] = lin(ks[6], N * H2, P_HID); inp['b_p1'] = jnp.zeros((P_HID,), jnp.float32)
    inp['W_p2'] = lin(ks[7], P_HID, N_OUT); inp['b_p2'] = jnp.zeros((N_OUT,), jnp.float32)
    inp['W_v1'] = lin(ks[8], N * H2, P_HID); inp['b_v1'] = jnp.zeros((P_HID,), jnp.float32)
    inp['W_v2'] = lin(ks[9], P_HID, 1); inp['b_v2'] = jnp.zeros((1,), jnp.float32)
    return inp

def _gcn(x, edge_index, W, b):
    # GCNConv with add_self_loops=False: symmetric normalization D^-1/2 A D^-1/2 (XW) + b
    src = edge_index[0]
    dst = edge_index[1]
    h = x @ W
    ones = jnp.ones((edge_index.shape[1],), dtype=x.dtype)
    deg = jnp.zeros((x.shape[0],), dtype=x.dtype).at[dst].add(ones)
    dis = jnp.where(deg > 0, 1.0 / jnp.sqrt(jnp.maximum(deg, 1.0)), 0.0)
    norm = dis[src] * dis[dst]
    msg = h[src] * norm[:, None]
    agg = jnp.zeros_like(h).at[dst].add(msg)
    return agg + b

def reference(x, edge_index, W_in, b_in, W_g1, b_g1, W_l, b_l, W_g2, b_g2, W_p1, b_p1, W_p2, b_p2, W_v1, b_v1, W_v2, b_v2):
    # shared input model (per-node MLP) + activation
    h = jnp.tanh(x @ W_in + b_in)
    # propagation model: GCNConv -> act -> Linear -> act -> GCNConv -> act
    h = jnp.tanh(_gcn(h, edge_index, W_g1, b_g1))
    h = jnp.tanh(h @ W_l + b_l)
    h = jnp.tanh(_gcn(h, edge_index, W_g2, b_g2))
    # flatten node embeddings (batch dim = 1)
    flat = h.reshape(1, -1)
    # policy head
    pi = jnp.tanh(flat @ W_p1 + b_p1)
    latent_pi = pi @ W_p2 + b_p2
    # value head (gnn_for_values=True -> uses GNN embeddings)
    vf = jnp.tanh(flat @ W_v1 + b_v1)
    latent_vf = vf @ W_v2 + b_v2
    return latent_pi, latent_vf

if __name__ == "__main__":
    import jax
    _d = setup_inputs()
    print(jax.jit(kernel)(*tuple(_d.values())))

</pallas_src>

<mosaic_0001>
#map = affine_map<(d0, d1) -> (0, 0, 0)>
#map1 = affine_map<(d0, d1) -> (0)>
module attributes {stable_mosaic.version = 14 : i64} {
  func.func @k(%arg0: i32, %arg1: i32, %arg2: memref<32x125x80xi32, #tpu.memory_space<hbm>>, %arg3: memref<10000xf32, #tpu.memory_space<hbm>>, %arg4: memref<2x1x10000xf32, #tpu.memory_space<hbm>>, %arg5: memref<125x80xi32, #tpu.memory_space<vmem>>, %arg6: memref<80xf32, #tpu.memory_space<vmem>>, %arg7: memref<80xi32, #tpu.memory_space<vmem>>, %arg8: memref<80xi32, #tpu.memory_space<vmem>>, %arg9: memref<10000xf32, #tpu.memory_space<vmem_shared>>, %arg10: memref<!tpu.dma_semaphore, #tpu.memory_space<semaphore_mem>>, %arg11: memref<!tpu.dma_semaphore, #tpu.memory_space<semaphore_mem>>) attributes {dimension_semantics = [#tpu.dimension_semantics<core_parallel>, #tpu.dimension_semantics<subcore_parallel>], iteration_bounds = array<i64: 2, 16>, scalar_prefetch = 0 : i64, scratch_operands = 7 : i64, tpu.core_type = #tpu.core_type<sc_vector_subcore>, window_params = [{transform_indices = #map}, {transform_indices = #map1}, {transform_indices = #map}]} {
    %broadcast_in_dim3A = arith.constant 1.000000e+00 : f32
    %broadcast_in_dim3A_0 = vector.broadcast %broadcast_in_dim3A : f32 to vector<16xf32>
    %swap3A = arith.constant 0 : index
    %swap3A_1 = tpu.vector_load %arg6[%swap3A] {strides = array<i32>} : memref<80xf32, #tpu.memory_space<vmem>>, vector<16xf32>,
    %swap3A_2 = vector.shape_cast %swap3A_1 : vector<16xf32> to vector<16xf32>
    %swap3A_3 = vector.shape_cast %broadcast_in_dim3A_0 : vector<16xf32> to vector<16xf32>
    tpu.vector_store %arg6[%swap3A], %swap3A_3 {strides = array<i32>} : memref<80xf32, #tpu.memory_space<vmem>>, vector<16xf32>,
    %broadcast_in_dim3A_4 = arith.constant 1.000000e+00 : f32
    %broadcast_in_dim3A_5 = vector.broadcast %broadcast_in_dim3A_4 : f32 to vector<16xf32>
    %swap3A_6 = arith.constant 16 : index
    %swap3A_7 = tpu.vector_load %arg6[%swap3A_6] {strides = array<i32>} : memref<80xf32, #tpu.memory_space<vmem>>, vector<16xf32>,
    %swap3A_8 = vector.shape_cast %swap3A_7 : vector<16xf32> to vector<16xf32>
    %swap3A_9 = vector.shape_cast %broadcast_in_dim3A_5 : vector<16xf32> to vector<16xf32>
    tpu.vector_store %arg6[%swap3A_6], %swap3A_9 {strides = array<i32>} : memref<80xf32, #tpu.memory_space<vmem>>, vector<16xf32>,
    %broadcast_in_dim3A_10 = arith.constant 1.000000e+00 : f32
    %broadcast_in_dim3A_11 = vector.broadcast %broadcast_in_dim3A_10 : f32 to vector<16xf32>
    %swap3A_12 = arith.constant 32 : index
    %swap3A_13 = tpu.vector_load %arg6[%swap3A_12] {strides = array<i32>} : memref<80xf32, #tpu.memory_space<vmem>>, vector<16xf32>,
    %swap3A_14 = vector.shape_cast %swap3A_13 : vector<16xf32> to vector<16xf32>
    %swap3A_15 = vector.shape_cast %broadcast_in_dim3A_11 : vector<16xf32> to vector<16xf32>
    tpu.vector_store %arg6[%swap3A_12], %swap3A_15 {strides = array<i32>} : memref<80xf32, #tpu.memory_space<vmem>>, vector<16xf32>,
    %broadcast_in_dim3A_16 = arith.constant 1.000000e+00 : f32
    %broadcast_in_dim3A_17 = vector.broadcast %broadcast_in_dim3A_16 : f32 to vector<16xf32>
    %swap3A_18 = arith.constant 48 : index
    %swap3A_19 = tpu.vector_load %arg6[%swap3A_18] {strides = array<i32>} : memref<80xf32, #tpu.memory_space<vmem>>, vector<16xf32>,
    %swap3A_20 = vector.shape_cast %swap3A_19 : vector<16xf32> to vector<16xf32>
    %swap3A_21 = vector.shape_cast %broadcast_in_dim3A_17 : vector<16xf32> to vector<16xf32>
    tpu.vector_store %arg6[%swap3A_18], %swap3A_21 {strides = array<i32>} : memref<80xf32, #tpu.memory_space<vmem>>, vector<16xf32>,
    %broadcast_in_dim3A_22 = arith.constant 1.000000e+00 : f32
    %broadcast_in_dim3A_23 = vector.broadcast %broadcast_in_dim3A_22 : f32 to vector<16xf32>
    %swap3A_24 = arith.constant 64 : index
    %swap3A_25 = tpu.vector_load %arg6[%swap3A_24] {strides = array<i32>} : memref<80xf32, #tpu.memory_space<vmem>>, vector<16xf32>,
    %swap3A_26 = vector.shape_cast %swap3A_25 : vector<16xf32> to vector<16xf32>
    %swap3A_27 = vector.shape_cast %broadcast_in_dim3A_23 : vector<16xf32> to vector<16xf32>
    tpu.vector_store %arg6[%swap3A_24], %swap3A_27 {strides = array<i32>} : memref<80xf32, #tpu.memory_space<vmem>>, vector<16xf32>,
    %mul3A = arith.constant 16 : i32
    %mul3A_28 = arith.muli %arg0, %mul3A : i32
    %add3A = arith.addi %mul3A_28, %arg1 : i32
    "tpu.region"() ({
      %run_scoped3A = tpu.sem_alloc : memref<!tpu.dma_semaphore, #tpu.memory_space<semaphore_mem>>
      %dma_start3A_164 = arith.constant 0 : i32
      %dma_start3A_165 = arith.constant 0 : i32
      %dma_start3A_166 = tpu.memref_slice %arg2[%add3A, %dma_start3A_164, %dma_start3A_165] : memref<32x125x80xi32, #tpu.memory_space<hbm>> -> memref<1x125x80xi32, #tpu.memory_space<hbm>>
      %dma_start3A_167 = tpu.memref_squeeze %dma_start3A_166 : memref<1x125x80xi32, #tpu.memory_space<hbm>> -> memref<125x80xi32, #tpu.memory_space<hbm>>
      %dma_start3A_168 = arith.constant 0 : i32
      %dma_start3A_169 = arith.constant 0 : i32
      %dma_start3A_170 = tpu.memref_slice %arg2[%add3A, %dma_start3A_168, %dma_start3A_169] : memref<32x125x80xi32, #tpu.memory_space<hbm>> -> memref<1x125x80xi32, #tpu.memory_space<hbm>>
      %dma_start3A_171 = tpu.memref_squeeze %dma_start3A_170 : memref<1x125x80xi32, #tpu.memory_space<hbm>> -> memref<125x80xi32, #tpu.memory_space<hbm>>
      tpu.enqueue_dma source(%dma_start3A_171 : memref<125x80xi32, #tpu.memory_space<hbm>>) target(%arg5 : memref<125x80xi32, #tpu.memory_space<vmem>>) target_semaphore(%run_scoped3A : memref<!tpu.dma_semaphore, #tpu.memory_space<semaphore_mem>>)
      %dma_wait3A_172 = arith.constant 0 : i32
      %dma_wait3A_173 = arith.constant 0 : i32
      %dma_wait3A_174 = tpu.memref_slice %arg2[%add3A, %dma_wait3A_172, %dma_wait3A_173] : memref<32x125x80xi32, #tpu.memory_space<hbm>> -> memref<1x125x80xi32, #tpu.memory_space<hbm>>
      %dma_wait3A_175 = tpu.memref_squeeze %dma_wait3A_174 : memref<1x125x80xi32, #tpu.memory_space<hbm>> -> memref<125x80xi32, #tpu.memory_space<hbm>>
      %dma_wait3A_176 = arith.constant 0 : i32
      %dma_wait3A_177 = arith.constant 0 : i32
      %dma_wait3A_178 = tpu.memref_slice %arg2[%add3A, %dma_wait3A_176, %dma_wait3A_177] : memref<32x125x80xi32, #tpu.memory_space<hbm>> -> memref<1x125x80xi32, #tpu.memory_space<hbm>>
      %dma_wait3A_179 = tpu.memref_squeeze %dma_wait3A_178 : memref<1x125x80xi32, #tpu.memory_space<hbm>> -> memref<125x80xi32, #tpu.memory_space<hbm>>
      tpu.wait_dma2 semaphore(%run_scoped3A : memref<!tpu.dma_semaphore, #tpu.memory_space<semaphore_mem>>) src(%dma_wait3A_179 : memref<125x80xi32, #tpu.memory_space<hbm>>) dst(%arg5 : memref<125x80xi32, #tpu.memory_space<vmem>>)
      tpu.yield
    }) : () -> ()
    %eq3A = arith.constant 0 : i32
    %eq3A_29 = arith.cmpi eq, %arg1, %eq3A : i32
    %convert_element_type3A = arith.extui %eq3A_29 : i1 to i32
    %cond3A = arith.constant 0 : i32
    %cond3A_30 = arith.cmpi ne, %convert_element_type3A, %cond3A : i32
    scf.if %cond3A_30 {
      "tpu.region"() ({
        %run_scoped3A = tpu.sem_alloc : memref<!tpu.dma_semaphore, #tpu.memory_space<semaphore_mem>>
        tpu.enqueue_dma source(%arg3 : memref<10000xf32, #tpu.memory_space<hbm>>) target(%arg9 : memref<10000xf32, #tpu.memory_space<vmem_shared>>) target_semaphore(%run_scoped3A : memref<!tpu.dma_semaphore, #tpu.memory_space<semaphore_mem>>)
        tpu.wait_dma2 semaphore(%run_scoped3A : memref<!tpu.dma_semaphore, #tpu.memory_space<semaphore_mem>>) src(%arg3 : memref<10000xf32, #tpu.memory_space<hbm>>) dst(%arg9 : memref<10000xf32, #tpu.memory_space<vmem_shared>>)
        tpu.yield
      }) : () -> ()
    } else {
    }
    %barrier3A = arith.constant 0 : index
    tpu.barrier barrier_id(%barrier3A)
    %get3A = arith.constant 0 : i32
    %get3A_31 = arith.index_cast %get3A : i32 to index
    %get3A_32 = arith.constant 0 : index
    %get3A_33 = tpu.vector_load %arg5[%get3A_31, %get3A_32] {strides = array<i32>} : memref<125x80xi32, #tpu.memory_space<vmem>>, vector<1x16xi32>,
    %get3A_34 = vector.shape_cast %get3A_33 : vector<1x16xi32> to vector<16xi32>
    %shift_right_logical3A = arith.constant 16 : i32
    %shift_right_logical3A_35 = vector.broadcast %shift_right_logical3A : i32 to vector<16xi32>
    %shift_right_logical3A_36 = arith.shrui %get3A_34, %shift_right_logical3A_35 : vector<16xi32>
    %swap3A_37 = arith.constant 0 : index
    %swap3A_38 = tpu.vector_load %arg7[%swap3A_37] {strides = array<i32>} : memref<80xi32, #tpu.memory_space<vmem>>, vector<16xi32>,
    %swap3A_39 = vector.shape_cast %swap3A_38 : vector<16xi32> to vector<16xi32>
    %swap3A_40 = vector.shape_cast %shift_right_logical3A_36 : vector<16xi32> to vector<16xi32>
    tpu.vector_store %arg7[%swap3A_37], %swap3A_40 {strides = array<i32>} : memref<80xi32, #tpu.memory_space<vmem>>, vector<16xi32>,
    %get3A_41 = arith.constant 0 : i32
    %get3A_42 = arith.index_cast %get3A_41 : i32 to index
    %get3A_43 = arith.constant 16 : index
    %get3A_44 = tpu.vector_load %arg5[%get3A_42, %get3A_43] {strides = array<i32>} : memref<125x80xi32, #tpu.memory_space<vmem>>, vector<1x16xi32>,
    %get3A_45 = vector.shape_cast %get3A_44 : vector<1x16xi32> to vector<16xi32>
    %shift_right_logical3A_46 = arith.constant 16 : i32
    %shift_right_logical3A_47 = vector.broadcast %shift_right_logical3A_46 : i32 to vector<16xi32>
    %shift_right_logical3A_48 = arith.shrui %get3A_45, %shift_right_logical3A_47 : vector<16xi32>
    %swap3A_49 = arith.constant 16 : index
    %swap3A_50 = tpu.vector_load %arg7[%swap3A_49] {strides = array<i32>} : memref<80xi32, #tpu.memory_space<vmem>>, vector<16xi32>,
    %swap3A_51 = vector.shape_cast %swap3A_50 : vector<16xi32> to vector<16xi32>
    %swap3A_52 = vector.shape_cast %shift_right_logical3A_48 : vector<16xi32> to vector<16xi32>
    tpu.vector_store %arg7[%swap3A_49], %swap3A_52 {strides = array<i32>} : memref<80xi32, #tpu.memory_space<vmem>>, vector<16xi32>,
    %get3A_53 = arith.constant 0 : i32
    %get3A_54 = arith.index_cast %get3A_53 : i32 to index
    %get3A_55 = arith.constant 32 : index
    %get3A_56 = tpu.vector_load %arg5[%get3A_54, %get3A_55] {strides = array<i32>} : memref<125x80xi32, #tpu.memory_space<vmem>>, vector<1x16xi32>,
    %get3A_57 = vector.shape_cast %get3A_56 : vector<1x16xi32> to vector<16xi32>
    %shift_right_logical3A_58 = arith.constant 16 : i32
    %shift_right_logical3A_59 = vector.broadcast %shift_right_logical3A_58 : i32 to vector<16xi32>
    %shift_right_logical3A_60 = arith.shrui %get3A_57, %shift_right_logical3A_59 : vector<16xi32>
    %swap3A_61 = arith.constant 32 : index
    %swap3A_62 = tpu.vector_load %arg7[%swap3A_61] {strides = array<i32>} : memref<80xi32, #tpu.memory_space<vmem>>, vector<16xi32>,
    %swap3A_63 = vector.shape_cast %swap3A_62 : vector<16xi32> to vector<16xi32>
    %swap3A_64 = vector.shape_cast %shift_right_logical3A_60 : vector<16xi32> to vector<16xi32>
    tpu.vector_store %arg7[%swap3A_61], %swap3A_64 {strides = array<i32>} : memref<80xi32, #tpu.memory_space<vmem>>, vector<16xi32>,
    %get3A_65 = arith.constant 0 : i32
    %get3A_66 = arith.index_cast %get3A_65 : i32 to index
    %get3A_67 = arith.constant 48 : index
    %get3A_68 = tpu.vector_load %arg5[%get3A_66, %get3A_67] {strides = array<i32>} : memref<125x80xi32, #tpu.memory_space<vmem>>, vector<1x16xi32>,
    %get3A_69 = vector.shape_cast %get3A_68 : vector<1x16xi32> to vector<16xi32>
    %shift_right_logical3A_70 = arith.constant 16 : i32
    %shift_right_logical3A_71 = vector.broadcast %shift_right_logical3A_70 : i32 to vector<16xi32>
    %shift_right_logical3A_72 = arith.shrui %get3A_69, %shift_right_logical3A_71 : vector<16xi32>
    %swap3A_73 = arith.constant 48 : index
    %swap3A_74 = tpu.vector_load %arg7[%swap3A_73] {strides = array<i32>} : memref<80xi32, #tpu.memory_space<vmem>>, vector<16xi32>,
    %swap3A_75 = vector.shape_cast %swap3A_74 : vector<16xi32> to vector<16xi32>
    %swap3A_76 = vector.shape_cast %shift_right_logical3A_72 : vector<16xi32> to vector<16xi32>
    tpu.vector_store %arg7[%swap3A_73], %swap3A_76 {strides = array<i32>} : memref<80xi32, #tpu.memory_space<vmem>>, vector<16xi32>,
    %get3A_77 = arith.constant 0 : i32
    %get3A_78 = arith.index_cast %get3A_77 : i32 to index
    %get3A_79 = arith.constant 64 : index
    %get3A_80 = tpu.vector_load %arg5[%get3A_78, %get3A_79] {strides = array<i32>} : memref<125x80xi32, #tpu.memory_space<vmem>>, vector<1x16xi32>,
    %get3A_81 = vector.shape_cast %get3A_80 : vector<1x16xi32> to vector<16xi32>
    %shift_right_logical3A_82 = arith.constant 16 : i32
    %shift_right_logical3A_83 = vector.broadcast %shift_right_logical3A_82 : i32 to vector<16xi32>
    %shift_right_logical3A_84 = arith.shrui %get3A_81, %shift_right_logical3A_83 : vector<16xi32>
    %swap3A_85 = arith.constant 64 : index
    %swap3A_86 = tpu.vector_load %arg7[%swap3A_85] {strides = array<i32>} : memref<80xi32, #tpu.memory_space<vmem>>, vector<16xi32>,
    %swap3A_87 = vector.shape_cast %swap3A_86 : vector<16xi32> to vector<16xi32>
    %swap3A_88 = vector.shape_cast %shift_right_logical3A_84 : vector<16xi32> to vector<16xi32>
    tpu.vector_store %arg7[%swap3A_85], %swap3A_88 {strides = array<i32>} : memref<80xi32, #tpu.memory_space<vmem>>, vector<16xi32>,
    %dma_start3A = arith.constant 0 : i32
    %dma_start3A_89 = tpu.memref_slice %arg9[%dma_start3A] : memref<10000xf32, #tpu.memory_space<vmem_shared>> -> memref<10000xf32, #tpu.memory_space<vmem_shared>>
    tpu.enqueue_indirect_dma source(%arg6 : memref<80xf32, #tpu.memory_space<vmem>>) target(%dma_start3A_89 : memref<10000xf32, #tpu.memory_space<vmem_shared>>) offsets(%arg7 : memref<80xi32, #tpu.memory_space<vmem>>) semaphore(%arg10 : memref<!tpu.dma_semaphore, #tpu.memory_space<semaphore_mem>>) {add = true}
    %get3A_90 = arith.constant 1 : i32
    %get3A_91 = arith.index_cast %get3A_90 : i32 to index
    %get3A_92 = arith.constant 0 : index
    %get3A_93 = tpu.vector_load %arg5[%get3A_91, %get3A_92] {strides = array<i32>} : memref<125x80xi32, #tpu.memory_space<vmem>>, vector<1x16xi32>,
    %get3A_94 = vector.shape_cast %get3A_93 : vector<1x16xi32> to vector<16xi32>
    %shift_right_logical3A_95 = arith.constant 16 : i32
    %shift_right_logical3A_96 = vector.broadcast %shift_right_logical3A_95 : i32 to vector<16xi32>
    %shift_right_logical3A_97 = arith.shrui %get3A_94, %shift_right_logical3A_96 : vector<16xi32>
    %swap3A_98 = arith.constant 0 : index
    %swap3A_99 = tpu.vector_load %arg8[%swap3A_98] {strides = array<i32>} : memref<80xi32, #tpu.memory_space<vmem>>, vector<16xi32>,
    %swap3A_100 = vector.shape_cast %swap3A_99 : vector<16xi32> to vector<16xi32>
    %swap3A_101 = vector.shape_cast %shift_right_logical3A_97 : vector<16xi32> to vector<16xi32>
    tpu.vector_store %arg8[%swap3A_98], %swap3A_101 {strides = array<i32>} : memref<80xi32, #tpu.memory_space<vmem>>, vector<16xi32>,
    %get3A_102 = arith.constant 1 : i32
    %get3A_103 = arith.index_cast %get3A_102 : i32 to index
    %get3A_104 = arith.constant 16 : index
    %get3A_105 = tpu.vector_load %arg5[%get3A_103, %get3A_104] {strides = array<i32>} : memref<125x80xi32, #tpu.memory_space<vmem>>, vector<1x16xi32>,
    %get3A_106 = vector.shape_cast %get3A_105 : vector<1x16xi32> to vector<16xi32>
    %shift_right_logical3A_107 = arith.constant 16 : i32
    %shift_right_logical3A_108 = vector.broadcast %shift_right_logical3A_107 : i32 to vector<16xi32>
    %shift_right_logical3A_109 = arith.shrui %get3A_106, %shift_right_logical3A_108 : vector<16xi32>
    %swap3A_110 = arith.constant 16 : index
    %swap3A_111 = tpu.vector_load %arg8[%swap3A_110] {strides = array<i32>} : memref<80xi32, #tpu.memory_space<vmem>>, vector<16xi32>,
    %swap3A_112 = vector.shape_cast %swap3A_111 : vector<16xi32> to vector<16xi32>
    %swap3A_113 = vector.shape_cast %shift_right_logical3A_109 : vector<16xi32> to vector<16xi32>
    tpu.vector_store %arg8[%swap3A_110], %swap3A_113 {strides = array<i32>} : memref<80xi32, #tpu.memory_space<vmem>>, vector<16xi32>,
    %get3A_114 = arith.constant 1 : i32
    %get3A_115 = arith.index_cast %get3A_114 : i32 to index
    %get3A_116 = arith.constant 32 : index
    %get3A_117 = tpu.vector_load %arg5[%get3A_115, %get3A_116] {strides = array<i32>} : memref<125x80xi32, #tpu.memory_space<vmem>>, vector<1x16xi32>,
    %get3A_118 = vector.shape_cast %get3A_117 : vector<1x16xi32> to vector<16xi32>
    %shift_right_logical3A_119 = arith.constant 16 : i32
    %shift_right_logical3A_120 = vector.broadcast %shift_right_logical3A_119 : i32 to vector<16xi32>
    %shift_right_logical3A_121 = arith.shrui %get3A_118, %shift_right_logical3A_120 : vector<16xi32>
    %swap3A_122 = arith.constant 32 : index
    %swap3A_123 = tpu.vector_load %arg8[%swap3A_122] {strides = array<i32>} : memref<80xi32, #tpu.memory_space<vmem>>, vector<16xi32>,
    %swap3A_124 = vector.shape_cast %swap3A_123 : vector<16xi32> to vector<16xi32>
    %swap3A_125 = vector.shape_cast %shift_right_logical3A_121 : vector<16xi32> to vector<16xi32>
    tpu.vector_store %arg8[%swap3A_122], %swap3A_125 {strides = array<i32>} : memref<80xi32, #tpu.memory_space<vmem>>, vector<16xi32>,
    %get3A_126 = arith.constant 1 : i32
    %get3A_127 = arith.index_cast %get3A_126 : i32 to index
    %get3A_128 = arith.constant 48 : index
    %get3A_129 = tpu.vector_load %arg5[%get3A_127, %get3A_128] {strides = array<i32>} : memref<125x80xi32, #tpu.memory_space<vmem>>, vector<1x16xi32>,
    %get3A_130 = vector.shape_cast %get3A_129 : vector<1x16xi32> to vector<16xi32>
    %shift_right_logical3A_131 = arith.constant 16 : i32
    %shift_right_logical3A_132 = vector.broadcast %shift_right_logical3A_131 : i32 to vector<16xi32>
    %shift_right_logical3A_133 = arith.shrui %get3A_130, %shift_right_logical3A_132 : vector<16xi32>
    %swap3A_134 = arith.constant 48 : index
    %swap3A_135 = tpu.vector_load %arg8[%swap3A_134] {strides = array<i32>} : memref<80xi32, #tpu.memory_space<vmem>>, vector<16xi32>,
    %swap3A_136 = vector.shape_cast %swap3A_135 : vector<16xi32> to vector<16xi32>
    %swap3A_137 = vector.shape_cast %shift_right_logical3A_133 : vector<16xi32> to vector<16xi32>
    tpu.vector_store %arg8[%swap3A_134], %swap3A_137 {strides = array<i32>} : memref<80xi32, #tpu.memory_space<vmem>>, vector<16xi32>,
    %get3A_138 = arith.constant 1 : i32
    %get3A_139 = arith.index_cast %get3A_138 : i32 to index
    %get3A_140 = arith.constant 64 : index
    %get3A_141 = tpu.vector_load %arg5[%get3A_139, %get3A_140] {strides = array<i32>} : memref<125x80xi32, #tpu.memory_space<vmem>>, vector<1x16xi32>,
    %get3A_142 = vector.shape_cast %get3A_141 : vector<1x16xi32> to vector<16xi32>
    %shift_right_logical3A_143 = arith.constant 16 : i32
    %shift_right_logical3A_144 = vector.broadcast %shift_right_logical3A_143 : i32 to vector<16xi32>
    %shift_right_logical3A_145 = arith.shrui %get3A_142, %shift_right_logical3A_144 : vector<16xi32>
    %swap3A_146 = arith.constant 64 : index
    %swap3A_147 = tpu.vector_load %arg8[%swap3A_146] {strides = array<i32>} : memref<80xi32, #tpu.memory_space<vmem>>, vector<16xi32>,
    %swap3A_148 = vector.shape_cast %swap3A_147 : vector<16xi32> to vector<16xi32>
    %swap3A_149 = vector.shape_cast %shift_right_logical3A_145 : vector<16xi32> to vector<16xi32>
    tpu.vector_store %arg8[%swap3A_146], %swap3A_149 {strides = array<i32>} : memref<80xi32, #tpu.memory_space<vmem>>, vector<16xi32>,
    %dma_start3A_150 = arith.constant 0 : i32
    %dma_start3A_151 = tpu.memref_slice %arg9[%dma_start3A_150] : memref<10000xf32, #tpu.memory_space<vmem_shared>> -> memref<10000xf32, #tpu.memory_space<vmem_shared>>
    tpu.enqueue_indirect_dma source(%arg6 : memref<80xf32, #tpu.memory_space<vmem>>) target(%dma_start3A_151 : memref<10000xf32, #tpu.memory_space<vmem_shared>>) offsets(%arg8 : memref<80xi32, #tpu.memory_space<vmem>>) semaphore(%arg11 : memref<!tpu.dma_semaphore, #tpu.memory_space<semaphore_mem>>) {add = true}
    %scan3A = arith.constant 0 : i32
    %scan3A_152 = arith.constant 0 : i32
    %scan3A_153 = arith.constant 62 : i32
    %scan3A_154 = arith.addi %scan3A_152, %scan3A_153 : i32
    %scan3A_155 = arith.constant 1 : i32
    scf.for %scan3A_164 = %scan3A_152 to %scan3A_154 step %scan3A_155  : i32 {
      %mul3A_165 = arith.constant 2 : i32
      %mul3A_166 = arith.muli %mul3A_165, %scan3A_164 : i32
      %dma_wait3A_167 = arith.constant 0 : i32
      %dma_wait3A_168 = tpu.memref_slice %arg9[%dma_wait3A_167] : memref<10000xf32, #tpu.memory_space<vmem_shared>> -> memref<10000xf32, #tpu.memory_space<vmem_shared>>
      tpu.wait_indirect_dma semaphore(%arg10 : memref<!tpu.dma_semaphore, #tpu.memory_space<semaphore_mem>>) src(%arg6 : memref<80xf32, #tpu.memory_space<vmem>>) dst(%dma_wait3A_168 : memref<10000xf32, #tpu.memory_space<vmem_shared>>)
      %add3A_169 = arith.constant 0 : i32
      %add3A_170 = arith.addi %mul3A_166, %add3A_169 : i32
      %add3A_171 = arith.constant 2 : i32
      %add3A_172 = arith.addi %add3A_170, %add3A_171 : i32
      %lt3A = arith.constant 125 : i32
      %lt3A_173 = arith.cmpi slt, %add3A_172, %lt3A : i32
      %convert_element_type3A_174 = arith.extui %lt3A_173 : i1 to i32
      %cond3A_175 = arith.constant 0 : i32
      %cond3A_176 = arith.cmpi ne, %convert_element_type3A_174, %cond3A_175 : i32
      scf.if %cond3A_176 {
        %add3A_188 = arith.constant 0 : i32
        %add3A_189 = arith.addi %mul3A_166, %add3A_188 : i32
        %add3A_190 = arith.constant 2 : i32
        %add3A_191 = arith.addi %add3A_189, %add3A_190 : i32
        %get3A_192 = arith.index_cast %add3A_191 : i32 to index
        %get3A_193 = arith.constant 0 : index
        %get3A_194 = tpu.vector_load %arg5[%get3A_192, %get3A_193] {strides = array<i32>} : memref<125x80xi32, #tpu.memory_space<vmem>>, vector<1x16xi32>,
        %get3A_195 = vector.shape_cast %get3A_194 : vector<1x16xi32> to vector<16xi32>
        %shift_right_logical3A_196 = arith.constant 16 : i32
        %shift_right_logical3A_197 = vector.broadcast %shift_right_logical3A_196 : i32 to vector<16xi32>
        %shift_right_logical3A_198 = arith.shrui %get3A_195, %shift_right_logical3A_197 : vector<16xi32>
        %swap3A_199 = arith.constant 0 : index
        %swap3A_200 = tpu.vector_load %arg7[%swap3A_199] {strides = array<i32>} : memref<80xi32, #tpu.memory_space<vmem>>, vector<16xi32>,
        %swap3A_201 = vector.shape_cast %swap3A_200 : vector<16xi32> to vector<16xi32>
        %swap3A_202 = vector.shape_cast %shift_right_logical3A_198 : vector<16xi32> to vector<16xi32>
        tpu.vector_store %arg7[%swap3A_199], %swap3A_202 {strides = array<i32>} : memref<80xi32, #tpu.memory_space<vmem>>, vector<16xi32>,
        %get3A_203 = arith.index_cast %add3A_191 : i32 to index
        %get3A_204 = arith.constant 16 : index
        %get3A_205 = tpu.vector_load %arg5[%get3A_203, %get3A_204] {strides = array<i32>} : memref<125x80xi32, #tpu.memory_space<vmem>>, vector<1x16xi32>,
        %get3A_206 = vector.shape_cast %get3A_205 : vector<1x16xi32> to vector<16xi32>
        %shift_right_logical3A_207 = arith.constant 16 : i32
        %shift_right_logical3A_208 = vector.broadcast %shift_right_logical3A_207 : i32 to vector<16xi32>
        %shift_right_logical3A_209 = arith.shrui %get3A_206, %shift_right_logical3A_208 : vector<16xi32>
        %swap3A_210 = arith.constant 16 : index
        %swap3A_211 = tpu.vector_load %arg7[%swap3A_210] {strides = array<i32>} : memref<80xi32, #tpu.memory_space<vmem>>, vector<16xi32>,
        %swap3A_212 = vector.shape_cast %swap3A_211 : vector<16xi32> to vector<16xi32>
        %swap3A_213 = vector.shape_cast %shift_right_logical3A_209 : vector<16xi32> to vector<16xi32>
        tpu.vector_store %arg7[%swap3A_210], %swap3A_213 {strides = array<i32>} : memref<80xi32, #tpu.memory_space<vmem>>, vector<16xi32>,
        %get3A_214 = arith.index_cast %add3A_191 : i32 to index
        %get3A_215 = arith.constant 32 : index
        %get3A_216 = tpu.vector_load %arg5[%get3A_214, %get3A_215] {strides = array<i32>} : memref<125x80xi32, #tpu.memory_space<vmem>>, vector<1x16xi32>,
        %get3A_217 = vector.shape_cast %get3A_216 : vector<1x16xi32> to vector<16xi32>
        %shift_right_logical3A_218 = arith.constant 16 : i32
        %shift_right_logical3A_219 = vector.broadcast %shift_right_logical3A_218 : i32 to vector<16xi32>
        %shift_right_logical3A_220 = arith.shrui %get3A_217, %shift_right_logical3A_219 : vector<16xi32>
        %swap3A_221 = arith.constant 32 : index
        %swap3A_222 = tpu.vector_load %arg7[%swap3A_221] {strides = array<i32>} : memref<80xi32, #tpu.memory_space<vmem>>, vector<16xi32>,
        %swap3A_223 = vector.shape_cast %swap3A_222 : vector<16xi32> to vector<16xi32>
        %swap3A_224 = vector.shape_cast %shift_right_logical3A_220 : vector<16xi32> to vector<16xi32>
        tpu.vector_store %arg7[%swap3A_221], %swap3A_224 {strides = array<i32>} : memref<80xi32, #tpu.memory_space<vmem>>, vector<16xi32>,
        %get3A_225 = arith.index_cast %add3A_191 : i32 to index
        %get3A_226 = arith.constant 48 : index
        %get3A_227 = tpu.vector_load %arg5[%get3A_225, %get3A_226] {strides = array<i32>} : memref<125x80xi32, #tpu.memory_space<vmem>>, vector<1x16xi32>,
        %get3A_228 = vector.shape_cast %get3A_227 : vector<1x16xi32> to vector<16xi32>
        %shift_right_logical3A_229 = arith.constant 16 : i32
        %shift_right_logical3A_230 = vector.broadcast %shift_right_logical3A_229 : i32 to vector<16xi32>
        %shift_right_logical3A_231 = arith.shrui %get3A_228, %shift_right_logical3A_230 : vector<16xi32>
        %swap3A_232 = arith.constant 48 : index
        %swap3A_233 = tpu.vector_load %arg7[%swap3A_232] {strides = array<i32>} : memref<80xi32, #tpu.memory_space<vmem>>, vector<16xi32>,
        %swap3A_234 = vector.shape_cast %swap3A_233 : vector<16xi32> to vector<16xi32>
        %swap3A_235 = vector.shape_cast %shift_right_logical3A_231 : vector<16xi32> to vector<16xi32>
        tpu.vector_store %arg7[%swap3A_232], %swap3A_235 {strides = array<i32>} : memref<80xi32, #tpu.memory_space<vmem>>, vector<16xi32>,
        %get3A_236 = arith.index_cast %add3A_191 : i32 to index
        %get3A_237 = arith.constant 64 : index
        %get3A_238 = tpu.vector_load %arg5[%get3A_236, %get3A_237] {strides = array<i32>} : memref<125x80xi32, #tpu.memory_space<vmem>>, vector<1x16xi32>,
        %get3A_239 = vector.shape_cast %get3A_238 : vector<1x16xi32> to vector<16xi32>
        %shift_right_logical3A_240 = arith.constant 16 : i32
        %shift_right_logical3A_241 = vector.broadcast %shift_right_logical3A_240 : i32 to vector<16xi32>
        %shift_right_logical3A_242 = arith.shrui %get3A_239, %shift_right_logical3A_241 : vector<16xi32>
        %swap3A_243 = arith.constant 64 : index
        %swap3A_244 = tpu.vector_load %arg7[%swap3A_243] {strides = array<i32>} : memref<80xi32, #tpu.memory_space<vmem>>, vector<16xi32>,
        %swap3A_245 = vector.shape_cast %swap3A_244 : vector<16xi32> to vector<16xi32>
        %swap3A_246 = vector.shape_cast %shift_right_logical3A_242 : vector<16xi32> to vector<16xi32>
        tpu.vector_store %arg7[%swap3A_243], %swap3A_246 {strides = array<i32>} : memref<80xi32, #tpu.memory_space<vmem>>, vector<16xi32>,
        %dma_start3A_247 = arith.constant 0 : i32
        %dma_start3A_248 = tpu.memref_slice %arg9[%dma_start3A_247] : memref<10000xf32, #tpu.memory_space<vmem_shared>> -> memref<10000xf32, #tpu.memory_space<vmem_shared>>
        tpu.enqueue_indirect_dma source(%arg6 : memref<80xf32, #tpu.memory_space<vmem>>) target(%dma_start3A_248 : memref<10000xf32, #tpu.memory_space<vmem_shared>>) offsets(%arg7 : memref<80xi32, #tpu.memory_space<vmem>>) semaphore(%arg10 : memref<!tpu.dma_semaphore, #tpu.memory_space<semaphore_mem>>) {add = true}
      } else {
      }
      %dma_wait3A_177 = arith.constant 0 : i32
      %dma_wait3A_178 = tpu.memref_slice %arg9[%dma_wait3A_177] : memref<10000xf32, #tpu.memory_space<vmem_shared>> -> memref<10000xf32, #tpu.memory_space<vmem_shared>>
      tpu.wait_indirect_dma semaphore(%arg11 : memref<!tpu.dma_semaphore, #tpu.memory_space<semaphore_mem>>) src(%arg6 : memref<80xf32, #tpu.memory_space<vmem>>) dst(%dma_wait3A_178 : memref<10000xf32, #tpu.memory_space<vmem_shared>>)
      %add3A_179 = arith.constant 1 : i32
      %add3A_180 = arith.addi %mul3A_166, %add3A_179 : i32
      %add3A_181 = arith.constant 2 : i32
      %add3A_182 = arith.addi %add3A_180, %add3A_181 : i32
      %lt3A_183 = arith.constant 125 : i32
      %lt3A_184 = arith.cmpi slt, %add3A_182, %lt3A_183 : i32
      %convert_element_type3A_185 = arith.extui %lt3A_184 : i1 to i32
      %cond3A_186 = arith.constant 0 : i32
      %cond3A_187 = arith.cmpi ne, %convert_element_type3A_185, %cond3A_186 : i32
      scf.if %cond3A_187 {
        %add3A_188 = arith.constant 1 : i32
        %add3A_189 = arith.addi %mul3A_166, %add3A_188 : i32
        %add3A_190 = arith.constant 2 : i32
        %add3A_191 = arith.addi %add3A_189, %add3A_190 : i32
        %get3A_192 = arith.index_cast %add3A_191 : i32 to index
        %get3A_193 = arith.constant 0 : index
        %get3A_194 = tpu.vector_load %arg5[%get3A_192, %get3A_193] {strides = array<i32>} : memref<125x80xi32, #tpu.memory_space<vmem>>, vector<1x16xi32>,
        %get3A_195 = vector.shape_cast %get3A_194 : vector<1x16xi32> to vector<16xi32>
        %shift_right_logical3A_196 = arith.constant 16 : i32
        %shift_right_logical3A_197 = vector.broadcast %shift_right_logical3A_196 : i32 to vector<16xi32>
        %shift_right_logical3A_198 = arith.shrui %get3A_195, %shift_right_logical3A_197 : vector<16xi32>
        %swap3A_199 = arith.constant 0 : index
        %swap3A_200 = tpu.vector_load %arg8[%swap3A_199] {strides = array<i32>} : memref<80xi32, #tpu.memory_space<vmem>>, vector<16xi32>,
        %swap3A_201 = vector.shape_cast %swap3A_200 : vector<16xi32> to vector<16xi32>
        %swap3A_202 = vector.shape_cast %shift_right_logical3A_198 : vector<16xi32> to vector<16xi32>
        tpu.vector_store %arg8[%swap3A_199], %swap3A_202 {strides = array<i32>} : memref<80xi32, #tpu.memory_space<vmem>>, vector<16xi32>,
        %get3A_203 = arith.index_cast %add3A_191 : i32 to index
        %get3A_204 = arith.constant 16 : index
        %get3A_205 = tpu.vector_load %arg5[%get3A_203, %get3A_204] {strides = array<i32>} : memref<125x80xi32, #tpu.memory_space<vmem>>, vector<1x16xi32>,
        %get3A_206 = vector.shape_cast %get3A_205 : vector<1x16xi32> to vector<16xi32>
        %shift_right_logical3A_207 = arith.constant 16 : i32
        %shift_right_logical3A_208 = vector.broadcast %shift_right_logical3A_207 : i32 to vector<16xi32>
        %shift_right_logical3A_209 = arith.shrui %get3A_206, %shift_right_logical3A_208 : vector<16xi32>
        %swap3A_210 = arith.constant 16 : index
        %swap3A_211 = tpu.vector_load %arg8[%swap3A_210] {strides = array<i32>} : memref<80xi32, #tpu.memory_space<vmem>>, vector<16xi32>,
        %swap3A_212 = vector.shape_cast %swap3A_211 : vector<16xi32> to vector<16xi32>
        %swap3A_213 = vector.shape_cast %shift_right_logical3A_209 : vector<16xi32> to vector<16xi32>
        tpu.vector_store %arg8[%swap3A_210], %swap3A_213 {strides = array<i32>} : memref<80xi32, #tpu.memory_space<vmem>>, vector<16xi32>,
        %get3A_214 = arith.index_cast %add3A_191 : i32 to index
        %get3A_215 = arith.constant 32 : index
        %get3A_216 = tpu.vector_load %arg5[%get3A_214, %get3A_215] {strides = array<i32>} : memref<125x80xi32, #tpu.memory_space<vmem>>, vector<1x16xi32>,
        %get3A_217 = vector.shape_cast %get3A_216 : vector<1x16xi32> to vector<16xi32>
        %shift_right_logical3A_218 = arith.constant 16 : i32
        %shift_right_logical3A_219 = vector.broadcast %shift_right_logical3A_218 : i32 to vector<16xi32>
        %shift_right_logical3A_220 = arith.shrui %get3A_217, %shift_right_logical3A_219 : vector<16xi32>
        %swap3A_221 = arith.constant 32 : index
        %swap3A_222 = tpu.vector_load %arg8[%swap3A_221] {strides = array<i32>} : memref<80xi32, #tpu.memory_space<vmem>>, vector<16xi32>,
        %swap3A_223 = vector.shape_cast %swap3A_222 : vector<16xi32> to vector<16xi32>
        %swap3A_224 = vector.shape_cast %shift_right_logical3A_220 : vector<16xi32> to vector<16xi32>
        tpu.vector_store %arg8[%swap3A_221], %swap3A_224 {strides = array<i32>} : memref<80xi32, #tpu.memory_space<vmem>>, vector<16xi32>,
        %get3A_225 = arith.index_cast %add3A_191 : i32 to index
        %get3A_226 = arith.constant 48 : index
        %get3A_227 = tpu.vector_load %arg5[%get3A_225, %get3A_226] {strides = array<i32>} : memref<125x80xi32, #tpu.memory_space<vmem>>, vector<1x16xi32>,
        %get3A_228 = vector.shape_cast %get3A_227 : vector<1x16xi32> to vector<16xi32>
        %shift_right_logical3A_229 = arith.constant 16 : i32
        %shift_right_logical3A_230 = vector.broadcast %shift_right_logical3A_229 : i32 to vector<16xi32>
        %shift_right_logical3A_231 = arith.shrui %get3A_228, %shift_right_logical3A_230 : vector<16xi32>
        %swap3A_232 = arith.constant 48 : index
        %swap3A_233 = tpu.vector_load %arg8[%swap3A_232] {strides = array<i32>} : memref<80xi32, #tpu.memory_space<vmem>>, vector<16xi32>,
        %swap3A_234 = vector.shape_cast %swap3A_233 : vector<16xi32> to vector<16xi32>
        %swap3A_235 = vector.shape_cast %shift_right_logical3A_231 : vector<16xi32> to vector<16xi32>
        tpu.vector_store %arg8[%swap3A_232], %swap3A_235 {strides = array<i32>} : memref<80xi32, #tpu.memory_space<vmem>>, vector<16xi32>,
        %get3A_236 = arith.index_cast %add3A_191 : i32 to index
        %get3A_237 = arith.constant 64 : index
        %get3A_238 = tpu.vector_load %arg5[%get3A_236, %get3A_237] {strides = array<i32>} : memref<125x80xi32, #tpu.memory_space<vmem>>, vector<1x16xi32>,
        %get3A_239 = vector.shape_cast %get3A_238 : vector<1x16xi32> to vector<16xi32>
        %shift_right_logical3A_240 = arith.constant 16 : i32
        %shift_right_logical3A_241 = vector.broadcast %shift_right_logical3A_240 : i32 to vector<16xi32>
        %shift_right_logical3A_242 = arith.shrui %get3A_239, %shift_right_logical3A_241 : vector<16xi32>
        %swap3A_243 = arith.constant 64 : index
        %swap3A_244 = tpu.vector_load %arg8[%swap3A_243] {strides = array<i32>} : memref<80xi32, #tpu.memory_space<vmem>>, vector<16xi32>,
        %swap3A_245 = vector.shape_cast %swap3A_244 : vector<16xi32> to vector<16xi32>
        %swap3A_246 = vector.shape_cast %shift_right_logical3A_242 : vector<16xi32> to vector<16xi32>
        tpu.vector_store %arg8[%swap3A_243], %swap3A_246 {strides = array<i32>} : memref<80xi32, #tpu.memory_space<vmem>>, vector<16xi32>,
        %dma_start3A_247 = arith.constant 0 : i32
        %dma_start3A_248 = tpu.memref_slice %arg9[%dma_start3A_247] : memref<10000xf32, #tpu.memory_space<vmem_shared>> -> memref<10000xf32, #tpu.memory_space<vmem_shared>>
        tpu.enqueue_indirect_dma source(%arg6 : memref<80xf32, #tpu.memory_space<vmem>>) target(%dma_start3A_248 : memref<10000xf32, #tpu.memory_space<vmem_shared>>) offsets(%arg8 : memref<80xi32, #tpu.memory_space<vmem>>) semaphore(%arg11 : memref<!tpu.dma_semaphore, #tpu.memory_space<semaphore_mem>>) {add = true}
      } else {
      }
    }
    %scan3A_156 = arith.constant 62 : i32
    %dma_wait3A = arith.constant 0 : i32
    %dma_wait3A_157 = tpu.memref_slice %arg9[%dma_wait3A] : memref<10000xf32, #tpu.memory_space<vmem_shared>> -> memref<10000xf32, #tpu.memory_space<vmem_shared>>
    tpu.wait_indirect_dma semaphore(%arg10 : memref<!tpu.dma_semaphore, #tpu.memory_space<semaphore_mem>>) src(%arg6 : memref<80xf32, #tpu.memory_space<vmem>>) dst(%dma_wait3A_157 : memref<10000xf32, #tpu.memory_space<vmem_shared>>)
    %barrier3A_158 = arith.constant 0 : index
    tpu.barrier barrier_id(%barrier3A_158)
    %eq3A_159 = arith.constant 0 : i32
    %eq3A_160 = arith.cmpi eq, %arg1, %eq3A_159 : i32
    %convert_element_type3A_161 = arith.extui %eq3A_160 : i1 to i32
    %cond3A_162 = arith.constant 0 : i32
    %cond3A_163 = arith.cmpi ne, %convert_element_type3A_161, %cond3A_162 : i32
    scf.if %cond3A_163 {
      %run_scoped3A = arith.constant 0 : i32
      "tpu.region"() ({
        %run_scoped3A_164 = tpu.sem_alloc : memref<!tpu.dma_semaphore, #tpu.memory_space<semaphore_mem>>
        %dma_start3A_165 = arith.constant 0 : i32
        %dma_start3A_166 = tpu.memref_slice %arg4[%arg0, %run_scoped3A, %dma_start3A_165] : memref<2x1x10000xf32, #tpu.memory_space<hbm>> -> memref<1x1x10000xf32, #tpu.memory_space<hbm>>
        %dma_start3A_167 = tpu.memref_squeeze %dma_start3A_166 : memref<1x1x10000xf32, #tpu.memory_space<hbm>> -> memref<10000xf32, #tpu.memory_space<hbm>>
        tpu.enqueue_dma source(%arg9 : memref<10000xf32, #tpu.memory_space<vmem_shared>>) target(%dma_start3A_167 : memref<10000xf32, #tpu.memory_space<hbm>>) target_semaphore(%run_scoped3A_164 : memref<!tpu.dma_semaphore, #tpu.memory_space<semaphore_mem>>)
        %dma_wait3A_168 = arith.constant 0 : i32
        %dma_wait3A_169 = tpu.memref_slice %arg4[%arg0, %run_scoped3A, %dma_wait3A_168] : memref<2x1x10000xf32, #tpu.memory_space<hbm>> -> memref<1x1x10000xf32, #tpu.memory_space<hbm>>
        %dma_wait3A_170 = tpu.memref_squeeze %dma_wait3A_169 : memref<1x1x10000xf32, #tpu.memory_space<hbm>> -> memref<10000xf32, #tpu.memory_space<hbm>>
        tpu.wait_dma2 semaphore(%run_scoped3A_164 : memref<!tpu.dma_semaphore, #tpu.memory_space<semaphore_mem>>) src(%arg9 : memref<10000xf32, #tpu.memory_space<vmem_shared>>) dst(%dma_wait3A_170 : memref<10000xf32, #tpu.memory_space<hbm>>)
        tpu.yield
      }) : () -> ()
    } else {
    }
    return
  }
}

#map = affine_map<(d0, d1) -> (0, 0, 0)>
#map1 = affine_map<(d0, d1) -> (0, 0)>
module attributes {stable_mosaic.version = 14 : i64} {
  func.func @k(%arg0: i32, %arg1: i32, %arg2: memref<32x125x80xi32, #tpu.memory_space<hbm>>, %arg3: memref<10000x128xf32, #tpu.memory_space<hbm>>, %arg4: memref<2x10000x128xf32, #tpu.memory_space<hbm>>, %arg5: memref<125x80xi32, #tpu.memory_space<vmem>>, %arg6: memref<80xi32, #tpu.memory_space<vmem>>, %arg7: memref<80xi32, #tpu.memory_space<vmem>>, %arg8: memref<80xi32, #tpu.memory_space<vmem>>, %arg9: memref<80xi32, #tpu.memory_space<vmem>>, %arg10: memref<80xi32, #tpu.memory_space<vmem>>, %arg11: memref<80xi32, #tpu.memory_space<vmem>>, %arg12: memref<80x128xf32, #tpu.memory_space<vmem>>, %arg13: memref<80x128xf32, #tpu.memory_space<vmem>>, %arg14: memref<80x128xf32, #tpu.memory_space<vmem>>, %arg15: memref<10000x128xf32, #tpu.memory_space<vmem_shared>>, %arg16: memref<!tpu.dma_semaphore, #tpu.memory_space<semaphore_mem>>, %arg17: memref<!tpu.dma_semaphore, #tpu.memory_space<semaphore_mem>>, %arg18: memref<!tpu.dma_semaphore, #tpu.memory_space<semaphore_mem>>, %arg19: memref<!tpu.dma_semaphore, #tpu.memory_space<semaphore_mem>>, %arg20: memref<!tpu.dma_semaphore, #tpu.memory_space<semaphore_mem>>, %arg21: memref<!tpu.dma_semaphore, #tpu.memory_space<semaphore_mem>>) attributes {dimension_semantics = [#tpu.dimension_semantics<core_parallel>, #tpu.dimension_semantics<subcore_parallel>], iteration_bounds = array<i64: 2, 16>, scalar_prefetch = 0 : i64, scratch_operands = 17 : i64, tpu.core_type = #tpu.core_type<sc_vector_subcore>, window_params = [{transform_indices = #map}, {transform_indices = #map1}, {transform_indices = #map}]} {
    %mul3A = arith.constant 16 : i32
    %mul3A_0 = arith.muli %arg0, %mul3A : i32
    %add3A = arith.addi %mul3A_0, %arg1 : i32
    "tpu.region"() ({
      %run_scoped3A = tpu.sem_alloc : memref<!tpu.dma_semaphore, #tpu.memory_space<semaphore_mem>>
      %dma_start3A_346 = arith.constant 0 : i32
      %dma_start3A_347 = arith.constant 0 : i32
      %dma_start3A_348 = tpu.memref_slice %arg2[%add3A, %dma_start3A_346, %dma_start3A_347] : memref<32x125x80xi32, #tpu.memory_space<hbm>> -> memref<1x125x80xi32, #tpu.memory_space<hbm>>
      %dma_start3A_349 = tpu.memref_squeeze %dma_start3A_348 : memref<1x125x80xi32, #tpu.memory_space<hbm>> -> memref<125x80xi32, #tpu.memory_space<hbm>>
      %dma_start3A_350 = arith.constant 0 : i32
      %dma_start3A_351 = arith.constant 0 : i32
      %dma_start3A_352 = tpu.memref_slice %arg2[%add3A, %dma_start3A_350, %dma_start3A_351] : memref<32x125x80xi32, #tpu.memory_space<hbm>> -> memref<1x125x80xi32, #tpu.memory_space<hbm>>
      %dma_start3A_353 = tpu.memref_squeeze %dma_start3A_352 : memref<1x125x80xi32, #tpu.memory_space<hbm>> -> memref<125x80xi32, #tpu.memory_space<hbm>>
      tpu.enqueue_dma source(%dma_start3A_353 : memref<125x80xi32, #tpu.memory_space<hbm>>) target(%arg5 : memref<125x80xi32, #tpu.memory_space<vmem>>) target_semaphore(%run_scoped3A : memref<!tpu.dma_semaphore, #tpu.memory_space<semaphore_mem>>)
      %dma_wait3A_354 = arith.constant 0 : i32
      %dma_wait3A_355 = arith.constant 0 : i32
      %dma_wait3A_356 = tpu.memref_slice %arg2[%add3A, %dma_wait3A_354, %dma_wait3A_355] : memref<32x125x80xi32, #tpu.memory_space<hbm>> -> memref<1x125x80xi32, #tpu.memory_space<hbm>>
      %dma_wait3A_357 = tpu.memref_squeeze %dma_wait3A_356 : memref<1x125x80xi32, #tpu.memory_space<hbm>> -> memref<125x80xi32, #tpu.memory_space<hbm>>
      %dma_wait3A_358 = arith.constant 0 : i32
      %dma_wait3A_359 = arith.constant 0 : i32
      %dma_wait3A_360 = tpu.memref_slice %arg2[%add3A, %dma_wait3A_358, %dma_wait3A_359] : memref<32x125x80xi32, #tpu.memory_space<hbm>> -> memref<1x125x80xi32, #tpu.memory_space<hbm>>
      %dma_wait3A_361 = tpu.memref_squeeze %dma_wait3A_360 : memref<1x125x80xi32, #tpu.memory_space<hbm>> -> memref<125x80xi32, #tpu.memory_space<hbm>>
      tpu.wait_dma2 semaphore(%run_scoped3A : memref<!tpu.dma_semaphore, #tpu.memory_space<semaphore_mem>>) src(%dma_wait3A_361 : memref<125x80xi32, #tpu.memory_space<hbm>>) dst(%arg5 : memref<125x80xi32, #tpu.memory_space<vmem>>)
      tpu.yield
    }) : () -> ()
    %scan3A = arith.constant 0 : i32
    %scan3A_1 = arith.constant 0 : i32
    %scan3A_2 = arith.constant 80 : i32
    %scan3A_3 = arith.addi %scan3A_1, %scan3A_2 : i32
    %scan3A_4 = arith.constant 1 : i32
    scf.for %scan3A_346 = %scan3A_1 to %scan3A_3 step %scan3A_4  : i32 {
      %broadcast_in_dim3A = arith.constant 0.000000e+00 : f32
      %broadcast_in_dim3A_347 = vector.broadcast %broadcast_in_dim3A : f32 to vector<16xf32>
      %swap3A_348 = arith.index_cast %scan3A_346 : i32 to index
      %swap3A_349 = arith.constant 0 : index
      %swap3A_350 = tpu.vector_load %arg12[%swap3A_348, %swap3A_349] {strides = array<i32>} : memref<80x128xf32, #tpu.memory_space<vmem>>, vector<1x16xf32>,
      %swap3A_351 = vector.shape_cast %swap3A_350 : vector<1x16xf32> to vector<16xf32>
      %swap3A_352 = vector.shape_cast %broadcast_in_dim3A_347 : vector<16xf32> to vector<1x16xf32>
      tpu.vector_store %arg12[%swap3A_348, %swap3A_349], %swap3A_352 {strides = array<i32>} : memref<80x128xf32, #tpu.memory_space<vmem>>, vector<1x16xf32>,
      %broadcast_in_dim3A_353 = arith.constant 0.000000e+00 : f32
      %broadcast_in_dim3A_354 = vector.broadcast %broadcast_in_dim3A_353 : f32 to vector<16xf32>
      %swap3A_355 = arith.index_cast %scan3A_346 : i32 to index
      %swap3A_356 = arith.constant 16 : index
      %swap3A_357 = tpu.vector_load %arg12[%swap3A_355, %swap3A_356] {strides = array<i32>} : memref<80x128xf32, #tpu.memory_space<vmem>>, vector<1x16xf32>,
      %swap3A_358 = vector.shape_cast %swap3A_357 : vector<1x16xf32> to vector<16xf32>
      %swap3A_359 = vector.shape_cast %broadcast_in_dim3A_354 : vector<16xf32> to vector<1x16xf32>
      tpu.vector_store %arg12[%swap3A_355, %swap3A_356], %swap3A_359 {strides = array<i32>} : memref<80x128xf32, #tpu.memory_space<vmem>>, vector<1x16xf32>,
      %broadcast_in_dim3A_360 = arith.constant 0.000000e+00 : f32
      %broadcast_in_dim3A_361 = vector.broadcast %broadcast_in_dim3A_360 : f32 to vector<16xf32>
      %swap3A_362 = arith.index_cast %scan3A_346 : i32 to index
      %swap3A_363 = arith.constant 32 : index
      %swap3A_364 = tpu.vector_load %arg12[%swap3A_362, %swap3A_363] {strides = array<i32>} : memref<80x128xf32, #tpu.memory_space<vmem>>, vector<1x16xf32>,
      %swap3A_365 = vector.shape_cast %swap3A_364 : vector<1x16xf32> to vector<16xf32>
      %swap3A_366 = vector.shape_cast %broadcast_in_dim3A_361 : vector<16xf32> to vector<1x16xf32>
      tpu.vector_store %arg12[%swap3A_362, %swap3A_363], %swap3A_366 {strides = array<i32>} : memref<80x128xf32, #tpu.memory_space<vmem>>, vector<1x16xf32>,
      %broadcast_in_dim3A_367 = arith.constant 0.000000e+00 : f32
      %broadcast_in_dim3A_368 = vector.broadcast %broadcast_in_dim3A_367 : f32 to vector<16xf32>
      %swap3A_369 = arith.index_cast %scan3A_346 : i32 to index
      %swap3A_370 = arith.constant 48 : index
      %swap3A_371 = tpu.vector_load %arg12[%swap3A_369, %swap3A_370] {strides = array<i32>} : memref<80x128xf32, #tpu.memory_space<vmem>>, vector<1x16xf32>,
      %swap3A_372 = vector.shape_cast %swap3A_371 : vector<1x16xf32> to vector<16xf32>
      %swap3A_373 = vector.shape_cast %broadcast_in_dim3A_368 : vector<16xf32> to vector<1x16xf32>
      tpu.vector_store %arg12[%swap3A_369, %swap3A_370], %swap3A_373 {strides = array<i32>} : memref<80x128xf32, #tpu.memory_space<vmem>>, vector<1x16xf32>,
      %broadcast_in_dim3A_374 = arith.constant 0.000000e+00 : f32
      %broadcast_in_dim3A_375 = vector.broadcast %broadcast_in_dim3A_374 : f32 to vector<16xf32>
      %swap3A_376 = arith.index_cast %scan3A_346 : i32 to index
      %swap3A_377 = arith.constant 64 : index
      %swap3A_378 = tpu.vector_load %arg12[%swap3A_376, %swap3A_377] {strides = array<i32>} : memref<80x128xf32, #tpu.memory_space<vmem>>, vector<1x16xf32>,
      %swap3A_379 = vector.shape_cast %swap3A_378 : vector<1x16xf32> to vector<16xf32>
      %swap3A_380 = vector.shape_cast %broadcast_in_dim3A_375 : vector<16xf32> to vector<1x16xf32>
      tpu.vector_store %arg12[%swap3A_376, %swap3A_377], %swap3A_380 {strides = array<i32>} : memref<80x128xf32, #tpu.memory_space<vmem>>, vector<1x16xf32>,
      %broadcast_in_dim3A_381 = arith.constant 0.000000e+00 : f32
      %broadcast_in_dim3A_382 = vector.broadcast %broadcast_in_dim3A_381 : f32 to vector<16xf32>
      %swap3A_383 = arith.index_cast %scan3A_346 : i32 to index
      %swap3A_384 = arith.constant 80 : index
      %swap3A_385 = tpu.vector_load %arg12[%swap3A_383, %swap3A_384] {strides = array<i32>} : memref<80x128xf32, #tpu.memory_space<vmem>>, vector<1x16xf32>,
      %swap3A_386 = vector.shape_cast %swap3A_385 : vector<1x16xf32> to vector<16xf32>
      %swap3A_387 = vector.shape_cast %broadcast_in_dim3A_382 : vector<16xf32> to vector<1x16xf32>
      tpu.vector_store %arg12[%swap3A_383, %swap3A_384], %swap3A_387 {strides = array<i32>} : memref<80x128xf32, #tpu.memory_space<vmem>>, vector<1x16xf32>,
      %broadcast_in_dim3A_388 = arith.constant 0.000000e+00 : f32
      %broadcast_in_dim3A_389 = vector.broadcast %broadcast_in_dim3A_388 : f32 to vector<16xf32>
      %swap3A_390 = arith.index_cast %scan3A_346 : i32 to index
      %swap3A_391 = arith.constant 96 : index
      %swap3A_392 = tpu.vector_load %arg12[%swap3A_390, %swap3A_391] {strides = array<i32>} : memref<80x128xf32, #tpu.memory_space<vmem>>, vector<1x16xf32>,
      %swap3A_393 = vector.shape_cast %swap3A_392 : vector<1x16xf32> to vector<16xf32>
      %swap3A_394 = vector.shape_cast %broadcast_in_dim3A_389 : vector<16xf32> to vector<1x16xf32>
      tpu.vector_store %arg12[%swap3A_390, %swap3A_391], %swap3A_394 {strides = array<i32>} : memref<80x128xf32, #tpu.memory_space<vmem>>, vector<1x16xf32>,
      %broadcast_in_dim3A_395 = arith.constant 0.000000e+00 : f32
      %broadcast_in_dim3A_396 = vector.broadcast %broadcast_in_dim3A_395 : f32 to vector<16xf32>
      %swap3A_397 = arith.index_cast %scan3A_346 : i32 to index
      %swap3A_398 = arith.constant 112 : index
      %swap3A_399 = tpu.vector_load %arg12[%swap3A_397, %swap3A_398] {strides = array<i32>} : memref<80x128xf32, #tpu.memory_space<vmem>>, vector<1x16xf32>,
      %swap3A_400 = vector.shape_cast %swap3A_399 : vector<1x16xf32> to vector<16xf32>
      %swap3A_401 = vector.shape_cast %broadcast_in_dim3A_396 : vector<16xf32> to vector<1x16xf32>
      tpu.vector_store %arg12[%swap3A_397, %swap3A_398], %swap3A_401 {strides = array<i32>} : memref<80x128xf32, #tpu.memory_space<vmem>>, vector<1x16xf32>,
    }
    %scan3A_5 = arith.constant 80 : i32
    %mul3A_6 = arith.constant 624 : i32
    %mul3A_7 = arith.muli %arg1, %mul3A_6 : i32
    %add3A_8 = arith.constant 0 : i32
    %add3A_9 = arith.addi %mul3A_7, %add3A_8 : i32
    "tpu.region"() ({
      %run_scoped3A = tpu.sem_alloc : memref<!tpu.dma_semaphore, #tpu.memory_space<semaphore_mem>>
      %dma_start3A_346 = arith.constant 0 : i32
      %dma_start3A_347 = arith.constant 0 : i32
      %dma_start3A_348 = tpu.memref_slice %arg12[%dma_start3A_346, %dma_start3A_347] : memref<80x128xf32, #tpu.memory_space<vmem>> -> memref<48x128xf32, #tpu.memory_space<vmem>>
      %dma_start3A_349 = arith.constant 0 : i32
      %dma_start3A_350 = tpu.memref_slice %arg15[%add3A_9, %dma_start3A_349] : memref<10000x128xf32, #tpu.memory_space<vmem_shared>> -> memref<48x128xf32, #tpu.memory_space<vmem_shared>>
      %dma_start3A_351 = arith.constant 0 : i32
      %dma_start3A_352 = tpu.memref_slice %arg15[%add3A_9, %dma_start3A_351] : memref<10000x128xf32, #tpu.memory_space<vmem_shared>> -> memref<48x128xf32, #tpu.memory_space<vmem_shared>>
      %dma_start3A_353 = arith.constant 0 : i32
      %dma_start3A_354 = arith.constant 0 : i32
      %dma_start3A_355 = tpu.memref_slice %arg12[%dma_start3A_353, %dma_start3A_354] : memref<80x128xf32, #tpu.memory_space<vmem>> -> memref<48x128xf32, #tpu.memory_space<vmem>>
      tpu.enqueue_dma source(%dma_start3A_355 : memref<48x128xf32, #tpu.memory_space<vmem>>) target(%dma_start3A_352 : memref<48x128xf32, #tpu.memory_space<vmem_shared>>) target_semaphore(%run_scoped3A : memref<!tpu.dma_semaphore, #tpu.memory_space<semaphore_mem>>)
      %dma_wait3A_356 = arith.constant 0 : i32
      %dma_wait3A_357 = arith.constant 0 : i32
      %dma_wait3A_358 = tpu.memref_slice %arg12[%dma_wait3A_356, %dma_wait3A_357] : memref<80x128xf32, #tpu.memory_space<vmem>> -> memref<48x128xf32, #tpu.memory_space<vmem>>
      %dma_wait3A_359 = arith.constant 0 : i32
      %dma_wait3A_360 = tpu.memref_slice %arg15[%add3A_9, %dma_wait3A_359] : memref<10000x128xf32, #tpu.memory_space<vmem_shared>> -> memref<48x128xf32, #tpu.memory_space<vmem_shared>>
      %dma_wait3A_361 = arith.constant 0 : i32
      %dma_wait3A_362 = tpu.memref_slice %arg15[%add3A_9, %dma_wait3A_361] : memref<10000x128xf32, #tpu.memory_space<vmem_shared>> -> memref<48x128xf32, #tpu.memory_space<vmem_shared>>
      %dma_wait3A_363 = arith.constant 0 : i32
      %dma_wait3A_364 = arith.constant 0 : i32
      %dma_wait3A_365 = tpu.memref_slice %arg12[%dma_wait3A_363, %dma_wait3A_364] : memref<80x128xf32, #tpu.memory_space<vmem>> -> memref<48x128xf32, #tpu.memory_space<vmem>>
      tpu.wait_dma2 semaphore(%run_scoped3A : memref<!tpu.dma_semaphore, #tpu.memory_space<semaphore_mem>>) src(%dma_wait3A_365 : memref<48x128xf32, #tpu.memory_space<vmem>>) dst(%dma_wait3A_362 : memref<48x128xf32, #tpu.memory_space<vmem_shared>>)
      tpu.yield
    }) : () -> ()
    %add3A_10 = arith.constant 48 : i32
    %add3A_11 = arith.addi %mul3A_7, %add3A_10 : i32
    "tpu.region"() ({
      %run_scoped3A = tpu.sem_alloc : memref<!tpu.dma_semaphore, #tpu.memory_space<semaphore_mem>>
      %dma_start3A_346 = arith.constant 0 : i32
      %dma_start3A_347 = arith.constant 0 : i32
      %dma_start3A_348 = tpu.memref_slice %arg12[%dma_start3A_346, %dma_start3A_347] : memref<80x128xf32, #tpu.memory_space<vmem>> -> memref<48x128xf32, #tpu.memory_space<vmem>>
      %dma_start3A_349 = arith.constant 0 : i32
      %dma_start3A_350 = tpu.memref_slice %arg15[%add3A_11, %dma_start3A_349] : memref<10000x128xf32, #tpu.memory_space<vmem_shared>> -> memref<48x128xf32, #tpu.memory_space<vmem_shared>>
      %dma_start3A_351 = arith.constant 0 : i32
      %dma_start3A_352 = tpu.memref_slice %arg15[%add3A_11, %dma_start3A_351] : memref<10000x128xf32, #tpu.memory_space<vmem_shared>> -> memref<48x128xf32, #tpu.memory_space<vmem_shared>>
      %dma_start3A_353 = arith.constant 0 : i32
      %dma_start3A_354 = arith.constant 0 : i32
      %dma_start3A_355 = tpu.memref_slice %arg12[%dma_start3A_353, %dma_start3A_354] : memref<80x128xf32, #tpu.memory_space<vmem>> -> memref<48x128xf32, #tpu.memory_space<vmem>>
      tpu.enqueue_dma source(%dma_start3A_355 : memref<48x128xf32, #tpu.memory_space<vmem>>) target(%dma_start3A_352 : memref<48x128xf32, #tpu.memory_space<vmem_shared>>) target_semaphore(%run_scoped3A : memref<!tpu.dma_semaphore, #tpu.memory_space<semaphore_mem>>)
      %dma_wait3A_356 = arith.constant 0 : i32
      %dma_wait3A_357 = arith.constant 0 : i32
      %dma_wait3A_358 = tpu.memref_slice %arg12[%dma_wait3A_356, %dma_wait3A_357] : memref<80x128xf32, #tpu.memory_space<vmem>> -> memref<48x128xf32, #tpu.memory_space<vmem>>
      %dma_wait3A_359 = arith.constant 0 : i32
      %dma_wait3A_360 = tpu.memref_slice %arg15[%add3A_11, %dma_wait3A_359] : memref<10000x128xf32, #tpu.memory_space<vmem_shared>> -> memref<48x128xf32, #tpu.memory_space<vmem_shared>>
      %dma_wait3A_361 = arith.constant 0 : i32
      %dma_wait3A_362 = tpu.memref_slice %arg15[%add3A_11, %dma_wait3A_361] : memref<10000x128xf32, #tpu.memory_space<vmem_shared>> -> memref<48x128xf32, #tpu.memory_space<vmem_shared>>
      %dma_wait3A_363 = arith.constant 0 : i32
      %dma_wait3A_364 = arith.constant 0 : i32
      %dma_wait3A_365 = tpu.memref_slice %arg12[%dma_wait3A_363, %dma_wait3A_364] : memref<80x128xf32, #tpu.memory_space<vmem>> -> memref<48x128xf32, #tpu.memory_space<vmem>>
      tpu.wait_dma2 semaphore(%run_scoped3A : memref<!tpu.dma_semaphore, #tpu.memory_space<semaphore_mem>>) src(%dma_wait3A_365 : memref<48x128xf32, #tpu.memory_space<vmem>>) dst(%dma_wait3A_362 : memref<48x128xf32, #tpu.memory_space<vmem_shared>>)
      tpu.yield
    }) : () -> ()
    %add3A_12 = arith.constant 96 : i32
    %add3A_13 = arith.addi %mul3A_7, %add3A_12 : i32
    "tpu.region"() ({
      %run_scoped3A = tpu.sem_alloc : memref<!tpu.dma_semaphore, #tpu.memory_space<semaphore_mem>>
      %dma_start3A_346 = arith.constant 0 : i32
      %dma_start3A_347 = arith.constant 0 : i32
      %dma_start3A_348 = tpu.memref_slice %arg12[%dma_start3A_346, %dma_start3A_347] : memref<80x128xf32, #tpu.memory_space<vmem>> -> memref<48x128xf32, #tpu.memory_space<vmem>>
      %dma_start3A_349 = arith.constant 0 : i32
      %dma_start3A_350 = tpu.memref_slice %arg15[%add3A_13, %dma_start3A_349] : memref<10000x128xf32, #tpu.memory_space<vmem_shared>> -> memref<48x128xf32, #tpu.memory_space<vmem_shared>>
      %dma_start3A_351 = arith.constant 0 : i32
      %dma_start3A_352 = tpu.memref_slice %arg15[%add3A_13, %dma_start3A_351] : memref<10000x128xf32, #tpu.memory_space<vmem_shared>> -> memref<48x128xf32, #tpu.memory_space<vmem_shared>>
      %dma_start3A_353 = arith.constant 0 : i32
      %dma_start3A_354 = arith.constant 0 : i32
      %dma_start3A_355 = tpu.memref_slice %arg12[%dma_start3A_353, %dma_start3A_354] : memref<80x128xf32, #tpu.memory_space<vmem>> -> memref<48x128xf32, #tpu.memory_space<vmem>>
      tpu.enqueue_dma source(%dma_start3A_355 : memref<48x128xf32, #tpu.memory_space<vmem>>) target(%dma_start3A_352 : memref<48x128xf32, #tpu.memory_space<vmem_shared>>) target_semaphore(%run_scoped3A : memref<!tpu.dma_semaphore, #tpu.memory_space<semaphore_mem>>)
      %dma_wait3A_356 = arith.constant 0 : i32
      %dma_wait3A_357 = arith.constant 0 : i32
      %dma_wait3A_358 = tpu.memref_slice %arg12[%dma_wait3A_356, %dma_wait3A_357] : memref<80x128xf32, #tpu.memory_space<vmem>> -> memref<48x128xf32, #tpu.memory_space<vmem>>
      %dma_wait3A_359 = arith.constant 0 : i32
      %dma_wait3A_360 = tpu.memref_slice %arg15[%add3A_13, %dma_wait3A_359] : memref<10000x128xf32, #tpu.memory_space<vmem_shared>> -> memref<48x128xf32, #tpu.memory_space<vmem_shared>>
      %dma_wait3A_361 = arith.constant 0 : i32
      %dma_wait3A_362 = tpu.memref_slice %arg15[%add3A_13, %dma_wait3A_361] : memref<10000x128xf32, #tpu.memory_space<vmem_shared>> -> memref<48x128xf32, #tpu.memory_space<vmem_shared>>
      %dma_wait3A_363 = arith.constant 0 : i32
      %dma_wait3A_364 = arith.constant 0 : i32
      %dma_wait3A_365 = tpu.memref_slice %arg12[%dma_wait3A_363, %dma_wait3A_364] : memref<80x128xf32, #tpu.memory_space<vmem>> -> memref<48x128xf32, #tpu.memory_space<vmem>>
      tpu.wait_dma2 semaphore(%run_scoped3A : memref<!tpu.dma_semaphore, #tpu.memory_space<semaphore_mem>>) src(%dma_wait3A_365 : memref<48x128xf32, #tpu.memory_space<vmem>>) dst(%dma_wait3A_362 : memref<48x128xf32, #tpu.memory_space<vmem_shared>>)
      tpu.yield
    }) : () -> ()
    %add3A_14 = arith.constant 144 : i32
    %add3A_15 = arith.addi %mul3A_7, %add3A_14 : i32
    "tpu.region"() ({
      %run_scoped3A = tpu.sem_alloc : memref<!tpu.dma_semaphore, #tpu.memory_space<semaphore_mem>>
      %dma_start3A_346 = arith.constant 0 : i32
      %dma_start3A_347 = arith.constant 0 : i32
      %dma_start3A_348 = tpu.memref_slice %arg12[%dma_start3A_346, %dma_start3A_347] : memref<80x128xf32, #tpu.memory_space<vmem>> -> memref<48x128xf32, #tpu.memory_space<vmem>>
      %dma_start3A_349 = arith.constant 0 : i32
      %dma_start3A_350 = tpu.memref_slice %arg15[%add3A_15, %dma_start3A_349] : memref<10000x128xf32, #tpu.memory_space<vmem_shared>> -> memref<48x128xf32, #tpu.memory_space<vmem_shared>>
      %dma_start3A_351 = arith.constant 0 : i32
      %dma_start3A_352 = tpu.memref_slice %arg15[%add3A_15, %dma_start3A_351] : memref<10000x128xf32, #tpu.memory_space<vmem_shared>> -> memref<48x128xf32, #tpu.memory_space<vmem_shared>>
      %dma_start3A_353 = arith.constant 0 : i32
      %dma_start3A_354 = arith.constant 0 : i32
      %dma_start3A_355 = tpu.memref_slice %arg12[%dma_start3A_353, %dma_start3A_354] : memref<80x128xf32, #tpu.memory_space<vmem>> -> memref<48x128xf32, #tpu.memory_space<vmem>>
      tpu.enqueue_dma source(%dma_start3A_355 : memref<48x128xf32, #tpu.memory_space<vmem>>) target(%dma_start3A_352 : memref<48x128xf32, #tpu.memory_space<vmem_shared>>) target_semaphore(%run_scoped3A : memref<!tpu.dma_semaphore, #tpu.memory_space<semaphore_mem>>)
      %dma_wait3A_356 = arith.constant 0 : i32
      %dma_wait3A_357 = arith.constant 0 : i32
      %dma_wait3A_358 = tpu.memref_slice %arg12[%dma_wait3A_356, %dma_wait3A_357] : memref<80x128xf32, #tpu.memory_space<vmem>> -> memref<48x128xf32, #tpu.memory_space<vmem>>
      %dma_wait3A_359 = arith.constant 0 : i32
      %dma_wait3A_360 = tpu.memref_slice %arg15[%add3A_15, %dma_wait3A_359] : memref<10000x128xf32, #tpu.memory_space<vmem_shared>> -> memref<48x128xf32, #tpu.memory_space<vmem_shared>>
      %dma_wait3A_361 = arith.constant 0 : i32
      %dma_wait3A_362 = tpu.memref_slice %arg15[%add3A_15, %dma_wait3A_361] : memref<10000x128xf32, #tpu.memory_space<vmem_shared>> -> memref<48x128xf32, #tpu.memory_space<vmem_shared>>
      %dma_wait3A_363 = arith.constant 0 : i32
      %dma_wait3A_364 = arith.constant 0 : i32
      %dma_wait3A_365 = tpu.memref_slice %arg12[%dma_wait3A_363, %dma_wait3A_364] : memref<80x128xf32, #tpu.memory_space<vmem>> -> memref<48x128xf32, #tpu.memory_space<vmem>>
      tpu.wait_dma2 semaphore(%run_scoped3A : memref<!tpu.dma_semaphore, #tpu.memory_space<semaphore_mem>>) src(%dma_wait3A_365 : memref<48x128xf32, #tpu.memory_space<vmem>>) dst(%dma_wait3A_362 : memref<48x128xf32, #tpu.memory_space<vmem_shared>>)
      tpu.yield
    }) : () -> ()
    %add3A_16 = arith.constant 192 : i32
    %add3A_17 = arith.addi %mul3A_7, %add3A_16 : i32
    "tpu.region"() ({
      %run_scoped3A = tpu.sem_alloc : memref<!tpu.dma_semaphore, #tpu.memory_space<semaphore_mem>>
      %dma_start3A_346 = arith.constant 0 : i32
      %dma_start3A_347 = arith.constant 0 : i32
      %dma_start3A_348 = tpu.memref_slice %arg12[%dma_start3A_346, %dma_start3A_347] : memref<80x128xf32, #tpu.memory_space<vmem>> -> memref<48x128xf32, #tpu.memory_space<vmem>>
      %dma_start3A_349 = arith.constant 0 : i32
      %dma_start3A_350 = tpu.memref_slice %arg15[%add3A_17, %dma_start3A_349] : memref<10000x128xf32, #tpu.memory_space<vmem_shared>> -> memref<48x128xf32, #tpu.memory_space<vmem_shared>>
      %dma_start3A_351 = arith.constant 0 : i32
      %dma_start3A_352 = tpu.memref_slice %arg15[%add3A_17, %dma_start3A_351] : memref<10000x128xf32, #tpu.memory_space<vmem_shared>> -> memref<48x128xf32, #tpu.memory_space<vmem_shared>>
      %dma_start3A_353 = arith.constant 0 : i32
      %dma_start3A_354 = arith.constant 0 : i32
      %dma_start3A_355 = tpu.memref_slice %arg12[%dma_start3A_353, %dma_start3A_354] : memref<80x128xf32, #tpu.memory_space<vmem>> -> memref<48x128xf32, #tpu.memory_space<vmem>>
      tpu.enqueue_dma source(%dma_start3A_355 : memref<48x128xf32, #tpu.memory_space<vmem>>) target(%dma_start3A_352 : memref<48x128xf32, #tpu.memory_space<vmem_shared>>) target_semaphore(%run_scoped3A : memref<!tpu.dma_semaphore, #tpu.memory_space<semaphore_mem>>)
      %dma_wait3A_356 = arith.constant 0 : i32
      %dma_wait3A_357 = arith.constant 0 : i32
      %dma_wait3A_358 = tpu.memref_slice %arg12[%dma_wait3A_356, %dma_wait3A_357] : memref<80x128xf32, #tpu.memory_space<vmem>> -> memref<48x128xf32, #tpu.memory_space<vmem>>
      %dma_wait3A_359 = arith.constant 0 : i32
      %dma_wait3A_360 = tpu.memref_slice %arg15[%add3A_17, %dma_wait3A_359] : memref<10000x128xf32, #tpu.memory_space<vmem_shared>> -> memref<48x128xf32, #tpu.memory_space<vmem_shared>>
      %dma_wait3A_361 = arith.constant 0 : i32
      %dma_wait3A_362 = tpu.memref_slice %arg15[%add3A_17, %dma_wait3A_361] : memref<10000x128xf32, #tpu.memory_space<vmem_shared>> -> memref<48x128xf32, #tpu.memory_space<vmem_shared>>
      %dma_wait3A_363 = arith.constant 0 : i32
      %dma_wait3A_364 = arith.constant 0 : i32
      %dma_wait3A_365 = tpu.memref_slice %arg12[%dma_wait3A_363, %dma_wait3A_364] : memref<80x128xf32, #tpu.memory_space<vmem>> -> memref<48x128xf32, #tpu.memory_space<vmem>>
      tpu.wait_dma2 semaphore(%run_scoped3A : memref<!tpu.dma_semaphore, #tpu.memory_space<semaphore_mem>>) src(%dma_wait3A_365 : memref<48x128xf32, #tpu.memory_space<vmem>>) dst(%dma_wait3A_362 : memref<48x128xf32, #tpu.memory_space<vmem_shared>>)
      tpu.yield
    }) : () -> ()
    %add3A_18 = arith.constant 240 : i32
    %add3A_19 = arith.addi %mul3A_7, %add3A_18 : i32
    "tpu.region"() ({
      %run_scoped3A = tpu.sem_alloc : memref<!tpu.dma_semaphore, #tpu.memory_space<semaphore_mem>>
      %dma_start3A_346 = arith.constant 0 : i32
      %dma_start3A_347 = arith.constant 0 : i32
      %dma_start3A_348 = tpu.memref_slice %arg12[%dma_start3A_346, %dma_start3A_347] : memref<80x128xf32, #tpu.memory_space<vmem>> -> memref<48x128xf32, #tpu.memory_space<vmem>>
      %dma_start3A_349 = arith.constant 0 : i32
      %dma_start3A_350 = tpu.memref_slice %arg15[%add3A_19, %dma_start3A_349] : memref<10000x128xf32, #tpu.memory_space<vmem_shared>> -> memref<48x128xf32, #tpu.memory_space<vmem_shared>>
      %dma_start3A_351 = arith.constant 0 : i32
      %dma_start3A_352 = tpu.memref_slice %arg15[%add3A_19, %dma_start3A_351] : memref<10000x128xf32, #tpu.memory_space<vmem_shared>> -> memref<48x128xf32, #tpu.memory_space<vmem_shared>>
      %dma_start3A_353 = arith.constant 0 : i32
      %dma_start3A_354 = arith.constant 0 : i32
      %dma_start3A_355 = tpu.memref_slice %arg12[%dma_start3A_353, %dma_start3A_354] : memref<80x128xf32, #tpu.memory_space<vmem>> -> memref<48x128xf32, #tpu.memory_space<vmem>>
      tpu.enqueue_dma source(%dma_start3A_355 : memref<48x128xf32, #tpu.memory_space<vmem>>) target(%dma_start3A_352 : memref<48x128xf32, #tpu.memory_space<vmem_shared>>) target_semaphore(%run_scoped3A : memref<!tpu.dma_semaphore, #tpu.memory_space<semaphore_mem>>)
      %dma_wait3A_356 = arith.constant 0 : i32
      %dma_wait3A_357 = arith.constant 0 : i32
      %dma_wait3A_358 = tpu.memref_slice %arg12[%dma_wait3A_356, %dma_wait3A_357] : memref<80x128xf32, #tpu.memory_space<vmem>> -> memref<48x128xf32, #tpu.memory_space<vmem>>
      %dma_wait3A_359 = arith.constant 0 : i32
      %dma_wait3A_360 = tpu.memref_slice %arg15[%add3A_19, %dma_wait3A_359] : memref<10000x128xf32, #tpu.memory_space<vmem_shared>> -> memref<48x128xf32, #tpu.memory_space<vmem_shared>>
      %dma_wait3A_361 = arith.constant 0 : i32
      %dma_wait3A_362 = tpu.memref_slice %arg15[%add3A_19, %dma_wait3A_361] : memref<10000x128xf32, #tpu.memory_space<vmem_shared>> -> memref<48x128xf32, #tpu.memory_space<vmem_shared>>
      %dma_wait3A_363 = arith.constant 0 : i32
      %dma_wait3A_364 = arith.constant 0 : i32
      %dma_wait3A_365 = tpu.memref_slice %arg12[%dma_wait3A_363, %dma_wait3A_364] : memref<80x128xf32, #tpu.memory_space<vmem>> -> memref<48x128xf32, #tpu.memory_space<vmem>>
      tpu.wait_dma2 semaphore(%run_scoped3A : memref<!tpu.dma_semaphore, #tpu.memory_space<semaphore_mem>>) src(%dma_wait3A_365 : memref<48x128xf32, #tpu.memory_space<vmem>>) dst(%dma_wait3A_362 : memref<48x128xf32, #tpu.memory_space<vmem_shared>>)
      tpu.yield
    }) : () -> ()
    %add3A_20 = arith.constant 288 : i32
    %add3A_21 = arith.addi %mul3A_7, %add3A_20 : i32
    "tpu.region"() ({
      %run_scoped3A = tpu.sem_alloc : memref<!tpu.dma_semaphore, #tpu.memory_space<semaphore_mem>>
      %dma_start3A_346 = arith.constant 0 : i32
      %dma_start3A_347 = arith.constant 0 : i32
      %dma_start3A_348 = tpu.memref_slice %arg12[%dma_start3A_346, %dma_start3A_347] : memref<80x128xf32, #tpu.memory_space<vmem>> -> memref<48x128xf32, #tpu.memory_space<vmem>>
      %dma_start3A_349 = arith.constant 0 : i32
      %dma_start3A_350 = tpu.memref_slice %arg15[%add3A_21, %dma_start3A_349] : memref<10000x128xf32, #tpu.memory_space<vmem_shared>> -> memref<48x128xf32, #tpu.memory_space<vmem_shared>>
      %dma_start3A_351 = arith.constant 0 : i32
      %dma_start3A_352 = tpu.memref_slice %arg15[%add3A_21, %dma_start3A_351] : memref<10000x128xf32, #tpu.memory_space<vmem_shared>> -> memref<48x128xf32, #tpu.memory_space<vmem_shared>>
      %dma_start3A_353 = arith.constant 0 : i32
      %dma_start3A_354 = arith.constant 0 : i32
      %dma_start3A_355 = tpu.memref_slice %arg12[%dma_start3A_353, %dma_start3A_354] : memref<80x128xf32, #tpu.memory_space<vmem>> -> memref<48x128xf32, #tpu.memory_space<vmem>>
      tpu.enqueue_dma source(%dma_start3A_355 : memref<48x128xf32, #tpu.memory_space<vmem>>) target(%dma_start3A_352 : memref<48x128xf32, #tpu.memory_space<vmem_shared>>) target_semaphore(%run_scoped3A : memref<!tpu.dma_semaphore, #tpu.memory_space<semaphore_mem>>)
      %dma_wait3A_356 = arith.constant 0 : i32
      %dma_wait3A_357 = arith.constant 0 : i32
      %dma_wait3A_358 = tpu.memref_slice %arg12[%dma_wait3A_356, %dma_wait3A_357] : memref<80x128xf32, #tpu.memory_space<vmem>> -> memref<48x128xf32, #tpu.memory_space<vmem>>
      %dma_wait3A_359 = arith.constant 0 : i32
      %dma_wait3A_360 = tpu.memref_slice %arg15[%add3A_21, %dma_wait3A_359] : memref<10000x128xf32, #tpu.memory_space<vmem_shared>> -> memref<48x128xf32, #tpu.memory_space<vmem_shared>>
      %dma_wait3A_361 = arith.constant 0 : i32
      %dma_wait3A_362 = tpu.memref_slice %arg15[%add3A_21, %dma_wait3A_361] : memref<10000x128xf32, #tpu.memory_space<vmem_shared>> -> memref<48x128xf32, #tpu.memory_space<vmem_shared>>
      %dma_wait3A_363 = arith.constant 0 : i32
      %dma_wait3A_364 = arith.constant 0 : i32
      %dma_wait3A_365 = tpu.memref_slice %arg12[%dma_wait3A_363, %dma_wait3A_364] : memref<80x128xf32, #tpu.memory_space<vmem>> -> memref<48x128xf32, #tpu.memory_space<vmem>>
      tpu.wait_dma2 semaphore(%run_scoped3A : memref<!tpu.dma_semaphore, #tpu.memory_space<semaphore_mem>>) src(%dma_wait3A_365 : memref<48x128xf32, #tpu.memory_space<vmem>>) dst(%dma_wait3A_362 : memref<48x128xf32, #tpu.memory_space<vmem_shared>>)
      tpu.yield
    }) : () -> ()
    %add3A_22 = arith.constant 336 : i32
    %add3A_23 = arith.addi %mul3A_7, %add3A_22 : i32
    "tpu.region"() ({
      %run_scoped3A = tpu.sem_alloc : memref<!tpu.dma_semaphore, #tpu.memory_space<semaphore_mem>>
      %dma_start3A_346 = arith.constant 0 : i32
      %dma_start3A_347 = arith.constant 0 : i32
      %dma_start3A_348 = tpu.memref_slice %arg12[%dma_start3A_346, %dma_start3A_347] : memref<80x128xf32, #tpu.memory_space<vmem>> -> memref<48x128xf32, #tpu.memory_space<vmem>>
      %dma_start3A_349 = arith.constant 0 : i32
      %dma_start3A_350 = tpu.memref_slice %arg15[%add3A_23, %dma_start3A_349] : memref<10000x128xf32, #tpu.memory_space<vmem_shared>> -> memref<48x128xf32, #tpu.memory_space<vmem_shared>>
      %dma_start3A_351 = arith.constant 0 : i32
      %dma_start3A_352 = tpu.memref_slice %arg15[%add3A_23, %dma_start3A_351] : memref<10000x128xf32, #tpu.memory_space<vmem_shared>> -> memref<48x128xf32, #tpu.memory_space<vmem_shared>>
      %dma_start3A_353 = arith.constant 0 : i32
      %dma_start3A_354 = arith.constant 0 : i32
      %dma_start3A_355 = tpu.memref_slice %arg12[%dma_start3A_353, %dma_start3A_354] : memref<80x128xf32, #tpu.memory_space<vmem>> -> memref<48x128xf32, #tpu.memory_space<vmem>>
      tpu.enqueue_dma source(%dma_start3A_355 : memref<48x128xf32, #tpu.memory_space<vmem>>) target(%dma_start3A_352 : memref<48x128xf32, #tpu.memory_space<vmem_shared>>) target_semaphore(%run_scoped3A : memref<!tpu.dma_semaphore, #tpu.memory_space<semaphore_mem>>)
      %dma_wait3A_356 = arith.constant 0 : i32
      %dma_wait3A_357 = arith.constant 0 : i32
      %dma_wait3A_358 = tpu.memref_slice %arg12[%dma_wait3A_356, %dma_wait3A_357] : memref<80x128xf32, #tpu.memory_space<vmem>> -> memref<48x128xf32, #tpu.memory_space<vmem>>
      %dma_wait3A_359 = arith.constant 0 : i32
      %dma_wait3A_360 = tpu.memref_slice %arg15[%add3A_23, %dma_wait3A_359] : memref<10000x128xf32, #tpu.memory_space<vmem_shared>> -> memref<48x128xf32, #tpu.memory_space<vmem_shared>>
      %dma_wait3A_361 = arith.constant 0 : i32
      %dma_wait3A_362 = tpu.memref_slice %arg15[%add3A_23, %dma_wait3A_361] : memref<10000x128xf32, #tpu.memory_space<vmem_shared>> -> memref<48x128xf32, #tpu.memory_space<vmem_shared>>
      %dma_wait3A_363 = arith.constant 0 : i32
      %dma_wait3A_364 = arith.constant 0 : i32
      %dma_wait3A_365 = tpu.memref_slice %arg12[%dma_wait3A_363, %dma_wait3A_364] : memref<80x128xf32, #tpu.memory_space<vmem>> -> memref<48x128xf32, #tpu.memory_space<vmem>>
      tpu.wait_dma2 semaphore(%run_scoped3A : memref<!tpu.dma_semaphore, #tpu.memory_space<semaphore_mem>>) src(%dma_wait3A_365 : memref<48x128xf32, #tpu.memory_space<vmem>>) dst(%dma_wait3A_362 : memref<48x128xf32, #tpu.memory_space<vmem_shared>>)
      tpu.yield
    }) : () -> ()
    %add3A_24 = arith.constant 384 : i32
    %add3A_25 = arith.addi %mul3A_7, %add3A_24 : i32
    "tpu.region"() ({
      %run_scoped3A = tpu.sem_alloc : memref<!tpu.dma_semaphore, #tpu.memory_space<semaphore_mem>>
      %dma_start3A_346 = arith.constant 0 : i32
      %dma_start3A_347 = arith.constant 0 : i32
      %dma_start3A_348 = tpu.memref_slice %arg12[%dma_start3A_346, %dma_start3A_347] : memref<80x128xf32, #tpu.memory_space<vmem>> -> memref<48x128xf32, #tpu.memory_space<vmem>>
      %dma_start3A_349 = arith.constant 0 : i32
      %dma_start3A_350 = tpu.memref_slice %arg15[%add3A_25, %dma_start3A_349] : memref<10000x128xf32, #tpu.memory_space<vmem_shared>> -> memref<48x128xf32, #tpu.memory_space<vmem_shared>>
      %dma_start3A_351 = arith.constant 0 : i32
      %dma_start3A_352 = tpu.memref_slice %arg15[%add3A_25, %dma_start3A_351] : memref<10000x128xf32, #tpu.memory_space<vmem_shared>> -> memref<48x128xf32, #tpu.memory_space<vmem_shared>>
      %dma_start3A_353 = arith.constant 0 : i32
      %dma_start3A_354 = arith.constant 0 : i32
      %dma_start3A_355 = tpu.memref_slice %arg12[%dma_start3A_353, %dma_start3A_354] : memref<80x128xf32, #tpu.memory_space<vmem>> -> memref<48x128xf32, #tpu.memory_space<vmem>>
      tpu.enqueue_dma source(%dma_start3A_355 : memref<48x128xf32, #tpu.memory_space<vmem>>) target(%dma_start3A_352 : memref<48x128xf32, #tpu.memory_space<vmem_shared>>) target_semaphore(%run_scoped3A : memref<!tpu.dma_semaphore, #tpu.memory_space<semaphore_mem>>)
      %dma_wait3A_356 = arith.constant 0 : i32
      %dma_wait3A_357 = arith.constant 0 : i32
      %dma_wait3A_358 = tpu.memref_slice %arg12[%dma_wait3A_356, %dma_wait3A_357] : memref<80x128xf32, #tpu.memory_space<vmem>> -> memref<48x128xf32, #tpu.memory_space<vmem>>
      %dma_wait3A_359 = arith.constant 0 : i32
      %dma_wait3A_360 = tpu.memref_slice %arg15[%add3A_25, %dma_wait3A_359] : memref<10000x128xf32, #tpu.memory_space<vmem_shared>> -> memref<48x128xf32, #tpu.memory_space<vmem_shared>>
      %dma_wait3A_361 = arith.constant 0 : i32
      %dma_wait3A_362 = tpu.memref_slice %arg15[%add3A_25, %dma_wait3A_361] : memref<10000x128xf32, #tpu.memory_space<vmem_shared>> -> memref<48x128xf32, #tpu.memory_space<vmem_shared>>
      %dma_wait3A_363 = arith.constant 0 : i32
      %dma_wait3A_364 = arith.constant 0 : i32
      %dma_wait3A_365 = tpu.memref_slice %arg12[%dma_wait3A_363, %dma_wait3A_364] : memref<80x128xf32, #tpu.memory_space<vmem>> -> memref<48x128xf32, #tpu.memory_space<vmem>>
      tpu.wait_dma2 semaphore(%run_scoped3A : memref<!tpu.dma_semaphore, #tpu.memory_space<semaphore_mem>>) src(%dma_wait3A_365 : memref<48x128xf32, #tpu.memory_space<vmem>>) dst(%dma_wait3A_362 : memref<48x128xf32, #tpu.memory_space<vmem_shared>>)
      tpu.yield
    }) : () -> ()
    %add3A_26 = arith.constant 432 : i32
    %add3A_27 = arith.addi %mul3A_7, %add3A_26 : i32
    "tpu.region"() ({
      %run_scoped3A = tpu.sem_alloc : memref<!tpu.dma_semaphore, #tpu.memory_space<semaphore_mem>>
      %dma_start3A_346 = arith.constant 0 : i32
      %dma_start3A_347 = arith.constant 0 : i32
      %dma_start3A_348 = tpu.memref_slice %arg12[%dma_start3A_346, %dma_start3A_347] : memref<80x128xf32, #tpu.memory_space<vmem>> -> memref<48x128xf32, #tpu.memory_space<vmem>>
      %dma_start3A_349 = arith.constant 0 : i32
      %dma_start3A_350 = tpu.memref_slice %arg15[%add3A_27, %dma_start3A_349] : memref<10000x128xf32, #tpu.memory_space<vmem_shared>> -> memref<48x128xf32, #tpu.memory_space<vmem_shared>>
      %dma_start3A_351 = arith.constant 0 : i32
      %dma_start3A_352 = tpu.memref_slice %arg15[%add3A_27, %dma_start3A_351] : memref<10000x128xf32, #tpu.memory_space<vmem_shared>> -> memref<48x128xf32, #tpu.memory_space<vmem_shared>>
      %dma_start3A_353 = arith.constant 0 : i32
      %dma_start3A_354 = arith.constant 0 : i32
      %dma_start3A_355 = tpu.memref_slice %arg12[%dma_start3A_353, %dma_start3A_354] : memref<80x128xf32, #tpu.memory_space<vmem>> -> memref<48x128xf32, #tpu.memory_space<vmem>>
      tpu.enqueue_dma source(%dma_start3A_355 : memref<48x128xf32, #tpu.memory_space<vmem>>) target(%dma_start3A_352 : memref<48x128xf32, #tpu.memory_space<vmem_shared>>) target_semaphore(%run_scoped3A : memref<!tpu.dma_semaphore, #tpu.memory_space<semaphore_mem>>)
      %dma_wait3A_356 = arith.constant 0 : i32
      %dma_wait3A_357 = arith.constant 0 : i32
      %dma_wait3A_358 = tpu.memref_slice %arg12[%dma_wait3A_356, %dma_wait3A_357] : memref<80x128xf32, #tpu.memory_space<vmem>> -> memref<48x128xf32, #tpu.memory_space<vmem>>
      %dma_wait3A_359 = arith.constant 0 : i32
      %dma_wait3A_360 = tpu.memref_slice %arg15[%add3A_27, %dma_wait3A_359] : memref<10000x128xf32, #tpu.memory_space<vmem_shared>> -> memref<48x128xf32, #tpu.memory_space<vmem_shared>>
      %dma_wait3A_361 = arith.constant 0 : i32
      %dma_wait3A_362 = tpu.memref_slice %arg15[%add3A_27, %dma_wait3A_361] : memref<10000x128xf32, #tpu.memory_space<vmem_shared>> -> memref<48x128xf32, #tpu.memory_space<vmem_shared>>
      %dma_wait3A_363 = arith.constant 0 : i32
      %dma_wait3A_364 = arith.constant 0 : i32
      %dma_wait3A_365 = tpu.memref_slice %arg12[%dma_wait3A_363, %dma_wait3A_364] : memref<80x128xf32, #tpu.memory_space<vmem>> -> memref<48x128xf32, #tpu.memory_space<vmem>>
      tpu.wait_dma2 semaphore(%run_scoped3A : memref<!tpu.dma_semaphore, #tpu.memory_space<semaphore_mem>>) src(%dma_wait3A_365 : memref<48x128xf32, #tpu.memory_space<vmem>>) dst(%dma_wait3A_362 : memref<48x128xf32, #tpu.memory_space<vmem_shared>>)
      tpu.yield
    }) : () -> ()
    %add3A_28 = arith.constant 480 : i32
    %add3A_29 = arith.addi %mul3A_7, %add3A_28 : i32
    "tpu.region"() ({
      %run_scoped3A = tpu.sem_alloc : memref<!tpu.dma_semaphore, #tpu.memory_space<semaphore_mem>>
      %dma_start3A_346 = arith.constant 0 : i32
      %dma_start3A_347 = arith.constant 0 : i32
      %dma_start3A_348 = tpu.memref_slice %arg12[%dma_start3A_346, %dma_start3A_347] : memref<80x128xf32, #tpu.memory_space<vmem>> -> memref<48x128xf32, #tpu.memory_space<vmem>>
      %dma_start3A_349 = arith.constant 0 : i32
      %dma_start3A_350 = tpu.memref_slice %arg15[%add3A_29, %dma_start3A_349] : memref<10000x128xf32, #tpu.memory_space<vmem_shared>> -> memref<48x128xf32, #tpu.memory_space<vmem_shared>>
      %dma_start3A_351 = arith.constant 0 : i32
      %dma_start3A_352 = tpu.memref_slice %arg15[%add3A_29, %dma_start3A_351] : memref<10000x128xf32, #tpu.memory_space<vmem_shared>> -> memref<48x128xf32, #tpu.memory_space<vmem_shared>>
      %dma_start3A_353 = arith.constant 0 : i32
      %dma_start3A_354 = arith.constant 0 : i32
      %dma_start3A_355 = tpu.memref_slice %arg12[%dma_start3A_353, %dma_start3A_354] : memref<80x128xf32, #tpu.memory_space<vmem>> -> memref<48x128xf32, #tpu.memory_space<vmem>>
      tpu.enqueue_dma source(%dma_start3A_355 : memref<48x128xf32, #tpu.memory_space<vmem>>) target(%dma_start3A_352 : memref<48x128xf32, #tpu.memory_space<vmem_shared>>) target_semaphore(%run_scoped3A : memref<!tpu.dma_semaphore, #tpu.memory_space<semaphore_mem>>)
      %dma_wait3A_356 = arith.constant 0 : i32
      %dma_wait3A_357 = arith.constant 0 : i32
      %dma_wait3A_358 = tpu.memref_slice %arg12[%dma_wait3A_356, %dma_wait3A_357] : memref<80x128xf32, #tpu.memory_space<vmem>> -> memref<48x128xf32, #tpu.memory_space<vmem>>
      %dma_wait3A_359 = arith.constant 0 : i32
      %dma_wait3A_360 = tpu.memref_slice %arg15[%add3A_29, %dma_wait3A_359] : memref<10000x128xf32, #tpu.memory_space<vmem_shared>> -> memref<48x128xf32, #tpu.memory_space<vmem_shared>>
      %dma_wait3A_361 = arith.constant 0 : i32
      %dma_wait3A_362 = tpu.memref_slice %arg15[%add3A_29, %dma_wait3A_361] : memref<10000x128xf32, #tpu.memory_space<vmem_shared>> -> memref<48x128xf32, #tpu.memory_space<vmem_shared>>
      %dma_wait3A_363 = arith.constant 0 : i32
      %dma_wait3A_364 = arith.constant 0 : i32
      %dma_wait3A_365 = tpu.memref_slice %arg12[%dma_wait3A_363, %dma_wait3A_364] : memref<80x128xf32, #tpu.memory_space<vmem>> -> memref<48x128xf32, #tpu.memory_space<vmem>>
      tpu.wait_dma2 semaphore(%run_scoped3A : memref<!tpu.dma_semaphore, #tpu.memory_space<semaphore_mem>>) src(%dma_wait3A_365 : memref<48x128xf32, #tpu.memory_space<vmem>>) dst(%dma_wait3A_362 : memref<48x128xf32, #tpu.memory_space<vmem_shared>>)
      tpu.yield
    }) : () -> ()
    %add3A_30 = arith.constant 528 : i32
    %add3A_31 = arith.addi %mul3A_7, %add3A_30 : i32
    "tpu.region"() ({
      %run_scoped3A = tpu.sem_alloc : memref<!tpu.dma_semaphore, #tpu.memory_space<semaphore_mem>>
      %dma_start3A_346 = arith.constant 0 : i32
      %dma_start3A_347 = arith.constant 0 : i32
      %dma_start3A_348 = tpu.memref_slice %arg12[%dma_start3A_346, %dma_start3A_347] : memref<80x128xf32, #tpu.memory_space<vmem>> -> memref<48x128xf32, #tpu.memory_space<vmem>>
      %dma_start3A_349 = arith.constant 0 : i32
      %dma_start3A_350 = tpu.memref_slice %arg15[%add3A_31, %dma_start3A_349] : memref<10000x128xf32, #tpu.memory_space<vmem_shared>> -> memref<48x128xf32, #tpu.memory_space<vmem_shared>>
      %dma_start3A_351 = arith.constant 0 : i32
      %dma_start3A_352 = tpu.memref_slice %arg15[%add3A_31, %dma_start3A_351] : memref<10000x128xf32, #tpu.memory_space<vmem_shared>> -> memref<48x128xf32, #tpu.memory_space<vmem_shared>>
      %dma_start3A_353 = arith.constant 0 : i32
      %dma_start3A_354 = arith.constant 0 : i32
      %dma_start3A_355 = tpu.memref_slice %arg12[%dma_start3A_353, %dma_start3A_354] : memref<80x128xf32, #tpu.memory_space<vmem>> -> memref<48x128xf32, #tpu.memory_space<vmem>>
      tpu.enqueue_dma source(%dma_start3A_355 : memref<48x128xf32, #tpu.memory_space<vmem>>) target(%dma_start3A_352 : memref<48x128xf32, #tpu.memory_space<vmem_shared>>) target_semaphore(%run_scoped3A : memref<!tpu.dma_semaphore, #tpu.memory_space<semaphore_mem>>)
      %dma_wait3A_356 = arith.constant 0 : i32
      %dma_wait3A_357 = arith.constant 0 : i32
      %dma_wait3A_358 = tpu.memref_slice %arg12[%dma_wait3A_356, %dma_wait3A_357] : memref<80x128xf32, #tpu.memory_space<vmem>> -> memref<48x128xf32, #tpu.memory_space<vmem>>
      %dma_wait3A_359 = arith.constant 0 : i32
      %dma_wait3A_360 = tpu.memref_slice %arg15[%add3A_31, %dma_wait3A_359] : memref<10000x128xf32, #tpu.memory_space<vmem_shared>> -> memref<48x128xf32, #tpu.memory_space<vmem_shared>>
      %dma_wait3A_361 = arith.constant 0 : i32
      %dma_wait3A_362 = tpu.memref_slice %arg15[%add3A_31, %dma_wait3A_361] : memref<10000x128xf32, #tpu.memory_space<vmem_shared>> -> memref<48x128xf32, #tpu.memory_space<vmem_shared>>
      %dma_wait3A_363 = arith.constant 0 : i32
      %dma_wait3A_364 = arith.constant 0 : i32
      %dma_wait3A_365 = tpu.memref_slice %arg12[%dma_wait3A_363, %dma_wait3A_364] : memref<80x128xf32, #tpu.memory_space<vmem>> -> memref<48x128xf32, #tpu.memory_space<vmem>>
      tpu.wait_dma2 semaphore(%run_scoped3A : memref<!tpu.dma_semaphore, #tpu.memory_space<semaphore_mem>>) src(%dma_wait3A_365 : memref<48x128xf32, #tpu.memory_space<vmem>>) dst(%dma_wait3A_362 : memref<48x128xf32, #tpu.memory_space<vmem_shared>>)
      tpu.yield
    }) : () -> ()
    %add3A_32 = arith.constant 576 : i32
    %add3A_33 = arith.addi %mul3A_7, %add3A_32 : i32
    "tpu.region"() ({
      %run_scoped3A = tpu.sem_alloc : memref<!tpu.dma_semaphore, #tpu.memory_space<semaphore_mem>>
      %dma_start3A_346 = arith.constant 0 : i32
      %dma_start3A_347 = arith.constant 0 : i32
      %dma_start3A_348 = tpu.memref_slice %arg12[%dma_start3A_346, %dma_start3A_347] : memref<80x128xf32, #tpu.memory_space<vmem>> -> memref<48x128xf32, #tpu.memory_space<vmem>>
      %dma_start3A_349 = arith.constant 0 : i32
      %dma_start3A_350 = tpu.memref_slice %arg15[%add3A_33, %dma_start3A_349] : memref<10000x128xf32, #tpu.memory_space<vmem_shared>> -> memref<48x128xf32, #tpu.memory_space<vmem_shared>>
      %dma_start3A_351 = arith.constant 0 : i32
      %dma_start3A_352 = tpu.memref_slice %arg15[%add3A_33, %dma_start3A_351] : memref<10000x128xf32, #tpu.memory_space<vmem_shared>> -> memref<48x128xf32, #tpu.memory_space<vmem_shared>>
      %dma_start3A_353 = arith.constant 0 : i32
      %dma_start3A_354 = arith.constant 0 : i32
      %dma_start3A_355 = tpu.memref_slice %arg12[%dma_start3A_353, %dma_start3A_354] : memref<80x128xf32, #tpu.memory_space<vmem>> -> memref<48x128xf32, #tpu.memory_space<vmem>>
      tpu.enqueue_dma source(%dma_start3A_355 : memref<48x128xf32, #tpu.memory_space<vmem>>) target(%dma_start3A_352 : memref<48x128xf32, #tpu.memory_space<vmem_shared>>) target_semaphore(%run_scoped3A : memref<!tpu.dma_semaphore, #tpu.memory_space<semaphore_mem>>)
      %dma_wait3A_356 = arith.constant 0 : i32
      %dma_wait3A_357 = arith.constant 0 : i32
      %dma_wait3A_358 = tpu.memref_slice %arg12[%dma_wait3A_356, %dma_wait3A_357] : memref<80x128xf32, #tpu.memory_space<vmem>> -> memref<48x128xf32, #tpu.memory_space<vmem>>
      %dma_wait3A_359 = arith.constant 0 : i32
      %dma_wait3A_360 = tpu.memref_slice %arg15[%add3A_33, %dma_wait3A_359] : memref<10000x128xf32, #tpu.memory_space<vmem_shared>> -> memref<48x128xf32, #tpu.memory_space<vmem_shared>>
      %dma_wait3A_361 = arith.constant 0 : i32
      %dma_wait3A_362 = tpu.memref_slice %arg15[%add3A_33, %dma_wait3A_361] : memref<10000x128xf32, #tpu.memory_space<vmem_shared>> -> memref<48x128xf32, #tpu.memory_space<vmem_shared>>
      %dma_wait3A_363 = arith.constant 0 : i32
      %dma_wait3A_364 = arith.constant 0 : i32
      %dma_wait3A_365 = tpu.memref_slice %arg12[%dma_wait3A_363, %dma_wait3A_364] : memref<80x128xf32, #tpu.memory_space<vmem>> -> memref<48x128xf32, #tpu.memory_space<vmem>>
      tpu.wait_dma2 semaphore(%run_scoped3A : memref<!tpu.dma_semaphore, #tpu.memory_space<semaphore_mem>>) src(%dma_wait3A_365 : memref<48x128xf32, #tpu.memory_space<vmem>>) dst(%dma_wait3A_362 : memref<48x128xf32, #tpu.memory_space<vmem_shared>>)
      tpu.yield
    }) : () -> ()
    %eq3A = arith.constant 15 : i32
    %eq3A_34 = arith.cmpi eq, %arg1, %eq3A : i32
    %convert_element_type3A = arith.extui %eq3A_34 : i1 to i32
    %cond3A = arith.constant 0 : i32
    %cond3A_35 = arith.cmpi ne, %convert_element_type3A, %cond3A : i32
    scf.if %cond3A_35 {
      "tpu.region"() ({
        %run_scoped3A = tpu.sem_alloc : memref<!tpu.dma_semaphore, #tpu.memory_space<semaphore_mem>>
        %dma_start3A_346 = arith.constant 0 : i32
        %dma_start3A_347 = arith.constant 0 : i32
        %dma_start3A_348 = tpu.memref_slice %arg12[%dma_start3A_346, %dma_start3A_347] : memref<80x128xf32, #tpu.memory_space<vmem>> -> memref<16x128xf32, #tpu.memory_space<vmem>>
        %dma_start3A_349 = arith.constant 9984 : i32
        %dma_start3A_350 = arith.constant 0 : i32
        %dma_start3A_351 = tpu.memref_slice %arg15[%dma_start3A_349, %dma_start3A_350] : memref<10000x128xf32, #tpu.memory_space<vmem_shared>> -> memref<16x128xf32, #tpu.memory_space<vmem_shared>>
        %dma_start3A_352 = arith.constant 9984 : i32
        %dma_start3A_353 = arith.constant 0 : i32
        %dma_start3A_354 = tpu.memref_slice %arg15[%dma_start3A_352, %dma_start3A_353] : memref<10000x128xf32, #tpu.memory_space<vmem_shared>> -> memref<16x128xf32, #tpu.memory_space<vmem_shared>>
        %dma_start3A_355 = arith.constant 0 : i32
        %dma_start3A_356 = arith.constant 0 : i32
        %dma_start3A_357 = tpu.memref_slice %arg12[%dma_start3A_355, %dma_start3A_356] : memref<80x128xf32, #tpu.memory_space<vmem>> -> memref<16x128xf32, #tpu.memory_space<vmem>>
        tpu.enqueue_dma source(%dma_start3A_357 : memref<16x128xf32, #tpu.memory_space<vmem>>) target(%dma_start3A_354 : memref<16x128xf32, #tpu.memory_space<vmem_shared>>) target_semaphore(%run_scoped3A : memref<!tpu.dma_semaphore, #tpu.memory_space<semaphore_mem>>)
        %dma_wait3A_358 = arith.constant 0 : i32
        %dma_wait3A_359 = arith.constant 0 : i32
        %dma_wait3A_360 = tpu.memref_slice %arg12[%dma_wait3A_358, %dma_wait3A_359] : memref<80x128xf32, #tpu.memory_space<vmem>> -> memref<16x128xf32, #tpu.memory_space<vmem>>
        %dma_wait3A_361 = arith.constant 9984 : i32
        %dma_wait3A_362 = arith.constant 0 : i32
        %dma_wait3A_363 = tpu.memref_slice %arg15[%dma_wait3A_361, %dma_wait3A_362] : memref<10000x128xf32, #tpu.memory_space<vmem_shared>> -> memref<16x128xf32, #tpu.memory_space<vmem_shared>>
        %dma_wait3A_364 = arith.constant 9984 : i32
        %dma_wait3A_365 = arith.constant 0 : i32
        %dma_wait3A_366 = tpu.memref_slice %arg15[%dma_wait3A_364, %dma_wait3A_365] : memref<10000x128xf32, #tpu.memory_space<vmem_shared>> -> memref<16x128xf32, #tpu.memory_space<vmem_shared>>
        %dma_wait3A_367 = arith.constant 0 : i32
        %dma_wait3A_368 = arith.constant 0 : i32
        %dma_wait3A_369 = tpu.memref_slice %arg12[%dma_wait3A_367, %dma_wait3A_368] : memref<80x128xf32, #tpu.memory_space<vmem>> -> memref<16x128xf32, #tpu.memory_space<vmem>>
        tpu.wait_dma2 semaphore(%run_scoped3A : memref<!tpu.dma_semaphore, #tpu.memory_space<semaphore_mem>>) src(%dma_wait3A_369 : memref<16x128xf32, #tpu.memory_space<vmem>>) dst(%dma_wait3A_366 : memref<16x128xf32, #tpu.memory_space<vmem_shared>>)
        tpu.yield
      }) : () -> ()
    } else {
    }
    %barrier3A = arith.constant 0 : index
    tpu.barrier barrier_id(%barrier3A)
    %get3A = arith.constant 0 : i32
    %get3A_36 = arith.index_cast %get3A : i32 to index
    %get3A_37 = arith.constant 0 : index
    %get3A_38 = tpu.vector_load %arg5[%get3A_36, %get3A_37] {strides = array<i32>} : memref<125x80xi32, #tpu.memory_space<vmem>>, vector<1x16xi32>,
    %get3A_39 = vector.shape_cast %get3A_38 : vector<1x16xi32> to vector<16xi32>
    %and3A = arith.constant 65535 : i32
    %and3A_40 = vector.broadcast %and3A : i32 to vector<16xi32>
    %and3A_41 = arith.andi %get3A_39, %and3A_40 : vector<16xi32>
    %swap3A = arith.constant 0 : index
    %swap3A_42 = tpu.vector_load %arg6[%swap3A] {strides = array<i32>} : memref<80xi32, #tpu.memory_space<vmem>>, vector<16xi32>,
    %swap3A_43 = vector.shape_cast %swap3A_42 : vector<16xi32> to vector<16xi32>
    %swap3A_44 = vector.shape_cast %and3A_41 : vector<16xi32> to vector<16xi32>
    tpu.vector_store %arg6[%swap3A], %swap3A_44 {strides = array<i32>} : memref<80xi32, #tpu.memory_space<vmem>>, vector<16xi32>,
    %shift_right_logical3A = arith.constant 16 : i32
    %shift_right_logical3A_45 = vector.broadcast %shift_right_logical3A : i32 to vector<16xi32>
    %shift_right_logical3A_46 = arith.shrui %get3A_39, %shift_right_logical3A_45 : vector<16xi32>
    %swap3A_47 = arith.constant 0 : index
    %swap3A_48 = tpu.vector_load %arg7[%swap3A_47] {strides = array<i32>} : memref<80xi32, #tpu.memory_space<vmem>>, vector<16xi32>,
    %swap3A_49 = vector.shape_cast %swap3A_48 : vector<16xi32> to vector<16xi32>
    %swap3A_50 = vector.shape_cast %shift_right_logical3A_46 : vector<16xi32> to vector<16xi32>
    tpu.vector_store %arg7[%swap3A_47], %swap3A_50 {strides = array<i32>} : memref<80xi32, #tpu.memory_space<vmem>>, vector<16xi32>,
    %get3A_51 = arith.constant 0 : i32
    %get3A_52 = arith.index_cast %get3A_51 : i32 to index
    %get3A_53 = arith.constant 16 : index
    %get3A_54 = tpu.vector_load %arg5[%get3A_52, %get3A_53] {strides = array<i32>} : memref<125x80xi32, #tpu.memory_space<vmem>>, vector<1x16xi32>,
    %get3A_55 = vector.shape_cast %get3A_54 : vector<1x16xi32> to vector<16xi32>
    %and3A_56 = arith.constant 65535 : i32
    %and3A_57 = vector.broadcast %and3A_56 : i32 to vector<16xi32>
    %and3A_58 = arith.andi %get3A_55, %and3A_57 : vector<16xi32>
    %swap3A_59 = arith.constant 16 : index
    %swap3A_60 = tpu.vector_load %arg6[%swap3A_59] {strides = array<i32>} : memref<80xi32, #tpu.memory_space<vmem>>, vector<16xi32>,
    %swap3A_61 = vector.shape_cast %swap3A_60 : vector<16xi32> to vector<16xi32>
    %swap3A_62 = vector.shape_cast %and3A_58 : vector<16xi32> to vector<16xi32>
    tpu.vector_store %arg6[%swap3A_59], %swap3A_62 {strides = array<i32>} : memref<80xi32, #tpu.memory_space<vmem>>, vector<16xi32>,
    %shift_right_logical3A_63 = arith.constant 16 : i32
    %shift_right_logical3A_64 = vector.broadcast %shift_right_logical3A_63 : i32 to vector<16xi32>
    %shift_right_logical3A_65 = arith.shrui %get3A_55, %shift_right_logical3A_64 : vector<16xi32>
    %swap3A_66 = arith.constant 16 : index
    %swap3A_67 = tpu.vector_load %arg7[%swap3A_66] {strides = array<i32>} : memref<80xi32, #tpu.memory_space<vmem>>, vector<16xi32>,
    %swap3A_68 = vector.shape_cast %swap3A_67 : vector<16xi32> to vector<16xi32>
    %swap3A_69 = vector.shape_cast %shift_right_logical3A_65 : vector<16xi32> to vector<16xi32>
    tpu.vector_store %arg7[%swap3A_66], %swap3A_69 {strides = array<i32>} : memref<80xi32, #tpu.memory_space<vmem>>, vector<16xi32>,
    %get3A_70 = arith.constant 0 : i32
    %get3A_71 = arith.index_cast %get3A_70 : i32 to index
    %get3A_72 = arith.constant 32 : index
    %get3A_73 = tpu.vector_load %arg5[%get3A_71, %get3A_72] {strides = array<i32>} : memref<125x80xi32, #tpu.memory_space<vmem>>, vector<1x16xi32>,
    %get3A_74 = vector.shape_cast %get3A_73 : vector<1x16xi32> to vector<16xi32>
    %and3A_75 = arith.constant 65535 : i32
    %and3A_76 = vector.broadcast %and3A_75 : i32 to vector<16xi32>
    %and3A_77 = arith.andi %get3A_74, %and3A_76 : vector<16xi32>
    %swap3A_78 = arith.constant 32 : index
    %swap3A_79 = tpu.vector_load %arg6[%swap3A_78] {strides = array<i32>} : memref<80xi32, #tpu.memory_space<vmem>>, vector<16xi32>,
    %swap3A_80 = vector.shape_cast %swap3A_79 : vector<16xi32> to vector<16xi32>
    %swap3A_81 = vector.shape_cast %and3A_77 : vector<16xi32> to vector<16xi32>
    tpu.vector_store %arg6[%swap3A_78], %swap3A_81 {strides = array<i32>} : memref<80xi32, #tpu.memory_space<vmem>>, vector<16xi32>,
    %shift_right_logical3A_82 = arith.constant 16 : i32
    %shift_right_logical3A_83 = vector.broadcast %shift_right_logical3A_82 : i32 to vector<16xi32>
    %shift_right_logical3A_84 = arith.shrui %get3A_74, %shift_right_logical3A_83 : vector<16xi32>
    %swap3A_85 = arith.constant 32 : index
    %swap3A_86 = tpu.vector_load %arg7[%swap3A_85] {strides = array<i32>} : memref<80xi32, #tpu.memory_space<vmem>>, vector<16xi32>,
    %swap3A_87 = vector.shape_cast %swap3A_86 : vector<16xi32> to vector<16xi32>
    %swap3A_88 = vector.shape_cast %shift_right_logical3A_84 : vector<16xi32> to vector<16xi32>
    tpu.vector_store %arg7[%swap3A_85], %swap3A_88 {strides = array<i32>} : memref<80xi32, #tpu.memory_space<vmem>>, vector<16xi32>,
    %get3A_89 = arith.constant 0 : i32
    %get3A_90 = arith.index_cast %get3A_89 : i32 to index
    %get3A_91 = arith.constant 48 : index
    %get3A_92 = tpu.vector_load %arg5[%get3A_90, %get3A_91] {strides = array<i32>} : memref<125x80xi32, #tpu.memory_space<vmem>>, vector<1x16xi32>,
    %get3A_93 = vector.shape_cast %get3A_92 : vector<1x16xi32> to vector<16xi32>
    %and3A_94 = arith.constant 65535 : i32
    %and3A_95 = vector.broadcast %and3A_94 : i32 to vector<16xi32>
    %and3A_96 = arith.andi %get3A_93, %and3A_95 : vector<16xi32>
    %swap3A_97 = arith.constant 48 : index
    %swap3A_98 = tpu.vector_load %arg6[%swap3A_97] {strides = array<i32>} : memref<80xi32, #tpu.memory_space<vmem>>, vector<16xi32>,
    %swap3A_99 = vector.shape_cast %swap3A_98 : vector<16xi32> to vector<16xi32>
    %swap3A_100 = vector.shape_cast %and3A_96 : vector<16xi32> to vector<16xi32>
    tpu.vector_store %arg6[%swap3A_97], %swap3A_100 {strides = array<i32>} : memref<80xi32, #tpu.memory_space<vmem>>, vector<16xi32>,
    %shift_right_logical3A_101 = arith.constant 16 : i32
    %shift_right_logical3A_102 = vector.broadcast %shift_right_logical3A_101 : i32 to vector<16xi32>
    %shift_right_logical3A_103 = arith.shrui %get3A_93, %shift_right_logical3A_102 : vector<16xi32>
    %swap3A_104 = arith.constant 48 : index
    %swap3A_105 = tpu.vector_load %arg7[%swap3A_104] {strides = array<i32>} : memref<80xi32, #tpu.memory_space<vmem>>, vector<16xi32>,
    %swap3A_106 = vector.shape_cast %swap3A_105 : vector<16xi32> to vector<16xi32>
    %swap3A_107 = vector.shape_cast %shift_right_logical3A_103 : vector<16xi32> to vector<16xi32>
    tpu.vector_store %arg7[%swap3A_104], %swap3A_107 {strides = array<i32>} : memref<80xi32, #tpu.memory_space<vmem>>, vector<16xi32>,
    %get3A_108 = arith.constant 0 : i32
    %get3A_109 = arith.index_cast %get3A_108 : i32 to index
    %get3A_110 = arith.constant 64 : index
    %get3A_111 = tpu.vector_load %arg5[%get3A_109, %get3A_110] {strides = array<i32>} : memref<125x80xi32, #tpu.memory_space<vmem>>, vector<1x16xi32>,
    %get3A_112 = vector.shape_cast %get3A_111 : vector<1x16xi32> to vector<16xi32>
    %and3A_113 = arith.constant 65535 : i32
    %and3A_114 = vector.broadcast %and3A_113 : i32 to vector<16xi32>
    %and3A_115 = arith.andi %get3A_112, %and3A_114 : vector<16xi32>
    %swap3A_116 = arith.constant 64 : index
    %swap3A_117 = tpu.vector_load %arg6[%swap3A_116] {strides = array<i32>} : memref<80xi32, #tpu.memory_space<vmem>>, vector<16xi32>,
    %swap3A_118 = vector.shape_cast %swap3A_117 : vector<16xi32> to vector<16xi32>
    %swap3A_119 = vector.shape_cast %and3A_115 : vector<16xi32> to vector<16xi32>
    tpu.vector_store %arg6[%swap3A_116], %swap3A_119 {strides = array<i32>} : memref<80xi32, #tpu.memory_space<vmem>>, vector<16xi32>,
    %shift_right_logical3A_120 = arith.constant 16 : i32
    %shift_right_logical3A_121 = vector.broadcast %shift_right_logical3A_120 : i32 to vector<16xi32>
    %shift_right_logical3A_122 = arith.shrui %get3A_112, %shift_right_logical3A_121 : vector<16xi32>
    %swap3A_123 = arith.constant 64 : index
    %swap3A_124 = tpu.vector_load %arg7[%swap3A_123] {strides = array<i32>} : memref<80xi32, #tpu.memory_space<vmem>>, vector<16xi32>,
    %swap3A_125 = vector.shape_cast %swap3A_124 : vector<16xi32> to vector<16xi32>
    %swap3A_126 = vector.shape_cast %shift_right_logical3A_122 : vector<16xi32> to vector<16xi32>
    tpu.vector_store %arg7[%swap3A_123], %swap3A_126 {strides = array<i32>} : memref<80xi32, #tpu.memory_space<vmem>>, vector<16xi32>,
    %dma_start3A = arith.constant 0 : i32
    %dma_start3A_127 = arith.constant 0 : i32
    %dma_start3A_128 = tpu.memref_slice %arg3[%dma_start3A, %dma_start3A_127] : memref<10000x128xf32, #tpu.memory_space<hbm>> -> memref<10000x128xf32, #tpu.memory_space<hbm>>
    tpu.enqueue_indirect_dma source(%dma_start3A_128 : memref<10000x128xf32, #tpu.memory_space<hbm>>) target(%arg12 : memref<80x128xf32, #tpu.memory_space<vmem>>) offsets(%arg6 : memref<80xi32, #tpu.memory_space<vmem>>) semaphore(%arg16 : memref<!tpu.dma_semaphore, #tpu.memory_space<semaphore_mem>>)
    %get3A_129 = arith.constant 1 : i32
    %get3A_130 = arith.index_cast %get3A_129 : i32 to index
    %get3A_131 = arith.constant 0 : index
    %get3A_132 = tpu.vector_load %arg5[%get3A_130, %get3A_131] {strides = array<i32>} : memref<125x80xi32, #tpu.memory_space<vmem>>, vector<1x16xi32>,
    %get3A_133 = vector.shape_cast %get3A_132 : vector<1x16xi32> to vector<16xi32>
    %and3A_134 = arith.constant 65535 : i32
    %and3A_135 = vector.broadcast %and3A_134 : i32 to vector<16xi32>
    %and3A_136 = arith.andi %get3A_133, %and3A_135 : vector<16xi32>
    %swap3A_137 = arith.constant 0 : index
    %swap3A_138 = tpu.vector_load %arg8[%swap3A_137] {strides = array<i32>} : memref<80xi32, #tpu.memory_space<vmem>>, vector<16xi32>,
    %swap3A_139 = vector.shape_cast %swap3A_138 : vector<16xi32> to vector<16xi32>
    %swap3A_140 = vector.shape_cast %and3A_136 : vector<16xi32> to vector<16xi32>
    tpu.vector_store %arg8[%swap3A_137], %swap3A_140 {strides = array<i32>} : memref<80xi32, #tpu.memory_space<vmem>>, vector<16xi32>,
    %shift_right_logical3A_141 = arith.constant 16 : i32
    %shift_right_logical3A_142 = vector.broadcast %shift_right_logical3A_141 : i32 to vector<16xi32>
    %shift_right_logical3A_143 = arith.shrui %get3A_133, %shift_right_logical3A_142 : vector<16xi32>
    %swap3A_144 = arith.constant 0 : index
    %swap3A_145 = tpu.vector_load %arg9[%swap3A_144] {strides = array<i32>} : memref<80xi32, #tpu.memory_space<vmem>>, vector<16xi32>,
    %swap3A_146 = vector.shape_cast %swap3A_145 : vector<16xi32> to vector<16xi32>
    %swap3A_147 = vector.shape_cast %shift_right_logical3A_143 : vector<16xi32> to vector<16xi32>
    tpu.vector_store %arg9[%swap3A_144], %swap3A_147 {strides = array<i32>} : memref<80xi32, #tpu.memory_space<vmem>>, vector<16xi32>,
    %get3A_148 = arith.constant 1 : i32
    %get3A_149 = arith.index_cast %get3A_148 : i32 to index
    %get3A_150 = arith.constant 16 : index
    %get3A_151 = tpu.vector_load %arg5[%get3A_149, %get3A_150] {strides = array<i32>} : memref<125x80xi32, #tpu.memory_space<vmem>>, vector<1x16xi32>,
    %get3A_152 = vector.shape_cast %get3A_151 : vector<1x16xi32> to vector<16xi32>
    %and3A_153 = arith.constant 65535 : i32
    %and3A_154 = vector.broadcast %and3A_153 : i32 to vector<16xi32>
    %and3A_155 = arith.andi %get3A_152, %and3A_154 : vector<16xi32>
    %swap3A_156 = arith.constant 16 : index
    %swap3A_157 = tpu.vector_load %arg8[%swap3A_156] {strides = array<i32>} : memref<80xi32, #tpu.memory_space<vmem>>, vector<16xi32>,
    %swap3A_158 = vector.shape_cast %swap3A_157 : vector<16xi32> to vector<16xi32>
    %swap3A_159 = vector.shape_cast %and3A_155 : vector<16xi32> to vector<16xi32>
    tpu.vector_store %arg8[%swap3A_156], %swap3A_159 {strides = array<i32>} : memref<80xi32, #tpu.memory_space<vmem>>, vector<16xi32>,
    %shift_right_logical3A_160 = arith.constant 16 : i32
    %shift_right_logical3A_161 = vector.broadcast %shift_right_logical3A_160 : i32 to vector<16xi32>
    %shift_right_logical3A_162 = arith.shrui %get3A_152, %shift_right_logical3A_161 : vector<16xi32>
    %swap3A_163 = arith.constant 16 : index
    %swap3A_164 = tpu.vector_load %arg9[%swap3A_163] {strides = array<i32>} : memref<80xi32, #tpu.memory_space<vmem>>, vector<16xi32>,
    %swap3A_165 = vector.shape_cast %swap3A_164 : vector<16xi32> to vector<16xi32>
    %swap3A_166 = vector.shape_cast %shift_right_logical3A_162 : vector<16xi32> to vector<16xi32>
    tpu.vector_store %arg9[%swap3A_163], %swap3A_166 {strides = array<i32>} : memref<80xi32, #tpu.memory_space<vmem>>, vector<16xi32>,
    %get3A_167 = arith.constant 1 : i32
    %get3A_168 = arith.index_cast %get3A_167 : i32 to index
    %get3A_169 = arith.constant 32 : index
    %get3A_170 = tpu.vector_load %arg5[%get3A_168, %get3A_169] {strides = array<i32>} : memref<125x80xi32, #tpu.memory_space<vmem>>, vector<1x16xi32>,
    %get3A_171 = vector.shape_cast %get3A_170 : vector<1x16xi32> to vector<16xi32>
    %and3A_172 = arith.constant 65535 : i32
    %and3A_173 = vector.broadcast %and3A_172 : i32 to vector<16xi32>
    %and3A_174 = arith.andi %get3A_171, %and3A_173 : vector<16xi32>
    %swap3A_175 = arith.constant 32 : index
    %swap3A_176 = tpu.vector_load %arg8[%swap3A_175] {strides = array<i32>} : memref<80xi32, #tpu.memory_space<vmem>>, vector<16xi32>,
    %swap3A_177 = vector.shape_cast %swap3A_176 : vector<16xi32> to vector<16xi32>
    %swap3A_178 = vector.shape_cast %and3A_174 : vector<16xi32> to vector<16xi32>
    tpu.vector_store %arg8[%swap3A_175], %swap3A_178 {strides = array<i32>} : memref<80xi32, #tpu.memory_space<vmem>>, vector<16xi32>,
    %shift_right_logical3A_179 = arith.constant 16 : i32
    %shift_right_logical3A_180 = vector.broadcast %shift_right_logical3A_179 : i32 to vector<16xi32>
    %shift_right_logical3A_181 = arith.shrui %get3A_171, %shift_right_logical3A_180 : vector<16xi32>
    %swap3A_182 = arith.constant 32 : index
    %swap3A_183 = tpu.vector_load %arg9[%swap3A_182] {strides = array<i32>} : memref<80xi32, #tpu.memory_space<vmem>>, vector<16xi32>,
    %swap3A_184 = vector.shape_cast %swap3A_183 : vector<16xi32> to vector<16xi32>
    %swap3A_185 = vector.shape_cast %shift_right_logical3A_181 : vector<16xi32> to vector<16xi32>
    tpu.vector_store %arg9[%swap3A_182], %swap3A_185 {strides = array<i32>} : memref<80xi32, #tpu.memory_space<vmem>>, vector<16xi32>,
    %get3A_186 = arith.constant 1 : i32
    %get3A_187 = arith.index_cast %get3A_186 : i32 to index
    %get3A_188 = arith.constant 48 : index
    %get3A_189 = tpu.vector_load %arg5[%get3A_187, %get3A_188] {strides = array<i32>} : memref<125x80xi32, #tpu.memory_space<vmem>>, vector<1x16xi32>,
    %get3A_190 = vector.shape_cast %get3A_189 : vector<1x16xi32> to vector<16xi32>
    %and3A_191 = arith.constant 65535 : i32
    %and3A_192 = vector.broadcast %and3A_191 : i32 to vector<16xi32>
    %and3A_193 = arith.andi %get3A_190, %and3A_192 : vector<16xi32>
    %swap3A_194 = arith.constant 48 : index
    %swap3A_195 = tpu.vector_load %arg8[%swap3A_194] {strides = array<i32>} : memref<80xi32, #tpu.memory_space<vmem>>, vector<16xi32>,
    %swap3A_196 = vector.shape_cast %swap3A_195 : vector<16xi32> to vector<16xi32>
    %swap3A_197 = vector.shape_cast %and3A_193 : vector<16xi32> to vector<16xi32>
    tpu.vector_store %arg8[%swap3A_194], %swap3A_197 {strides = array<i32>} : memref<80xi32, #tpu.memory_space<vmem>>, vector<16xi32>,
    %shift_right_logical3A_198 = arith.constant 16 : i32
    %shift_right_logical3A_199 = vector.broadcast %shift_right_logical3A_198 : i32 to vector<16xi32>
    %shift_right_logical3A_200 = arith.shrui %get3A_190, %shift_right_logical3A_199 : vector<16xi32>
    %swap3A_201 = arith.constant 48 : index
    %swap3A_202 = tpu.vector_load %arg9[%swap3A_201] {strides = array<i32>} : memref<80xi32, #tpu.memory_space<vmem>>, vector<16xi32>,
    %swap3A_203 = vector.shape_cast %swap3A_202 : vector<16xi32> to vector<16xi32>
    %swap3A_204 = vector.shape_cast %shift_right_logical3A_200 : vector<16xi32> to vector<16xi32>
    tpu.vector_store %arg9[%swap3A_201], %swap3A_204 {strides = array<i32>} : memref<80xi32, #tpu.memory_space<vmem>>, vector<16xi32>,
    %get3A_205 = arith.constant 1 : i32
    %get3A_206 = arith.index_cast %get3A_205 : i32 to index
    %get3A_207 = arith.constant 64 : index
    %get3A_208 = tpu.vector_load %arg5[%get3A_206, %get3A_207] {strides = array<i32>} : memref<125x80xi32, #tpu.memory_space<vmem>>, vector<1x16xi32>,
    %get3A_209 = vector.shape_cast %get3A_208 : vector<1x16xi32> to vector<16xi32>
    %and3A_210 = arith.constant 65535 : i32
    %and3A_211 = vector.broadcast %and3A_210 : i32 to vector<16xi32>
    %and3A_212 = arith.andi %get3A_209, %and3A_211 : vector<16xi32>
    %swap3A_213 = arith.constant 64 : index
    %swap3A_214 = tpu.vector_load %arg8[%swap3A_213] {strides = array<i32>} : memref<80xi32, #tpu.memory_space<vmem>>, vector<16xi32>,
    %swap3A_215 = vector.shape_cast %swap3A_214 : vector<16xi32> to vector<16xi32>
    %swap3A_216 = vector.shape_cast %and3A_212 : vector<16xi32> to vector<16xi32>
    tpu.vector_store %arg8[%swap3A_213], %swap3A_216 {strides = array<i32>} : memref<80xi32, #tpu.memory_space<vmem>>, vector<16xi32>,
    %shift_right_logical3A_217 = arith.constant 16 : i32
    %shift_right_logical3A_218 = vector.broadcast %shift_right_logical3A_217 : i32 to vector<16xi32>
    %shift_right_logical3A_219 = arith.shrui %get3A_209, %shift_right_logical3A_218 : vector<16xi32>
    %swap3A_220 = arith.constant 64 : index
    %swap3A_221 = tpu.vector_load %arg9[%swap3A_220] {strides = array<i32>} : memref<80xi32, #tpu.memory_space<vmem>>, vector<16xi32>,
    %swap3A_222 = vector.shape_cast %swap3A_221 : vector<16xi32> to vector<16xi32>
    %swap3A_223 = vector.shape_cast %shift_right_logical3A_219 : vector<16xi32> to vector<16xi32>
    tpu.vector_store %arg9[%swap3A_220], %swap3A_223 {strides = array<i32>} : memref<80xi32, #tpu.memory_space<vmem>>, vector<16xi32>,
    %dma_start3A_224 = arith.constant 0 : i32
    %dma_start3A_225 = arith.constant 0 : i32
    %dma_start3A_226 = tpu.memref_slice %arg3[%dma_start3A_224, %dma_start3A_225] : memref<10000x128xf32, #tpu.memory_space<hbm>> -> memref<10000x128xf32, #tpu.memory_space<hbm>>
    tpu.enqueue_indirect_dma source(%dma_start3A_226 : memref<10000x128xf32, #tpu.memory_space<hbm>>) target(%arg13 : memref<80x128xf32, #tpu.memory_space<vmem>>) offsets(%arg8 : memref<80xi32, #tpu.memory_space<vmem>>) semaphore(%arg17 : memref<!tpu.dma_semaphore, #tpu.memory_space<semaphore_mem>>)
    %get3A_227 = arith.constant 2 : i32
    %get3A_228 = arith.index_cast %get3A_227 : i32 to index
    %get3A_229 = arith.constant 0 : index
    %get3A_230 = tpu.vector_load %arg5[%get3A_228, %get3A_229] {strides = array<i32>} : memref<125x80xi32, #tpu.memory_space<vmem>>, vector<1x16xi32>,
    %get3A_231 = vector.shape_cast %get3A_230 : vector<1x16xi32> to vector<16xi32>
    %and3A_232 = arith.constant 65535 : i32
    %and3A_233 = vector.broadcast %and3A_232 : i32 to vector<16xi32>
    %and3A_234 = arith.andi %get3A_231, %and3A_233 : vector<16xi32>
    %swap3A_235 = arith.constant 0 : index
    %swap3A_236 = tpu.vector_load %arg10[%swap3A_235] {strides = array<i32>} : memref<80xi32, #tpu.memory_space<vmem>>, vector<16xi32>,
    %swap3A_237 = vector.shape_cast %swap3A_236 : vector<16xi32> to vector<16xi32>
    %swap3A_238 = vector.shape_cast %and3A_234 : vector<16xi32> to vector<16xi32>
    tpu.vector_store %arg10[%swap3A_235], %swap3A_238 {strides = array<i32>} : memref<80xi32, #tpu.memory_space<vmem>>, vector<16xi32>,
    %shift_right_logical3A_239 = arith.constant 16 : i32
    %shift_right_logical3A_240 = vector.broadcast %shift_right_logical3A_239 : i32 to vector<16xi32>
    %shift_right_logical3A_241 = arith.shrui %get3A_231, %shift_right_logical3A_240 : vector<16xi32>
    %swap3A_242 = arith.constant 0 : index
    %swap3A_243 = tpu.vector_load %arg11[%swap3A_242] {strides = array<i32>} : memref<80xi32, #tpu.memory_space<vmem>>, vector<16xi32>,
    %swap3A_244 = vector.shape_cast %swap3A_243 : vector<16xi32> to vector<16xi32>
    %swap3A_245 = vector.shape_cast %shift_right_logical3A_241 : vector<16xi32> to vector<16xi32>
    tpu.vector_store %arg11[%swap3A_242], %swap3A_245 {strides = array<i32>} : memref<80xi32, #tpu.memory_space<vmem>>, vector<16xi32>,
    %get3A_246 = arith.constant 2 : i32
    %get3A_247 = arith.index_cast %get3A_246 : i32 to index
    %get3A_248 = arith.constant 16 : index
    %get3A_249 = tpu.vector_load %arg5[%get3A_247, %get3A_248] {strides = array<i32>} : memref<125x80xi32, #tpu.memory_space<vmem>>, vector<1x16xi32>,
    %get3A_250 = vector.shape_cast %get3A_249 : vector<1x16xi32> to vector<16xi32>
    %and3A_251 = arith.constant 65535 : i32
    %and3A_252 = vector.broadcast %and3A_251 : i32 to vector<16xi32>
    %and3A_253 = arith.andi %get3A_250, %and3A_252 : vector<16xi32>
    %swap3A_254 = arith.constant 16 : index
    %swap3A_255 = tpu.vector_load %arg10[%swap3A_254] {strides = array<i32>} : memref<80xi32, #tpu.memory_space<vmem>>, vector<16xi32>,
    %swap3A_256 = vector.shape_cast %swap3A_255 : vector<16xi32> to vector<16xi32>
    %swap3A_257 = vector.shape_cast %and3A_253 : vector<16xi32> to vector<16xi32>
    tpu.vector_store %arg10[%swap3A_254], %swap3A_257 {strides = array<i32>} : memref<80xi32, #tpu.memory_space<vmem>>, vector<16xi32>,
    %shift_right_logical3A_258 = arith.constant 16 : i32
    %shift_right_logical3A_259 = vector.broadcast %shift_right_logical3A_258 : i32 to vector<16xi32>
    %shift_right_logical3A_260 = arith.shrui %get3A_250, %shift_right_logical3A_259 : vector<16xi32>
    %swap3A_261 = arith.constant 16 : index
    %swap3A_262 = tpu.vector_load %arg11[%swap3A_261] {strides = array<i32>} : memref<80xi32, #tpu.memory_space<vmem>>, vector<16xi32>,
    %swap3A_263 = vector.shape_cast %swap3A_262 : vector<16xi32> to vector<16xi32>
    %swap3A_264 = vector.shape_cast %shift_right_logical3A_260 : vector<16xi32> to vector<16xi32>
    tpu.vector_store %arg11[%swap3A_261], %swap3A_264 {strides = array<i32>} : memref<80xi32, #tpu.memory_space<vmem>>, vector<16xi32>,
    %get3A_265 = arith.constant 2 : i32
    %get3A_266 = arith.index_cast %get3A_265 : i32 to index
    %get3A_267 = arith.constant 32 : index
    %get3A_268 = tpu.vector_load %arg5[%get3A_266, %get3A_267] {strides = array<i32>} : memref<125x80xi32, #tpu.memory_space<vmem>>, vector<1x16xi32>,
    %get3A_269 = vector.shape_cast %get3A_268 : vector<1x16xi32> to vector<16xi32>
    %and3A_270 = arith.constant 65535 : i32
    %and3A_271 = vector.broadcast %and3A_270 : i32 to vector<16xi32>
    %and3A_272 = arith.andi %get3A_269, %and3A_271 : vector<16xi32>
    %swap3A_273 = arith.constant 32 : index
    %swap3A_274 = tpu.vector_load %arg10[%swap3A_273] {strides = array<i32>} : memref<80xi32, #tpu.memory_space<vmem>>, vector<16xi32>,
    %swap3A_275 = vector.shape_cast %swap3A_274 : vector<16xi32> to vector<16xi32>
    %swap3A_276 = vector.shape_cast %and3A_272 : vector<16xi32> to vector<16xi32>
    tpu.vector_store %arg10[%swap3A_273], %swap3A_276 {strides = array<i32>} : memref<80xi32, #tpu.memory_space<vmem>>, vector<16xi32>,
    %shift_right_logical3A_277 = arith.constant 16 : i32
    %shift_right_logical3A_278 = vector.broadcast %shift_right_logical3A_277 : i32 to vector<16xi32>
    %shift_right_logical3A_279 = arith.shrui %get3A_269, %shift_right_logical3A_278 : vector<16xi32>
    %swap3A_280 = arith.constant 32 : index
    %swap3A_281 = tpu.vector_load %arg11[%swap3A_280] {strides = array<i32>} : memref<80xi32, #tpu.memory_space<vmem>>, vector<16xi32>,
    %swap3A_282 = vector.shape_cast %swap3A_281 : vector<16xi32> to vector<16xi32>
    %swap3A_283 = vector.shape_cast %shift_right_logical3A_279 : vector<16xi32> to vector<16xi32>
    tpu.vector_store %arg11[%swap3A_280], %swap3A_283 {strides = array<i32>} : memref<80xi32, #tpu.memory_space<vmem>>, vector<16xi32>,
    %get3A_284 = arith.constant 2 : i32
    %get3A_285 = arith.index_cast %get3A_284 : i32 to index
    %get3A_286 = arith.constant 48 : index
    %get3A_287 = tpu.vector_load %arg5[%get3A_285, %get3A_286] {strides = array<i32>} : memref<125x80xi32, #tpu.memory_space<vmem>>, vector<1x16xi32>,
    %get3A_288 = vector.shape_cast %get3A_287 : vector<1x16xi32> to vector<16xi32>
    %and3A_289 = arith.constant 65535 : i32
    %and3A_290 = vector.broadcast %and3A_289 : i32 to vector<16xi32>
    %and3A_291 = arith.andi %get3A_288, %and3A_290 : vector<16xi32>
    %swap3A_292 = arith.constant 48 : index
    %swap3A_293 = tpu.vector_load %arg10[%swap3A_292] {strides = array<i32>} : memref<80xi32, #tpu.memory_space<vmem>>, vector<16xi32>,
    %swap3A_294 = vector.shape_cast %swap3A_293 : vector<16xi32> to vector<16xi32>
    %swap3A_295 = vector.shape_cast %and3A_291 : vector<16xi32> to vector<16xi32>
    tpu.vector_store %arg10[%swap3A_292], %swap3A_295 {strides = array<i32>} : memref<80xi32, #tpu.memory_space<vmem>>, vector<16xi32>,
    %shift_right_logical3A_296 = arith.constant 16 : i32
    %shift_right_logical3A_297 = vector.broadcast %shift_right_logical3A_296 : i32 to vector<16xi32>
    %shift_right_logical3A_298 = arith.shrui %get3A_288, %shift_right_logical3A_297 : vector<16xi32>
    %swap3A_299 = arith.constant 48 : index
    %swap3A_300 = tpu.vector_load %arg11[%swap3A_299] {strides = array<i32>} : memref<80xi32, #tpu.memory_space<vmem>>, vector<16xi32>,
    %swap3A_301 = vector.shape_cast %swap3A_300 : vector<16xi32> to vector<16xi32>
    %swap3A_302 = vector.shape_cast %shift_right_logical3A_298 : vector<16xi32> to vector<16xi32>
    tpu.vector_store %arg11[%swap3A_299], %swap3A_302 {strides = array<i32>} : memref<80xi32, #tpu.memory_space<vmem>>, vector<16xi32>,
    %get3A_303 = arith.constant 2 : i32
    %get3A_304 = arith.index_cast %get3A_303 : i32 to index
    %get3A_305 = arith.constant 64 : index
    %get3A_306 = tpu.vector_load %arg5[%get3A_304, %get3A_305] {strides = array<i32>} : memref<125x80xi32, #tpu.memory_space<vmem>>, vector<1x16xi32>,
    %get3A_307 = vector.shape_cast %get3A_306 : vector<1x16xi32> to vector<16xi32>
    %and3A_308 = arith.constant 65535 : i32
    %and3A_309 = vector.broadcast %and3A_308 : i32 to vector<16xi32>
    %and3A_310 = arith.andi %get3A_307, %and3A_309 : vector<16xi32>
    %swap3A_311 = arith.constant 64 : index
    %swap3A_312 = tpu.vector_load %arg10[%swap3A_311] {strides = array<i32>} : memref<80xi32, #tpu.memory_space<vmem>>, vector<16xi32>,
    %swap3A_313 = vector.shape_cast %swap3A_312 : vector<16xi32> to vector<16xi32>
    %swap3A_314 = vector.shape_cast %and3A_310 : vector<16xi32> to vector<16xi32>
    tpu.vector_store %arg10[%swap3A_311], %swap3A_314 {strides = array<i32>} : memref<80xi32, #tpu.memory_space<vmem>>, vector<16xi32>,
    %shift_right_logical3A_315 = arith.constant 16 : i32
    %shift_right_logical3A_316 = vector.broadcast %shift_right_logical3A_315 : i32 to vector<16xi32>
    %shift_right_logical3A_317 = arith.shrui %get3A_307, %shift_right_logical3A_316 : vector<16xi32>
    %swap3A_318 = arith.constant 64 : index
    %swap3A_319 = tpu.vector_load %arg11[%swap3A_318] {strides = array<i32>} : memref<80xi32, #tpu.memory_space<vmem>>, vector<16xi32>,
    %swap3A_320 = vector.shape_cast %swap3A_319 : vector<16xi32> to vector<16xi32>
    %swap3A_321 = vector.shape_cast %shift_right_logical3A_317 : vector<16xi32> to vector<16xi32>
    tpu.vector_store %arg11[%swap3A_318], %swap3A_321 {strides = array<i32>} : memref<80xi32, #tpu.memory_space<vmem>>, vector<16xi32>,
    %dma_start3A_322 = arith.constant 0 : i32
    %dma_start3A_323 = arith.constant 0 : i32
    %dma_start3A_324 = tpu.memref_slice %arg3[%dma_start3A_322, %dma_start3A_323] : memref<10000x128xf32, #tpu.memory_space<hbm>> -> memref<10000x128xf32, #tpu.memory_space<hbm>>
    tpu.enqueue_indirect_dma source(%dma_start3A_324 : memref<10000x128xf32, #tpu.memory_space<hbm>>) target(%arg14 : memref<80x128xf32, #tpu.memory_space<vmem>>) offsets(%arg10 : memref<80xi32, #tpu.memory_space<vmem>>) semaphore(%arg18 : memref<!tpu.dma_semaphore, #tpu.memory_space<semaphore_mem>>)
    %scan3A_325 = arith.constant 0 : i32
    %scan3A_326 = arith.constant 0 : i32
    %scan3A_327 = arith.constant 41 : i32
    %scan3A_328 = arith.addi %scan3A_326, %scan3A_327 : i32
    %scan3A_329 = arith.constant 1 : i32
    scf.for %scan3A_346 = %scan3A_326 to %scan3A_328 step %scan3A_329  : i32 {
      %mul3A_347 = arith.constant 3 : i32
      %mul3A_348 = arith.muli %mul3A_347, %scan3A_346 : i32
      %dma_wait3A_349 = arith.constant 0 : i32
      %dma_wait3A_350 = arith.constant 0 : i32
      %dma_wait3A_351 = tpu.memref_slice %arg3[%dma_wait3A_349, %dma_wait3A_350] : memref<10000x128xf32, #tpu.memory_space<hbm>> -> memref<10000x128xf32, #tpu.memory_space<hbm>>
      tpu.wait_indirect_dma semaphore(%arg16 : memref<!tpu.dma_semaphore, #tpu.memory_space<semaphore_mem>>) src(%dma_wait3A_351 : memref<10000x128xf32, #tpu.memory_space<hbm>>) dst(%arg12 : memref<80x128xf32, #tpu.memory_space<vmem>>)
      "tpu.region"() ({
        %run_scoped3A = tpu.sem_alloc : memref<!tpu.dma_semaphore, #tpu.memory_space<semaphore_mem>>
        %dma_start3A_385 = arith.constant 0 : i32
        %dma_start3A_386 = arith.constant 0 : i32
        %dma_start3A_387 = tpu.memref_slice %arg15[%dma_start3A_385, %dma_start3A_386] : memref<10000x128xf32, #tpu.memory_space<vmem_shared>> -> memref<10000x128xf32, #tpu.memory_space<vmem_shared>>
        tpu.enqueue_indirect_dma source(%arg12 : memref<80x128xf32, #tpu.memory_space<vmem>>) target(%dma_start3A_387 : memref<10000x128xf32, #tpu.memory_space<vmem_shared>>) offsets(%arg7 : memref<80xi32, #tpu.memory_space<vmem>>) semaphore(%run_scoped3A : memref<!tpu.dma_semaphore, #tpu.memory_space<semaphore_mem>>) {add = true}
        %dma_wait3A_388 = arith.constant 0 : i32
        %dma_wait3A_389 = arith.constant 0 : i32
        %dma_wait3A_390 = tpu.memref_slice %arg15[%dma_wait3A_388, %dma_wait3A_389] : memref<10000x128xf32, #tpu.memory_space<vmem_shared>> -> memref<10000x128xf32, #tpu.memory_space<vmem_shared>>
        tpu.wait_indirect_dma semaphore(%run_scoped3A : memref<!tpu.dma_semaphore, #tpu.memory_space<semaphore_mem>>) src(%arg12 : memref<80x128xf32, #tpu.memory_space<vmem>>) dst(%dma_wait3A_390 : memref<10000x128xf32, #tpu.memory_space<vmem_shared>>)
        tpu.yield
      }) : () -> ()
      %add3A_352 = arith.constant 0 : i32
      %add3A_353 = arith.addi %mul3A_348, %add3A_352 : i32
      %add3A_354 = arith.constant 3 : i32
      %add3A_355 = arith.addi %add3A_353, %add3A_354 : i32
      %lt3A_356 = arith.constant 125 : i32
      %lt3A_357 = arith.cmpi slt, %add3A_355, %lt3A_356 : i32
      %convert_element_type3A_358 = arith.extui %lt3A_357 : i1 to i32
      %cond3A_359 = arith.constant 0 : i32
      %cond3A_360 = arith.cmpi ne, %convert_element_type3A_358, %cond3A_359 : i32
      scf.if %cond3A_360 {
        %add3A_385 = arith.constant 0 : i32
        %add3A_386 = arith.addi %mul3A_348, %add3A_385 : i32
        %add3A_387 = arith.constant 3 : i32
        %add3A_388 = arith.addi %add3A_386, %add3A_387 : i32
        %get3A_389 = arith.index_cast %add3A_388 : i32 to index
        %get3A_390 = arith.constant 0 : index
        %get3A_391 = tpu.vector_load %arg5[%get3A_389, %get3A_390] {strides = array<i32>} : memref<125x80xi32, #tpu.memory_space<vmem>>, vector<1x16xi32>,
        %get3A_392 = vector.shape_cast %get3A_391 : vector<1x16xi32> to vector<16xi32>
        %and3A_393 = arith.constant 65535 : i32
        %and3A_394 = vector.broadcast %and3A_393 : i32 to vector<16xi32>
        %and3A_395 = arith.andi %get3A_392, %and3A_394 : vector<16xi32>
        %swap3A_396 = arith.constant 0 : index
        %swap3A_397 = tpu.vector_load %arg6[%swap3A_396] {strides = array<i32>} : memref<80xi32, #tpu.memory_space<vmem>>, vector<16xi32>,
        %swap3A_398 = vector.shape_cast %swap3A_397 : vector<16xi32> to vector<16xi32>
        %swap3A_399 = vector.shape_cast %and3A_395 : vector<16xi32> to vector<16xi32>
        tpu.vector_store %arg6[%swap3A_396], %swap3A_399 {strides = array<i32>} : memref<80xi32, #tpu.memory_space<vmem>>, vector<16xi32>,
        %shift_right_logical3A_400 = arith.constant 16 : i32
        %shift_right_logical3A_401 = vector.broadcast %shift_right_logical3A_400 : i32 to vector<16xi32>
        %shift_right_logical3A_402 = arith.shrui %get3A_392, %shift_right_logical3A_401 : vector<16xi32>
        %swap3A_403 = arith.constant 0 : index
        %swap3A_404 = tpu.vector_load %arg7[%swap3A_403] {strides = array<i32>} : memref<80xi32, #tpu.memory_space<vmem>>, vector<16xi32>,
        %swap3A_405 = vector.shape_cast %swap3A_404 : vector<16xi32> to vector<16xi32>
        %swap3A_406 = vector.shape_cast %shift_right_logical3A_402 : vector<16xi32> to vector<16xi32>
        tpu.vector_store %arg7[%swap3A_403], %swap3A_406 {strides = array<i32>} : memref<80xi32, #tpu.memory_space<vmem>>, vector<16xi32>,
        %get3A_407 = arith.index_cast %add3A_388 : i32 to index
        %get3A_408 = arith.constant 16 : index
        %get3A_409 = tpu.vector_load %arg5[%get3A_407, %get3A_408] {strides = array<i32>} : memref<125x80xi32, #tpu.memory_space<vmem>>, vector<1x16xi32>,
        %get3A_410 = vector.shape_cast %get3A_409 : vector<1x16xi32> to vector<16xi32>
        %and3A_411 = arith.constant 65535 : i32
        %and3A_412 = vector.broadcast %and3A_411 : i32 to vector<16xi32>
        %and3A_413 = arith.andi %get3A_410, %and3A_412 : vector<16xi32>
        %swap3A_414 = arith.constant 16 : index
        %swap3A_415 = tpu.vector_load %arg6[%swap3A_414] {strides = array<i32>} : memref<80xi32, #tpu.memory_space<vmem>>, vector<16xi32>,
        %swap3A_416 = vector.shape_cast %swap3A_415 : vector<16xi32> to vector<16xi32>
        %swap3A_417 = vector.shape_cast %and3A_413 : vector<16xi32> to vector<16xi32>
        tpu.vector_store %arg6[%swap3A_414], %swap3A_417 {strides = array<i32>} : memref<80xi32, #tpu.memory_space<vmem>>, vector<16xi32>,
        %shift_right_logical3A_418 = arith.constant 16 : i32
        %shift_right_logical3A_419 = vector.broadcast %shift_right_logical3A_418 : i32 to vector<16xi32>
        %shift_right_logical3A_420 = arith.shrui %get3A_410, %shift_right_logical3A_419 : vector<16xi32>
        %swap3A_421 = arith.constant 16 : index
        %swap3A_422 = tpu.vector_load %arg7[%swap3A_421] {strides = array<i32>} : memref<80xi32, #tpu.memory_space<vmem>>, vector<16xi32>,
        %swap3A_423 = vector.shape_cast %swap3A_422 : vector<16xi32> to vector<16xi32>
        %swap3A_424 = vector.shape_cast %shift_right_logical3A_420 : vector<16xi32> to vector<16xi32>
        tpu.vector_store %arg7[%swap3A_421], %swap3A_424 {strides = array<i32>} : memref<80xi32, #tpu.memory_space<vmem>>, vector<16xi32>,
        %get3A_425 = arith.index_cast %add3A_388 : i32 to index
        %get3A_426 = arith.constant 32 : index
        %get3A_427 = tpu.vector_load %arg5[%get3A_425, %get3A_426] {strides = array<i32>} : memref<125x80xi32, #tpu.memory_space<vmem>>, vector<1x16xi32>,
        %get3A_428 = vector.shape_cast %get3A_427 : vector<1x16xi32> to vector<16xi32>
        %and3A_429 = arith.constant 65535 : i32
        %and3A_430 = vector.broadcast %and3A_429 : i32 to vector<16xi32>
        %and3A_431 = arith.andi %get3A_428, %and3A_430 : vector<16xi32>
        %swap3A_432 = arith.constant 32 : index
        %swap3A_433 = tpu.vector_load %arg6[%swap3A_432] {strides = array<i32>} : memref<80xi32, #tpu.memory_space<vmem>>, vector<16xi32>,
        %swap3A_434 = vector.shape_cast %swap3A_433 : vector<16xi32> to vector<16xi32>
        %swap3A_435 = vector.shape_cast %and3A_431 : vector<16xi32> to vector<16xi32>
        tpu.vector_store %arg6[%swap3A_432], %swap3A_435 {strides = array<i32>} : memref<80xi32, #tpu.memory_space<vmem>>, vector<16xi32>,
        %shift_right_logical3A_436 = arith.constant 16 : i32
        %shift_right_logical3A_437 = vector.broadcast %shift_right_logical3A_436 : i32 to vector<16xi32>
        %shift_right_logical3A_438 = arith.shrui %get3A_428, %shift_right_logical3A_437 : vector<16xi32>
        %swap3A_439 = arith.constant 32 : index
        %swap3A_440 = tpu.vector_load %arg7[%swap3A_439] {strides = array<i32>} : memref<80xi32, #tpu.memory_space<vmem>>, vector<16xi32>,
        %swap3A_441 = vector.shape_cast %swap3A_440 : vector<16xi32> to vector<16xi32>
        %swap3A_442 = vector.shape_cast %shift_right_logical3A_438 : vector<16xi32> to vector<16xi32>
        tpu.vector_store %arg7[%swap3A_439], %swap3A_442 {strides = array<i32>} : memref<80xi32, #tpu.memory_space<vmem>>, vector<16xi32>,
        %get3A_443 = arith.index_cast %add3A_388 : i32 to index
        %get3A_444 = arith.constant 48 : index
        %get3A_445 = tpu.vector_load %arg5[%get3A_443, %get3A_444] {strides = array<i32>} : memref<125x80xi32, #tpu.memory_space<vmem>>, vector<1x16xi32>,
        %get3A_446 = vector.shape_cast %get3A_445 : vector<1x16xi32> to vector<16xi32>
        %and3A_447 = arith.constant 65535 : i32
        %and3A_448 = vector.broadcast %and3A_447 : i32 to vector<16xi32>
        %and3A_449 = arith.andi %get3A_446, %and3A_448 : vector<16xi32>
        %swap3A_450 = arith.constant 48 : index
        %swap3A_451 = tpu.vector_load %arg6[%swap3A_450] {strides = array<i32>} : memref<80xi32, #tpu.memory_space<vmem>>, vector<16xi32>,
        %swap3A_452 = vector.shape_cast %swap3A_451 : vector<16xi32> to vector<16xi32>
        %swap3A_453 = vector.shape_cast %and3A_449 : vector<16xi32> to vector<16xi32>
        tpu.vector_store %arg6[%swap3A_450], %swap3A_453 {strides = array<i32>} : memref<80xi32, #tpu.memory_space<vmem>>, vector<16xi32>,
        %shift_right_logical3A_454 = arith.constant 16 : i32
        %shift_right_logical3A_455 = vector.broadcast %shift_right_logical3A_454 : i32 to vector<16xi32>
        %shift_right_logical3A_456 = arith.shrui %get3A_446, %shift_right_logical3A_455 : vector<16xi32>
        %swap3A_457 = arith.constant 48 : index
        %swap3A_458 = tpu.vector_load %arg7[%swap3A_457] {strides = array<i32>} : memref<80xi32, #tpu.memory_space<vmem>>, vector<16xi32>,
        %swap3A_459 = vector.shape_cast %swap3A_458 : vector<16xi32> to vector<16xi32>
        %swap3A_460 = vector.shape_cast %shift_right_logical3A_456 : vector<16xi32> to vector<16xi32>
        tpu.vector_store %arg7[%swap3A_457], %swap3A_460 {strides = array<i32>} : memref<80xi32, #tpu.memory_space<vmem>>, vector<16xi32>,
        %get3A_461 = arith.index_cast %add3A_388 : i32 to index
        %get3A_462 = arith.constant 64 : index
        %get3A_463 = tpu.vector_load %arg5[%get3A_461, %get3A_462] {strides = array<i32>} : memref<125x80xi32, #tpu.memory_space<vmem>>, vector<1x16xi32>,
        %get3A_464 = vector.shape_cast %get3A_463 : vector<1x16xi32> to vector<16xi32>
        %and3A_465 = arith.constant 65535 : i32
        %and3A_466 = vector.broadcast %and3A_465 : i32 to vector<16xi32>
        %and3A_467 = arith.andi %get3A_464, %and3A_466 : vector<16xi32>
        %swap3A_468 = arith.constant 64 : index
        %swap3A_469 = tpu.vector_load %arg6[%swap3A_468] {strides = array<i32>} : memref<80xi32, #tpu.memory_space<vmem>>, vector<16xi32>,
        %swap3A_470 = vector.shape_cast %swap3A_469 : vector<16xi32> to vector<16xi32>
        %swap3A_471 = vector.shape_cast %and3A_467 : vector<16xi32> to vector<16xi32>
        tpu.vector_store %arg6[%swap3A_468], %swap3A_471 {strides = array<i32>} : memref<80xi32, #tpu.memory_space<vmem>>, vector<16xi32>,
        %shift_right_logical3A_472 = arith.constant 16 : i32
        %shift_right_logical3A_473 = vector.broadcast %shift_right_logical3A_472 : i32 to vector<16xi32>
        %shift_right_logical3A_474 = arith.shrui %get3A_464, %shift_right_logical3A_473 : vector<16xi32>
        %swap3A_475 = arith.constant 64 : index
        %swap3A_476 = tpu.vector_load %arg7[%swap3A_475] {strides = array<i32>} : memref<80xi32, #tpu.memory_space<vmem>>, vector<16xi32>,
        %swap3A_477 = vector.shape_cast %swap3A_476 : vector<16xi32> to vector<16xi32>
        %swap3A_478 = vector.shape_cast %shift_right_logical3A_474 : vector<16xi32> to vector<16xi32>
        tpu.vector_store %arg7[%swap3A_475], %swap3A_478 {strides = array<i32>} : memref<80xi32, #tpu.memory_space<vmem>>, vector<16xi32>,
        %dma_start3A_479 = arith.constant 0 : i32
        %dma_start3A_480 = arith.constant 0 : i32
        %dma_start3A_481 = tpu.memref_slice %arg3[%dma_start3A_479, %dma_start3A_480] : memref<10000x128xf32, #tpu.memory_space<hbm>> -> memref<10000x128xf32, #tpu.memory_space<hbm>>
        tpu.enqueue_indirect_dma source(%dma_start3A_481 : memref<10000x128xf32, #tpu.memory_space<hbm>>) target(%arg12 : memref<80x128xf32, #tpu.memory_space<vmem>>) offsets(%arg6 : memref<80xi32, #tpu.memory_space<vmem>>) semaphore(%arg16 : memref<!tpu.dma_semaphore, #tpu.memory_space<semaphore_mem>>)
      } else {
      }
      %dma_wait3A_361 = arith.constant 0 : i32
      %dma_wait3A_362 = arith.constant 0 : i32
      %dma_wait3A_363 = tpu.memref_slice %arg3[%dma_wait3A_361, %dma_wait3A_362] : memref<10000x128xf32, #tpu.memory_space<hbm>> -> memref<10000x128xf32, #tpu.memory_space<hbm>>
      tpu.wait_indirect_dma semaphore(%arg17 : memref<!tpu.dma_semaphore, #tpu.memory_space<semaphore_mem>>) src(%dma_wait3A_363 : memref<10000x128xf32, #tpu.memory_space<hbm>>) dst(%arg13 : memref<80x128xf32, #tpu.memory_space<vmem>>)
      "tpu.region"() ({
        %run_scoped3A = tpu.sem_alloc : memref<!tpu.dma_semaphore, #tpu.memory_space<semaphore_mem>>
        %dma_start3A_385 = arith.constant 0 : i32
        %dma_start3A_386 = arith.constant 0 : i32
        %dma_start3A_387 = tpu.memref_slice %arg15[%dma_start3A_385, %dma_start3A_386] : memref<10000x128xf32, #tpu.memory_space<vmem_shared>> -> memref<10000x128xf32, #tpu.memory_space<vmem_shared>>
        tpu.enqueue_indirect_dma source(%arg13 : memref<80x128xf32, #tpu.memory_space<vmem>>) target(%dma_start3A_387 : memref<10000x128xf32, #tpu.memory_space<vmem_shared>>) offsets(%arg9 : memref<80xi32, #tpu.memory_space<vmem>>) semaphore(%run_scoped3A : memref<!tpu.dma_semaphore, #tpu.memory_space<semaphore_mem>>) {add = true}
        %dma_wait3A_388 = arith.constant 0 : i32
        %dma_wait3A_389 = arith.constant 0 : i32
        %dma_wait3A_390 = tpu.memref_slice %arg15[%dma_wait3A_388, %dma_wait3A_389] : memref<10000x128xf32, #tpu.memory_space<vmem_shared>> -> memref<10000x128xf32, #tpu.memory_space<vmem_shared>>
        tpu.wait_indirect_dma semaphore(%run_scoped3A : memref<!tpu.dma_semaphore, #tpu.memory_space<semaphore_mem>>) src(%arg13 : memref<80x128xf32, #tpu.memory_space<vmem>>) dst(%dma_wait3A_390 : memref<10000x128xf32, #tpu.memory_space<vmem_shared>>)
        tpu.yield
      }) : () -> ()
      %add3A_364 = arith.constant 1 : i32
      %add3A_365 = arith.addi %mul3A_348, %add3A_364 : i32
      %add3A_366 = arith.constant 3 : i32
      %add3A_367 = arith.addi %add3A_365, %add3A_366 : i32
      %lt3A_368 = arith.constant 125 : i32
      %lt3A_369 = arith.cmpi slt, %add3A_367, %lt3A_368 : i32
      %convert_element_type3A_370 = arith.extui %lt3A_369 : i1 to i32
      %cond3A_371 = arith.constant 0 : i32
      %cond3A_372 = arith.cmpi ne, %convert_element_type3A_370, %cond3A_371 : i32
      scf.if %cond3A_372 {
        %add3A_385 = arith.constant 1 : i32
        %add3A_386 = arith.addi %mul3A_348, %add3A_385 : i32
        %add3A_387 = arith.constant 3 : i32
        %add3A_388 = arith.addi %add3A_386, %add3A_387 : i32
        %get3A_389 = arith.index_cast %add3A_388 : i32 to index
        %get3A_390 = arith.constant 0 : index
        %get3A_391 = tpu.vector_load %arg5[%get3A_389, %get3A_390] {strides = array<i32>} : memref<125x80xi32, #tpu.memory_space<vmem>>, vector<1x16xi32>,
        %get3A_392 = vector.shape_cast %get3A_391 : vector<1x16xi32> to vector<16xi32>
        %and3A_393 = arith.constant 65535 : i32
        %and3A_394 = vector.broadcast %and3A_393 : i32 to vector<16xi32>
        %and3A_395 = arith.andi %get3A_392, %and3A_394 : vector<16xi32>
        %swap3A_396 = arith.constant 0 : index
        %swap3A_397 = tpu.vector_load %arg8[%swap3A_396] {strides = array<i32>} : memref<80xi32, #tpu.memory_space<vmem>>, vector<16xi32>,
        %swap3A_398 = vector.shape_cast %swap3A_397 : vector<16xi32> to vector<16xi32>
        %swap3A_399 = vector.shape_cast %and3A_395 : vector<16xi32> to vector<16xi32>
        tpu.vector_store %arg8[%swap3A_396], %swap3A_399 {strides = array<i32>} : memref<80xi32, #tpu.memory_space<vmem>>, vector<16xi32>,
        %shift_right_logical3A_400 = arith.constant 16 : i32
        %shift_right_logical3A_401 = vector.broadcast %shift_right_logical3A_400 : i32 to vector<16xi32>
        %shift_right_logical3A_402 = arith.shrui %get3A_392, %shift_right_logical3A_401 : vector<16xi32>
        %swap3A_403 = arith.constant 0 : index
        %swap3A_404 = tpu.vector_load %arg9[%swap3A_403] {strides = array<i32>} : memref<80xi32, #tpu.memory_space<vmem>>, vector<16xi32>,
        %swap3A_405 = vector.shape_cast %swap3A_404 : vector<16xi32> to vector<16xi32>
        %swap3A_406 = vector.shape_cast %shift_right_logical3A_402 : vector<16xi32> to vector<16xi32>
        tpu.vector_store %arg9[%swap3A_403], %swap3A_406 {strides = array<i32>} : memref<80xi32, #tpu.memory_space<vmem>>, vector<16xi32>,
        %get3A_407 = arith.index_cast %add3A_388 : i32 to index
        %get3A_408 = arith.constant 16 : index
        %get3A_409 = tpu.vector_load %arg5[%get3A_407, %get3A_408] {strides = array<i32>} : memref<125x80xi32, #tpu.memory_space<vmem>>, vector<1x16xi32>,
        %get3A_410 = vector.shape_cast %get3A_409 : vector<1x16xi32> to vector<16xi32>
        %and3A_411 = arith.constant 65535 : i32
        %and3A_412 = vector.broadcast %and3A_411 : i32 to vector<16xi32>
        %and3A_413 = arith.andi %get3A_410, %and3A_412 : vector<16xi32>
        %swap3A_414 = arith.constant 16 : index
        %swap3A_415 = tpu.vector_load %arg8[%swap3A_414] {strides = array<i32>} : memref<80xi32, #tpu.memory_space<vmem>>, vector<16xi32>,
        %swap3A_416 = vector.shape_cast %swap3A_415 : vector<16xi32> to vector<16xi32>
        %swap3A_417 = vector.shape_cast %and3A_413 : vector<16xi32> to vector<16xi32>
        tpu.vector_store %arg8[%swap3A_414], %swap3A_417 {strides = array<i32>} : memref<80xi32, #tpu.memory_space<vmem>>, vector<16xi32>,
        %shift_right_logical3A_418 = arith.constant 16 : i32
        %shift_right_logical3A_419 = vector.broadcast %shift_right_logical3A_418 : i32 to vector<16xi32>
        %shift_right_logical3A_420 = arith.shrui %get3A_410, %shift_right_logical3A_419 : vector<16xi32>
        %swap3A_421 = arith.constant 16 : index
        %swap3A_422 = tpu.vector_load %arg9[%swap3A_421] {strides = array<i32>} : memref<80xi32, #tpu.memory_space<vmem>>, vector<16xi32>,
        %swap3A_423 = vector.shape_cast %swap3A_422 : vector<16xi32> to vector<16xi32>
        %swap3A_424 = vector.shape_cast %shift_right_logical3A_420 : vector<16xi32> to vector<16xi32>
        tpu.vector_store %arg9[%swap3A_421], %swap3A_424 {strides = array<i32>} : memref<80xi32, #tpu.memory_space<vmem>>, vector<16xi32>,
        %get3A_425 = arith.index_cast %add3A_388 : i32 to index
        %get3A_426 = arith.constant 32 : index
        %get3A_427 = tpu.vector_load %arg5[%get3A_425, %get3A_426] {strides = array<i32>} : memref<125x80xi32, #tpu.memory_space<vmem>>, vector<1x16xi32>,
        %get3A_428 = vector.shape_cast %get3A_427 : vector<1x16xi32> to vector<16xi32>
        %and3A_429 = arith.constant 65535 : i32
        %and3A_430 = vector.broadcast %and3A_429 : i32 to vector<16xi32>
        %and3A_431 = arith.andi %get3A_428, %and3A_430 : vector<16xi32>
        %swap3A_432 = arith.constant 32 : index
        %swap3A_433 = tpu.vector_load %arg8[%swap3A_432] {strides = array<i32>} : memref<80xi32, #tpu.memory_space<vmem>>, vector<16xi32>,
        %swap3A_434 = vector.shape_cast %swap3A_433 : vector<16xi32> to vector<16xi32>
        %swap3A_435 = vector.shape_cast %and3A_431 : vector<16xi32> to vector<16xi32>
        tpu.vector_store %arg8[%swap3A_432], %swap3A_435 {strides = array<i32>} : memref<80xi32, #tpu.memory_space<vmem>>, vector<16xi32>,
        %shift_right_logical3A_436 = arith.constant 16 : i32
        %shift_right_logical3A_437 = vector.broadcast %shift_right_logical3A_436 : i32 to vector<16xi32>
        %shift_right_logical3A_438 = arith.shrui %get3A_428, %shift_right_logical3A_437 : vector<16xi32>
        %swap3A_439 = arith.constant 32 : index
        %swap3A_440 = tpu.vector_load %arg9[%swap3A_439] {strides = array<i32>} : memref<80xi32, #tpu.memory_space<vmem>>, vector<16xi32>,
        %swap3A_441 = vector.shape_cast %swap3A_440 : vector<16xi32> to vector<16xi32>
        %swap3A_442 = vector.shape_cast %shift_right_logical3A_438 : vector<16xi32> to vector<16xi32>
        tpu.vector_store %arg9[%swap3A_439], %swap3A_442 {strides = array<i32>} : memref<80xi32, #tpu.memory_space<vmem>>, vector<16xi32>,
        %get3A_443 = arith.index_cast %add3A_388 : i32 to index
        %get3A_444 = arith.constant 48 : index
        %get3A_445 = tpu.vector_load %arg5[%get3A_443, %get3A_444] {strides = array<i32>} : memref<125x80xi32, #tpu.memory_space<vmem>>, vector<1x16xi32>,
        %get3A_446 = vector.shape_cast %get3A_445 : vector<1x16xi32> to vector<16xi32>
        %and3A_447 = arith.constant 65535 : i32
        %and3A_448 = vector.broadcast %and3A_447 : i32 to vector<16xi32>
        %and3A_449 = arith.andi %get3A_446, %and3A_448 : vector<16xi32>
        %swap3A_450 = arith.constant 48 : index
        %swap3A_451 = tpu.vector_load %arg8[%swap3A_450] {strides = array<i32>} : memref<80xi32, #tpu.memory_space<vmem>>, vector<16xi32>,
        %swap3A_452 = vector.shape_cast %swap3A_451 : vector<16xi32> to vector<16xi32>
        %swap3A_453 = vector.shape_cast %and3A_449 : vector<16xi32> to vector<16xi32>
        tpu.vector_store %arg8[%swap3A_450], %swap3A_453 {strides = array<i32>} : memref<80xi32, #tpu.memory_space<vmem>>, vector<16xi32>,
        %shift_right_logical3A_454 = arith.constant 16 : i32
        %shift_right_logical3A_455 = vector.broadcast %shift_right_logical3A_454 : i32 to vector<16xi32>
        %shift_right_logical3A_456 = arith.shrui %get3A_446, %shift_right_logical3A_455 : vector<16xi32>
        %swap3A_457 = arith.constant 48 : index
        %swap3A_458 = tpu.vector_load %arg9[%swap3A_457] {strides = array<i32>} : memref<80xi32, #tpu.memory_space<vmem>>, vector<16xi32>,
        %swap3A_459 = vector.shape_cast %swap3A_458 : vector<16xi32> to vector<16xi32>
        %swap3A_460 = vector.shape_cast %shift_right_logical3A_456 : vector<16xi32> to vector<16xi32>
        tpu.vector_store %arg9[%swap3A_457], %swap3A_460 {strides = array<i32>} : memref<80xi32, #tpu.memory_space<vmem>>, vector<16xi32>,
        %get3A_461 = arith.index_cast %add3A_388 : i32 to index
        %get3A_462 = arith.constant 64 : index
        %get3A_463 = tpu.vector_load %arg5[%get3A_461, %get3A_462] {strides = array<i32>} : memref<125x80xi32, #tpu.memory_space<vmem>>, vector<1x16xi32>,
        %get3A_464 = vector.shape_cast %get3A_463 : vector<1x16xi32> to vector<16xi32>
        %and3A_465 = arith.constant 65535 : i32
        %and3A_466 = vector.broadcast %and3A_465 : i32 to vector<16xi32>
        %and3A_467 = arith.andi %get3A_464, %and3A_466 : vector<16xi32>
        %swap3A_468 = arith.constant 64 : index
        %swap3A_469 = tpu.vector_load %arg8[%swap3A_468] {strides = array<i32>} : memref<80xi32, #tpu.memory_space<vmem>>, vector<16xi32>,
        %swap3A_470 = vector.shape_cast %swap3A_469 : vector<16xi32> to vector<16xi32>
        %swap3A_471 = vector.shape_cast %and3A_467 : vector<16xi32> to vector<16xi32>
        tpu.vector_store %arg8[%swap3A_468], %swap3A_471 {strides = array<i32>} : memref<80xi32, #tpu.memory_space<vmem>>, vector<16xi32>,
        %shift_right_logical3A_472 = arith.constant 16 : i32
        %shift_right_logical3A_473 = vector.broadcast %shift_right_logical3A_472 : i32 to vector<16xi32>
        %shift_right_logical3A_474 = arith.shrui %get3A_464, %shift_right_logical3A_473 : vector<16xi32>
        %swap3A_475 = arith.constant 64 : index
        %swap3A_476 = tpu.vector_load %arg9[%swap3A_475] {strides = array<i32>} : memref<80xi32, #tpu.memory_space<vmem>>, vector<16xi32>,
        %swap3A_477 = vector.shape_cast %swap3A_476 : vector<16xi32> to vector<16xi32>
        %swap3A_478 = vector.shape_cast %shift_right_logical3A_474 : vector<16xi32> to vector<16xi32>
        tpu.vector_store %arg9[%swap3A_475], %swap3A_478 {strides = array<i32>} : memref<80xi32, #tpu.memory_space<vmem>>, vector<16xi32>,
        %dma_start3A_479 = arith.constant 0 : i32
        %dma_start3A_480 = arith.constant 0 : i32
        %dma_start3A_481 = tpu.memref_slice %arg3[%dma_start3A_479, %dma_start3A_480] : memref<10000x128xf32, #tpu.memory_space<hbm>> -> memref<10000x128xf32, #tpu.memory_space<hbm>>
        tpu.enqueue_indirect_dma source(%dma_start3A_481 : memref<10000x128xf32, #tpu.memory_space<hbm>>) target(%arg13 : memref<80x128xf32, #tpu.memory_space<vmem>>) offsets(%arg8 : memref<80xi32, #tpu.memory_space<vmem>>) semaphore(%arg17 : memref<!tpu.dma_semaphore, #tpu.memory_space<semaphore_mem>>)
      } else {
      }
      %dma_wait3A_373 = arith.constant 0 : i32
      %dma_wait3A_374 = arith.constant 0 : i32
      %dma_wait3A_375 = tpu.memref_slice %arg3[%dma_wait3A_373, %dma_wait3A_374] : memref<10000x128xf32, #tpu.memory_space<hbm>> -> memref<10000x128xf32, #tpu.memory_space<hbm>>
      tpu.wait_indirect_dma semaphore(%arg18 : memref<!tpu.dma_semaphore, #tpu.memory_space<semaphore_mem>>) src(%dma_wait3A_375 : memref<10000x128xf32, #tpu.memory_space<hbm>>) dst(%arg14 : memref<80x128xf32, #tpu.memory_space<vmem>>)
      "tpu.region"() ({
        %run_scoped3A = tpu.sem_alloc : memref<!tpu.dma_semaphore, #tpu.memory_space<semaphore_mem>>
        %dma_start3A_385 = arith.constant 0 : i32
        %dma_start3A_386 = arith.constant 0 : i32
        %dma_start3A_387 = tpu.memref_slice %arg15[%dma_start3A_385, %dma_start3A_386] : memref<10000x128xf32, #tpu.memory_space<vmem_shared>> -> memref<10000x128xf32, #tpu.memory_space<vmem_shared>>
        tpu.enqueue_indirect_dma source(%arg14 : memref<80x128xf32, #tpu.memory_space<vmem>>) target(%dma_start3A_387 : memref<10000x128xf32, #tpu.memory_space<vmem_shared>>) offsets(%arg11 : memref<80xi32, #tpu.memory_space<vmem>>) semaphore(%run_scoped3A : memref<!tpu.dma_semaphore, #tpu.memory_space<semaphore_mem>>) {add = true}
        %dma_wait3A_388 = arith.constant 0 : i32
        %dma_wait3A_389 = arith.constant 0 : i32
        %dma_wait3A_390 = tpu.memref_slice %arg15[%dma_wait3A_388, %dma_wait3A_389] : memref<10000x128xf32, #tpu.memory_space<vmem_shared>> -> memref<10000x128xf32, #tpu.memory_space<vmem_shared>>
        tpu.wait_indirect_dma semaphore(%run_scoped3A : memref<!tpu.dma_semaphore, #tpu.memory_space<semaphore_mem>>) src(%arg14 : memref<80x128xf32, #tpu.memory_space<vmem>>) dst(%dma_wait3A_390 : memref<10000x128xf32, #tpu.memory_space<vmem_shared>>)
        tpu.yield
      }) : () -> ()
      %add3A_376 = arith.constant 2 : i32
      %add3A_377 = arith.addi %mul3A_348, %add3A_376 : i32
      %add3A_378 = arith.constant 3 : i32
      %add3A_379 = arith.addi %add3A_377, %add3A_378 : i32
      %lt3A_380 = arith.constant 125 : i32
      %lt3A_381 = arith.cmpi slt, %add3A_379, %lt3A_380 : i32
      %convert_element_type3A_382 = arith.extui %lt3A_381 : i1 to i32
      %cond3A_383 = arith.constant 0 : i32
      %cond3A_384 = arith.cmpi ne, %convert_element_type3A_382, %cond3A_383 : i32
      scf.if %cond3A_384 {
        %add3A_385 = arith.constant 2 : i32
        %add3A_386 = arith.addi %mul3A_348, %add3A_385 : i32
        %add3A_387 = arith.constant 3 : i32
        %add3A_388 = arith.addi %add3A_386, %add3A_387 : i32
        %get3A_389 = arith.index_cast %add3A_388 : i32 to index
        %get3A_390 = arith.constant 0 : index
        %get3A_391 = tpu.vector_load %arg5[%get3A_389, %get3A_390] {strides = array<i32>} : memref<125x80xi32, #tpu.memory_space<vmem>>, vector<1x16xi32>,
        %get3A_392 = vector.shape_cast %get3A_391 : vector<1x16xi32> to vector<16xi32>
        %and3A_393 = arith.constant 65535 : i32
        %and3A_394 = vector.broadcast %and3A_393 : i32 to vector<16xi32>
        %and3A_395 = arith.andi %get3A_392, %and3A_394 : vector<16xi32>
        %swap3A_396 = arith.constant 0 : index
        %swap3A_397 = tpu.vector_load %arg10[%swap3A_396] {strides = array<i32>} : memref<80xi32, #tpu.memory_space<vmem>>, vector<16xi32>,
        %swap3A_398 = vector.shape_cast %swap3A_397 : vector<16xi32> to vector<16xi32>
        %swap3A_399 = vector.shape_cast %and3A_395 : vector<16xi32> to vector<16xi32>
        tpu.vector_store %arg10[%swap3A_396], %swap3A_399 {strides = array<i32>} : memref<80xi32, #tpu.memory_space<vmem>>, vector<16xi32>,
        %shift_right_logical3A_400 = arith.constant 16 : i32
        %shift_right_logical3A_401 = vector.broadcast %shift_right_logical3A_400 : i32 to vector<16xi32>
        %shift_right_logical3A_402 = arith.shrui %get3A_392, %shift_right_logical3A_401 : vector<16xi32>
        %swap3A_403 = arith.constant 0 : index
        %swap3A_404 = tpu.vector_load %arg11[%swap3A_403] {strides = array<i32>} : memref<80xi32, #tpu.memory_space<vmem>>, vector<16xi32>,
        %swap3A_405 = vector.shape_cast %swap3A_404 : vector<16xi32> to vector<16xi32>
        %swap3A_406 = vector.shape_cast %shift_right_logical3A_402 : vector<16xi32> to vector<16xi32>
        tpu.vector_store %arg11[%swap3A_403], %swap3A_406 {strides = array<i32>} : memref<80xi32, #tpu.memory_space<vmem>>, vector<16xi32>,
        %get3A_407 = arith.index_cast %add3A_388 : i32 to index
        %get3A_408 = arith.constant 16 : index
        %get3A_409 = tpu.vector_load %arg5[%get3A_407, %get3A_408] {strides = array<i32>} : memref<125x80xi32, #tpu.memory_space<vmem>>, vector<1x16xi32>,
        %get3A_410 = vector.shape_cast %get3A_409 : vector<1x16xi32> to vector<16xi32>
        %and3A_411 = arith.constant 65535 : i32
        %and3A_412 = vector.broadcast %and3A_411 : i32 to vector<16xi32>
        %and3A_413 = arith.andi %get3A_410, %and3A_412 : vector<16xi32>
        %swap3A_414 = arith.constant 16 : index
        %swap3A_415 = tpu.vector_load %arg10[%swap3A_414] {strides = array<i32>} : memref<80xi32, #tpu.memory_space<vmem>>, vector<16xi32>,
        %swap3A_416 = vector.shape_cast %swap3A_415 : vector<16xi32> to vector<16xi32>
        %swap3A_417 = vector.shape_cast %and3A_413 : vector<16xi32> to vector<16xi32>
        tpu.vector_store %arg10[%swap3A_414], %swap3A_417 {strides = array<i32>} : memref<80xi32, #tpu.memory_space<vmem>>, vector<16xi32>,
        %shift_right_logical3A_418 = arith.constant 16 : i32
        %shift_right_logical3A_419 = vector.broadcast %shift_right_logical3A_418 : i32 to vector<16xi32>
        %shift_right_logical3A_420 = arith.shrui %get3A_410, %shift_right_logical3A_419 : vector<16xi32>
        %swap3A_421 = arith.constant 16 : index
        %swap3A_422 = tpu.vector_load %arg11[%swap3A_421] {strides = array<i32>} : memref<80xi32, #tpu.memory_space<vmem>>, vector<16xi32>,
        %swap3A_423 = vector.shape_cast %swap3A_422 : vector<16xi32> to vector<16xi32>
        %swap3A_424 = vector.shape_cast %shift_right_logical3A_420 : vector<16xi32> to vector<16xi32>
        tpu.vector_store %arg11[%swap3A_421], %swap3A_424 {strides = array<i32>} : memref<80xi32, #tpu.memory_space<vmem>>, vector<16xi32>,
        %get3A_425 = arith.index_cast %add3A_388 : i32 to index
        %get3A_426 = arith.constant 32 : index
        %get3A_427 = tpu.vector_load %arg5[%get3A_425, %get3A_426] {strides = array<i32>} : memref<125x80xi32, #tpu.memory_space<vmem>>, vector<1x16xi32>,
        %get3A_428 = vector.shape_cast %get3A_427 : vector<1x16xi32> to vector<16xi32>
        %and3A_429 = arith.constant 65535 : i32
        %and3A_430 = vector.broadcast %and3A_429 : i32 to vector<16xi32>
        %and3A_431 = arith.andi %get3A_428, %and3A_430 : vector<16xi32>
        %swap3A_432 = arith.constant 32 : index
        %swap3A_433 = tpu.vector_load %arg10[%swap3A_432] {strides = array<i32>} : memref<80xi32, #tpu.memory_space<vmem>>, vector<16xi32>,
        %swap3A_434 = vector.shape_cast %swap3A_433 : vector<16xi32> to vector<16xi32>
        %swap3A_435 = vector.shape_cast %and3A_431 : vector<16xi32> to vector<16xi32>
        tpu.vector_store %arg10[%swap3A_432], %swap3A_435 {strides = array<i32>} : memref<80xi32, #tpu.memory_space<vmem>>, vector<16xi32>,
        %shift_right_logical3A_436 = arith.constant 16 : i32
        %shift_right_logical3A_437 = vector.broadcast %shift_right_logical3A_436 : i32 to vector<16xi32>
        %shift_right_logical3A_438 = arith.shrui %get3A_428, %shift_right_logical3A_437 : vector<16xi32>
        %swap3A_439 = arith.constant 32 : index
        %swap3A_440 = tpu.vector_load %arg11[%swap3A_439] {strides = array<i32>} : memref<80xi32, #tpu.memory_space<vmem>>, vector<16xi32>,
        %swap3A_441 = vector.shape_cast %swap3A_440 : vector<16xi32> to vector<16xi32>
        %swap3A_442 = vector.shape_cast %shift_right_logical3A_438 : vector<16xi32> to vector<16xi32>
        tpu.vector_store %arg11[%swap3A_439], %swap3A_442 {strides = array<i32>} : memref<80xi32, #tpu.memory_space<vmem>>, vector<16xi32>,
        %get3A_443 = arith.index_cast %add3A_388 : i32 to index
        %get3A_444 = arith.constant 48 : index
        %get3A_445 = tpu.vector_load %arg5[%get3A_443, %get3A_444] {strides = array<i32>} : memref<125x80xi32, #tpu.memory_space<vmem>>, vector<1x16xi32>,
        %get3A_446 = vector.shape_cast %get3A_445 : vector<1x16xi32> to vector<16xi32>
        %and3A_447 = arith.constant 65535 : i32
        %and3A_448 = vector.broadcast %and3A_447 : i32 to vector<16xi32>
        %and3A_449 = arith.andi %get3A_446, %and3A_448 : vector<16xi32>
        %swap3A_450 = arith.constant 48 : index
        %swap3A_451 = tpu.vector_load %arg10[%swap3A_450] {strides = array<i32>} : memref<80xi32, #tpu.memory_space<vmem>>, vector<16xi32>,
        %swap3A_452 = vector.shape_cast %swap3A_451 : vector<16xi32> to vector<16xi32>
        %swap3A_453 = vector.shape_cast %and3A_449 : vector<16xi32> to vector<16xi32>
        tpu.vector_store %arg10[%swap3A_450], %swap3A_453 {strides = array<i32>} : memref<80xi32, #tpu.memory_space<vmem>>, vector<16xi32>,
        %shift_right_logical3A_454 = arith.constant 16 : i32
        %shift_right_logical3A_455 = vector.broadcast %shift_right_logical3A_454 : i32 to vector<16xi32>
        %shift_right_logical3A_456 = arith.shrui %get3A_446, %shift_right_logical3A_455 : vector<16xi32>
        %swap3A_457 = arith.constant 48 : index
        %swap3A_458 = tpu.vector_load %arg11[%swap3A_457] {strides = array<i32>} : memref<80xi32, #tpu.memory_space<vmem>>, vector<16xi32>,
        %swap3A_459 = vector.shape_cast %swap3A_458 : vector<16xi32> to vector<16xi32>
        %swap3A_460 = vector.shape_cast %shift_right_logical3A_456 : vector<16xi32> to vector<16xi32>
        tpu.vector_store %arg11[%swap3A_457], %swap3A_460 {strides = array<i32>} : memref<80xi32, #tpu.memory_space<vmem>>, vector<16xi32>,
        %get3A_461 = arith.index_cast %add3A_388 : i32 to index
        %get3A_462 = arith.constant 64 : index
        %get3A_463 = tpu.vector_load %arg5[%get3A_461, %get3A_462] {strides = array<i32>} : memref<125x80xi32, #tpu.memory_space<vmem>>, vector<1x16xi32>,
        %get3A_464 = vector.shape_cast %get3A_463 : vector<1x16xi32> to vector<16xi32>
        %and3A_465 = arith.constant 65535 : i32
        %and3A_466 = vector.broadcast %and3A_465 : i32 to vector<16xi32>
        %and3A_467 = arith.andi %get3A_464, %and3A_466 : vector<16xi32>
        %swap3A_468 = arith.constant 64 : index
        %swap3A_469 = tpu.vector_load %arg10[%swap3A_468] {strides = array<i32>} : memref<80xi32, #tpu.memory_space<vmem>>, vector<16xi32>,
        %swap3A_470 = vector.shape_cast %swap3A_469 : vector<16xi32> to vector<16xi32>
        %swap3A_471 = vector.shape_cast %and3A_467 : vector<16xi32> to vector<16xi32>
        tpu.vector_store %arg10[%swap3A_468], %swap3A_471 {strides = array<i32>} : memref<80xi32, #tpu.memory_space<vmem>>, vector<16xi32>,
        %shift_right_logical3A_472 = arith.constant 16 : i32
        %shift_right_logical3A_473 = vector.broadcast %shift_right_logical3A_472 : i32 to vector<16xi32>
        %shift_right_logical3A_474 = arith.shrui %get3A_464, %shift_right_logical3A_473 : vector<16xi32>
        %swap3A_475 = arith.constant 64 : index
        %swap3A_476 = tpu.vector_load %arg11[%swap3A_475] {strides = array<i32>} : memref<80xi32, #tpu.memory_space<vmem>>, vector<16xi32>,
        %swap3A_477 = vector.shape_cast %swap3A_476 : vector<16xi32> to vector<16xi32>
        %swap3A_478 = vector.shape_cast %shift_right_logical3A_474 : vector<16xi32> to vector<16xi32>
        tpu.vector_store %arg11[%swap3A_475], %swap3A_478 {strides = array<i32>} : memref<80xi32, #tpu.memory_space<vmem>>, vector<16xi32>,
        %dma_start3A_479 = arith.constant 0 : i32
        %dma_start3A_480 = arith.constant 0 : i32
        %dma_start3A_481 = tpu.memref_slice %arg3[%dma_start3A_479, %dma_start3A_480] : memref<10000x128xf32, #tpu.memory_space<hbm>> -> memref<10000x128xf32, #tpu.memory_space<hbm>>
        tpu.enqueue_indirect_dma source(%dma_start3A_481 : memref<10000x128xf32, #tpu.memory_space<hbm>>) target(%arg14 : memref<80x128xf32, #tpu.memory_space<vmem>>) offsets(%arg10 : memref<80xi32, #tpu.memory_space<vmem>>) semaphore(%arg18 : memref<!tpu.dma_semaphore, #tpu.memory_space<semaphore_mem>>)
      } else {
      }
    }
    %scan3A_330 = arith.constant 41 : i32
    %dma_wait3A = arith.constant 0 : i32
    %dma_wait3A_331 = arith.constant 0 : i32
    %dma_wait3A_332 = tpu.memref_slice %arg3[%dma_wait3A, %dma_wait3A_331] : memref<10000x128xf32, #tpu.memory_space<hbm>> -> memref<10000x128xf32, #tpu.memory_space<hbm>>
    tpu.wait_indirect_dma semaphore(%arg16 : memref<!tpu.dma_semaphore, #tpu.memory_space<semaphore_mem>>) src(%dma_wait3A_332 : memref<10000x128xf32, #tpu.memory_space<hbm>>) dst(%arg12 : memref<80x128xf32, #tpu.memory_space<vmem>>)
    "tpu.region"() ({
      %run_scoped3A = tpu.sem_alloc : memref<!tpu.dma_semaphore, #tpu.memory_space<semaphore_mem>>
      %dma_start3A_346 = arith.constant 0 : i32
      %dma_start3A_347 = arith.constant 0 : i32
      %dma_start3A_348 = tpu.memref_slice %arg15[%dma_start3A_346, %dma_start3A_347] : memref<10000x128xf32, #tpu.memory_space<vmem_shared>> -> memref<10000x128xf32, #tpu.memory_space<vmem_shared>>
      tpu.enqueue_indirect_dma source(%arg12 : memref<80x128xf32, #tpu.memory_space<vmem>>) target(%dma_start3A_348 : memref<10000x128xf32, #tpu.memory_space<vmem_shared>>) offsets(%arg7 : memref<80xi32, #tpu.memory_space<vmem>>) semaphore(%run_scoped3A : memref<!tpu.dma_semaphore, #tpu.memory_space<semaphore_mem>>) {add = true}
      %dma_wait3A_349 = arith.constant 0 : i32
      %dma_wait3A_350 = arith.constant 0 : i32
      %dma_wait3A_351 = tpu.memref_slice %arg15[%dma_wait3A_349, %dma_wait3A_350] : memref<10000x128xf32, #tpu.memory_space<vmem_shared>> -> memref<10000x128xf32, #tpu.memory_space<vmem_shared>>
      tpu.wait_indirect_dma semaphore(%run_scoped3A : memref<!tpu.dma_semaphore, #tpu.memory_space<semaphore_mem>>) src(%arg12 : memref<80x128xf32, #tpu.memory_space<vmem>>) dst(%dma_wait3A_351 : memref<10000x128xf32, #tpu.memory_space<vmem_shared>>)
      tpu.yield
    }) : () -> ()
    %dma_wait3A_333 = arith.constant 0 : i32
    %dma_wait3A_334 = arith.constant 0 : i32
    %dma_wait3A_335 = tpu.memref_slice %arg3[%dma_wait3A_333, %dma_wait3A_334] : memref<10000x128xf32, #tpu.memory_space<hbm>> -> memref<10000x128xf32, #tpu.memory_space<hbm>>
    tpu.wait_indirect_dma semaphore(%arg17 : memref<!tpu.dma_semaphore, #tpu.memory_space<semaphore_mem>>) src(%dma_wait3A_335 : memref<10000x128xf32, #tpu.memory_space<hbm>>) dst(%arg13 : memref<80x128xf32, #tpu.memory_space<vmem>>)
    "tpu.region"() ({
      %run_scoped3A = tpu.sem_alloc : memref<!tpu.dma_semaphore, #tpu.memory_space<semaphore_mem>>
      %dma_start3A_346 = arith.constant 0 : i32
      %dma_start3A_347 = arith.constant 0 : i32
      %dma_start3A_348 = tpu.memref_slice %arg15[%dma_start3A_346, %dma_start3A_347] : memref<10000x128xf32, #tpu.memory_space<vmem_shared>> -> memref<10000x128xf32, #tpu.memory_space<vmem_shared>>
      tpu.enqueue_indirect_dma source(%arg13 : memref<80x128xf32, #tpu.memory_space<vmem>>) target(%dma_start3A_348 : memref<10000x128xf32, #tpu.memory_space<vmem_shared>>) offsets(%arg9 : memref<80xi32, #tpu.memory_space<vmem>>) semaphore(%run_scoped3A : memref<!tpu.dma_semaphore, #tpu.memory_space<semaphore_mem>>) {add = true}
      %dma_wait3A_349 = arith.constant 0 : i32
      %dma_wait3A_350 = arith.constant 0 : i32
      %dma_wait3A_351 = tpu.memref_slice %arg15[%dma_wait3A_349, %dma_wait3A_350] : memref<10000x128xf32, #tpu.memory_space<vmem_shared>> -> memref<10000x128xf32, #tpu.memory_space<vmem_shared>>
      tpu.wait_indirect_dma semaphore(%run_scoped3A : memref<!tpu.dma_semaphore, #tpu.memory_space<semaphore_mem>>) src(%arg13 : memref<80x128xf32, #tpu.memory_space<vmem>>) dst(%dma_wait3A_351 : memref<10000x128xf32, #tpu.memory_space<vmem_shared>>)
      tpu.yield
    }) : () -> ()
    %barrier3A_336 = arith.constant 0 : index
    tpu.barrier barrier_id(%barrier3A_336)
    %lt3A = arith.constant 15 : i32
    %lt3A_337 = arith.cmpi slt, %arg1, %lt3A : i32
    %convert_element_type3A_338 = arith.extui %lt3A_337 : i1 to i32
    %cond3A_339 = arith.constant 0 : i32
    %cond3A_340 = arith.cmpi ne, %convert_element_type3A_338, %cond3A_339 : i32
    scf.if %cond3A_340 {
      %mul3A_346 = arith.constant 624 : i32
      %mul3A_347 = arith.muli %arg1, %mul3A_346 : i32
      %mul3A_348 = arith.constant 624 : i32
      %mul3A_349 = arith.muli %arg1, %mul3A_348 : i32
      "tpu.region"() ({
        %run_scoped3A = tpu.sem_alloc : memref<!tpu.dma_semaphore, #tpu.memory_space<semaphore_mem>>
        %dma_start3A_350 = arith.constant 0 : i32
        %dma_start3A_351 = tpu.memref_slice %arg4[%arg0, %mul3A_349, %dma_start3A_350] : memref<2x10000x128xf32, #tpu.memory_space<hbm>> -> memref<1x624x128xf32, #tpu.memory_space<hbm>>
        %dma_start3A_352 = tpu.memref_squeeze %dma_start3A_351 : memref<1x624x128xf32, #tpu.memory_space<hbm>> -> memref<624x128xf32, #tpu.memory_space<hbm>>
        %dma_start3A_353 = arith.constant 0 : i32
        %dma_start3A_354 = tpu.memref_slice %arg15[%mul3A_347, %dma_start3A_353] : memref<10000x128xf32, #tpu.memory_space<vmem_shared>> -> memref<624x128xf32, #tpu.memory_space<vmem_shared>>
        tpu.enqueue_dma source(%dma_start3A_354 : memref<624x128xf32, #tpu.memory_space<vmem_shared>>) target(%dma_start3A_352 : memref<624x128xf32, #tpu.memory_space<hbm>>) target_semaphore(%run_scoped3A : memref<!tpu.dma_semaphore, #tpu.memory_space<semaphore_mem>>)
        %dma_wait3A_355 = arith.constant 0 : i32
        %dma_wait3A_356 = tpu.memref_slice %arg4[%arg0, %mul3A_349, %dma_wait3A_355] : memref<2x10000x128xf32, #tpu.memory_space<hbm>> -> memref<1x624x128xf32, #tpu.memory_space<hbm>>
        %dma_wait3A_357 = tpu.memref_squeeze %dma_wait3A_356 : memref<1x624x128xf32, #tpu.memory_space<hbm>> -> memref<624x128xf32, #tpu.memory_space<hbm>>
        %dma_wait3A_358 = arith.constant 0 : i32
        %dma_wait3A_359 = tpu.memref_slice %arg15[%mul3A_347, %dma_wait3A_358] : memref<10000x128xf32, #tpu.memory_space<vmem_shared>> -> memref<624x128xf32, #tpu.memory_space<vmem_shared>>
        tpu.wait_dma2 semaphore(%run_scoped3A : memref<!tpu.dma_semaphore, #tpu.memory_space<semaphore_mem>>) src(%dma_wait3A_359 : memref<624x128xf32, #tpu.memory_space<vmem_shared>>) dst(%dma_wait3A_357 : memref<624x128xf32, #tpu.memory_space<hbm>>)
        tpu.yield
      }) : () -> ()
    } else {
    }
    %eq3A_341 = arith.constant 15 : i32
    %eq3A_342 = arith.cmpi eq, %arg1, %eq3A_341 : i32
    %convert_element_type3A_343 = arith.extui %eq3A_342 : i1 to i32
    %cond3A_344 = arith.constant 0 : i32
    %cond3A_345 = arith.cmpi ne, %convert_element_type3A_343, %cond3A_344 : i32
    scf.if %cond3A_345 {
      "tpu.region"() ({
        %run_scoped3A = tpu.sem_alloc : memref<!tpu.dma_semaphore, #tpu.memory_space<semaphore_mem>>
        %dma_start3A_346 = arith.constant 9360 : i32
        %dma_start3A_347 = arith.constant 0 : i32
        %dma_start3A_348 = tpu.memref_slice %arg4[%arg0, %dma_start3A_346, %dma_start3A_347] : memref<2x10000x128xf32, #tpu.memory_space<hbm>> -> memref<1x640x128xf32, #tpu.memory_space<hbm>>
        %dma_start3A_349 = tpu.memref_squeeze %dma_start3A_348 : memref<1x640x128xf32, #tpu.memory_space<hbm>> -> memref<640x128xf32, #tpu.memory_space<hbm>>
        %dma_start3A_350 = arith.constant 9360 : i32
        %dma_start3A_351 = arith.constant 0 : i32
        %dma_start3A_352 = tpu.memref_slice %arg15[%dma_start3A_350, %dma_start3A_351] : memref<10000x128xf32, #tpu.memory_space<vmem_shared>> -> memref<640x128xf32, #tpu.memory_space<vmem_shared>>
        tpu.enqueue_dma source(%dma_start3A_352 : memref<640x128xf32, #tpu.memory_space<vmem_shared>>) target(%dma_start3A_349 : memref<640x128xf32, #tpu.memory_space<hbm>>) target_semaphore(%run_scoped3A : memref<!tpu.dma_semaphore, #tpu.memory_space<semaphore_mem>>)
        %dma_wait3A_353 = arith.constant 9360 : i32
        %dma_wait3A_354 = arith.constant 0 : i32
        %dma_wait3A_355 = tpu.memref_slice %arg4[%arg0, %dma_wait3A_353, %dma_wait3A_354] : memref<2x10000x128xf32, #tpu.memory_space<hbm>> -> memref<1x640x128xf32, #tpu.memory_space<hbm>>
        %dma_wait3A_356 = tpu.memref_squeeze %dma_wait3A_355 : memref<1x640x128xf32, #tpu.memory_space<hbm>> -> memref<640x128xf32, #tpu.memory_space<hbm>>
        %dma_wait3A_357 = arith.constant 9360 : i32
        %dma_wait3A_358 = arith.constant 0 : i32
        %dma_wait3A_359 = tpu.memref_slice %arg15[%dma_wait3A_357, %dma_wait3A_358] : memref<10000x128xf32, #tpu.memory_space<vmem_shared>> -> memref<640x128xf32, #tpu.memory_space<vmem_shared>>
        tpu.wait_dma2 semaphore(%run_scoped3A : memref<!tpu.dma_semaphore, #tpu.memory_space<semaphore_mem>>) src(%dma_wait3A_359 : memref<640x128xf32, #tpu.memory_space<vmem_shared>>) dst(%dma_wait3A_356 : memref<640x128xf32, #tpu.memory_space<hbm>>)
        tpu.yield
      }) : () -> ()
    } else {
    }
    return
  }
}

#map = affine_map<(d0, d1) -> (0, 0, 0)>
#map1 = affine_map<(d0, d1) -> (0, 0)>
module attributes {stable_mosaic.version = 14 : i64} {
  func.func @k(%arg0: i32, %arg1: i32, %arg2: memref<32x125x80xi32, #tpu.memory_space<hbm>>, %arg3: memref<10000x128xf32, #tpu.memory_space<hbm>>, %arg4: memref<2x10000x128xf32, #tpu.memory_space<hbm>>, %arg5: memref<125x80xi32, #tpu.memory_space<vmem>>, %arg6: memref<80xi32, #tpu.memory_space<vmem>>, %arg7: memref<80xi32, #tpu.memory_space<vmem>>, %arg8: memref<80xi32, #tpu.memory_space<vmem>>, %arg9: memref<80xi32, #tpu.memory_space<vmem>>, %arg10: memref<80xi32, #tpu.memory_space<vmem>>, %arg11: memref<80xi32, #tpu.memory_space<vmem>>, %arg12: memref<80x128xf32, #tpu.memory_space<vmem>>, %arg13: memref<80x128xf32, #tpu.memory_space<vmem>>, %arg14: memref<80x128xf32, #tpu.memory_space<vmem>>, %arg15: memref<10000x128xf32, #tpu.memory_space<vmem_shared>>, %arg16: memref<!tpu.dma_semaphore, #tpu.memory_space<semaphore_mem>>, %arg17: memref<!tpu.dma_semaphore, #tpu.memory_space<semaphore_mem>>, %arg18: memref<!tpu.dma_semaphore, #tpu.memory_space<semaphore_mem>>, %arg19: memref<!tpu.dma_semaphore, #tpu.memory_space<semaphore_mem>>, %arg20: memref<!tpu.dma_semaphore, #tpu.memory_space<semaphore_mem>>, %arg21: memref<!tpu.dma_semaphore, #tpu.memory_space<semaphore_mem>>) attributes {dimension_semantics = [#tpu.dimension_semantics<core_parallel>, #tpu.dimension_semantics<subcore_parallel>], iteration_bounds = array<i64: 2, 16>, scalar_prefetch = 0 : i64, scratch_operands = 17 : i64, tpu.core_type = #tpu.core_type<sc_vector_subcore>, window_params = [{transform_indices = #map}, {transform_indices = #map1}, {transform_indices = #map}]} {
    %mul3A = arith.constant 16 : i32
    %mul3A_0 = arith.muli %arg0, %mul3A : i32
    %add3A = arith.addi %mul3A_0, %arg1 : i32
    "tpu.region"() ({
      %run_scoped3A = tpu.sem_alloc : memref<!tpu.dma_semaphore, #tpu.memory_space<semaphore_mem>>
      %dma_start3A_346 = arith.constant 0 : i32
      %dma_start3A_347 = arith.constant 0 : i32
      %dma_start3A_348 = tpu.memref_slice %arg2[%add3A, %dma_start3A_346, %dma_start3A_347] : memref<32x125x80xi32, #tpu.memory_space<hbm>> -> memref<1x125x80xi32, #tpu.memory_space<hbm>>
      %dma_start3A_349 = tpu.memref_squeeze %dma_start3A_348 : memref<1x125x80xi32, #tpu.memory_space<hbm>> -> memref<125x80xi32, #tpu.memory_space<hbm>>
      %dma_start3A_350 = arith.constant 0 : i32
      %dma_start3A_351 = arith.constant 0 : i32
      %dma_start3A_352 = tpu.memref_slice %arg2[%add3A, %dma_start3A_350, %dma_start3A_351] : memref<32x125x80xi32, #tpu.memory_space<hbm>> -> memref<1x125x80xi32, #tpu.memory_space<hbm>>
      %dma_start3A_353 = tpu.memref_squeeze %dma_start3A_352 : memref<1x125x80xi32, #tpu.memory_space<hbm>> -> memref<125x80xi32, #tpu.memory_space<hbm>>
      tpu.enqueue_dma source(%dma_start3A_353 : memref<125x80xi32, #tpu.memory_space<hbm>>) target(%arg5 : memref<125x80xi32, #tpu.memory_space<vmem>>) target_semaphore(%run_scoped3A : memref<!tpu.dma_semaphore, #tpu.memory_space<semaphore_mem>>)
      %dma_wait3A_354 = arith.constant 0 : i32
      %dma_wait3A_355 = arith.constant 0 : i32
      %dma_wait3A_356 = tpu.memref_slice %arg2[%add3A, %dma_wait3A_354, %dma_wait3A_355] : memref<32x125x80xi32, #tpu.memory_space<hbm>> -> memref<1x125x80xi32, #tpu.memory_space<hbm>>
      %dma_wait3A_357 = tpu.memref_squeeze %dma_wait3A_356 : memref<1x125x80xi32, #tpu.memory_space<hbm>> -> memref<125x80xi32, #tpu.memory_space<hbm>>
      %dma_wait3A_358 = arith.constant 0 : i32
      %dma_wait3A_359 = arith.constant 0 : i32
      %dma_wait3A_360 = tpu.memref_slice %arg2[%add3A, %dma_wait3A_358, %dma_wait3A_359] : memref<32x125x80xi32, #tpu.memory_space<hbm>> -> memref<1x125x80xi32, #tpu.memory_space<hbm>>
      %dma_wait3A_361 = tpu.memref_squeeze %dma_wait3A_360 : memref<1x125x80xi32, #tpu.memory_space<hbm>> -> memref<125x80xi32, #tpu.memory_space<hbm>>
      tpu.wait_dma2 semaphore(%run_scoped3A : memref<!tpu.dma_semaphore, #tpu.memory_space<semaphore_mem>>) src(%dma_wait3A_361 : memref<125x80xi32, #tpu.memory_space<hbm>>) dst(%arg5 : memref<125x80xi32, #tpu.memory_space<vmem>>)
      tpu.yield
    }) : () -> ()
    %scan3A = arith.constant 0 : i32
    %scan3A_1 = arith.constant 0 : i32
    %scan3A_2 = arith.constant 80 : i32
    %scan3A_3 = arith.addi %scan3A_1, %scan3A_2 : i32
    %scan3A_4 = arith.constant 1 : i32
    scf.for %scan3A_346 = %scan3A_1 to %scan3A_3 step %scan3A_4  : i32 {
      %broadcast_in_dim3A = arith.constant 0.000000e+00 : f32
      %broadcast_in_dim3A_347 = vector.broadcast %broadcast_in_dim3A : f32 to vector<16xf32>
      %swap3A_348 = arith.index_cast %scan3A_346 : i32 to index
      %swap3A_349 = arith.constant 0 : index
      %swap3A_350 = tpu.vector_load %arg12[%swap3A_348, %swap3A_349] {strides = array<i32>} : memref<80x128xf32, #tpu.memory_space<vmem>>, vector<1x16xf32>,
      %swap3A_351 = vector.shape_cast %swap3A_350 : vector<1x16xf32> to vector<16xf32>
      %swap3A_352 = vector.shape_cast %broadcast_in_dim3A_347 : vector<16xf32> to vector<1x16xf32>
      tpu.vector_store %arg12[%swap3A_348, %swap3A_349], %swap3A_352 {strides = array<i32>} : memref<80x128xf32, #tpu.memory_space<vmem>>, vector<1x16xf32>,
      %broadcast_in_dim3A_353 = arith.constant 0.000000e+00 : f32
      %broadcast_in_dim3A_354 = vector.broadcast %broadcast_in_dim3A_353 : f32 to vector<16xf32>
      %swap3A_355 = arith.index_cast %scan3A_346 : i32 to index
      %swap3A_356 = arith.constant 16 : index
      %swap3A_357 = tpu.vector_load %arg12[%swap3A_355, %swap3A_356] {strides = array<i32>} : memref<80x128xf32, #tpu.memory_space<vmem>>, vector<1x16xf32>,
      %swap3A_358 = vector.shape_cast %swap3A_357 : vector<1x16xf32> to vector<16xf32>
      %swap3A_359 = vector.shape_cast %broadcast_in_dim3A_354 : vector<16xf32> to vector<1x16xf32>
      tpu.vector_store %arg12[%swap3A_355, %swap3A_356], %swap3A_359 {strides = array<i32>} : memref<80x128xf32, #tpu.memory_space<vmem>>, vector<1x16xf32>,
      %broadcast_in_dim3A_360 = arith.constant 0.000000e+00 : f32
      %broadcast_in_dim3A_361 = vector.broadcast %broadcast_in_dim3A_360 : f32 to vector<16xf32>
      %swap3A_362 = arith.index_cast %scan3A_346 : i32 to index
      %swap3A_363 = arith.constant 32 : index
      %swap3A_364 = tpu.vector_load %arg12[%swap3A_362, %swap3A_363] {strides = array<i32>} : memref<80x128xf32, #tpu.memory_space<vmem>>, vector<1x16xf32>,
      %swap3A_365 = vector.shape_cast %swap3A_364 : vector<1x16xf32> to vector<16xf32>
      %swap3A_366 = vector.shape_cast %broadcast_in_dim3A_361 : vector<16xf32> to vector<1x16xf32>
      tpu.vector_store %arg12[%swap3A_362, %swap3A_363], %swap3A_366 {strides = array<i32>} : memref<80x128xf32, #tpu.memory_space<vmem>>, vector<1x16xf32>,
      %broadcast_in_dim3A_367 = arith.constant 0.000000e+00 : f32
      %broadcast_in_dim3A_368 = vector.broadcast %broadcast_in_dim3A_367 : f32 to vector<16xf32>
      %swap3A_369 = arith.index_cast %scan3A_346 : i32 to index
      %swap3A_370 = arith.constant 48 : index
      %swap3A_371 = tpu.vector_load %arg12[%swap3A_369, %swap3A_370] {strides = array<i32>} : memref<80x128xf32, #tpu.memory_space<vmem>>, vector<1x16xf32>,
      %swap3A_372 = vector.shape_cast %swap3A_371 : vector<1x16xf32> to vector<16xf32>
      %swap3A_373 = vector.shape_cast %broadcast_in_dim3A_368 : vector<16xf32> to vector<1x16xf32>
      tpu.vector_store %arg12[%swap3A_369, %swap3A_370], %swap3A_373 {strides = array<i32>} : memref<80x128xf32, #tpu.memory_space<vmem>>, vector<1x16xf32>,
      %broadcast_in_dim3A_374 = arith.constant 0.000000e+00 : f32
      %broadcast_in_dim3A_375 = vector.broadcast %broadcast_in_dim3A_374 : f32 to vector<16xf32>
      %swap3A_376 = arith.index_cast %scan3A_346 : i32 to index
      %swap3A_377 = arith.constant 64 : index
      %swap3A_378 = tpu.vector_load %arg12[%swap3A_376, %swap3A_377] {strides = array<i32>} : memref<80x128xf32, #tpu.memory_space<vmem>>, vector<1x16xf32>,
      %swap3A_379 = vector.shape_cast %swap3A_378 : vector<1x16xf32> to vector<16xf32>
      %swap3A_380 = vector.shape_cast %broadcast_in_dim3A_375 : vector<16xf32> to vector<1x16xf32>
      tpu.vector_store %arg12[%swap3A_376, %swap3A_377], %swap3A_380 {strides = array<i32>} : memref<80x128xf32, #tpu.memory_space<vmem>>, vector<1x16xf32>,
      %broadcast_in_dim3A_381 = arith.constant 0.000000e+00 : f32
      %broadcast_in_dim3A_382 = vector.broadcast %broadcast_in_dim3A_381 : f32 to vector<16xf32>
      %swap3A_383 = arith.index_cast %scan3A_346 : i32 to index
      %swap3A_384 = arith.constant 80 : index
      %swap3A_385 = tpu.vector_load %arg12[%swap3A_383, %swap3A_384] {strides = array<i32>} : memref<80x128xf32, #tpu.memory_space<vmem>>, vector<1x16xf32>,
      %swap3A_386 = vector.shape_cast %swap3A_385 : vector<1x16xf32> to vector<16xf32>
      %swap3A_387 = vector.shape_cast %broadcast_in_dim3A_382 : vector<16xf32> to vector<1x16xf32>
      tpu.vector_store %arg12[%swap3A_383, %swap3A_384], %swap3A_387 {strides = array<i32>} : memref<80x128xf32, #tpu.memory_space<vmem>>, vector<1x16xf32>,
      %broadcast_in_dim3A_388 = arith.constant 0.000000e+00 : f32
      %broadcast_in_dim3A_389 = vector.broadcast %broadcast_in_dim3A_388 : f32 to vector<16xf32>
      %swap3A_390 = arith.index_cast %scan3A_346 : i32 to index
      %swap3A_391 = arith.constant 96 : index
      %swap3A_392 = tpu.vector_load %arg12[%swap3A_390, %swap3A_391] {strides = array<i32>} : memref<80x128xf32, #tpu.memory_space<vmem>>, vector<1x16xf32>,
      %swap3A_393 = vector.shape_cast %swap3A_392 : vector<1x16xf32> to vector<16xf32>
      %swap3A_394 = vector.shape_cast %broadcast_in_dim3A_389 : vector<16xf32> to vector<1x16xf32>
      tpu.vector_store %arg12[%swap3A_390, %swap3A_391], %swap3A_394 {strides = array<i32>} : memref<80x128xf32, #tpu.memory_space<vmem>>, vector<1x16xf32>,
      %broadcast_in_dim3A_395 = arith.constant 0.000000e+00 : f32
      %broadcast_in_dim3A_396 = vector.broadcast %broadcast_in_dim3A_395 : f32 to vector<16xf32>
      %swap3A_397 = arith.index_cast %scan3A_346 : i32 to index
      %swap3A_398 = arith.constant 112 : index
      %swap3A_399 = tpu.vector_load %arg12[%swap3A_397, %swap3A_398] {strides = array<i32>} : memref<80x128xf32, #tpu.memory_space<vmem>>, vector<1x16xf32>,
      %swap3A_400 = vector.shape_cast %swap3A_399 : vector<1x16xf32> to vector<16xf32>
      %swap3A_401 = vector.shape_cast %broadcast_in_dim3A_396 : vector<16xf32> to vector<1x16xf32>
      tpu.vector_store %arg12[%swap3A_397, %swap3A_398], %swap3A_401 {strides = array<i32>} : memref<80x128xf32, #tpu.memory_space<vmem>>, vector<1x16xf32>,
    }
    %scan3A_5 = arith.constant 80 : i32
    %mul3A_6 = arith.constant 624 : i32
    %mul3A_7 = arith.muli %arg1, %mul3A_6 : i32
    %add3A_8 = arith.constant 0 : i32
    %add3A_9 = arith.addi %mul3A_7, %add3A_8 : i32
    "tpu.region"() ({
      %run_scoped3A = tpu.sem_alloc : memref<!tpu.dma_semaphore, #tpu.memory_space<semaphore_mem>>
      %dma_start3A_346 = arith.constant 0 : i32
      %dma_start3A_347 = arith.constant 0 : i32
      %dma_start3A_348 = tpu.memref_slice %arg12[%dma_start3A_346, %dma_start3A_347] : memref<80x128xf32, #tpu.memory_space<vmem>> -> memref<48x128xf32, #tpu.memory_space<vmem>>
      %dma_start3A_349 = arith.constant 0 : i32
      %dma_start3A_350 = tpu.memref_slice %arg15[%add3A_9, %dma_start3A_349] : memref<10000x128xf32, #tpu.memory_space<vmem_shared>> -> memref<48x128xf32, #tpu.memory_space<vmem_shared>>
      %dma_start3A_351 = arith.constant 0 : i32
      %dma_start3A_352 = tpu.memref_slice %arg15[%add3A_9, %dma_start3A_351] : memref<10000x128xf32, #tpu.memory_space<vmem_shared>> -> memref<48x128xf32, #tpu.memory_space<vmem_shared>>
      %dma_start3A_353 = arith.constant 0 : i32
      %dma_start3A_354 = arith.constant 0 : i32
      %dma_start3A_355 = tpu.memref_slice %arg12[%dma_start3A_353, %dma_start3A_354] : memref<80x128xf32, #tpu.memory_space<vmem>> -> memref<48x128xf32, #tpu.memory_space<vmem>>
      tpu.enqueue_dma source(%dma_start3A_355 : memref<48x128xf32, #tpu.memory_space<vmem>>) target(%dma_start3A_352 : memref<48x128xf32, #tpu.memory_space<vmem_shared>>) target_semaphore(%run_scoped3A : memref<!tpu.dma_semaphore, #tpu.memory_space<semaphore_mem>>)
      %dma_wait3A_356 = arith.constant 0 : i32
      %dma_wait3A_357 = arith.constant 0 : i32
      %dma_wait3A_358 = tpu.memref_slice %arg12[%dma_wait3A_356, %dma_wait3A_357] : memref<80x128xf32, #tpu.memory_space<vmem>> -> memref<48x128xf32, #tpu.memory_space<vmem>>
      %dma_wait3A_359 = arith.constant 0 : i32
      %dma_wait3A_360 = tpu.memref_slice %arg15[%add3A_9, %dma_wait3A_359] : memref<10000x128xf32, #tpu.memory_space<vmem_shared>> -> memref<48x128xf32, #tpu.memory_space<vmem_shared>>
      %dma_wait3A_361 = arith.constant 0 : i32
      %dma_wait3A_362 = tpu.memref_slice %arg15[%add3A_9, %dma_wait3A_361] : memref<10000x128xf32, #tpu.memory_space<vmem_shared>> -> memref<48x128xf32, #tpu.memory_space<vmem_shared>>
      %dma_wait3A_363 = arith.constant 0 : i32
      %dma_wait3A_364 = arith.constant 0 : i32
      %dma_wait3A_365 = tpu.memref_slice %arg12[%dma_wait3A_363, %dma_wait3A_364] : memref<80x128xf32, #tpu.memory_space<vmem>> -> memref<48x128xf32, #tpu.memory_space<vmem>>
      tpu.wait_dma2 semaphore(%run_scoped3A : memref<!tpu.dma_semaphore, #tpu.memory_space<semaphore_mem>>) src(%dma_wait3A_365 : memref<48x128xf32, #tpu.memory_space<vmem>>) dst(%dma_wait3A_362 : memref<48x128xf32, #tpu.memory_space<vmem_shared>>)
      tpu.yield
    }) : () -> ()
    %add3A_10 = arith.constant 48 : i32
    %add3A_11 = arith.addi %mul3A_7, %add3A_10 : i32
    "tpu.region"() ({
      %run_scoped3A = tpu.sem_alloc : memref<!tpu.dma_semaphore, #tpu.memory_space<semaphore_mem>>
      %dma_start3A_346 = arith.constant 0 : i32
      %dma_start3A_347 = arith.constant 0 : i32
      %dma_start3A_348 = tpu.memref_slice %arg12[%dma_start3A_346, %dma_start3A_347] : memref<80x128xf32, #tpu.memory_space<vmem>> -> memref<48x128xf32, #tpu.memory_space<vmem>>
      %dma_start3A_349 = arith.constant 0 : i32
      %dma_start3A_350 = tpu.memref_slice %arg15[%add3A_11, %dma_start3A_349] : memref<10000x128xf32, #tpu.memory_space<vmem_shared>> -> memref<48x128xf32, #tpu.memory_space<vmem_shared>>
      %dma_start3A_351 = arith.constant 0 : i32
      %dma_start3A_352 = tpu.memref_slice %arg15[%add3A_11, %dma_start3A_351] : memref<10000x128xf32, #tpu.memory_space<vmem_shared>> -> memref<48x128xf32, #tpu.memory_space<vmem_shared>>
      %dma_start3A_353 = arith.constant 0 : i32
      %dma_start3A_354 = arith.constant 0 : i32
      %dma_start3A_355 = tpu.memref_slice %arg12[%dma_start3A_353, %dma_start3A_354] : memref<80x128xf32, #tpu.memory_space<vmem>> -> memref<48x128xf32, #tpu.memory_space<vmem>>
      tpu.enqueue_dma source(%dma_start3A_355 : memref<48x128xf32, #tpu.memory_space<vmem>>) target(%dma_start3A_352 : memref<48x128xf32, #tpu.memory_space<vmem_shared>>) target_semaphore(%run_scoped3A : memref<!tpu.dma_semaphore, #tpu.memory_space<semaphore_mem>>)
      %dma_wait3A_356 = arith.constant 0 : i32
      %dma_wait3A_357 = arith.constant 0 : i32
      %dma_wait3A_358 = tpu.memref_slice %arg12[%dma_wait3A_356, %dma_wait3A_357] : memref<80x128xf32, #tpu.memory_space<vmem>> -> memref<48x128xf32, #tpu.memory_space<vmem>>
      %dma_wait3A_359 = arith.constant 0 : i32
      %dma_wait3A_360 = tpu.memref_slice %arg15[%add3A_11, %dma_wait3A_359] : memref<10000x128xf32, #tpu.memory_space<vmem_shared>> -> memref<48x128xf32, #tpu.memory_space<vmem_shared>>
      %dma_wait3A_361 = arith.constant 0 : i32
      %dma_wait3A_362 = tpu.memref_slice %arg15[%add3A_11, %dma_wait3A_361] : memref<10000x128xf32, #tpu.memory_space<vmem_shared>> -> memref<48x128xf32, #tpu.memory_space<vmem_shared>>
      %dma_wait3A_363 = arith.constant 0 : i32
      %dma_wait3A_364 = arith.constant 0 : i32
      %dma_wait3A_365 = tpu.memref_slice %arg12[%dma_wait3A_363, %dma_wait3A_364] : memref<80x128xf32, #tpu.memory_space<vmem>> -> memref<48x128xf32, #tpu.memory_space<vmem>>
      tpu.wait_dma2 semaphore(%run_scoped3A : memref<!tpu.dma_semaphore, #tpu.memory_space<semaphore_mem>>) src(%dma_wait3A_365 : memref<48x128xf32, #tpu.memory_space<vmem>>) dst(%dma_wait3A_362 : memref<48x128xf32, #tpu.memory_space<vmem_shared>>)
      tpu.yield
    }) : () -> ()
    %add3A_12 = arith.constant 96 : i32
    %add3A_13 = arith.addi %mul3A_7, %add3A_12 : i32
    "tpu.region"() ({
      %run_scoped3A = tpu.sem_alloc : memref<!tpu.dma_semaphore, #tpu.memory_space<semaphore_mem>>
      %dma_start3A_346 = arith.constant 0 : i32
      %dma_start3A_347 = arith.constant 0 : i32
      %dma_start3A_348 = tpu.memref_slice %arg12[%dma_start3A_346, %dma_start3A_347] : memref<80x128xf32, #tpu.memory_space<vmem>> -> memref<48x128xf32, #tpu.memory_space<vmem>>
      %dma_start3A_349 = arith.constant 0 : i32
      %dma_start3A_350 = tpu.memref_slice %arg15[%add3A_13, %dma_start3A_349] : memref<10000x128xf32, #tpu.memory_space<vmem_shared>> -> memref<48x128xf32, #tpu.memory_space<vmem_shared>>
      %dma_start3A_351 = arith.constant 0 : i32
      %dma_start3A_352 = tpu.memref_slice %arg15[%add3A_13, %dma_start3A_351] : memref<10000x128xf32, #tpu.memory_space<vmem_shared>> -> memref<48x128xf32, #tpu.memory_space<vmem_shared>>
      %dma_start3A_353 = arith.constant 0 : i32
      %dma_start3A_354 = arith.constant 0 : i32
      %dma_start3A_355 = tpu.memref_slice %arg12[%dma_start3A_353, %dma_start3A_354] : memref<80x128xf32, #tpu.memory_space<vmem>> -> memref<48x128xf32, #tpu.memory_space<vmem>>
      tpu.enqueue_dma source(%dma_start3A_355 : memref<48x128xf32, #tpu.memory_space<vmem>>) target(%dma_start3A_352 : memref<48x128xf32, #tpu.memory_space<vmem_shared>>) target_semaphore(%run_scoped3A : memref<!tpu.dma_semaphore, #tpu.memory_space<semaphore_mem>>)
      %dma_wait3A_356 = arith.constant 0 : i32
      %dma_wait3A_357 = arith.constant 0 : i32
      %dma_wait3A_358 = tpu.memref_slice %arg12[%dma_wait3A_356, %dma_wait3A_357] : memref<80x128xf32, #tpu.memory_space<vmem>> -> memref<48x128xf32, #tpu.memory_space<vmem>>
      %dma_wait3A_359 = arith.constant 0 : i32
      %dma_wait3A_360 = tpu.memref_slice %arg15[%add3A_13, %dma_wait3A_359] : memref<10000x128xf32, #tpu.memory_space<vmem_shared>> -> memref<48x128xf32, #tpu.memory_space<vmem_shared>>
      %dma_wait3A_361 = arith.constant 0 : i32
      %dma_wait3A_362 = tpu.memref_slice %arg15[%add3A_13, %dma_wait3A_361] : memref<10000x128xf32, #tpu.memory_space<vmem_shared>> -> memref<48x128xf32, #tpu.memory_space<vmem_shared>>
      %dma_wait3A_363 = arith.constant 0 : i32
      %dma_wait3A_364 = arith.constant 0 : i32
      %dma_wait3A_365 = tpu.memref_slice %arg12[%dma_wait3A_363, %dma_wait3A_364] : memref<80x128xf32, #tpu.memory_space<vmem>> -> memref<48x128xf32, #tpu.memory_space<vmem>>
      tpu.wait_dma2 semaphore(%run_scoped3A : memref<!tpu.dma_semaphore, #tpu.memory_space<semaphore_mem>>) src(%dma_wait3A_365 : memref<48x128xf32, #tpu.memory_space<vmem>>) dst(%dma_wait3A_362 : memref<48x128xf32, #tpu.memory_space<vmem_shared>>)
      tpu.yield
    }) : () -> ()
    %add3A_14 = arith.constant 144 : i32
    %add3A_15 = arith.addi %mul3A_7, %add3A_14 : i32
    "tpu.region"() ({
      %run_scoped3A = tpu.sem_alloc : memref<!tpu.dma_semaphore, #tpu.memory_space<semaphore_mem>>
      %dma_start3A_346 = arith.constant 0 : i32
      %dma_start3A_347 = arith.constant 0 : i32
      %dma_start3A_348 = tpu.memref_slice %arg12[%dma_start3A_346, %dma_start3A_347] : memref<80x128xf32, #tpu.memory_space<vmem>> -> memref<48x128xf32, #tpu.memory_space<vmem>>
      %dma_start3A_349 = arith.constant 0 : i32
      %dma_start3A_350 = tpu.memref_slice %arg15[%add3A_15, %dma_start3A_349] : memref<10000x128xf32, #tpu.memory_space<vmem_shared>> -> memref<48x128xf32, #tpu.memory_space<vmem_shared>>
      %dma_start3A_351 = arith.constant 0 : i32
      %dma_start3A_352 = tpu.memref_slice %arg15[%add3A_15, %dma_start3A_351] : memref<10000x128xf32, #tpu.memory_space<vmem_shared>> -> memref<48x128xf32, #tpu.memory_space<vmem_shared>>
      %dma_start3A_353 = arith.constant 0 : i32
      %dma_start3A_354 = arith.constant 0 : i32
      %dma_start3A_355 = tpu.memref_slice %arg12[%dma_start3A_353, %dma_start3A_354] : memref<80x128xf32, #tpu.memory_space<vmem>> -> memref<48x128xf32, #tpu.memory_space<vmem>>
      tpu.enqueue_dma source(%dma_start3A_355 : memref<48x128xf32, #tpu.memory_space<vmem>>) target(%dma_start3A_352 : memref<48x128xf32, #tpu.memory_space<vmem_shared>>) target_semaphore(%run_scoped3A : memref<!tpu.dma_semaphore, #tpu.memory_space<semaphore_mem>>)
      %dma_wait3A_356 = arith.constant 0 : i32
      %dma_wait3A_357 = arith.constant 0 : i32
      %dma_wait3A_358 = tpu.memref_slice %arg12[%dma_wait3A_356, %dma_wait3A_357] : memref<80x128xf32, #tpu.memory_space<vmem>> -> memref<48x128xf32, #tpu.memory_space<vmem>>
      %dma_wait3A_359 = arith.constant 0 : i32
      %dma_wait3A_360 = tpu.memref_slice %arg15[%add3A_15, %dma_wait3A_359] : memref<10000x128xf32, #tpu.memory_space<vmem_shared>> -> memref<48x128xf32, #tpu.memory_space<vmem_shared>>
      %dma_wait3A_361 = arith.constant 0 : i32
      %dma_wait3A_362 = tpu.memref_slice %arg15[%add3A_15, %dma_wait3A_361] : memref<10000x128xf32, #tpu.memory_space<vmem_shared>> -> memref<48x128xf32, #tpu.memory_space<vmem_shared>>
      %dma_wait3A_363 = arith.constant 0 : i32
      %dma_wait3A_364 = arith.constant 0 : i32
      %dma_wait3A_365 = tpu.memref_slice %arg12[%dma_wait3A_363, %dma_wait3A_364] : memref<80x128xf32, #tpu.memory_space<vmem>> -> memref<48x128xf32, #tpu.memory_space<vmem>>
      tpu.wait_dma2 semaphore(%run_scoped3A : memref<!tpu.dma_semaphore, #tpu.memory_space<semaphore_mem>>) src(%dma_wait3A_365 : memref<48x128xf32, #tpu.memory_space<vmem>>) dst(%dma_wait3A_362 : memref<48x128xf32, #tpu.memory_space<vmem_shared>>)
      tpu.yield
    }) : () -> ()
    %add3A_16 = arith.constant 192 : i32
    %add3A_17 = arith.addi %mul3A_7, %add3A_16 : i32
    "tpu.region"() ({
      %run_scoped3A = tpu.sem_alloc : memref<!tpu.dma_semaphore, #tpu.memory_space<semaphore_mem>>
      %dma_start3A_346 = arith.constant 0 : i32
      %dma_start3A_347 = arith.constant 0 : i32
      %dma_start3A_348 = tpu.memref_slice %arg12[%dma_start3A_346, %dma_start3A_347] : memref<80x128xf32, #tpu.memory_space<vmem>> -> memref<48x128xf32, #tpu.memory_space<vmem>>
      %dma_start3A_349 = arith.constant 0 : i32
      %dma_start3A_350 = tpu.memref_slice %arg15[%add3A_17, %dma_start3A_349] : memref<10000x128xf32, #tpu.memory_space<vmem_shared>> -> memref<48x128xf32, #tpu.memory_space<vmem_shared>>
      %dma_start3A_351 = arith.constant 0 : i32
      %dma_start3A_352 = tpu.memref_slice %arg15[%add3A_17, %dma_start3A_351] : memref<10000x128xf32, #tpu.memory_space<vmem_shared>> -> memref<48x128xf32, #tpu.memory_space<vmem_shared>>
      %dma_start3A_353 = arith.constant 0 : i32
      %dma_start3A_354 = arith.constant 0 : i32
      %dma_start3A_355 = tpu.memref_slice %arg12[%dma_start3A_353, %dma_start3A_354] : memref<80x128xf32, #tpu.memory_space<vmem>> -> memref<48x128xf32, #tpu.memory_space<vmem>>
      tpu.enqueue_dma source(%dma_start3A_355 : memref<48x128xf32, #tpu.memory_space<vmem>>) target(%dma_start3A_352 : memref<48x128xf32, #tpu.memory_space<vmem_shared>>) target_semaphore(%run_scoped3A : memref<!tpu.dma_semaphore, #tpu.memory_space<semaphore_mem>>)
      %dma_wait3A_356 = arith.constant 0 : i32
      %dma_wait3A_357 = arith.constant 0 : i32
      %dma_wait3A_358 = tpu.memref_slice %arg12[%dma_wait3A_356, %dma_wait3A_357] : memref<80x128xf32, #tpu.memory_space<vmem>> -> memref<48x128xf32, #tpu.memory_space<vmem>>
      %dma_wait3A_359 = arith.constant 0 : i32
      %dma_wait3A_360 = tpu.memref_slice %arg15[%add3A_17, %dma_wait3A_359] : memref<10000x128xf32, #tpu.memory_space<vmem_shared>> -> memref<48x128xf32, #tpu.memory_space<vmem_shared>>
      %dma_wait3A_361 = arith.constant 0 : i32
      %dma_wait3A_362 = tpu.memref_slice %arg15[%add3A_17, %dma_wait3A_361] : memref<10000x128xf32, #tpu.memory_space<vmem_shared>> -> memref<48x128xf32, #tpu.memory_space<vmem_shared>>
      %dma_wait3A_363 = arith.constant 0 : i32
      %dma_wait3A_364 = arith.constant 0 : i32
      %dma_wait3A_365 = tpu.memref_slice %arg12[%dma_wait3A_363, %dma_wait3A_364] : memref<80x128xf32, #tpu.memory_space<vmem>> -> memref<48x128xf32, #tpu.memory_space<vmem>>
      tpu.wait_dma2 semaphore(%run_scoped3A : memref<!tpu.dma_semaphore, #tpu.memory_space<semaphore_mem>>) src(%dma_wait3A_365 : memref<48x128xf32, #tpu.memory_space<vmem>>) dst(%dma_wait3A_362 : memref<48x128xf32, #tpu.memory_space<vmem_shared>>)
      tpu.yield
    }) : () -> ()
    %add3A_18 = arith.constant 240 : i32
    %add3A_19 = arith.addi %mul3A_7, %add3A_18 : i32
    "tpu.region"() ({
      %run_scoped3A = tpu.sem_alloc : memref<!tpu.dma_semaphore, #tpu.memory_space<semaphore_mem>>
      %dma_start3A_346 = arith.constant 0 : i32
      %dma_start3A_347 = arith.constant 0 : i32
      %dma_start3A_348 = tpu.memref_slice %arg12[%dma_start3A_346, %dma_start3A_347] : memref<80x128xf32, #tpu.memory_space<vmem>> -> memref<48x128xf32, #tpu.memory_space<vmem>>
      %dma_start3A_349 = arith.constant 0 : i32
      %dma_start3A_350 = tpu.memref_slice %arg15[%add3A_19, %dma_start3A_349] : memref<10000x128xf32, #tpu.memory_space<vmem_shared>> -> memref<48x128xf32, #tpu.memory_space<vmem_shared>>
      %dma_start3A_351 = arith.constant 0 : i32
      %dma_start3A_352 = tpu.memref_slice %arg15[%add3A_19, %dma_start3A_351] : memref<10000x128xf32, #tpu.memory_space<vmem_shared>> -> memref<48x128xf32, #tpu.memory_space<vmem_shared>>
      %dma_start3A_353 = arith.constant 0 : i32
      %dma_start3A_354 = arith.constant 0 : i32
      %dma_start3A_355 = tpu.memref_slice %arg12[%dma_start3A_353, %dma_start3A_354] : memref<80x128xf32, #tpu.memory_space<vmem>> -> memref<48x128xf32, #tpu.memory_space<vmem>>
      tpu.enqueue_dma source(%dma_start3A_355 : memref<48x128xf32, #tpu.memory_space<vmem>>) target(%dma_start3A_352 : memref<48x128xf32, #tpu.memory_space<vmem_shared>>) target_semaphore(%run_scoped3A : memref<!tpu.dma_semaphore, #tpu.memory_space<semaphore_mem>>)
      %dma_wait3A_356 = arith.constant 0 : i32
      %dma_wait3A_357 = arith.constant 0 : i32
      %dma_wait3A_358 = tpu.memref_slice %arg12[%dma_wait3A_356, %dma_wait3A_357] : memref<80x128xf32, #tpu.memory_space<vmem>> -> memref<48x128xf32, #tpu.memory_space<vmem>>
      %dma_wait3A_359 = arith.constant 0 : i32
      %dma_wait3A_360 = tpu.memref_slice %arg15[%add3A_19, %dma_wait3A_359] : memref<10000x128xf32, #tpu.memory_space<vmem_shared>> -> memref<48x128xf32, #tpu.memory_space<vmem_shared>>
      %dma_wait3A_361 = arith.constant 0 : i32
      %dma_wait3A_362 = tpu.memref_slice %arg15[%add3A_19, %dma_wait3A_361] : memref<10000x128xf32, #tpu.memory_space<vmem_shared>> -> memref<48x128xf32, #tpu.memory_space<vmem_shared>>
      %dma_wait3A_363 = arith.constant 0 : i32
      %dma_wait3A_364 = arith.constant 0 : i32
      %dma_wait3A_365 = tpu.memref_slice %arg12[%dma_wait3A_363, %dma_wait3A_364] : memref<80x128xf32, #tpu.memory_space<vmem>> -> memref<48x128xf32, #tpu.memory_space<vmem>>
      tpu.wait_dma2 semaphore(%run_scoped3A : memref<!tpu.dma_semaphore, #tpu.memory_space<semaphore_mem>>) src(%dma_wait3A_365 : memref<48x128xf32, #tpu.memory_space<vmem>>) dst(%dma_wait3A_362 : memref<48x128xf32, #tpu.memory_space<vmem_shared>>)
      tpu.yield
    }) : () -> ()
    %add3A_20 = arith.constant 288 : i32
    %add3A_21 = arith.addi %mul3A_7, %add3A_20 : i32
    "tpu.region"() ({
      %run_scoped3A = tpu.sem_alloc : memref<!tpu.dma_semaphore, #tpu.memory_space<semaphore_mem>>
      %dma_start3A_346 = arith.constant 0 : i32
      %dma_start3A_347 = arith.constant 0 : i32
      %dma_start3A_348 = tpu.memref_slice %arg12[%dma_start3A_346, %dma_start3A_347] : memref<80x128xf32, #tpu.memory_space<vmem>> -> memref<48x128xf32, #tpu.memory_space<vmem>>
      %dma_start3A_349 = arith.constant 0 : i32
      %dma_start3A_350 = tpu.memref_slice %arg15[%add3A_21, %dma_start3A_349] : memref<10000x128xf32, #tpu.memory_space<vmem_shared>> -> memref<48x128xf32, #tpu.memory_space<vmem_shared>>
      %dma_start3A_351 = arith.constant 0 : i32
      %dma_start3A_352 = tpu.memref_slice %arg15[%add3A_21, %dma_start3A_351] : memref<10000x128xf32, #tpu.memory_space<vmem_shared>> -> memref<48x128xf32, #tpu.memory_space<vmem_shared>>
      %dma_start3A_353 = arith.constant 0 : i32
      %dma_start3A_354 = arith.constant 0 : i32
      %dma_start3A_355 = tpu.memref_slice %arg12[%dma_start3A_353, %dma_start3A_354] : memref<80x128xf32, #tpu.memory_space<vmem>> -> memref<48x128xf32, #tpu.memory_space<vmem>>
      tpu.enqueue_dma source(%dma_start3A_355 : memref<48x128xf32, #tpu.memory_space<vmem>>) target(%dma_start3A_352 : memref<48x128xf32, #tpu.memory_space<vmem_shared>>) target_semaphore(%run_scoped3A : memref<!tpu.dma_semaphore, #tpu.memory_space<semaphore_mem>>)
      %dma_wait3A_356 = arith.constant 0 : i32
      %dma_wait3A_357 = arith.constant 0 : i32
      %dma_wait3A_358 = tpu.memref_slice %arg12[%dma_wait3A_356, %dma_wait3A_357] : memref<80x128xf32, #tpu.memory_space<vmem>> -> memref<48x128xf32, #tpu.memory_space<vmem>>
      %dma_wait3A_359 = arith.constant 0 : i32
      %dma_wait3A_360 = tpu.memref_slice %arg15[%add3A_21, %dma_wait3A_359] : memref<10000x128xf32, #tpu.memory_space<vmem_shared>> -> memref<48x128xf32, #tpu.memory_space<vmem_shared>>
      %dma_wait3A_361 = arith.constant 0 : i32
      %dma_wait3A_362 = tpu.memref_slice %arg15[%add3A_21, %dma_wait3A_361] : memref<10000x128xf32, #tpu.memory_space<vmem_shared>> -> memref<48x128xf32, #tpu.memory_space<vmem_shared>>
      %dma_wait3A_363 = arith.constant 0 : i32
      %dma_wait3A_364 = arith.constant 0 : i32
      %dma_wait3A_365 = tpu.memref_slice %arg12[%dma_wait3A_363, %dma_wait3A_364] : memref<80x128xf32, #tpu.memory_space<vmem>> -> memref<48x128xf32, #tpu.memory_space<vmem>>
      tpu.wait_dma2 semaphore(%run_scoped3A : memref<!tpu.dma_semaphore, #tpu.memory_space<semaphore_mem>>) src(%dma_wait3A_365 : memref<48x128xf32, #tpu.memory_space<vmem>>) dst(%dma_wait3A_362 : memref<48x128xf32, #tpu.memory_space<vmem_shared>>)
      tpu.yield
    }) : () -> ()
    %add3A_22 = arith.constant 336 : i32
    %add3A_23 = arith.addi %mul3A_7, %add3A_22 : i32
    "tpu.region"() ({
      %run_scoped3A = tpu.sem_alloc : memref<!tpu.dma_semaphore, #tpu.memory_space<semaphore_mem>>
      %dma_start3A_346 = arith.constant 0 : i32
      %dma_start3A_347 = arith.constant 0 : i32
      %dma_start3A_348 = tpu.memref_slice %arg12[%dma_start3A_346, %dma_start3A_347] : memref<80x128xf32, #tpu.memory_space<vmem>> -> memref<48x128xf32, #tpu.memory_space<vmem>>
      %dma_start3A_349 = arith.constant 0 : i32
      %dma_start3A_350 = tpu.memref_slice %arg15[%add3A_23, %dma_start3A_349] : memref<10000x128xf32, #tpu.memory_space<vmem_shared>> -> memref<48x128xf32, #tpu.memory_space<vmem_shared>>
      %dma_start3A_351 = arith.constant 0 : i32
      %dma_start3A_352 = tpu.memref_slice %arg15[%add3A_23, %dma_start3A_351] : memref<10000x128xf32, #tpu.memory_space<vmem_shared>> -> memref<48x128xf32, #tpu.memory_space<vmem_shared>>
      %dma_start3A_353 = arith.constant 0 : i32
      %dma_start3A_354 = arith.constant 0 : i32
      %dma_start3A_355 = tpu.memref_slice %arg12[%dma_start3A_353, %dma_start3A_354] : memref<80x128xf32, #tpu.memory_space<vmem>> -> memref<48x128xf32, #tpu.memory_space<vmem>>
      tpu.enqueue_dma source(%dma_start3A_355 : memref<48x128xf32, #tpu.memory_space<vmem>>) target(%dma_start3A_352 : memref<48x128xf32, #tpu.memory_space<vmem_shared>>) target_semaphore(%run_scoped3A : memref<!tpu.dma_semaphore, #tpu.memory_space<semaphore_mem>>)
      %dma_wait3A_356 = arith.constant 0 : i32
      %dma_wait3A_357 = arith.constant 0 : i32
      %dma_wait3A_358 = tpu.memref_slice %arg12[%dma_wait3A_356, %dma_wait3A_357] : memref<80x128xf32, #tpu.memory_space<vmem>> -> memref<48x128xf32, #tpu.memory_space<vmem>>
      %dma_wait3A_359 = arith.constant 0 : i32
      %dma_wait3A_360 = tpu.memref_slice %arg15[%add3A_23, %dma_wait3A_359] : memref<10000x128xf32, #tpu.memory_space<vmem_shared>> -> memref<48x128xf32, #tpu.memory_space<vmem_shared>>
      %dma_wait3A_361 = arith.constant 0 : i32
      %dma_wait3A_362 = tpu.memref_slice %arg15[%add3A_23, %dma_wait3A_361] : memref<10000x128xf32, #tpu.memory_space<vmem_shared>> -> memref<48x128xf32, #tpu.memory_space<vmem_shared>>
      %dma_wait3A_363 = arith.constant 0 : i32
      %dma_wait3A_364 = arith.constant 0 : i32
      %dma_wait3A_365 = tpu.memref_slice %arg12[%dma_wait3A_363, %dma_wait3A_364] : memref<80x128xf32, #tpu.memory_space<vmem>> -> memref<48x128xf32, #tpu.memory_space<vmem>>
      tpu.wait_dma2 semaphore(%run_scoped3A : memref<!tpu.dma_semaphore, #tpu.memory_space<semaphore_mem>>) src(%dma_wait3A_365 : memref<48x128xf32, #tpu.memory_space<vmem>>) dst(%dma_wait3A_362 : memref<48x128xf32, #tpu.memory_space<vmem_shared>>)
      tpu.yield
    }) : () -> ()
    %add3A_24 = arith.constant 384 : i32
    %add3A_25 = arith.addi %mul3A_7, %add3A_24 : i32
    "tpu.region"() ({
      %run_scoped3A = tpu.sem_alloc : memref<!tpu.dma_semaphore, #tpu.memory_space<semaphore_mem>>
      %dma_start3A_346 = arith.constant 0 : i32
      %dma_start3A_347 = arith.constant 0 : i32
      %dma_start3A_348 = tpu.memref_slice %arg12[%dma_start3A_346, %dma_start3A_347] : memref<80x128xf32, #tpu.memory_space<vmem>> -> memref<48x128xf32, #tpu.memory_space<vmem>>
      %dma_start3A_349 = arith.constant 0 : i32
      %dma_start3A_350 = tpu.memref_slice %arg15[%add3A_25, %dma_start3A_349] : memref<10000x128xf32, #tpu.memory_space<vmem_shared>> -> memref<48x128xf32, #tpu.memory_space<vmem_shared>>
      %dma_start3A_351 = arith.constant 0 : i32
      %dma_start3A_352 = tpu.memref_slice %arg15[%add3A_25, %dma_start3A_351] : memref<10000x128xf32, #tpu.memory_space<vmem_shared>> -> memref<48x128xf32, #tpu.memory_space<vmem_shared>>
      %dma_start3A_353 = arith.constant 0 : i32
      %dma_start3A_354 = arith.constant 0 : i32
      %dma_start3A_355 = tpu.memref_slice %arg12[%dma_start3A_353, %dma_start3A_354] : memref<80x128xf32, #tpu.memory_space<vmem>> -> memref<48x128xf32, #tpu.memory_space<vmem>>
      tpu.enqueue_dma source(%dma_start3A_355 : memref<48x128xf32, #tpu.memory_space<vmem>>) target(%dma_start3A_352 : memref<48x128xf32, #tpu.memory_space<vmem_shared>>) target_semaphore(%run_scoped3A : memref<!tpu.dma_semaphore, #tpu.memory_space<semaphore_mem>>)
      %dma_wait3A_356 = arith.constant 0 : i32
      %dma_wait3A_357 = arith.constant 0 : i32
      %dma_wait3A_358 = tpu.memref_slice %arg12[%dma_wait3A_356, %dma_wait3A_357] : memref<80x128xf32, #tpu.memory_space<vmem>> -> memref<48x128xf32, #tpu.memory_space<vmem>>
      %dma_wait3A_359 = arith.constant 0 : i32
      %dma_wait3A_360 = tpu.memref_slice %arg15[%add3A_25, %dma_wait3A_359] : memref<10000x128xf32, #tpu.memory_space<vmem_shared>> -> memref<48x128xf32, #tpu.memory_space<vmem_shared>>
      %dma_wait3A_361 = arith.constant 0 : i32
      %dma_wait3A_362 = tpu.memref_slice %arg15[%add3A_25, %dma_wait3A_361] : memref<10000x128xf32, #tpu.memory_space<vmem_shared>> -> memref<48x128xf32, #tpu.memory_space<vmem_shared>>
      %dma_wait3A_363 = arith.constant 0 : i32
      %dma_wait3A_364 = arith.constant 0 : i32
      %dma_wait3A_365 = tpu.memref_slice %arg12[%dma_wait3A_363, %dma_wait3A_364] : memref<80x128xf32, #tpu.memory_space<vmem>> -> memref<48x128xf32, #tpu.memory_space<vmem>>
      tpu.wait_dma2 semaphore(%run_scoped3A : memref<!tpu.dma_semaphore, #tpu.memory_space<semaphore_mem>>) src(%dma_wait3A_365 : memref<48x128xf32, #tpu.memory_space<vmem>>) dst(%dma_wait3A_362 : memref<48x128xf32, #tpu.memory_space<vmem_shared>>)
      tpu.yield
    }) : () -> ()
    %add3A_26 = arith.constant 432 : i32
    %add3A_27 = arith.addi %mul3A_7, %add3A_26 : i32
    "tpu.region"() ({
      %run_scoped3A = tpu.sem_alloc : memref<!tpu.dma_semaphore, #tpu.memory_space<semaphore_mem>>
      %dma_start3A_346 = arith.constant 0 : i32
      %dma_start3A_347 = arith.constant 0 : i32
      %dma_start3A_348 = tpu.memref_slice %arg12[%dma_start3A_346, %dma_start3A_347] : memref<80x128xf32, #tpu.memory_space<vmem>> -> memref<48x128xf32, #tpu.memory_space<vmem>>
      %dma_start3A_349 = arith.constant 0 : i32
      %dma_start3A_350 = tpu.memref_slice %arg15[%add3A_27, %dma_start3A_349] : memref<10000x128xf32, #tpu.memory_space<vmem_shared>> -> memref<48x128xf32, #tpu.memory_space<vmem_shared>>
      %dma_start3A_351 = arith.constant 0 : i32
      %dma_start3A_352 = tpu.memref_slice %arg15[%add3A_27, %dma_start3A_351] : memref<10000x128xf32, #tpu.memory_space<vmem_shared>> -> memref<48x128xf32, #tpu.memory_space<vmem_shared>>
      %dma_start3A_353 = arith.constant 0 : i32
      %dma_start3A_354 = arith.constant 0 : i32
      %dma_start3A_355 = tpu.memref_slice %arg12[%dma_start3A_353, %dma_start3A_354] : memref<80x128xf32, #tpu.memory_space<vmem>> -> memref<48x128xf32, #tpu.memory_space<vmem>>
      tpu.enqueue_dma source(%dma_start3A_355 : memref<48x128xf32, #tpu.memory_space<vmem>>) target(%dma_start3A_352 : memref<48x128xf32, #tpu.memory_space<vmem_shared>>) target_semaphore(%run_scoped3A : memref<!tpu.dma_semaphore, #tpu.memory_space<semaphore_mem>>)
      %dma_wait3A_356 = arith.constant 0 : i32
      %dma_wait3A_357 = arith.constant 0 : i32
      %dma_wait3A_358 = tpu.memref_slice %arg12[%dma_wait3A_356, %dma_wait3A_357] : memref<80x128xf32, #tpu.memory_space<vmem>> -> memref<48x128xf32, #tpu.memory_space<vmem>>
      %dma_wait3A_359 = arith.constant 0 : i32
      %dma_wait3A_360 = tpu.memref_slice %arg15[%add3A_27, %dma_wait3A_359] : memref<10000x128xf32, #tpu.memory_space<vmem_shared>> -> memref<48x128xf32, #tpu.memory_space<vmem_shared>>
      %dma_wait3A_361 = arith.constant 0 : i32
      %dma_wait3A_362 = tpu.memref_slice %arg15[%add3A_27, %dma_wait3A_361] : memref<10000x128xf32, #tpu.memory_space<vmem_shared>> -> memref<48x128xf32, #tpu.memory_space<vmem_shared>>
      %dma_wait3A_363 = arith.constant 0 : i32
      %dma_wait3A_364 = arith.constant 0 : i32
      %dma_wait3A_365 = tpu.memref_slice %arg12[%dma_wait3A_363, %dma_wait3A_364] : memref<80x128xf32, #tpu.memory_space<vmem>> -> memref<48x128xf32, #tpu.memory_space<vmem>>
      tpu.wait_dma2 semaphore(%run_scoped3A : memref<!tpu.dma_semaphore, #tpu.memory_space<semaphore_mem>>) src(%dma_wait3A_365 : memref<48x128xf32, #tpu.memory_space<vmem>>) dst(%dma_wait3A_362 : memref<48x128xf32, #tpu.memory_space<vmem_shared>>)
      tpu.yield
    }) : () -> ()
    %add3A_28 = arith.constant 480 : i32
    %add3A_29 = arith.addi %mul3A_7, %add3A_28 : i32
    "tpu.region"() ({
      %run_scoped3A = tpu.sem_alloc : memref<!tpu.dma_semaphore, #tpu.memory_space<semaphore_mem>>
      %dma_start3A_346 = arith.constant 0 : i32
      %dma_start3A_347 = arith.constant 0 : i32
      %dma_start3A_348 = tpu.memref_slice %arg12[%dma_start3A_346, %dma_start3A_347] : memref<80x128xf32, #tpu.memory_space<vmem>> -> memref<48x128xf32, #tpu.memory_space<vmem>>
      %dma_start3A_349 = arith.constant 0 : i32
      %dma_start3A_350 = tpu.memref_slice %arg15[%add3A_29, %dma_start3A_349] : memref<10000x128xf32, #tpu.memory_space<vmem_shared>> -> memref<48x128xf32, #tpu.memory_space<vmem_shared>>
      %dma_start3A_351 = arith.constant 0 : i32
      %dma_start3A_352 = tpu.memref_slice %arg15[%add3A_29, %dma_start3A_351] : memref<10000x128xf32, #tpu.memory_space<vmem_shared>> -> memref<48x128xf32, #tpu.memory_space<vmem_shared>>
      %dma_start3A_353 = arith.constant 0 : i32
      %dma_start3A_354 = arith.constant 0 : i32
      %dma_start3A_355 = tpu.memref_slice %arg12[%dma_start3A_353, %dma_start3A_354] : memref<80x128xf32, #tpu.memory_space<vmem>> -> memref<48x128xf32, #tpu.memory_space<vmem>>
      tpu.enqueue_dma source(%dma_start3A_355 : memref<48x128xf32, #tpu.memory_space<vmem>>) target(%dma_start3A_352 : memref<48x128xf32, #tpu.memory_space<vmem_shared>>) target_semaphore(%run_scoped3A : memref<!tpu.dma_semaphore, #tpu.memory_space<semaphore_mem>>)
      %dma_wait3A_356 = arith.constant 0 : i32
      %dma_wait3A_357 = arith.constant 0 : i32
      %dma_wait3A_358 = tpu.memref_slice %arg12[%dma_wait3A_356, %dma_wait3A_357] : memref<80x128xf32, #tpu.memory_space<vmem>> -> memref<48x128xf32, #tpu.memory_space<vmem>>
      %dma_wait3A_359 = arith.constant 0 : i32
      %dma_wait3A_360 = tpu.memref_slice %arg15[%add3A_29, %dma_wait3A_359] : memref<10000x128xf32, #tpu.memory_space<vmem_shared>> -> memref<48x128xf32, #tpu.memory_space<vmem_shared>>
      %dma_wait3A_361 = arith.constant 0 : i32
      %dma_wait3A_362 = tpu.memref_slice %arg15[%add3A_29, %dma_wait3A_361] : memref<10000x128xf32, #tpu.memory_space<vmem_shared>> -> memref<48x128xf32, #tpu.memory_space<vmem_shared>>
      %dma_wait3A_363 = arith.constant 0 : i32
      %dma_wait3A_364 = arith.constant 0 : i32
      %dma_wait3A_365 = tpu.memref_slice %arg12[%dma_wait3A_363, %dma_wait3A_364] : memref<80x128xf32, #tpu.memory_space<vmem>> -> memref<48x128xf32, #tpu.memory_space<vmem>>
      tpu.wait_dma2 semaphore(%run_scoped3A : memref<!tpu.dma_semaphore, #tpu.memory_space<semaphore_mem>>) src(%dma_wait3A_365 : memref<48x128xf32, #tpu.memory_space<vmem>>) dst(%dma_wait3A_362 : memref<48x128xf32, #tpu.memory_space<vmem_shared>>)
      tpu.yield
    }) : () -> ()
    %add3A_30 = arith.constant 528 : i32
    %add3A_31 = arith.addi %mul3A_7, %add3A_30 : i32
    "tpu.region"() ({
      %run_scoped3A = tpu.sem_alloc : memref<!tpu.dma_semaphore, #tpu.memory_space<semaphore_mem>>
      %dma_start3A_346 = arith.constant 0 : i32
      %dma_start3A_347 = arith.constant 0 : i32
      %dma_start3A_348 = tpu.memref_slice %arg12[%dma_start3A_346, %dma_start3A_347] : memref<80x128xf32, #tpu.memory_space<vmem>> -> memref<48x128xf32, #tpu.memory_space<vmem>>
      %dma_start3A_349 = arith.constant 0 : i32
      %dma_start3A_350 = tpu.memref_slice %arg15[%add3A_31, %dma_start3A_349] : memref<10000x128xf32, #tpu.memory_space<vmem_shared>> -> memref<48x128xf32, #tpu.memory_space<vmem_shared>>
      %dma_start3A_351 = arith.constant 0 : i32
      %dma_start3A_352 = tpu.memref_slice %arg15[%add3A_31, %dma_start3A_351] : memref<10000x128xf32, #tpu.memory_space<vmem_shared>> -> memref<48x128xf32, #tpu.memory_space<vmem_shared>>
      %dma_start3A_353 = arith.constant 0 : i32
      %dma_start3A_354 = arith.constant 0 : i32
      %dma_start3A_355 = tpu.memref_slice %arg12[%dma_start3A_353, %dma_start3A_354] : memref<80x128xf32, #tpu.memory_space<vmem>> -> memref<48x128xf32, #tpu.memory_space<vmem>>
      tpu.enqueue_dma source(%dma_start3A_355 : memref<48x128xf32, #tpu.memory_space<vmem>>) target(%dma_start3A_352 : memref<48x128xf32, #tpu.memory_space<vmem_shared>>) target_semaphore(%run_scoped3A : memref<!tpu.dma_semaphore, #tpu.memory_space<semaphore_mem>>)
      %dma_wait3A_356 = arith.constant 0 : i32
      %dma_wait3A_357 = arith.constant 0 : i32
      %dma_wait3A_358 = tpu.memref_slice %arg12[%dma_wait3A_356, %dma_wait3A_357] : memref<80x128xf32, #tpu.memory_space<vmem>> -> memref<48x128xf32, #tpu.memory_space<vmem>>
      %dma_wait3A_359 = arith.constant 0 : i32
      %dma_wait3A_360 = tpu.memref_slice %arg15[%add3A_31, %dma_wait3A_359] : memref<10000x128xf32, #tpu.memory_space<vmem_shared>> -> memref<48x128xf32, #tpu.memory_space<vmem_shared>>
      %dma_wait3A_361 = arith.constant 0 : i32
      %dma_wait3A_362 = tpu.memref_slice %arg15[%add3A_31, %dma_wait3A_361] : memref<10000x128xf32, #tpu.memory_space<vmem_shared>> -> memref<48x128xf32, #tpu.memory_space<vmem_shared>>
      %dma_wait3A_363 = arith.constant 0 : i32
      %dma_wait3A_364 = arith.constant 0 : i32
      %dma_wait3A_365 = tpu.memref_slice %arg12[%dma_wait3A_363, %dma_wait3A_364] : memref<80x128xf32, #tpu.memory_space<vmem>> -> memref<48x128xf32, #tpu.memory_space<vmem>>
      tpu.wait_dma2 semaphore(%run_scoped3A : memref<!tpu.dma_semaphore, #tpu.memory_space<semaphore_mem>>) src(%dma_wait3A_365 : memref<48x128xf32, #tpu.memory_space<vmem>>) dst(%dma_wait3A_362 : memref<48x128xf32, #tpu.memory_space<vmem_shared>>)
      tpu.yield
    }) : () -> ()
    %add3A_32 = arith.constant 576 : i32
    %add3A_33 = arith.addi %mul3A_7, %add3A_32 : i32
    "tpu.region"() ({
      %run_scoped3A = tpu.sem_alloc : memref<!tpu.dma_semaphore, #tpu.memory_space<semaphore_mem>>
      %dma_start3A_346 = arith.constant 0 : i32
      %dma_start3A_347 = arith.constant 0 : i32
      %dma_start3A_348 = tpu.memref_slice %arg12[%dma_start3A_346, %dma_start3A_347] : memref<80x128xf32, #tpu.memory_space<vmem>> -> memref<48x128xf32, #tpu.memory_space<vmem>>
      %dma_start3A_349 = arith.constant 0 : i32
      %dma_start3A_350 = tpu.memref_slice %arg15[%add3A_33, %dma_start3A_349] : memref<10000x128xf32, #tpu.memory_space<vmem_shared>> -> memref<48x128xf32, #tpu.memory_space<vmem_shared>>
      %dma_start3A_351 = arith.constant 0 : i32
      %dma_start3A_352 = tpu.memref_slice %arg15[%add3A_33, %dma_start3A_351] : memref<10000x128xf32, #tpu.memory_space<vmem_shared>> -> memref<48x128xf32, #tpu.memory_space<vmem_shared>>
      %dma_start3A_353 = arith.constant 0 : i32
      %dma_start3A_354 = arith.constant 0 : i32
      %dma_start3A_355 = tpu.memref_slice %arg12[%dma_start3A_353, %dma_start3A_354] : memref<80x128xf32, #tpu.memory_space<vmem>> -> memref<48x128xf32, #tpu.memory_space<vmem>>
      tpu.enqueue_dma source(%dma_start3A_355 : memref<48x128xf32, #tpu.memory_space<vmem>>) target(%dma_start3A_352 : memref<48x128xf32, #tpu.memory_space<vmem_shared>>) target_semaphore(%run_scoped3A : memref<!tpu.dma_semaphore, #tpu.memory_space<semaphore_mem>>)
      %dma_wait3A_356 = arith.constant 0 : i32
      %dma_wait3A_357 = arith.constant 0 : i32
      %dma_wait3A_358 = tpu.memref_slice %arg12[%dma_wait3A_356, %dma_wait3A_357] : memref<80x128xf32, #tpu.memory_space<vmem>> -> memref<48x128xf32, #tpu.memory_space<vmem>>
      %dma_wait3A_359 = arith.constant 0 : i32
      %dma_wait3A_360 = tpu.memref_slice %arg15[%add3A_33, %dma_wait3A_359] : memref<10000x128xf32, #tpu.memory_space<vmem_shared>> -> memref<48x128xf32, #tpu.memory_space<vmem_shared>>
      %dma_wait3A_361 = arith.constant 0 : i32
      %dma_wait3A_362 = tpu.memref_slice %arg15[%add3A_33, %dma_wait3A_361] : memref<10000x128xf32, #tpu.memory_space<vmem_shared>> -> memref<48x128xf32, #tpu.memory_space<vmem_shared>>
      %dma_wait3A_363 = arith.constant 0 : i32
      %dma_wait3A_364 = arith.constant 0 : i32
      %dma_wait3A_365 = tpu.memref_slice %arg12[%dma_wait3A_363, %dma_wait3A_364] : memref<80x128xf32, #tpu.memory_space<vmem>> -> memref<48x128xf32, #tpu.memory_space<vmem>>
      tpu.wait_dma2 semaphore(%run_scoped3A : memref<!tpu.dma_semaphore, #tpu.memory_space<semaphore_mem>>) src(%dma_wait3A_365 : memref<48x128xf32, #tpu.memory_space<vmem>>) dst(%dma_wait3A_362 : memref<48x128xf32, #tpu.memory_space<vmem_shared>>)
      tpu.yield
    }) : () -> ()
    %eq3A = arith.constant 15 : i32
    %eq3A_34 = arith.cmpi eq, %arg1, %eq3A : i32
    %convert_element_type3A = arith.extui %eq3A_34 : i1 to i32
    %cond3A = arith.constant 0 : i32
    %cond3A_35 = arith.cmpi ne, %convert_element_type3A, %cond3A : i32
    scf.if %cond3A_35 {
      "tpu.region"() ({
        %run_scoped3A = tpu.sem_alloc : memref<!tpu.dma_semaphore, #tpu.memory_space<semaphore_mem>>
        %dma_start3A_346 = arith.constant 0 : i32
        %dma_start3A_347 = arith.constant 0 : i32
        %dma_start3A_348 = tpu.memref_slice %arg12[%dma_start3A_346, %dma_start3A_347] : memref<80x128xf32, #tpu.memory_space<vmem>> -> memref<16x128xf32, #tpu.memory_space<vmem>>
        %dma_start3A_349 = arith.constant 9984 : i32
        %dma_start3A_350 = arith.constant 0 : i32
        %dma_start3A_351 = tpu.memref_slice %arg15[%dma_start3A_349, %dma_start3A_350] : memref<10000x128xf32, #tpu.memory_space<vmem_shared>> -> memref<16x128xf32, #tpu.memory_space<vmem_shared>>
        %dma_start3A_352 = arith.constant 9984 : i32
        %dma_start3A_353 = arith.constant 0 : i32
        %dma_start3A_354 = tpu.memref_slice %arg15[%dma_start3A_352, %dma_start3A_353] : memref<10000x128xf32, #tpu.memory_space<vmem_shared>> -> memref<16x128xf32, #tpu.memory_space<vmem_shared>>
        %dma_start3A_355 = arith.constant 0 : i32
        %dma_start3A_356 = arith.constant 0 : i32
        %dma_start3A_357 = tpu.memref_slice %arg12[%dma_start3A_355, %dma_start3A_356] : memref<80x128xf32, #tpu.memory_space<vmem>> -> memref<16x128xf32, #tpu.memory_space<vmem>>
        tpu.enqueue_dma source(%dma_start3A_357 : memref<16x128xf32, #tpu.memory_space<vmem>>) target(%dma_start3A_354 : memref<16x128xf32, #tpu.memory_space<vmem_shared>>) target_semaphore(%run_scoped3A : memref<!tpu.dma_semaphore, #tpu.memory_space<semaphore_mem>>)
        %dma_wait3A_358 = arith.constant 0 : i32
        %dma_wait3A_359 = arith.constant 0 : i32
        %dma_wait3A_360 = tpu.memref_slice %arg12[%dma_wait3A_358, %dma_wait3A_359] : memref<80x128xf32, #tpu.memory_space<vmem>> -> memref<16x128xf32, #tpu.memory_space<vmem>>
        %dma_wait3A_361 = arith.constant 9984 : i32
        %dma_wait3A_362 = arith.constant 0 : i32
        %dma_wait3A_363 = tpu.memref_slice %arg15[%dma_wait3A_361, %dma_wait3A_362] : memref<10000x128xf32, #tpu.memory_space<vmem_shared>> -> memref<16x128xf32, #tpu.memory_space<vmem_shared>>
        %dma_wait3A_364 = arith.constant 9984 : i32
        %dma_wait3A_365 = arith.constant 0 : i32
        %dma_wait3A_366 = tpu.memref_slice %arg15[%dma_wait3A_364, %dma_wait3A_365] : memref<10000x128xf32, #tpu.memory_space<vmem_shared>> -> memref<16x128xf32, #tpu.memory_space<vmem_shared>>
        %dma_wait3A_367 = arith.constant 0 : i32
        %dma_wait3A_368 = arith.constant 0 : i32
        %dma_wait3A_369 = tpu.memref_slice %arg12[%dma_wait3A_367, %dma_wait3A_368] : memref<80x128xf32, #tpu.memory_space<vmem>> -> memref<16x128xf32, #tpu.memory_space<vmem>>
        tpu.wait_dma2 semaphore(%run_scoped3A : memref<!tpu.dma_semaphore, #tpu.memory_space<semaphore_mem>>) src(%dma_wait3A_369 : memref<16x128xf32, #tpu.memory_space<vmem>>) dst(%dma_wait3A_366 : memref<16x128xf32, #tpu.memory_space<vmem_shared>>)
        tpu.yield
      }) : () -> ()
    } else {
    }
    %barrier3A = arith.constant 0 : index
    tpu.barrier barrier_id(%barrier3A)
    %get3A = arith.constant 0 : i32
    %get3A_36 = arith.index_cast %get3A : i32 to index
    %get3A_37 = arith.constant 0 : index
    %get3A_38 = tpu.vector_load %arg5[%get3A_36, %get3A_37] {strides = array<i32>} : memref<125x80xi32, #tpu.memory_space<vmem>>, vector<1x16xi32>,
    %get3A_39 = vector.shape_cast %get3A_38 : vector<1x16xi32> to vector<16xi32>
    %and3A = arith.constant 65535 : i32
    %and3A_40 = vector.broadcast %and3A : i32 to vector<16xi32>
    %and3A_41 = arith.andi %get3A_39, %and3A_40 : vector<16xi32>
    %swap3A = arith.constant 0 : index
    %swap3A_42 = tpu.vector_load %arg6[%swap3A] {strides = array<i32>} : memref<80xi32, #tpu.memory_space<vmem>>, vector<16xi32>,
    %swap3A_43 = vector.shape_cast %swap3A_42 : vector<16xi32> to vector<16xi32>
    %swap3A_44 = vector.shape_cast %and3A_41 : vector<16xi32> to vector<16xi32>
    tpu.vector_store %arg6[%swap3A], %swap3A_44 {strides = array<i32>} : memref<80xi32, #tpu.memory_space<vmem>>, vector<16xi32>,
    %shift_right_logical3A = arith.constant 16 : i32
    %shift_right_logical3A_45 = vector.broadcast %shift_right_logical3A : i32 to vector<16xi32>
    %shift_right_logical3A_46 = arith.shrui %get3A_39, %shift_right_logical3A_45 : vector<16xi32>
    %swap3A_47 = arith.constant 0 : index
    %swap3A_48 = tpu.vector_load %arg7[%swap3A_47] {strides = array<i32>} : memref<80xi32, #tpu.memory_space<vmem>>, vector<16xi32>,
    %swap3A_49 = vector.shape_cast %swap3A_48 : vector<16xi32> to vector<16xi32>
    %swap3A_50 = vector.shape_cast %shift_right_logical3A_46 : vector<16xi32> to vector<16xi32>
    tpu.vector_store %arg7[%swap3A_47], %swap3A_50 {strides = array<i32>} : memref<80xi32, #tpu.memory_space<vmem>>, vector<16xi32>,
    %get3A_51 = arith.constant 0 : i32
    %get3A_52 = arith.index_cast %get3A_51 : i32 to index
    %get3A_53 = arith.constant 16 : index
    %get3A_54 = tpu.vector_load %arg5[%get3A_52, %get3A_53] {strides = array<i32>} : memref<125x80xi32, #tpu.memory_space<vmem>>, vector<1x16xi32>,
    %get3A_55 = vector.shape_cast %get3A_54 : vector<1x16xi32> to vector<16xi32>
    %and3A_56 = arith.constant 65535 : i32
    %and3A_57 = vector.broadcast %and3A_56 : i32 to vector<16xi32>
    %and3A_58 = arith.andi %get3A_55, %and3A_57 : vector<16xi32>
    %swap3A_59 = arith.constant 16 : index
    %swap3A_60 = tpu.vector_load %arg6[%swap3A_59] {strides = array<i32>} : memref<80xi32, #tpu.memory_space<vmem>>, vector<16xi32>,
    %swap3A_61 = vector.shape_cast %swap3A_60 : vector<16xi32> to vector<16xi32>
    %swap3A_62 = vector.shape_cast %and3A_58 : vector<16xi32> to vector<16xi32>
    tpu.vector_store %arg6[%swap3A_59], %swap3A_62 {strides = array<i32>} : memref<80xi32, #tpu.memory_space<vmem>>, vector<16xi32>,
    %shift_right_logical3A_63 = arith.constant 16 : i32
    %shift_right_logical3A_64 = vector.broadcast %shift_right_logical3A_63 : i32 to vector<16xi32>
    %shift_right_logical3A_65 = arith.shrui %get3A_55, %shift_right_logical3A_64 : vector<16xi32>
    %swap3A_66 = arith.constant 16 : index
    %swap3A_67 = tpu.vector_load %arg7[%swap3A_66] {strides = array<i32>} : memref<80xi32, #tpu.memory_space<vmem>>, vector<16xi32>,
    %swap3A_68 = vector.shape_cast %swap3A_67 : vector<16xi32> to vector<16xi32>
    %swap3A_69 = vector.shape_cast %shift_right_logical3A_65 : vector<16xi32> to vector<16xi32>
    tpu.vector_store %arg7[%swap3A_66], %swap3A_69 {strides = array<i32>} : memref<80xi32, #tpu.memory_space<vmem>>, vector<16xi32>,
    %get3A_70 = arith.constant 0 : i32
    %get3A_71 = arith.index_cast %get3A_70 : i32 to index
    %get3A_72 = arith.constant 32 : index
    %get3A_73 = tpu.vector_load %arg5[%get3A_71, %get3A_72] {strides = array<i32>} : memref<125x80xi32, #tpu.memory_space<vmem>>, vector<1x16xi32>,
    %get3A_74 = vector.shape_cast %get3A_73 : vector<1x16xi32> to vector<16xi32>
    %and3A_75 = arith.constant 65535 : i32
    %and3A_76 = vector.broadcast %and3A_75 : i32 to vector<16xi32>
    %and3A_77 = arith.andi %get3A_74, %and3A_76 : vector<16xi32>
    %swap3A_78 = arith.constant 32 : index
    %swap3A_79 = tpu.vector_load %arg6[%swap3A_78] {strides = array<i32>} : memref<80xi32, #tpu.memory_space<vmem>>, vector<16xi32>,
    %swap3A_80 = vector.shape_cast %swap3A_79 : vector<16xi32> to vector<16xi32>
    %swap3A_81 = vector.shape_cast %and3A_77 : vector<16xi32> to vector<16xi32>
    tpu.vector_store %arg6[%swap3A_78], %swap3A_81 {strides = array<i32>} : memref<80xi32, #tpu.memory_space<vmem>>, vector<16xi32>,
    %shift_right_logical3A_82 = arith.constant 16 : i32
    %shift_right_logical3A_83 = vector.broadcast %shift_right_logical3A_82 : i32 to vector<16xi32>
    %shift_right_logical3A_84 = arith.shrui %get3A_74, %shift_right_logical3A_83 : vector<16xi32>
    %swap3A_85 = arith.constant 32 : index
    %swap3A_86 = tpu.vector_load %arg7[%swap3A_85] {strides = array<i32>} : memref<80xi32, #tpu.memory_space<vmem>>, vector<16xi32>,
    %swap3A_87 = vector.shape_cast %swap3A_86 : vector<16xi32> to vector<16xi32>
    %swap3A_88 = vector.shape_cast %shift_right_logical3A_84 : vector<16xi32> to vector<16xi32>
    tpu.vector_store %arg7[%swap3A_85], %swap3A_88 {strides = array<i32>} : memref<80xi32, #tpu.memory_space<vmem>>, vector<16xi32>,
    %get3A_89 = arith.constant 0 : i32
    %get3A_90 = arith.index_cast %get3A_89 : i32 to index
    %get3A_91 = arith.constant 48 : index
    %get3A_92 = tpu.vector_load %arg5[%get3A_90, %get3A_91] {strides = array<i32>} : memref<125x80xi32, #tpu.memory_space<vmem>>, vector<1x16xi32>,
    %get3A_93 = vector.shape_cast %get3A_92 : vector<1x16xi32> to vector<16xi32>
    %and3A_94 = arith.constant 65535 : i32
    %and3A_95 = vector.broadcast %and3A_94 : i32 to vector<16xi32>
    %and3A_96 = arith.andi %get3A_93, %and3A_95 : vector<16xi32>
    %swap3A_97 = arith.constant 48 : index
    %swap3A_98 = tpu.vector_load %arg6[%swap3A_97] {strides = array<i32>} : memref<80xi32, #tpu.memory_space<vmem>>, vector<16xi32>,
    %swap3A_99 = vector.shape_cast %swap3A_98 : vector<16xi32> to vector<16xi32>
    %swap3A_100 = vector.shape_cast %and3A_96 : vector<16xi32> to vector<16xi32>
    tpu.vector_store %arg6[%swap3A_97], %swap3A_100 {strides = array<i32>} : memref<80xi32, #tpu.memory_space<vmem>>, vector<16xi32>,
    %shift_right_logical3A_101 = arith.constant 16 : i32
    %shift_right_logical3A_102 = vector.broadcast %shift_right_logical3A_101 : i32 to vector<16xi32>
    %shift_right_logical3A_103 = arith.shrui %get3A_93, %shift_right_logical3A_102 : vector<16xi32>
    %swap3A_104 = arith.constant 48 : index
    %swap3A_105 = tpu.vector_load %arg7[%swap3A_104] {strides = array<i32>} : memref<80xi32, #tpu.memory_space<vmem>>, vector<16xi32>,
    %swap3A_106 = vector.shape_cast %swap3A_105 : vector<16xi32> to vector<16xi32>
    %swap3A_107 = vector.shape_cast %shift_right_logical3A_103 : vector<16xi32> to vector<16xi32>
    tpu.vector_store %arg7[%swap3A_104], %swap3A_107 {strides = array<i32>} : memref<80xi32, #tpu.memory_space<vmem>>, vector<16xi32>,
    %get3A_108 = arith.constant 0 : i32
    %get3A_109 = arith.index_cast %get3A_108 : i32 to index
    %get3A_110 = arith.constant 64 : index
    %get3A_111 = tpu.vector_load %arg5[%get3A_109, %get3A_110] {strides = array<i32>} : memref<125x80xi32, #tpu.memory_space<vmem>>, vector<1x16xi32>,
    %get3A_112 = vector.shape_cast %get3A_111 : vector<1x16xi32> to vector<16xi32>
    %and3A_113 = arith.constant 65535 : i32
    %and3A_114 = vector.broadcast %and3A_113 : i32 to vector<16xi32>
    %and3A_115 = arith.andi %get3A_112, %and3A_114 : vector<16xi32>
    %swap3A_116 = arith.constant 64 : index
    %swap3A_117 = tpu.vector_load %arg6[%swap3A_116] {strides = array<i32>} : memref<80xi32, #tpu.memory_space<vmem>>, vector<16xi32>,
    %swap3A_118 = vector.shape_cast %swap3A_117 : vector<16xi32> to vector<16xi32>
    %swap3A_119 = vector.shape_cast %and3A_115 : vector<16xi32> to vector<16xi32>
    tpu.vector_store %arg6[%swap3A_116], %swap3A_119 {strides = array<i32>} : memref<80xi32, #tpu.memory_space<vmem>>, vector<16xi32>,
    %shift_right_logical3A_120 = arith.constant 16 : i32
    %shift_right_logical3A_121 = vector.broadcast %shift_right_logical3A_120 : i32 to vector<16xi32>
    %shift_right_logical3A_122 = arith.shrui %get3A_112, %shift_right_logical3A_121 : vector<16xi32>
    %swap3A_123 = arith.constant 64 : index
    %swap3A_124 = tpu.vector_load %arg7[%swap3A_123] {strides = array<i32>} : memref<80xi32, #tpu.memory_space<vmem>>, vector<16xi32>,
    %swap3A_125 = vector.shape_cast %swap3A_124 : vector<16xi32> to vector<16xi32>
    %swap3A_126 = vector.shape_cast %shift_right_logical3A_122 : vector<16xi32> to vector<16xi32>
    tpu.vector_store %arg7[%swap3A_123], %swap3A_126 {strides = array<i32>} : memref<80xi32, #tpu.memory_space<vmem>>, vector<16xi32>,
    %dma_start3A = arith.constant 0 : i32
    %dma_start3A_127 = arith.constant 0 : i32
    %dma_start3A_128 = tpu.memref_slice %arg3[%dma_start3A, %dma_start3A_127] : memref<10000x128xf32, #tpu.memory_space<hbm>> -> memref<10000x128xf32, #tpu.memory_space<hbm>>
    tpu.enqueue_indirect_dma source(%dma_start3A_128 : memref<10000x128xf32, #tpu.memory_space<hbm>>) target(%arg12 : memref<80x128xf32, #tpu.memory_space<vmem>>) offsets(%arg6 : memref<80xi32, #tpu.memory_space<vmem>>) semaphore(%arg16 : memref<!tpu.dma_semaphore, #tpu.memory_space<semaphore_mem>>)
    %get3A_129 = arith.constant 1 : i32
    %get3A_130 = arith.index_cast %get3A_129 : i32 to index
    %get3A_131 = arith.constant 0 : index
    %get3A_132 = tpu.vector_load %arg5[%get3A_130, %get3A_131] {strides = array<i32>} : memref<125x80xi32, #tpu.memory_space<vmem>>, vector<1x16xi32>,
    %get3A_133 = vector.shape_cast %get3A_132 : vector<1x16xi32> to vector<16xi32>
    %and3A_134 = arith.constant 65535 : i32
    %and3A_135 = vector.broadcast %and3A_134 : i32 to vector<16xi32>
    %and3A_136 = arith.andi %get3A_133, %and3A_135 : vector<16xi32>
    %swap3A_137 = arith.constant 0 : index
    %swap3A_138 = tpu.vector_load %arg8[%swap3A_137] {strides = array<i32>} : memref<80xi32, #tpu.memory_space<vmem>>, vector<16xi32>,
    %swap3A_139 = vector.shape_cast %swap3A_138 : vector<16xi32> to vector<16xi32>
    %swap3A_140 = vector.shape_cast %and3A_136 : vector<16xi32> to vector<16xi32>
    tpu.vector_store %arg8[%swap3A_137], %swap3A_140 {strides = array<i32>} : memref<80xi32, #tpu.memory_space<vmem>>, vector<16xi32>,
    %shift_right_logical3A_141 = arith.constant 16 : i32
    %shift_right_logical3A_142 = vector.broadcast %shift_right_logical3A_141 : i32 to vector<16xi32>
    %shift_right_logical3A_143 = arith.shrui %get3A_133, %shift_right_logical3A_142 : vector<16xi32>
    %swap3A_144 = arith.constant 0 : index
    %swap3A_145 = tpu.vector_load %arg9[%swap3A_144] {strides = array<i32>} : memref<80xi32, #tpu.memory_space<vmem>>, vector<16xi32>,
    %swap3A_146 = vector.shape_cast %swap3A_145 : vector<16xi32> to vector<16xi32>
    %swap3A_147 = vector.shape_cast %shift_right_logical3A_143 : vector<16xi32> to vector<16xi32>
    tpu.vector_store %arg9[%swap3A_144], %swap3A_147 {strides = array<i32>} : memref<80xi32, #tpu.memory_space<vmem>>, vector<16xi32>,
    %get3A_148 = arith.constant 1 : i32
    %get3A_149 = arith.index_cast %get3A_148 : i32 to index
    %get3A_150 = arith.constant 16 : index
    %get3A_151 = tpu.vector_load %arg5[%get3A_149, %get3A_150] {strides = array<i32>} : memref<125x80xi32, #tpu.memory_space<vmem>>, vector<1x16xi32>,
    %get3A_152 = vector.shape_cast %get3A_151 : vector<1x16xi32> to vector<16xi32>
    %and3A_153 = arith.constant 65535 : i32
    %and3A_154 = vector.broadcast %and3A_153 : i32 to vector<16xi32>
    %and3A_155 = arith.andi %get3A_152, %and3A_154 : vector<16xi32>
    %swap3A_156 = arith.constant 16 : index
    %swap3A_157 = tpu.vector_load %arg8[%swap3A_156] {strides = array<i32>} : memref<80xi32, #tpu.memory_space<vmem>>, vector<16xi32>,
    %swap3A_158 = vector.shape_cast %swap3A_157 : vector<16xi32> to vector<16xi32>
    %swap3A_159 = vector.shape_cast %and3A_155 : vector<16xi32> to vector<16xi32>
    tpu.vector_store %arg8[%swap3A_156], %swap3A_159 {strides = array<i32>} : memref<80xi32, #tpu.memory_space<vmem>>, vector<16xi32>,
    %shift_right_logical3A_160 = arith.constant 16 : i32
    %shift_right_logical3A_161 = vector.broadcast %shift_right_logical3A_160 : i32 to vector<16xi32>
    %shift_right_logical3A_162 = arith.shrui %get3A_152, %shift_right_logical3A_161 : vector<16xi32>
    %swap3A_163 = arith.constant 16 : index
    %swap3A_164 = tpu.vector_load %arg9[%swap3A_163] {strides = array<i32>} : memref<80xi32, #tpu.memory_space<vmem>>, vector<16xi32>,
    %swap3A_165 = vector.shape_cast %swap3A_164 : vector<16xi32> to vector<16xi32>
    %swap3A_166 = vector.shape_cast %shift_right_logical3A_162 : vector<16xi32> to vector<16xi32>
    tpu.vector_store %arg9[%swap3A_163], %swap3A_166 {strides = array<i32>} : memref<80xi32, #tpu.memory_space<vmem>>, vector<16xi32>,
    %get3A_167 = arith.constant 1 : i32
    %get3A_168 = arith.index_cast %get3A_167 : i32 to index
    %get3A_169 = arith.constant 32 : index
    %get3A_170 = tpu.vector_load %arg5[%get3A_168, %get3A_169] {strides = array<i32>} : memref<125x80xi32, #tpu.memory_space<vmem>>, vector<1x16xi32>,
    %get3A_171 = vector.shape_cast %get3A_170 : vector<1x16xi32> to vector<16xi32>
    %and3A_172 = arith.constant 65535 : i32
    %and3A_173 = vector.broadcast %and3A_172 : i32 to vector<16xi32>
    %and3A_174 = arith.andi %get3A_171, %and3A_173 : vector<16xi32>
    %swap3A_175 = arith.constant 32 : index
    %swap3A_176 = tpu.vector_load %arg8[%swap3A_175] {strides = array<i32>} : memref<80xi32, #tpu.memory_space<vmem>>, vector<16xi32>,
    %swap3A_177 = vector.shape_cast %swap3A_176 : vector<16xi32> to vector<16xi32>
    %swap3A_178 = vector.shape_cast %and3A_174 : vector<16xi32> to vector<16xi32>
    tpu.vector_store %arg8[%swap3A_175], %swap3A_178 {strides = array<i32>} : memref<80xi32, #tpu.memory_space<vmem>>, vector<16xi32>,
    %shift_right_logical3A_179 = arith.constant 16 : i32
    %shift_right_logical3A_180 = vector.broadcast %shift_right_logical3A_179 : i32 to vector<16xi32>
    %shift_right_logical3A_181 = arith.shrui %get3A_171, %shift_right_logical3A_180 : vector<16xi32>
    %swap3A_182 = arith.constant 32 : index
    %swap3A_183 = tpu.vector_load %arg9[%swap3A_182] {strides = array<i32>} : memref<80xi32, #tpu.memory_space<vmem>>, vector<16xi32>,
    %swap3A_184 = vector.shape_cast %swap3A_183 : vector<16xi32> to vector<16xi32>
    %swap3A_185 = vector.shape_cast %shift_right_logical3A_181 : vector<16xi32> to vector<16xi32>
    tpu.vector_store %arg9[%swap3A_182], %swap3A_185 {strides = array<i32>} : memref<80xi32, #tpu.memory_space<vmem>>, vector<16xi32>,
    %get3A_186 = arith.constant 1 : i32
    %get3A_187 = arith.index_cast %get3A_186 : i32 to index
    %get3A_188 = arith.constant 48 : index
    %get3A_189 = tpu.vector_load %arg5[%get3A_187, %get3A_188] {strides = array<i32>} : memref<125x80xi32, #tpu.memory_space<vmem>>, vector<1x16xi32>,
    %get3A_190 = vector.shape_cast %get3A_189 : vector<1x16xi32> to vector<16xi32>
    %and3A_191 = arith.constant 65535 : i32
    %and3A_192 = vector.broadcast %and3A_191 : i32 to vector<16xi32>
    %and3A_193 = arith.andi %get3A_190, %and3A_192 : vector<16xi32>
    %swap3A_194 = arith.constant 48 : index
    %swap3A_195 = tpu.vector_load %arg8[%swap3A_194] {strides = array<i32>} : memref<80xi32, #tpu.memory_space<vmem>>, vector<16xi32>,
    %swap3A_196 = vector.shape_cast %swap3A_195 : vector<16xi32> to vector<16xi32>
    %swap3A_197 = vector.shape_cast %and3A_193 : vector<16xi32> to vector<16xi32>
    tpu.vector_store %arg8[%swap3A_194], %swap3A_197 {strides = array<i32>} : memref<80xi32, #tpu.memory_space<vmem>>, vector<16xi32>,
    %shift_right_logical3A_198 = arith.constant 16 : i32
    %shift_right_logical3A_199 = vector.broadcast %shift_right_logical3A_198 : i32 to vector<16xi32>
    %shift_right_logical3A_200 = arith.shrui %get3A_190, %shift_right_logical3A_199 : vector<16xi32>
    %swap3A_201 = arith.constant 48 : index
    %swap3A_202 = tpu.vector_load %arg9[%swap3A_201] {strides = array<i32>} : memref<80xi32, #tpu.memory_space<vmem>>, vector<16xi32>,
    %swap3A_203 = vector.shape_cast %swap3A_202 : vector<16xi32> to vector<16xi32>
    %swap3A_204 = vector.shape_cast %shift_right_logical3A_200 : vector<16xi32> to vector<16xi32>
    tpu.vector_store %arg9[%swap3A_201], %swap3A_204 {strides = array<i32>} : memref<80xi32, #tpu.memory_space<vmem>>, vector<16xi32>,
    %get3A_205 = arith.constant 1 : i32
    %get3A_206 = arith.index_cast %get3A_205 : i32 to index
    %get3A_207 = arith.constant 64 : index
    %get3A_208 = tpu.vector_load %arg5[%get3A_206, %get3A_207] {strides = array<i32>} : memref<125x80xi32, #tpu.memory_space<vmem>>, vector<1x16xi32>,
    %get3A_209 = vector.shape_cast %get3A_208 : vector<1x16xi32> to vector<16xi32>
    %and3A_210 = arith.constant 65535 : i32
    %and3A_211 = vector.broadcast %and3A_210 : i32 to vector<16xi32>
    %and3A_212 = arith.andi %get3A_209, %and3A_211 : vector<16xi32>
    %swap3A_213 = arith.constant 64 : index
    %swap3A_214 = tpu.vector_load %arg8[%swap3A_213] {strides = array<i32>} : memref<80xi32, #tpu.memory_space<vmem>>, vector<16xi32>,
    %swap3A_215 = vector.shape_cast %swap3A_214 : vector<16xi32> to vector<16xi32>
    %swap3A_216 = vector.shape_cast %and3A_212 : vector<16xi32> to vector<16xi32>
    tpu.vector_store %arg8[%swap3A_213], %swap3A_216 {strides = array<i32>} : memref<80xi32, #tpu.memory_space<vmem>>, vector<16xi32>,
    %shift_right_logical3A_217 = arith.constant 16 : i32
    %shift_right_logical3A_218 = vector.broadcast %shift_right_logical3A_217 : i32 to vector<16xi32>
    %shift_right_logical3A_219 = arith.shrui %get3A_209, %shift_right_logical3A_218 : vector<16xi32>
    %swap3A_220 = arith.constant 64 : index
    %swap3A_221 = tpu.vector_load %arg9[%swap3A_220] {strides = array<i32>} : memref<80xi32, #tpu.memory_space<vmem>>, vector<16xi32>,
    %swap3A_222 = vector.shape_cast %swap3A_221 : vector<16xi32> to vector<16xi32>
    %swap3A_223 = vector.shape_cast %shift_right_logical3A_219 : vector<16xi32> to vector<16xi32>
    tpu.vector_store %arg9[%swap3A_220], %swap3A_223 {strides = array<i32>} : memref<80xi32, #tpu.memory_space<vmem>>, vector<16xi32>,
    %dma_start3A_224 = arith.constant 0 : i32
    %dma_start3A_225 = arith.constant 0 : i32
    %dma_start3A_226 = tpu.memref_slice %arg3[%dma_start3A_224, %dma_start3A_225] : memref<10000x128xf32, #tpu.memory_space<hbm>> -> memref<10000x128xf32, #tpu.memory_space<hbm>>
    tpu.enqueue_indirect_dma source(%dma_start3A_226 : memref<10000x128xf32, #tpu.memory_space<hbm>>) target(%arg13 : memref<80x128xf32, #tpu.memory_space<vmem>>) offsets(%arg8 : memref<80xi32, #tpu.memory_space<vmem>>) semaphore(%arg17 : memref<!tpu.dma_semaphore, #tpu.memory_space<semaphore_mem>>)
    %get3A_227 = arith.constant 2 : i32
    %get3A_228 = arith.index_cast %get3A_227 : i32 to index
    %get3A_229 = arith.constant 0 : index
    %get3A_230 = tpu.vector_load %arg5[%get3A_228, %get3A_229] {strides = array<i32>} : memref<125x80xi32, #tpu.memory_space<vmem>>, vector<1x16xi32>,
    %get3A_231 = vector.shape_cast %get3A_230 : vector<1x16xi32> to vector<16xi32>
    %and3A_232 = arith.constant 65535 : i32
    %and3A_233 = vector.broadcast %and3A_232 : i32 to vector<16xi32>
    %and3A_234 = arith.andi %get3A_231, %and3A_233 : vector<16xi32>
    %swap3A_235 = arith.constant 0 : index
    %swap3A_236 = tpu.vector_load %arg10[%swap3A_235] {strides = array<i32>} : memref<80xi32, #tpu.memory_space<vmem>>, vector<16xi32>,
    %swap3A_237 = vector.shape_cast %swap3A_236 : vector<16xi32> to vector<16xi32>
    %swap3A_238 = vector.shape_cast %and3A_234 : vector<16xi32> to vector<16xi32>
    tpu.vector_store %arg10[%swap3A_235], %swap3A_238 {strides = array<i32>} : memref<80xi32, #tpu.memory_space<vmem>>, vector<16xi32>,
    %shift_right_logical3A_239 = arith.constant 16 : i32
    %shift_right_logical3A_240 = vector.broadcast %shift_right_logical3A_239 : i32 to vector<16xi32>
    %shift_right_logical3A_241 = arith.shrui %get3A_231, %shift_right_logical3A_240 : vector<16xi32>
    %swap3A_242 = arith.constant 0 : index
    %swap3A_243 = tpu.vector_load %arg11[%swap3A_242] {strides = array<i32>} : memref<80xi32, #tpu.memory_space<vmem>>, vector<16xi32>,
    %swap3A_244 = vector.shape_cast %swap3A_243 : vector<16xi32> to vector<16xi32>
    %swap3A_245 = vector.shape_cast %shift_right_logical3A_241 : vector<16xi32> to vector<16xi32>
    tpu.vector_store %arg11[%swap3A_242], %swap3A_245 {strides = array<i32>} : memref<80xi32, #tpu.memory_space<vmem>>, vector<16xi32>,
    %get3A_246 = arith.constant 2 : i32
    %get3A_247 = arith.index_cast %get3A_246 : i32 to index
    %get3A_248 = arith.constant 16 : index
    %get3A_249 = tpu.vector_load %arg5[%get3A_247, %get3A_248] {strides = array<i32>} : memref<125x80xi32, #tpu.memory_space<vmem>>, vector<1x16xi32>,
    %get3A_250 = vector.shape_cast %get3A_249 : vector<1x16xi32> to vector<16xi32>
    %and3A_251 = arith.constant 65535 : i32
    %and3A_252 = vector.broadcast %and3A_251 : i32 to vector<16xi32>
    %and3A_253 = arith.andi %get3A_250, %and3A_252 : vector<16xi32>
    %swap3A_254 = arith.constant 16 : index
    %swap3A_255 = tpu.vector_load %arg10[%swap3A_254] {strides = array<i32>} : memref<80xi32, #tpu.memory_space<vmem>>, vector<16xi32>,
    %swap3A_256 = vector.shape_cast %swap3A_255 : vector<16xi32> to vector<16xi32>
    %swap3A_257 = vector.shape_cast %and3A_253 : vector<16xi32> to vector<16xi32>
    tpu.vector_store %arg10[%swap3A_254], %swap3A_257 {strides = array<i32>} : memref<80xi32, #tpu.memory_space<vmem>>, vector<16xi32>,
    %shift_right_logical3A_258 = arith.constant 16 : i32
    %shift_right_logical3A_259 = vector.broadcast %shift_right_logical3A_258 : i32 to vector<16xi32>
    %shift_right_logical3A_260 = arith.shrui %get3A_250, %shift_right_logical3A_259 : vector<16xi32>
    %swap3A_261 = arith.constant 16 : index
    %swap3A_262 = tpu.vector_load %arg11[%swap3A_261] {strides = array<i32>} : memref<80xi32, #tpu.memory_space<vmem>>, vector<16xi32>,
    %swap3A_263 = vector.shape_cast %swap3A_262 : vector<16xi32> to vector<16xi32>
    %swap3A_264 = vector.shape_cast %shift_right_logical3A_260 : vector<16xi32> to vector<16xi32>
    tpu.vector_store %arg11[%swap3A_261], %swap3A_264 {strides = array<i32>} : memref<80xi32, #tpu.memory_space<vmem>>, vector<16xi32>,
    %get3A_265 = arith.constant 2 : i32
    %get3A_266 = arith.index_cast %get3A_265 : i32 to index
    %get3A_267 = arith.constant 32 : index
    %get3A_268 = tpu.vector_load %arg5[%get3A_266, %get3A_267] {strides = array<i32>} : memref<125x80xi32, #tpu.memory_space<vmem>>, vector<1x16xi32>,
    %get3A_269 = vector.shape_cast %get3A_268 : vector<1x16xi32> to vector<16xi32>
    %and3A_270 = arith.constant 65535 : i32
    %and3A_271 = vector.broadcast %and3A_270 : i32 to vector<16xi32>
    %and3A_272 = arith.andi %get3A_269, %and3A_271 : vector<16xi32>
    %swap3A_273 = arith.constant 32 : index
    %swap3A_274 = tpu.vector_load %arg10[%swap3A_273] {strides = array<i32>} : memref<80xi32, #tpu.memory_space<vmem>>, vector<16xi32>,
    %swap3A_275 = vector.shape_cast %swap3A_274 : vector<16xi32> to vector<16xi32>
    %swap3A_276 = vector.shape_cast %and3A_272 : vector<16xi32> to vector<16xi32>
    tpu.vector_store %arg10[%swap3A_273], %swap3A_276 {strides = array<i32>} : memref<80xi32, #tpu.memory_space<vmem>>, vector<16xi32>,
    %shift_right_logical3A_277 = arith.constant 16 : i32
    %shift_right_logical3A_278 = vector.broadcast %shift_right_logical3A_277 : i32 to vector<16xi32>
    %shift_right_logical3A_279 = arith.shrui %get3A_269, %shift_right_logical3A_278 : vector<16xi32>
    %swap3A_280 = arith.constant 32 : index
    %swap3A_281 = tpu.vector_load %arg11[%swap3A_280] {strides = array<i32>} : memref<80xi32, #tpu.memory_space<vmem>>, vector<16xi32>,
    %swap3A_282 = vector.shape_cast %swap3A_281 : vector<16xi32> to vector<16xi32>
    %swap3A_283 = vector.shape_cast %shift_right_logical3A_279 : vector<16xi32> to vector<16xi32>
    tpu.vector_store %arg11[%swap3A_280], %swap3A_283 {strides = array<i32>} : memref<80xi32, #tpu.memory_space<vmem>>, vector<16xi32>,
    %get3A_284 = arith.constant 2 : i32
    %get3A_285 = arith.index_cast %get3A_284 : i32 to index
    %get3A_286 = arith.constant 48 : index
    %get3A_287 = tpu.vector_load %arg5[%get3A_285, %get3A_286] {strides = array<i32>} : memref<125x80xi32, #tpu.memory_space<vmem>>, vector<1x16xi32>,
    %get3A_288 = vector.shape_cast %get3A_287 : vector<1x16xi32> to vector<16xi32>
    %and3A_289 = arith.constant 65535 : i32
    %and3A_290 = vector.broadcast %and3A_289 : i32 to vector<16xi32>
    %and3A_291 = arith.andi %get3A_288, %and3A_290 : vector<16xi32>
    %swap3A_292 = arith.constant 48 : index
    %swap3A_293 = tpu.vector_load %arg10[%swap3A_292] {strides = array<i32>} : memref<80xi32, #tpu.memory_space<vmem>>, vector<16xi32>,
    %swap3A_294 = vector.shape_cast %swap3A_293 : vector<16xi32> to vector<16xi32>
    %swap3A_295 = vector.shape_cast %and3A_291 : vector<16xi32> to vector<16xi32>
    tpu.vector_store %arg10[%swap3A_292], %swap3A_295 {strides = array<i32>} : memref<80xi32, #tpu.memory_space<vmem>>, vector<16xi32>,
    %shift_right_logical3A_296 = arith.constant 16 : i32
    %shift_right_logical3A_297 = vector.broadcast %shift_right_logical3A_296 : i32 to vector<16xi32>
    %shift_right_logical3A_298 = arith.shrui %get3A_288, %shift_right_logical3A_297 : vector<16xi32>
    %swap3A_299 = arith.constant 48 : index
    %swap3A_300 = tpu.vector_load %arg11[%swap3A_299] {strides = array<i32>} : memref<80xi32, #tpu.memory_space<vmem>>, vector<16xi32>,
    %swap3A_301 = vector.shape_cast %swap3A_300 : vector<16xi32> to vector<16xi32>
    %swap3A_302 = vector.shape_cast %shift_right_logical3A_298 : vector<16xi32> to vector<16xi32>
    tpu.vector_store %arg11[%swap3A_299], %swap3A_302 {strides = array<i32>} : memref<80xi32, #tpu.memory_space<vmem>>, vector<16xi32>,
    %get3A_303 = arith.constant 2 : i32
    %get3A_304 = arith.index_cast %get3A_303 : i32 to index
    %get3A_305 = arith.constant 64 : index
    %get3A_306 = tpu.vector_load %arg5[%get3A_304, %get3A_305] {strides = array<i32>} : memref<125x80xi32, #tpu.memory_space<vmem>>, vector<1x16xi32>,
    %get3A_307 = vector.shape_cast %get3A_306 : vector<1x16xi32> to vector<16xi32>
    %and3A_308 = arith.constant 65535 : i32
    %and3A_309 = vector.broadcast %and3A_308 : i32 to vector<16xi32>
    %and3A_310 = arith.andi %get3A_307, %and3A_309 : vector<16xi32>
    %swap3A_311 = arith.constant 64 : index
    %swap3A_312 = tpu.vector_load %arg10[%swap3A_311] {strides = array<i32>} : memref<80xi32, #tpu.memory_space<vmem>>, vector<16xi32>,
    %swap3A_313 = vector.shape_cast %swap3A_312 : vector<16xi32> to vector<16xi32>
    %swap3A_314 = vector.shape_cast %and3A_310 : vector<16xi32> to vector<16xi32>
    tpu.vector_store %arg10[%swap3A_311], %swap3A_314 {strides = array<i32>} : memref<80xi32, #tpu.memory_space<vmem>>, vector<16xi32>,
    %shift_right_logical3A_315 = arith.constant 16 : i32
    %shift_right_logical3A_316 = vector.broadcast %shift_right_logical3A_315 : i32 to vector<16xi32>
    %shift_right_logical3A_317 = arith.shrui %get3A_307, %shift_right_logical3A_316 : vector<16xi32>
    %swap3A_318 = arith.constant 64 : index
    %swap3A_319 = tpu.vector_load %arg11[%swap3A_318] {strides = array<i32>} : memref<80xi32, #tpu.memory_space<vmem>>, vector<16xi32>,
    %swap3A_320 = vector.shape_cast %swap3A_319 : vector<16xi32> to vector<16xi32>
    %swap3A_321 = vector.shape_cast %shift_right_logical3A_317 : vector<16xi32> to vector<16xi32>
    tpu.vector_store %arg11[%swap3A_318], %swap3A_321 {strides = array<i32>} : memref<80xi32, #tpu.memory_space<vmem>>, vector<16xi32>,
    %dma_start3A_322 = arith.constant 0 : i32
    %dma_start3A_323 = arith.constant 0 : i32
    %dma_start3A_324 = tpu.memref_slice %arg3[%dma_start3A_322, %dma_start3A_323] : memref<10000x128xf32, #tpu.memory_space<hbm>> -> memref<10000x128xf32, #tpu.memory_space<hbm>>
    tpu.enqueue_indirect_dma source(%dma_start3A_324 : memref<10000x128xf32, #tpu.memory_space<hbm>>) target(%arg14 : memref<80x128xf32, #tpu.memory_space<vmem>>) offsets(%arg10 : memref<80xi32, #tpu.memory_space<vmem>>) semaphore(%arg18 : memref<!tpu.dma_semaphore, #tpu.memory_space<semaphore_mem>>)
    %scan3A_325 = arith.constant 0 : i32
    %scan3A_326 = arith.constant 0 : i32
    %scan3A_327 = arith.constant 41 : i32
    %scan3A_328 = arith.addi %scan3A_326, %scan3A_327 : i32
    %scan3A_329 = arith.constant 1 : i32
    scf.for %scan3A_346 = %scan3A_326 to %scan3A_328 step %scan3A_329  : i32 {
      %mul3A_347 = arith.constant 3 : i32
      %mul3A_348 = arith.muli %mul3A_347, %scan3A_346 : i32
      %dma_wait3A_349 = arith.constant 0 : i32
      %dma_wait3A_350 = arith.constant 0 : i32
      %dma_wait3A_351 = tpu.memref_slice %arg3[%dma_wait3A_349, %dma_wait3A_350] : memref<10000x128xf32, #tpu.memory_space<hbm>> -> memref<10000x128xf32, #tpu.memory_space<hbm>>
      tpu.wait_indirect_dma semaphore(%arg16 : memref<!tpu.dma_semaphore, #tpu.memory_space<semaphore_mem>>) src(%dma_wait3A_351 : memref<10000x128xf32, #tpu.memory_space<hbm>>) dst(%arg12 : memref<80x128xf32, #tpu.memory_space<vmem>>)
      "tpu.region"() ({
        %run_scoped3A = tpu.sem_alloc : memref<!tpu.dma_semaphore, #tpu.memory_space<semaphore_mem>>
        %dma_start3A_385 = arith.constant 0 : i32
        %dma_start3A_386 = arith.constant 0 : i32
        %dma_start3A_387 = tpu.memref_slice %arg15[%dma_start3A_385, %dma_start3A_386] : memref<10000x128xf32, #tpu.memory_space<vmem_shared>> -> memref<10000x128xf32, #tpu.memory_space<vmem_shared>>
        tpu.enqueue_indirect_dma source(%arg12 : memref<80x128xf32, #tpu.memory_space<vmem>>) target(%dma_start3A_387 : memref<10000x128xf32, #tpu.memory_space<vmem_shared>>) offsets(%arg7 : memref<80xi32, #tpu.memory_space<vmem>>) semaphore(%run_scoped3A : memref<!tpu.dma_semaphore, #tpu.memory_space<semaphore_mem>>) {add = true}
        %dma_wait3A_388 = arith.constant 0 : i32
        %dma_wait3A_389 = arith.constant 0 : i32
        %dma_wait3A_390 = tpu.memref_slice %arg15[%dma_wait3A_388, %dma_wait3A_389] : memref<10000x128xf32, #tpu.memory_space<vmem_shared>> -> memref<10000x128xf32, #tpu.memory_space<vmem_shared>>
        tpu.wait_indirect_dma semaphore(%run_scoped3A : memref<!tpu.dma_semaphore, #tpu.memory_space<semaphore_mem>>) src(%arg12 : memref<80x128xf32, #tpu.memory_space<vmem>>) dst(%dma_wait3A_390 : memref<10000x128xf32, #tpu.memory_space<vmem_shared>>)
        tpu.yield
      }) : () -> ()
      %add3A_352 = arith.constant 0 : i32
      %add3A_353 = arith.addi %mul3A_348, %add3A_352 : i32
      %add3A_354 = arith.constant 3 : i32
      %add3A_355 = arith.addi %add3A_353, %add3A_354 : i32
      %lt3A_356 = arith.constant 125 : i32
      %lt3A_357 = arith.cmpi slt, %add3A_355, %lt3A_356 : i32
      %convert_element_type3A_358 = arith.extui %lt3A_357 : i1 to i32
      %cond3A_359 = arith.constant 0 : i32
      %cond3A_360 = arith.cmpi ne, %convert_element_type3A_358, %cond3A_359 : i32
      scf.if %cond3A_360 {
        %add3A_385 = arith.constant 0 : i32
        %add3A_386 = arith.addi %mul3A_348, %add3A_385 : i32
        %add3A_387 = arith.constant 3 : i32
        %add3A_388 = arith.addi %add3A_386, %add3A_387 : i32
        %get3A_389 = arith.index_cast %add3A_388 : i32 to index
        %get3A_390 = arith.constant 0 : index
        %get3A_391 = tpu.vector_load %arg5[%get3A_389, %get3A_390] {strides = array<i32>} : memref<125x80xi32, #tpu.memory_space<vmem>>, vector<1x16xi32>,
        %get3A_392 = vector.shape_cast %get3A_391 : vector<1x16xi32> to vector<16xi32>
        %and3A_393 = arith.constant 65535 : i32
        %and3A_394 = vector.broadcast %and3A_393 : i32 to vector<16xi32>
        %and3A_395 = arith.andi %get3A_392, %and3A_394 : vector<16xi32>
        %swap3A_396 = arith.constant 0 : index
        %swap3A_397 = tpu.vector_load %arg6[%swap3A_396] {strides = array<i32>} : memref<80xi32, #tpu.memory_space<vmem>>, vector<16xi32>,
        %swap3A_398 = vector.shape_cast %swap3A_397 : vector<16xi32> to vector<16xi32>
        %swap3A_399 = vector.shape_cast %and3A_395 : vector<16xi32> to vector<16xi32>
        tpu.vector_store %arg6[%swap3A_396], %swap3A_399 {strides = array<i32>} : memref<80xi32, #tpu.memory_space<vmem>>, vector<16xi32>,
        %shift_right_logical3A_400 = arith.constant 16 : i32
        %shift_right_logical3A_401 = vector.broadcast %shift_right_logical3A_400 : i32 to vector<16xi32>
        %shift_right_logical3A_402 = arith.shrui %get3A_392, %shift_right_logical3A_401 : vector<16xi32>
        %swap3A_403 = arith.constant 0 : index
        %swap3A_404 = tpu.vector_load %arg7[%swap3A_403] {strides = array<i32>} : memref<80xi32, #tpu.memory_space<vmem>>, vector<16xi32>,
        %swap3A_405 = vector.shape_cast %swap3A_404 : vector<16xi32> to vector<16xi32>
        %swap3A_406 = vector.shape_cast %shift_right_logical3A_402 : vector<16xi32> to vector<16xi32>
        tpu.vector_store %arg7[%swap3A_403], %swap3A_406 {strides = array<i32>} : memref<80xi32, #tpu.memory_space<vmem>>, vector<16xi32>,
        %get3A_407 = arith.index_cast %add3A_388 : i32 to index
        %get3A_408 = arith.constant 16 : index
        %get3A_409 = tpu.vector_load %arg5[%get3A_407, %get3A_408] {strides = array<i32>} : memref<125x80xi32, #tpu.memory_space<vmem>>, vector<1x16xi32>,
        %get3A_410 = vector.shape_cast %get3A_409 : vector<1x16xi32> to vector<16xi32>
        %and3A_411 = arith.constant 65535 : i32
        %and3A_412 = vector.broadcast %and3A_411 : i32 to vector<16xi32>
        %and3A_413 = arith.andi %get3A_410, %and3A_412 : vector<16xi32>
        %swap3A_414 = arith.constant 16 : index
        %swap3A_415 = tpu.vector_load %arg6[%swap3A_414] {strides = array<i32>} : memref<80xi32, #tpu.memory_space<vmem>>, vector<16xi32>,
        %swap3A_416 = vector.shape_cast %swap3A_415 : vector<16xi32> to vector<16xi32>
        %swap3A_417 = vector.shape_cast %and3A_413 : vector<16xi32> to vector<16xi32>
        tpu.vector_store %arg6[%swap3A_414], %swap3A_417 {strides = array<i32>} : memref<80xi32, #tpu.memory_space<vmem>>, vector<16xi32>,
        %shift_right_logical3A_418 = arith.constant 16 : i32
        %shift_right_logical3A_419 = vector.broadcast %shift_right_logical3A_418 : i32 to vector<16xi32>
        %shift_right_logical3A_420 = arith.shrui %get3A_410, %shift_right_logical3A_419 : vector<16xi32>
        %swap3A_421 = arith.constant 16 : index
        %swap3A_422 = tpu.vector_load %arg7[%swap3A_421] {strides = array<i32>} : memref<80xi32, #tpu.memory_space<vmem>>, vector<16xi32>,
        %swap3A_423 = vector.shape_cast %swap3A_422 : vector<16xi32> to vector<16xi32>
        %swap3A_424 = vector.shape_cast %shift_right_logical3A_420 : vector<16xi32> to vector<16xi32>
        tpu.vector_store %arg7[%swap3A_421], %swap3A_424 {strides = array<i32>} : memref<80xi32, #tpu.memory_space<vmem>>, vector<16xi32>,
        %get3A_425 = arith.index_cast %add3A_388 : i32 to index
        %get3A_426 = arith.constant 32 : index
        %get3A_427 = tpu.vector_load %arg5[%get3A_425, %get3A_426] {strides = array<i32>} : memref<125x80xi32, #tpu.memory_space<vmem>>, vector<1x16xi32>,
        %get3A_428 = vector.shape_cast %get3A_427 : vector<1x16xi32> to vector<16xi32>
        %and3A_429 = arith.constant 65535 : i32
        %and3A_430 = vector.broadcast %and3A_429 : i32 to vector<16xi32>
        %and3A_431 = arith.andi %get3A_428, %and3A_430 : vector<16xi32>
        %swap3A_432 = arith.constant 32 : index
        %swap3A_433 = tpu.vector_load %arg6[%swap3A_432] {strides = array<i32>} : memref<80xi32, #tpu.memory_space<vmem>>, vector<16xi32>,
        %swap3A_434 = vector.shape_cast %swap3A_433 : vector<16xi32> to vector<16xi32>
        %swap3A_435 = vector.shape_cast %and3A_431 : vector<16xi32> to vector<16xi32>
        tpu.vector_store %arg6[%swap3A_432], %swap3A_435 {strides = array<i32>} : memref<80xi32, #tpu.memory_space<vmem>>, vector<16xi32>,
        %shift_right_logical3A_436 = arith.constant 16 : i32
        %shift_right_logical3A_437 = vector.broadcast %shift_right_logical3A_436 : i32 to vector<16xi32>
        %shift_right_logical3A_438 = arith.shrui %get3A_428, %shift_right_logical3A_437 : vector<16xi32>
        %swap3A_439 = arith.constant 32 : index
        %swap3A_440 = tpu.vector_load %arg7[%swap3A_439] {strides = array<i32>} : memref<80xi32, #tpu.memory_space<vmem>>, vector<16xi32>,
        %swap3A_441 = vector.shape_cast %swap3A_440 : vector<16xi32> to vector<16xi32>
        %swap3A_442 = vector.shape_cast %shift_right_logical3A_438 : vector<16xi32> to vector<16xi32>
        tpu.vector_store %arg7[%swap3A_439], %swap3A_442 {strides = array<i32>} : memref<80xi32, #tpu.memory_space<vmem>>, vector<16xi32>,
        %get3A_443 = arith.index_cast %add3A_388 : i32 to index
        %get3A_444 = arith.constant 48 : index
        %get3A_445 = tpu.vector_load %arg5[%get3A_443, %get3A_444] {strides = array<i32>} : memref<125x80xi32, #tpu.memory_space<vmem>>, vector<1x16xi32>,
        %get3A_446 = vector.shape_cast %get3A_445 : vector<1x16xi32> to vector<16xi32>
        %and3A_447 = arith.constant 65535 : i32
        %and3A_448 = vector.broadcast %and3A_447 : i32 to vector<16xi32>
        %and3A_449 = arith.andi %get3A_446, %and3A_448 : vector<16xi32>
        %swap3A_450 = arith.constant 48 : index
        %swap3A_451 = tpu.vector_load %arg6[%swap3A_450] {strides = array<i32>} : memref<80xi32, #tpu.memory_space<vmem>>, vector<16xi32>,
        %swap3A_452 = vector.shape_cast %swap3A_451 : vector<16xi32> to vector<16xi32>
        %swap3A_453 = vector.shape_cast %and3A_449 : vector<16xi32> to vector<16xi32>
        tpu.vector_store %arg6[%swap3A_450], %swap3A_453 {strides = array<i32>} : memref<80xi32, #tpu.memory_space<vmem>>, vector<16xi32>,
        %shift_right_logical3A_454 = arith.constant 16 : i32
        %shift_right_logical3A_455 = vector.broadcast %shift_right_logical3A_454 : i32 to vector<16xi32>
        %shift_right_logical3A_456 = arith.shrui %get3A_446, %shift_right_logical3A_455 : vector<16xi32>
        %swap3A_457 = arith.constant 48 : index
        %swap3A_458 = tpu.vector_load %arg7[%swap3A_457] {strides = array<i32>} : memref<80xi32, #tpu.memory_space<vmem>>, vector<16xi32>,
        %swap3A_459 = vector.shape_cast %swap3A_458 : vector<16xi32> to vector<16xi32>
        %swap3A_460 = vector.shape_cast %shift_right_logical3A_456 : vector<16xi32> to vector<16xi32>
        tpu.vector_store %arg7[%swap3A_457], %swap3A_460 {strides = array<i32>} : memref<80xi32, #tpu.memory_space<vmem>>, vector<16xi32>,
        %get3A_461 = arith.index_cast %add3A_388 : i32 to index
        %get3A_462 = arith.constant 64 : index
        %get3A_463 = tpu.vector_load %arg5[%get3A_461, %get3A_462] {strides = array<i32>} : memref<125x80xi32, #tpu.memory_space<vmem>>, vector<1x16xi32>,
        %get3A_464 = vector.shape_cast %get3A_463 : vector<1x16xi32> to vector<16xi32>
        %and3A_465 = arith.constant 65535 : i32
        %and3A_466 = vector.broadcast %and3A_465 : i32 to vector<16xi32>
        %and3A_467 = arith.andi %get3A_464, %and3A_466 : vector<16xi32>
        %swap3A_468 = arith.constant 64 : index
        %swap3A_469 = tpu.vector_load %arg6[%swap3A_468] {strides = array<i32>} : memref<80xi32, #tpu.memory_space<vmem>>, vector<16xi32>,
        %swap3A_470 = vector.shape_cast %swap3A_469 : vector<16xi32> to vector<16xi32>
        %swap3A_471 = vector.shape_cast %and3A_467 : vector<16xi32> to vector<16xi32>
        tpu.vector_store %arg6[%swap3A_468], %swap3A_471 {strides = array<i32>} : memref<80xi32, #tpu.memory_space<vmem>>, vector<16xi32>,
        %shift_right_logical3A_472 = arith.constant 16 : i32
        %shift_right_logical3A_473 = vector.broadcast %shift_right_logical3A_472 : i32 to vector<16xi32>
        %shift_right_logical3A_474 = arith.shrui %get3A_464, %shift_right_logical3A_473 : vector<16xi32>
        %swap3A_475 = arith.constant 64 : index
        %swap3A_476 = tpu.vector_load %arg7[%swap3A_475] {strides = array<i32>} : memref<80xi32, #tpu.memory_space<vmem>>, vector<16xi32>,
        %swap3A_477 = vector.shape_cast %swap3A_476 : vector<16xi32> to vector<16xi32>
        %swap3A_478 = vector.shape_cast %shift_right_logical3A_474 : vector<16xi32> to vector<16xi32>
        tpu.vector_store %arg7[%swap3A_475], %swap3A_478 {strides = array<i32>} : memref<80xi32, #tpu.memory_space<vmem>>, vector<16xi32>,
        %dma_start3A_479 = arith.constant 0 : i32
        %dma_start3A_480 = arith.constant 0 : i32
        %dma_start3A_481 = tpu.memref_slice %arg3[%dma_start3A_479, %dma_start3A_480] : memref<10000x128xf32, #tpu.memory_space<hbm>> -> memref<10000x128xf32, #tpu.memory_space<hbm>>
        tpu.enqueue_indirect_dma source(%dma_start3A_481 : memref<10000x128xf32, #tpu.memory_space<hbm>>) target(%arg12 : memref<80x128xf32, #tpu.memory_space<vmem>>) offsets(%arg6 : memref<80xi32, #tpu.memory_space<vmem>>) semaphore(%arg16 : memref<!tpu.dma_semaphore, #tpu.memory_space<semaphore_mem>>)
      } else {
      }
      %dma_wait3A_361 = arith.constant 0 : i32
      %dma_wait3A_362 = arith.constant 0 : i32
      %dma_wait3A_363 = tpu.memref_slice %arg3[%dma_wait3A_361, %dma_wait3A_362] : memref<10000x128xf32, #tpu.memory_space<hbm>> -> memref<10000x128xf32, #tpu.memory_space<hbm>>
      tpu.wait_indirect_dma semaphore(%arg17 : memref<!tpu.dma_semaphore, #tpu.memory_space<semaphore_mem>>) src(%dma_wait3A_363 : memref<10000x128xf32, #tpu.memory_space<hbm>>) dst(%arg13 : memref<80x128xf32, #tpu.memory_space<vmem>>)
      "tpu.region"() ({
        %run_scoped3A = tpu.sem_alloc : memref<!tpu.dma_semaphore, #tpu.memory_space<semaphore_mem>>
        %dma_start3A_385 = arith.constant 0 : i32
        %dma_start3A_386 = arith.constant 0 : i32
        %dma_start3A_387 = tpu.memref_slice %arg15[%dma_start3A_385, %dma_start3A_386] : memref<10000x128xf32, #tpu.memory_space<vmem_shared>> -> memref<10000x128xf32, #tpu.memory_space<vmem_shared>>
        tpu.enqueue_indirect_dma source(%arg13 : memref<80x128xf32, #tpu.memory_space<vmem>>) target(%dma_start3A_387 : memref<10000x128xf32, #tpu.memory_space<vmem_shared>>) offsets(%arg9 : memref<80xi32, #tpu.memory_space<vmem>>) semaphore(%run_scoped3A : memref<!tpu.dma_semaphore, #tpu.memory_space<semaphore_mem>>) {add = true}
        %dma_wait3A_388 = arith.constant 0 : i32
        %dma_wait3A_389 = arith.constant 0 : i32
        %dma_wait3A_390 = tpu.memref_slice %arg15[%dma_wait3A_388, %dma_wait3A_389] : memref<10000x128xf32, #tpu.memory_space<vmem_shared>> -> memref<10000x128xf32, #tpu.memory_space<vmem_shared>>
        tpu.wait_indirect_dma semaphore(%run_scoped3A : memref<!tpu.dma_semaphore, #tpu.memory_space<semaphore_mem>>) src(%arg13 : memref<80x128xf32, #tpu.memory_space<vmem>>) dst(%dma_wait3A_390 : memref<10000x128xf32, #tpu.memory_space<vmem_shared>>)
        tpu.yield
      }) : () -> ()
      %add3A_364 = arith.constant 1 : i32
      %add3A_365 = arith.addi %mul3A_348, %add3A_364 : i32
      %add3A_366 = arith.constant 3 : i32
      %add3A_367 = arith.addi %add3A_365, %add3A_366 : i32
      %lt3A_368 = arith.constant 125 : i32
      %lt3A_369 = arith.cmpi slt, %add3A_367, %lt3A_368 : i32
      %convert_element_type3A_370 = arith.extui %lt3A_369 : i1 to i32
      %cond3A_371 = arith.constant 0 : i32
      %cond3A_372 = arith.cmpi ne, %convert_element_type3A_370, %cond3A_371 : i32
      scf.if %cond3A_372 {
        %add3A_385 = arith.constant 1 : i32
        %add3A_386 = arith.addi %mul3A_348, %add3A_385 : i32
        %add3A_387 = arith.constant 3 : i32
        %add3A_388 = arith.addi %add3A_386, %add3A_387 : i32
        %get3A_389 = arith.index_cast %add3A_388 : i32 to index
        %get3A_390 = arith.constant 0 : index
        %get3A_391 = tpu.vector_load %arg5[%get3A_389, %get3A_390] {strides = array<i32>} : memref<125x80xi32, #tpu.memory_space<vmem>>, vector<1x16xi32>,
        %get3A_392 = vector.shape_cast %get3A_391 : vector<1x16xi32> to vector<16xi32>
        %and3A_393 = arith.constant 65535 : i32
        %and3A_394 = vector.broadcast %and3A_393 : i32 to vector<16xi32>
        %and3A_395 = arith.andi %get3A_392, %and3A_394 : vector<16xi32>
        %swap3A_396 = arith.constant 0 : index
        %swap3A_397 = tpu.vector_load %arg8[%swap3A_396] {strides = array<i32>} : memref<80xi32, #tpu.memory_space<vmem>>, vector<16xi32>,
        %swap3A_398 = vector.shape_cast %swap3A_397 : vector<16xi32> to vector<16xi32>
        %swap3A_399 = vector.shape_cast %and3A_395 : vector<16xi32> to vector<16xi32>
        tpu.vector_store %arg8[%swap3A_396], %swap3A_399 {strides = array<i32>} : memref<80xi32, #tpu.memory_space<vmem>>, vector<16xi32>,
        %shift_right_logical3A_400 = arith.constant 16 : i32
        %shift_right_logical3A_401 = vector.broadcast %shift_right_logical3A_400 : i32 to vector<16xi32>
        %shift_right_logical3A_402 = arith.shrui %get3A_392, %shift_right_logical3A_401 : vector<16xi32>
        %swap3A_403 = arith.constant 0 : index
        %swap3A_404 = tpu.vector_load %arg9[%swap3A_403] {strides = array<i32>} : memref<80xi32, #tpu.memory_space<vmem>>, vector<16xi32>,
        %swap3A_405 = vector.shape_cast %swap3A_404 : vector<16xi32> to vector<16xi32>
        %swap3A_406 = vector.shape_cast %shift_right_logical3A_402 : vector<16xi32> to vector<16xi32>
        tpu.vector_store %arg9[%swap3A_403], %swap3A_406 {strides = array<i32>} : memref<80xi32, #tpu.memory_space<vmem>>, vector<16xi32>,
        %get3A_407 = arith.index_cast %add3A_388 : i32 to index
        %get3A_408 = arith.constant 16 : index
        %get3A_409 = tpu.vector_load %arg5[%get3A_407, %get3A_408] {strides = array<i32>} : memref<125x80xi32, #tpu.memory_space<vmem>>, vector<1x16xi32>,
        %get3A_410 = vector.shape_cast %get3A_409 : vector<1x16xi32> to vector<16xi32>
        %and3A_411 = arith.constant 65535 : i32
        %and3A_412 = vector.broadcast %and3A_411 : i32 to vector<16xi32>
        %and3A_413 = arith.andi %get3A_410, %and3A_412 : vector<16xi32>
        %swap3A_414 = arith.constant 16 : index
        %swap3A_415 = tpu.vector_load %arg8[%swap3A_414] {strides = array<i32>} : memref<80xi32, #tpu.memory_space<vmem>>, vector<16xi32>,
        %swap3A_416 = vector.shape_cast %swap3A_415 : vector<16xi32> to vector<16xi32>
        %swap3A_417 = vector.shape_cast %and3A_413 : vector<16xi32> to vector<16xi32>
        tpu.vector_store %arg8[%swap3A_414], %swap3A_417 {strides = array<i32>} : memref<80xi32, #tpu.memory_space<vmem>>, vector<16xi32>,
        %shift_right_logical3A_418 = arith.constant 16 : i32
        %shift_right_logical3A_419 = vector.broadcast %shift_right_logical3A_418 : i32 to vector<16xi32>
        %shift_right_logical3A_420 = arith.shrui %get3A_410, %shift_right_logical3A_419 : vector<16xi32>
        %swap3A_421 = arith.constant 16 : index
        %swap3A_422 = tpu.vector_load %arg9[%swap3A_421] {strides = array<i32>} : memref<80xi32, #tpu.memory_space<vmem>>, vector<16xi32>,
        %swap3A_423 = vector.shape_cast %swap3A_422 : vector<16xi32> to vector<16xi32>
        %swap3A_424 = vector.shape_cast %shift_right_logical3A_420 : vector<16xi32> to vector<16xi32>
        tpu.vector_store %arg9[%swap3A_421], %swap3A_424 {strides = array<i32>} : memref<80xi32, #tpu.memory_space<vmem>>, vector<16xi32>,
        %get3A_425 = arith.index_cast %add3A_388 : i32 to index
        %get3A_426 = arith.constant 32 : index
        %get3A_427 = tpu.vector_load %arg5[%get3A_425, %get3A_426] {strides = array<i32>} : memref<125x80xi32, #tpu.memory_space<vmem>>, vector<1x16xi32>,
        %get3A_428 = vector.shape_cast %get3A_427 : vector<1x16xi32> to vector<16xi32>
        %and3A_429 = arith.constant 65535 : i32
        %and3A_430 = vector.broadcast %and3A_429 : i32 to vector<16xi32>
        %and3A_431 = arith.andi %get3A_428, %and3A_430 : vector<16xi32>
        %swap3A_432 = arith.constant 32 : index
        %swap3A_433 = tpu.vector_load %arg8[%swap3A_432] {strides = array<i32>} : memref<80xi32, #tpu.memory_space<vmem>>, vector<16xi32>,
        %swap3A_434 = vector.shape_cast %swap3A_433 : vector<16xi32> to vector<16xi32>
        %swap3A_435 = vector.shape_cast %and3A_431 : vector<16xi32> to vector<16xi32>
        tpu.vector_store %arg8[%swap3A_432], %swap3A_435 {strides = array<i32>} : memref<80xi32, #tpu.memory_space<vmem>>, vector<16xi32>,
        %shift_right_logical3A_436 = arith.constant 16 : i32
        %shift_right_logical3A_437 = vector.broadcast %shift_right_logical3A_436 : i32 to vector<16xi32>
        %shift_right_logical3A_438 = arith.shrui %get3A_428, %shift_right_logical3A_437 : vector<16xi32>
        %swap3A_439 = arith.constant 32 : index
        %swap3A_440 = tpu.vector_load %arg9[%swap3A_439] {strides = array<i32>} : memref<80xi32, #tpu.memory_space<vmem>>, vector<16xi32>,
        %swap3A_441 = vector.shape_cast %swap3A_440 : vector<16xi32> to vector<16xi32>
        %swap3A_442 = vector.shape_cast %shift_right_logical3A_438 : vector<16xi32> to vector<16xi32>
        tpu.vector_store %arg9[%swap3A_439], %swap3A_442 {strides = array<i32>} : memref<80xi32, #tpu.memory_space<vmem>>, vector<16xi32>,
        %get3A_443 = arith.index_cast %add3A_388 : i32 to index
        %get3A_444 = arith.constant 48 : index
        %get3A_445 = tpu.vector_load %arg5[%get3A_443, %get3A_444] {strides = array<i32>} : memref<125x80xi32, #tpu.memory_space<vmem>>, vector<1x16xi32>,
        %get3A_446 = vector.shape_cast %get3A_445 : vector<1x16xi32> to vector<16xi32>
        %and3A_447 = arith.constant 65535 : i32
        %and3A_448 = vector.broadcast %and3A_447 : i32 to vector<16xi32>
        %and3A_449 = arith.andi %get3A_446, %and3A_448 : vector<16xi32>
        %swap3A_450 = arith.constant 48 : index
        %swap3A_451 = tpu.vector_load %arg8[%swap3A_450] {strides = array<i32>} : memref<80xi32, #tpu.memory_space<vmem>>, vector<16xi32>,
        %swap3A_452 = vector.shape_cast %swap3A_451 : vector<16xi32> to vector<16xi32>
        %swap3A_453 = vector.shape_cast %and3A_449 : vector<16xi32> to vector<16xi32>
        tpu.vector_store %arg8[%swap3A_450], %swap3A_453 {strides = array<i32>} : memref<80xi32, #tpu.memory_space<vmem>>, vector<16xi32>,
        %shift_right_logical3A_454 = arith.constant 16 : i32
        %shift_right_logical3A_455 = vector.broadcast %shift_right_logical3A_454 : i32 to vector<16xi32>
        %shift_right_logical3A_456 = arith.shrui %get3A_446, %shift_right_logical3A_455 : vector<16xi32>
        %swap3A_457 = arith.constant 48 : index
        %swap3A_458 = tpu.vector_load %arg9[%swap3A_457] {strides = array<i32>} : memref<80xi32, #tpu.memory_space<vmem>>, vector<16xi32>,
        %swap3A_459 = vector.shape_cast %swap3A_458 : vector<16xi32> to vector<16xi32>
        %swap3A_460 = vector.shape_cast %shift_right_logical3A_456 : vector<16xi32> to vector<16xi32>
        tpu.vector_store %arg9[%swap3A_457], %swap3A_460 {strides = array<i32>} : memref<80xi32, #tpu.memory_space<vmem>>, vector<16xi32>,
        %get3A_461 = arith.index_cast %add3A_388 : i32 to index
        %get3A_462 = arith.constant 64 : index
        %get3A_463 = tpu.vector_load %arg5[%get3A_461, %get3A_462] {strides = array<i32>} : memref<125x80xi32, #tpu.memory_space<vmem>>, vector<1x16xi32>,
        %get3A_464 = vector.shape_cast %get3A_463 : vector<1x16xi32> to vector<16xi32>
        %and3A_465 = arith.constant 65535 : i32
        %and3A_466 = vector.broadcast %and3A_465 : i32 to vector<16xi32>
        %and3A_467 = arith.andi %get3A_464, %and3A_466 : vector<16xi32>
        %swap3A_468 = arith.constant 64 : index
        %swap3A_469 = tpu.vector_load %arg8[%swap3A_468] {strides = array<i32>} : memref<80xi32, #tpu.memory_space<vmem>>, vector<16xi32>,
        %swap3A_470 = vector.shape_cast %swap3A_469 : vector<16xi32> to vector<16xi32>
        %swap3A_471 = vector.shape_cast %and3A_467 : vector<16xi32> to vector<16xi32>
        tpu.vector_store %arg8[%swap3A_468], %swap3A_471 {strides = array<i32>} : memref<80xi32, #tpu.memory_space<vmem>>, vector<16xi32>,
        %shift_right_logical3A_472 = arith.constant 16 : i32
        %shift_right_logical3A_473 = vector.broadcast %shift_right_logical3A_472 : i32 to vector<16xi32>
        %shift_right_logical3A_474 = arith.shrui %get3A_464, %shift_right_logical3A_473 : vector<16xi32>
        %swap3A_475 = arith.constant 64 : index
        %swap3A_476 = tpu.vector_load %arg9[%swap3A_475] {strides = array<i32>} : memref<80xi32, #tpu.memory_space<vmem>>, vector<16xi32>,
        %swap3A_477 = vector.shape_cast %swap3A_476 : vector<16xi32> to vector<16xi32>
        %swap3A_478 = vector.shape_cast %shift_right_logical3A_474 : vector<16xi32> to vector<16xi32>
        tpu.vector_store %arg9[%swap3A_475], %swap3A_478 {strides = array<i32>} : memref<80xi32, #tpu.memory_space<vmem>>, vector<16xi32>,
        %dma_start3A_479 = arith.constant 0 : i32
        %dma_start3A_480 = arith.constant 0 : i32
        %dma_start3A_481 = tpu.memref_slice %arg3[%dma_start3A_479, %dma_start3A_480] : memref<10000x128xf32, #tpu.memory_space<hbm>> -> memref<10000x128xf32, #tpu.memory_space<hbm>>
        tpu.enqueue_indirect_dma source(%dma_start3A_481 : memref<10000x128xf32, #tpu.memory_space<hbm>>) target(%arg13 : memref<80x128xf32, #tpu.memory_space<vmem>>) offsets(%arg8 : memref<80xi32, #tpu.memory_space<vmem>>) semaphore(%arg17 : memref<!tpu.dma_semaphore, #tpu.memory_space<semaphore_mem>>)
      } else {
      }
      %dma_wait3A_373 = arith.constant 0 : i32
      %dma_wait3A_374 = arith.constant 0 : i32
      %dma_wait3A_375 = tpu.memref_slice %arg3[%dma_wait3A_373, %dma_wait3A_374] : memref<10000x128xf32, #tpu.memory_space<hbm>> -> memref<10000x128xf32, #tpu.memory_space<hbm>>
      tpu.wait_indirect_dma semaphore(%arg18 : memref<!tpu.dma_semaphore, #tpu.memory_space<semaphore_mem>>) src(%dma_wait3A_375 : memref<10000x128xf32, #tpu.memory_space<hbm>>) dst(%arg14 : memref<80x128xf32, #tpu.memory_space<vmem>>)
      "tpu.region"() ({
        %run_scoped3A = tpu.sem_alloc : memref<!tpu.dma_semaphore, #tpu.memory_space<semaphore_mem>>
        %dma_start3A_385 = arith.constant 0 : i32
        %dma_start3A_386 = arith.constant 0 : i32
        %dma_start3A_387 = tpu.memref_slice %arg15[%dma_start3A_385, %dma_start3A_386] : memref<10000x128xf32, #tpu.memory_space<vmem_shared>> -> memref<10000x128xf32, #tpu.memory_space<vmem_shared>>
        tpu.enqueue_indirect_dma source(%arg14 : memref<80x128xf32, #tpu.memory_space<vmem>>) target(%dma_start3A_387 : memref<10000x128xf32, #tpu.memory_space<vmem_shared>>) offsets(%arg11 : memref<80xi32, #tpu.memory_space<vmem>>) semaphore(%run_scoped3A : memref<!tpu.dma_semaphore, #tpu.memory_space<semaphore_mem>>) {add = true}
        %dma_wait3A_388 = arith.constant 0 : i32
        %dma_wait3A_389 = arith.constant 0 : i32
        %dma_wait3A_390 = tpu.memref_slice %arg15[%dma_wait3A_388, %dma_wait3A_389] : memref<10000x128xf32, #tpu.memory_space<vmem_shared>> -> memref<10000x128xf32, #tpu.memory_space<vmem_shared>>
        tpu.wait_indirect_dma semaphore(%run_scoped3A : memref<!tpu.dma_semaphore, #tpu.memory_space<semaphore_mem>>) src(%arg14 : memref<80x128xf32, #tpu.memory_space<vmem>>) dst(%dma_wait3A_390 : memref<10000x128xf32, #tpu.memory_space<vmem_shared>>)
        tpu.yield
      }) : () -> ()
      %add3A_376 = arith.constant 2 : i32
      %add3A_377 = arith.addi %mul3A_348, %add3A_376 : i32
      %add3A_378 = arith.constant 3 : i32
      %add3A_379 = arith.addi %add3A_377, %add3A_378 : i32
      %lt3A_380 = arith.constant 125 : i32
      %lt3A_381 = arith.cmpi slt, %add3A_379, %lt3A_380 : i32
      %convert_element_type3A_382 = arith.extui %lt3A_381 : i1 to i32
      %cond3A_383 = arith.constant 0 : i32
      %cond3A_384 = arith.cmpi ne, %convert_element_type3A_382, %cond3A_383 : i32
      scf.if %cond3A_384 {
        %add3A_385 = arith.constant 2 : i32
        %add3A_386 = arith.addi %mul3A_348, %add3A_385 : i32
        %add3A_387 = arith.constant 3 : i32
        %add3A_388 = arith.addi %add3A_386, %add3A_387 : i32
        %get3A_389 = arith.index_cast %add3A_388 : i32 to index
        %get3A_390 = arith.constant 0 : index
        %get3A_391 = tpu.vector_load %arg5[%get3A_389, %get3A_390] {strides = array<i32>} : memref<125x80xi32, #tpu.memory_space<vmem>>, vector<1x16xi32>,
        %get3A_392 = vector.shape_cast %get3A_391 : vector<1x16xi32> to vector<16xi32>
        %and3A_393 = arith.constant 65535 : i32
        %and3A_394 = vector.broadcast %and3A_393 : i32 to vector<16xi32>
        %and3A_395 = arith.andi %get3A_392, %and3A_394 : vector<16xi32>
        %swap3A_396 = arith.constant 0 : index
        %swap3A_397 = tpu.vector_load %arg10[%swap3A_396] {strides = array<i32>} : memref<80xi32, #tpu.memory_space<vmem>>, vector<16xi32>,
        %swap3A_398 = vector.shape_cast %swap3A_397 : vector<16xi32> to vector<16xi32>
        %swap3A_399 = vector.shape_cast %and3A_395 : vector<16xi32> to vector<16xi32>
        tpu.vector_store %arg10[%swap3A_396], %swap3A_399 {strides = array<i32>} : memref<80xi32, #tpu.memory_space<vmem>>, vector<16xi32>,
        %shift_right_logical3A_400 = arith.constant 16 : i32
        %shift_right_logical3A_401 = vector.broadcast %shift_right_logical3A_400 : i32 to vector<16xi32>
        %shift_right_logical3A_402 = arith.shrui %get3A_392, %shift_right_logical3A_401 : vector<16xi32>
        %swap3A_403 = arith.constant 0 : index
        %swap3A_404 = tpu.vector_load %arg11[%swap3A_403] {strides = array<i32>} : memref<80xi32, #tpu.memory_space<vmem>>, vector<16xi32>,
        %swap3A_405 = vector.shape_cast %swap3A_404 : vector<16xi32> to vector<16xi32>
        %swap3A_406 = vector.shape_cast %shift_right_logical3A_402 : vector<16xi32> to vector<16xi32>
        tpu.vector_store %arg11[%swap3A_403], %swap3A_406 {strides = array<i32>} : memref<80xi32, #tpu.memory_space<vmem>>, vector<16xi32>,
        %get3A_407 = arith.index_cast %add3A_388 : i32 to index
        %get3A_408 = arith.constant 16 : index
        %get3A_409 = tpu.vector_load %arg5[%get3A_407, %get3A_408] {strides = array<i32>} : memref<125x80xi32, #tpu.memory_space<vmem>>, vector<1x16xi32>,
        %get3A_410 = vector.shape_cast %get3A_409 : vector<1x16xi32> to vector<16xi32>
        %and3A_411 = arith.constant 65535 : i32
        %and3A_412 = vector.broadcast %and3A_411 : i32 to vector<16xi32>
        %and3A_413 = arith.andi %get3A_410, %and3A_412 : vector<16xi32>
        %swap3A_414 = arith.constant 16 : index
        %swap3A_415 = tpu.vector_load %arg10[%swap3A_414] {strides = array<i32>} : memref<80xi32, #tpu.memory_space<vmem>>, vector<16xi32>,
        %swap3A_416 = vector.shape_cast %swap3A_415 : vector<16xi32> to vector<16xi32>
        %swap3A_417 = vector.shape_cast %and3A_413 : vector<16xi32> to vector<16xi32>
        tpu.vector_store %arg10[%swap3A_414], %swap3A_417 {strides = array<i32>} : memref<80xi32, #tpu.memory_space<vmem>>, vector<16xi32>,
        %shift_right_logical3A_418 = arith.constant 16 : i32
        %shift_right_logical3A_419 = vector.broadcast %shift_right_logical3A_418 : i32 to vector<16xi32>
        %shift_right_logical3A_420 = arith.shrui %get3A_410, %shift_right_logical3A_419 : vector<16xi32>
        %swap3A_421 = arith.constant 16 : index
        %swap3A_422 = tpu.vector_load %arg11[%swap3A_421] {strides = array<i32>} : memref<80xi32, #tpu.memory_space<vmem>>, vector<16xi32>,
        %swap3A_423 = vector.shape_cast %swap3A_422 : vector<16xi32> to vector<16xi32>
        %swap3A_424 = vector.shape_cast %shift_right_logical3A_420 : vector<16xi32> to vector<16xi32>
        tpu.vector_store %arg11[%swap3A_421], %swap3A_424 {strides = array<i32>} : memref<80xi32, #tpu.memory_space<vmem>>, vector<16xi32>,
        %get3A_425 = arith.index_cast %add3A_388 : i32 to index
        %get3A_426 = arith.constant 32 : index
        %get3A_427 = tpu.vector_load %arg5[%get3A_425, %get3A_426] {strides = array<i32>} : memref<125x80xi32, #tpu.memory_space<vmem>>, vector<1x16xi32>,
        %get3A_428 = vector.shape_cast %get3A_427 : vector<1x16xi32> to vector<16xi32>
        %and3A_429 = arith.constant 65535 : i32
        %and3A_430 = vector.broadcast %and3A_429 : i32 to vector<16xi32>
        %and3A_431 = arith.andi %get3A_428, %and3A_430 : vector<16xi32>
        %swap3A_432 = arith.constant 32 : index
        %swap3A_433 = tpu.vector_load %arg10[%swap3A_432] {strides = array<i32>} : memref<80xi32, #tpu.memory_space<vmem>>, vector<16xi32>,
        %swap3A_434 = vector.shape_cast %swap3A_433 : vector<16xi32> to vector<16xi32>
        %swap3A_435 = vector.shape_cast %and3A_431 : vector<16xi32> to vector<16xi32>
        tpu.vector_store %arg10[%swap3A_432], %swap3A_435 {strides = array<i32>} : memref<80xi32, #tpu.memory_space<vmem>>, vector<16xi32>,
        %shift_right_logical3A_436 = arith.constant 16 : i32
        %shift_right_logical3A_437 = vector.broadcast %shift_right_logical3A_436 : i32 to vector<16xi32>
        %shift_right_logical3A_438 = arith.shrui %get3A_428, %shift_right_logical3A_437 : vector<16xi32>
        %swap3A_439 = arith.constant 32 : index
        %swap3A_440 = tpu.vector_load %arg11[%swap3A_439] {strides = array<i32>} : memref<80xi32, #tpu.memory_space<vmem>>, vector<16xi32>,
        %swap3A_441 = vector.shape_cast %swap3A_440 : vector<16xi32> to vector<16xi32>
        %swap3A_442 = vector.shape_cast %shift_right_logical3A_438 : vector<16xi32> to vector<16xi32>
        tpu.vector_store %arg11[%swap3A_439], %swap3A_442 {strides = array<i32>} : memref<80xi32, #tpu.memory_space<vmem>>, vector<16xi32>,
        %get3A_443 = arith.index_cast %add3A_388 : i32 to index
        %get3A_444 = arith.constant 48 : index
        %get3A_445 = tpu.vector_load %arg5[%get3A_443, %get3A_444] {strides = array<i32>} : memref<125x80xi32, #tpu.memory_space<vmem>>, vector<1x16xi32>,
        %get3A_446 = vector.shape_cast %get3A_445 : vector<1x16xi32> to vector<16xi32>
        %and3A_447 = arith.constant 65535 : i32
        %and3A_448 = vector.broadcast %and3A_447 : i32 to vector<16xi32>
        %and3A_449 = arith.andi %get3A_446, %and3A_448 : vector<16xi32>
        %swap3A_450 = arith.constant 48 : index
        %swap3A_451 = tpu.vector_load %arg10[%swap3A_450] {strides = array<i32>} : memref<80xi32, #tpu.memory_space<vmem>>, vector<16xi32>,
        %swap3A_452 = vector.shape_cast %swap3A_451 : vector<16xi32> to vector<16xi32>
        %swap3A_453 = vector.shape_cast %and3A_449 : vector<16xi32> to vector<16xi32>
        tpu.vector_store %arg10[%swap3A_450], %swap3A_453 {strides = array<i32>} : memref<80xi32, #tpu.memory_space<vmem>>, vector<16xi32>,
        %shift_right_logical3A_454 = arith.constant 16 : i32
        %shift_right_logical3A_455 = vector.broadcast %shift_right_logical3A_454 : i32 to vector<16xi32>
        %shift_right_logical3A_456 = arith.shrui %get3A_446, %shift_right_logical3A_455 : vector<16xi32>
        %swap3A_457 = arith.constant 48 : index
        %swap3A_458 = tpu.vector_load %arg11[%swap3A_457] {strides = array<i32>} : memref<80xi32, #tpu.memory_space<vmem>>, vector<16xi32>,
        %swap3A_459 = vector.shape_cast %swap3A_458 : vector<16xi32> to vector<16xi32>
        %swap3A_460 = vector.shape_cast %shift_right_logical3A_456 : vector<16xi32> to vector<16xi32>
        tpu.vector_store %arg11[%swap3A_457], %swap3A_460 {strides = array<i32>} : memref<80xi32, #tpu.memory_space<vmem>>, vector<16xi32>,
        %get3A_461 = arith.index_cast %add3A_388 : i32 to index
        %get3A_462 = arith.constant 64 : index
        %get3A_463 = tpu.vector_load %arg5[%get3A_461, %get3A_462] {strides = array<i32>} : memref<125x80xi32, #tpu.memory_space<vmem>>, vector<1x16xi32>,
        %get3A_464 = vector.shape_cast %get3A_463 : vector<1x16xi32> to vector<16xi32>
        %and3A_465 = arith.constant 65535 : i32
        %and3A_466 = vector.broadcast %and3A_465 : i32 to vector<16xi32>
        %and3A_467 = arith.andi %get3A_464, %and3A_466 : vector<16xi32>
        %swap3A_468 = arith.constant 64 : index
        %swap3A_469 = tpu.vector_load %arg10[%swap3A_468] {strides = array<i32>} : memref<80xi32, #tpu.memory_space<vmem>>, vector<16xi32>,
        %swap3A_470 = vector.shape_cast %swap3A_469 : vector<16xi32> to vector<16xi32>
        %swap3A_471 = vector.shape_cast %and3A_467 : vector<16xi32> to vector<16xi32>
        tpu.vector_store %arg10[%swap3A_468], %swap3A_471 {strides = array<i32>} : memref<80xi32, #tpu.memory_space<vmem>>, vector<16xi32>,
        %shift_right_logical3A_472 = arith.constant 16 : i32
        %shift_right_logical3A_473 = vector.broadcast %shift_right_logical3A_472 : i32 to vector<16xi32>
        %shift_right_logical3A_474 = arith.shrui %get3A_464, %shift_right_logical3A_473 : vector<16xi32>
        %swap3A_475 = arith.constant 64 : index
        %swap3A_476 = tpu.vector_load %arg11[%swap3A_475] {strides = array<i32>} : memref<80xi32, #tpu.memory_space<vmem>>, vector<16xi32>,
        %swap3A_477 = vector.shape_cast %swap3A_476 : vector<16xi32> to vector<16xi32>
        %swap3A_478 = vector.shape_cast %shift_right_logical3A_474 : vector<16xi32> to vector<16xi32>
        tpu.vector_store %arg11[%swap3A_475], %swap3A_478 {strides = array<i32>} : memref<80xi32, #tpu.memory_space<vmem>>, vector<16xi32>,
        %dma_start3A_479 = arith.constant 0 : i32
        %dma_start3A_480 = arith.constant 0 : i32
        %dma_start3A_481 = tpu.memref_slice %arg3[%dma_start3A_479, %dma_start3A_480] : memref<10000x128xf32, #tpu.memory_space<hbm>> -> memref<10000x128xf32, #tpu.memory_space<hbm>>
        tpu.enqueue_indirect_dma source(%dma_start3A_481 : memref<10000x128xf32, #tpu.memory_space<hbm>>) target(%arg14 : memref<80x128xf32, #tpu.memory_space<vmem>>) offsets(%arg10 : memref<80xi32, #tpu.memory_space<vmem>>) semaphore(%arg18 : memref<!tpu.dma_semaphore, #tpu.memory_space<semaphore_mem>>)
      } else {
      }
    }
    %scan3A_330 = arith.constant 41 : i32
    %dma_wait3A = arith.constant 0 : i32
    %dma_wait3A_331 = arith.constant 0 : i32
    %dma_wait3A_332 = tpu.memref_slice %arg3[%dma_wait3A, %dma_wait3A_331] : memref<10000x128xf32, #tpu.memory_space<hbm>> -> memref<10000x128xf32, #tpu.memory_space<hbm>>
    tpu.wait_indirect_dma semaphore(%arg16 : memref<!tpu.dma_semaphore, #tpu.memory_space<semaphore_mem>>) src(%dma_wait3A_332 : memref<10000x128xf32, #tpu.memory_space<hbm>>) dst(%arg12 : memref<80x128xf32, #tpu.memory_space<vmem>>)
    "tpu.region"() ({
      %run_scoped3A = tpu.sem_alloc : memref<!tpu.dma_semaphore, #tpu.memory_space<semaphore_mem>>
      %dma_start3A_346 = arith.constant 0 : i32
      %dma_start3A_347 = arith.constant 0 : i32
      %dma_start3A_348 = tpu.memref_slice %arg15[%dma_start3A_346, %dma_start3A_347] : memref<10000x128xf32, #tpu.memory_space<vmem_shared>> -> memref<10000x128xf32, #tpu.memory_space<vmem_shared>>
      tpu.enqueue_indirect_dma source(%arg12 : memref<80x128xf32, #tpu.memory_space<vmem>>) target(%dma_start3A_348 : memref<10000x128xf32, #tpu.memory_space<vmem_shared>>) offsets(%arg7 : memref<80xi32, #tpu.memory_space<vmem>>) semaphore(%run_scoped3A : memref<!tpu.dma_semaphore, #tpu.memory_space<semaphore_mem>>) {add = true}
      %dma_wait3A_349 = arith.constant 0 : i32
      %dma_wait3A_350 = arith.constant 0 : i32
      %dma_wait3A_351 = tpu.memref_slice %arg15[%dma_wait3A_349, %dma_wait3A_350] : memref<10000x128xf32, #tpu.memory_space<vmem_shared>> -> memref<10000x128xf32, #tpu.memory_space<vmem_shared>>
      tpu.wait_indirect_dma semaphore(%run_scoped3A : memref<!tpu.dma_semaphore, #tpu.memory_space<semaphore_mem>>) src(%arg12 : memref<80x128xf32, #tpu.memory_space<vmem>>) dst(%dma_wait3A_351 : memref<10000x128xf32, #tpu.memory_space<vmem_shared>>)
      tpu.yield
    }) : () -> ()
    %dma_wait3A_333 = arith.constant 0 : i32
    %dma_wait3A_334 = arith.constant 0 : i32
    %dma_wait3A_335 = tpu.memref_slice %arg3[%dma_wait3A_333, %dma_wait3A_334] : memref<10000x128xf32, #tpu.memory_space<hbm>> -> memref<10000x128xf32, #tpu.memory_space<hbm>>
    tpu.wait_indirect_dma semaphore(%arg17 : memref<!tpu.dma_semaphore, #tpu.memory_space<semaphore_mem>>) src(%dma_wait3A_335 : memref<10000x128xf32, #tpu.memory_space<hbm>>) dst(%arg13 : memref<80x128xf32, #tpu.memory_space<vmem>>)
    "tpu.region"() ({
      %run_scoped3A = tpu.sem_alloc : memref<!tpu.dma_semaphore, #tpu.memory_space<semaphore_mem>>
      %dma_start3A_346 = arith.constant 0 : i32
      %dma_start3A_347 = arith.constant 0 : i32
      %dma_start3A_348 = tpu.memref_slice %arg15[%dma_start3A_346, %dma_start3A_347] : memref<10000x128xf32, #tpu.memory_space<vmem_shared>> -> memref<10000x128xf32, #tpu.memory_space<vmem_shared>>
      tpu.enqueue_indirect_dma source(%arg13 : memref<80x128xf32, #tpu.memory_space<vmem>>) target(%dma_start3A_348 : memref<10000x128xf32, #tpu.memory_space<vmem_shared>>) offsets(%arg9 : memref<80xi32, #tpu.memory_space<vmem>>) semaphore(%run_scoped3A : memref<!tpu.dma_semaphore, #tpu.memory_space<semaphore_mem>>) {add = true}
      %dma_wait3A_349 = arith.constant 0 : i32
      %dma_wait3A_350 = arith.constant 0 : i32
      %dma_wait3A_351 = tpu.memref_slice %arg15[%dma_wait3A_349, %dma_wait3A_350] : memref<10000x128xf32, #tpu.memory_space<vmem_shared>> -> memref<10000x128xf32, #tpu.memory_space<vmem_shared>>
      tpu.wait_indirect_dma semaphore(%run_scoped3A : memref<!tpu.dma_semaphore, #tpu.memory_space<semaphore_mem>>) src(%arg13 : memref<80x128xf32, #tpu.memory_space<vmem>>) dst(%dma_wait3A_351 : memref<10000x128xf32, #tpu.memory_space<vmem_shared>>)
      tpu.yield
    }) : () -> ()
    %barrier3A_336 = arith.constant 0 : index
    tpu.barrier barrier_id(%barrier3A_336)
    %lt3A = arith.constant 15 : i32
    %lt3A_337 = arith.cmpi slt, %arg1, %lt3A : i32
    %convert_element_type3A_338 = arith.extui %lt3A_337 : i1 to i32
    %cond3A_339 = arith.constant 0 : i32
    %cond3A_340 = arith.cmpi ne, %convert_element_type3A_338, %cond3A_339 : i32
    scf.if %cond3A_340 {
      %mul3A_346 = arith.constant 624 : i32
      %mul3A_347 = arith.muli %arg1, %mul3A_346 : i32
      %mul3A_348 = arith.constant 624 : i32
      %mul3A_349 = arith.muli %arg1, %mul3A_348 : i32
      "tpu.region"() ({
        %run_scoped3A = tpu.sem_alloc : memref<!tpu.dma_semaphore, #tpu.memory_space<semaphore_mem>>
        %dma_start3A_350 = arith.constant 0 : i32
        %dma_start3A_351 = tpu.memref_slice %arg4[%arg0, %mul3A_349, %dma_start3A_350] : memref<2x10000x128xf32, #tpu.memory_space<hbm>> -> memref<1x624x128xf32, #tpu.memory_space<hbm>>
        %dma_start3A_352 = tpu.memref_squeeze %dma_start3A_351 : memref<1x624x128xf32, #tpu.memory_space<hbm>> -> memref<624x128xf32, #tpu.memory_space<hbm>>
        %dma_start3A_353 = arith.constant 0 : i32
        %dma_start3A_354 = tpu.memref_slice %arg15[%mul3A_347, %dma_start3A_353] : memref<10000x128xf32, #tpu.memory_space<vmem_shared>> -> memref<624x128xf32, #tpu.memory_space<vmem_shared>>
        tpu.enqueue_dma source(%dma_start3A_354 : memref<624x128xf32, #tpu.memory_space<vmem_shared>>) target(%dma_start3A_352 : memref<624x128xf32, #tpu.memory_space<hbm>>) target_semaphore(%run_scoped3A : memref<!tpu.dma_semaphore, #tpu.memory_space<semaphore_mem>>)
        %dma_wait3A_355 = arith.constant 0 : i32
        %dma_wait3A_356 = tpu.memref_slice %arg4[%arg0, %mul3A_349, %dma_wait3A_355] : memref<2x10000x128xf32, #tpu.memory_space<hbm>> -> memref<1x624x128xf32, #tpu.memory_space<hbm>>
        %dma_wait3A_357 = tpu.memref_squeeze %dma_wait3A_356 : memref<1x624x128xf32, #tpu.memory_space<hbm>> -> memref<624x128xf32, #tpu.memory_space<hbm>>
        %dma_wait3A_358 = arith.constant 0 : i32
        %dma_wait3A_359 = tpu.memref_slice %arg15[%mul3A_347, %dma_wait3A_358] : memref<10000x128xf32, #tpu.memory_space<vmem_shared>> -> memref<624x128xf32, #tpu.memory_space<vmem_shared>>
        tpu.wait_dma2 semaphore(%run_scoped3A : memref<!tpu.dma_semaphore, #tpu.memory_space<semaphore_mem>>) src(%dma_wait3A_359 : memref<624x128xf32, #tpu.memory_space<vmem_shared>>) dst(%dma_wait3A_357 : memref<624x128xf32, #tpu.memory_space<hbm>>)
        tpu.yield
      }) : () -> ()
    } else {
    }
    %eq3A_341 = arith.constant 15 : i32
    %eq3A_342 = arith.cmpi eq, %arg1, %eq3A_341 : i32
    %convert_element_type3A_343 = arith.extui %eq3A_342 : i1 to i32
    %cond3A_344 = arith.constant 0 : i32
    %cond3A_345 = arith.cmpi ne, %convert_element_type3A_343, %cond3A_344 : i32
    scf.if %cond3A_345 {
      "tpu.region"() ({
        %run_scoped3A = tpu.sem_alloc : memref<!tpu.dma_semaphore, #tpu.memory_space<semaphore_mem>>
        %dma_start3A_346 = arith.constant 9360 : i32
        %dma_start3A_347 = arith.constant 0 : i32
        %dma_start3A_348 = tpu.memref_slice %arg4[%arg0, %dma_start3A_346, %dma_start3A_347] : memref<2x10000x128xf32, #tpu.memory_space<hbm>> -> memref<1x640x128xf32, #tpu.memory_space<hbm>>
        %dma_start3A_349 = tpu.memref_squeeze %dma_start3A_348 : memref<1x640x128xf32, #tpu.memory_space<hbm>> -> memref<640x128xf32, #tpu.memory_space<hbm>>
        %dma_start3A_350 = arith.constant 9360 : i32
        %dma_start3A_351 = arith.constant 0 : i32
        %dma_start3A_352 = tpu.memref_slice %arg15[%dma_start3A_350, %dma_start3A_351] : memref<10000x128xf32, #tpu.memory_space<vmem_shared>> -> memref<640x128xf32, #tpu.memory_space<vmem_shared>>
        tpu.enqueue_dma source(%dma_start3A_352 : memref<640x128xf32, #tpu.memory_space<vmem_shared>>) target(%dma_start3A_349 : memref<640x128xf32, #tpu.memory_space<hbm>>) target_semaphore(%run_scoped3A : memref<!tpu.dma_semaphore, #tpu.memory_space<semaphore_mem>>)
        %dma_wait3A_353 = arith.constant 9360 : i32
        %dma_wait3A_354 = arith.constant 0 : i32
        %dma_wait3A_355 = tpu.memref_slice %arg4[%arg0, %dma_wait3A_353, %dma_wait3A_354] : memref<2x10000x128xf32, #tpu.memory_space<hbm>> -> memref<1x640x128xf32, #tpu.memory_space<hbm>>
        %dma_wait3A_356 = tpu.memref_squeeze %dma_wait3A_355 : memref<1x640x128xf32, #tpu.memory_space<hbm>> -> memref<640x128xf32, #tpu.memory_space<hbm>>
        %dma_wait3A_357 = arith.constant 9360 : i32
        %dma_wait3A_358 = arith.constant 0 : i32
        %dma_wait3A_359 = tpu.memref_slice %arg15[%dma_wait3A_357, %dma_wait3A_358] : memref<10000x128xf32, #tpu.memory_space<vmem_shared>> -> memref<640x128xf32, #tpu.memory_space<vmem_shared>>
        tpu.wait_dma2 semaphore(%run_scoped3A : memref<!tpu.dma_semaphore, #tpu.memory_space<semaphore_mem>>) src(%dma_wait3A_359 : memref<640x128xf32, #tpu.memory_space<vmem_shared>>) dst(%dma_wait3A_356 : memref<640x128xf32, #tpu.memory_space<hbm>>)
        tpu.yield
      }) : () -> ()
    } else {
    }
    return
  }
}

module attributes {stable_mosaic.version = 14 : i64} {
  func.func @body(%arg0: i32, %arg1: memref<1000x128xf32, #tpu.memory_space<vmem>>, %arg2: memref<128x128xf32, #tpu.memory_space<vmem>>, %arg3: memref<1x128xf32, #tpu.memory_space<vmem>>, %arg4: memref<128x128xf32, #tpu.memory_space<vmem>>, %arg5: memref<2x1000x1xf32, #tpu.memory_space<vmem>>, %arg6: memref<1000x128xf32, #tpu.memory_space<vmem>>, %arg7: memref<1000x1xf32, #tpu.memory_space<vmem>>) attributes {dimension_semantics = [#tpu.dimension_semantics<arbitrary>], iteration_bounds = array<i64: 10>, scalar_prefetch = 0 : i64, scratch_operands = 0 : i64, tpu.core_type = #tpu.core_type<tc>, window_params = [{transform_indices = @transform_0, window_bounds = array<i64: 1000, 128>}, {pipeline_mode = #tpu.pipeline_mode<synchronous>, transform_indices = @transform_1, window_bounds = array<i64: 128, 128>}, {pipeline_mode = #tpu.pipeline_mode<synchronous>, transform_indices = @transform_2, window_bounds = array<i64: 1, 128>}, {pipeline_mode = #tpu.pipeline_mode<synchronous>, transform_indices = @transform_3, window_bounds = array<i64: 128, 128>}, {transform_indices = @transform_4, window_bounds = array<i64: 2, 1000, 1>}, {transform_indices = @transform_5, window_bounds = array<i64: 1000, 128>}, {transform_indices = @transform_6, window_bounds = array<i64: 1000, 1>}]} {
    %get3A = arith.constant 0 : index
    %get3A_0 = arith.constant 0 : index
    %get3A_1 = vector.load %arg1[%get3A, %get3A_0] : memref<1000x128xf32, #tpu.memory_space<vmem>>, vector<1000x128xf32>
    %get3A_2 = arith.constant 0 : index
    %get3A_3 = arith.constant 0 : index
    %get3A_4 = vector.load %arg2[%get3A_2, %get3A_3] : memref<128x128xf32, #tpu.memory_space<vmem>>, vector<128x128xf32>
    %dot_general3A = arith.constant dense<0.000000e+00> : vector<1000x128xf32>
    %dot_general3A_5 = tpu.matmul %get3A_1, %get3A_4, %dot_general3A {dimension_numbers = #tpu.dot_dimension_numbers<[1], [0], [0], [1], [0, 0, 1, 1], [], []>, transpose_lhs_hint = false} : vector<1000x128xf32>, vector<128x128xf32>, vector<1000x128xf32> -> vector<1000x128xf32>
    %get3A_6 = arith.constant 0 : index
    %get3A_7 = arith.constant 0 : index
    %get3A_8 = vector.load %arg3[%get3A_6, %get3A_7] : memref<1x128xf32, #tpu.memory_space<vmem>>, vector<1x128xf32>
    %add3A = vector.broadcast %get3A_8 : vector<1x128xf32> to vector<1000x128xf32>
    %add3A_9 = arith.addf %dot_general3A_5, %add3A : vector<1000x128xf32>
    %tanh3A = math.tanh %add3A_9 : vector<1000x128xf32>
    %get3A_10 = arith.constant 0 : index
    %get3A_11 = arith.constant 0 : index
    %get3A_12 = arith.constant 0 : index
    %get3A_13 = vector.load %arg5[%get3A_10, %get3A_11, %get3A_12] : memref<2x1000x1xf32, #tpu.memory_space<vmem>>, vector<1x1000x1xf32>
    %get3A_14 = vector.shape_cast %get3A_13 : vector<1x1000x1xf32> to vector<1000x1xf32>
    %get3A_15 = arith.constant 1 : index
    %get3A_16 = arith.constant 0 : index
    %get3A_17 = arith.constant 0 : index
    %get3A_18 = vector.load %arg5[%get3A_15, %get3A_16, %get3A_17] : memref<2x1000x1xf32, #tpu.memory_space<vmem>>, vector<1x1000x1xf32>
    %get3A_19 = vector.shape_cast %get3A_18 : vector<1x1000x1xf32> to vector<1000x1xf32>
    %add3A_20 = arith.addf %get3A_14, %get3A_19 : vector<1000x1xf32>
    %gt3A = arith.constant 0.000000e+00 : f32
    %gt3A_21 = vector.broadcast %gt3A : f32 to vector<1000x1xf32>
    %gt3A_22 = arith.cmpf ogt, %add3A_20, %gt3A_21 : vector<1000x1xf32>
    %max3A = arith.constant 1.000000e+00 : f32
    %max3A_23 = vector.broadcast %max3A : f32 to vector<1000x1xf32>
    %max3A_24 = arith.maximumf %add3A_20, %max3A_23 : vector<1000x1xf32>
    %sqrt3A = math.sqrt %max3A_24 : vector<1000x1xf32>
    %div3A = arith.constant 1.000000e+00 : f32
    %div3A_25 = vector.broadcast %div3A : f32 to vector<1000x1xf32>
    %div3A_26 = arith.divf %div3A_25, %sqrt3A : vector<1000x1xf32>
    %jit3A = arith.constant 0.000000e+00 : f32
    %broadcast_in_dim3A = vector.broadcast %jit3A : f32 to vector<1000x1xf32>
    %select_n3A = arith.select %gt3A_22, %div3A_26, %broadcast_in_dim3A : vector<1000x1xi1>, vector<1000x1xf32>
    %get3A_27 = arith.constant 0 : index
    %get3A_28 = arith.constant 0 : index
    %get3A_29 = vector.load %arg4[%get3A_27, %get3A_28] : memref<128x128xf32, #tpu.memory_space<vmem>>, vector<128x128xf32>
    %dot_general3A_30 = arith.constant dense<0.000000e+00> : vector<1000x128xf32>
    %dot_general3A_31 = tpu.matmul %tanh3A, %get3A_29, %dot_general3A_30 {dimension_numbers = #tpu.dot_dimension_numbers<[1], [0], [0], [1], [0, 0, 1, 1], [], []>, transpose_lhs_hint = false} : vector<1000x128xf32>, vector<128x128xf32>, vector<1000x128xf32> -> vector<1000x128xf32>
    %mul3A = vector.broadcast %select_n3A : vector<1000x1xf32> to vector<1000x128xf32>
    %mul3A_32 = arith.mulf %dot_general3A_31, %mul3A : vector<1000x128xf32>
    %swap3A = arith.constant 0 : index
    %swap3A_33 = arith.constant 0 : index
    %swap3A_34 = vector.load %arg6[%swap3A, %swap3A_33] : memref<1000x128xf32, #tpu.memory_space<vmem>>, vector<1000x128xf32>
    tpu.vector_store %arg6[%swap3A, %swap3A_33], %mul3A_32 {strides = array<i32>} : memref<1000x128xf32, #tpu.memory_space<vmem>>, vector<1000x128xf32>,
    %swap3A_35 = arith.constant 0 : index
    %swap3A_36 = arith.constant 0 : index
    %swap3A_37 = vector.load %arg7[%swap3A_35, %swap3A_36] : memref<1000x1xf32, #tpu.memory_space<vmem>>, vector<1000x1xf32>
    tpu.vector_store %arg7[%swap3A_35, %swap3A_36], %select_n3A {strides = array<i32>} : memref<1000x1xf32, #tpu.memory_space<vmem>>, vector<1000x1xf32>,
    return
  }
  func.func @transform_0(%arg0: i32) -> (i32, i32) {
    %c0_i32 = arith.constant 0 : i32
    %c0_i32_0 = arith.constant 0 : i32
    return %arg0, %c0_i32 : i32, i32
  }
  func.func @transform_1(%arg0: i32) -> (i32, i32) {
    %c0_i32 = arith.constant 0 : i32
    %c0_i32_0 = arith.constant 0 : i32
    %c0_i32_1 = arith.constant 0 : i32
    return %c0_i32, %c0_i32_0 : i32, i32
  }
  func.func @transform_2(%arg0: i32) -> (i32, i32) {
    %c0_i32 = arith.constant 0 : i32
    %c0_i32_0 = arith.constant 0 : i32
    %c0_i32_1 = arith.constant 0 : i32
    return %c0_i32, %c0_i32_0 : i32, i32
  }
  func.func @transform_3(%arg0: i32) -> (i32, i32) {
    %c0_i32 = arith.constant 0 : i32
    %c0_i32_0 = arith.constant 0 : i32
    %c0_i32_1 = arith.constant 0 : i32
    return %c0_i32, %c0_i32_0 : i32, i32
  }
  func.func @transform_4(%arg0: i32) -> (i32, i32, i32) {
    %c0_i32 = arith.constant 0 : i32
    %c0_i32_0 = arith.constant 0 : i32
    %c0_i32_1 = arith.constant 0 : i32
    return %c0_i32, %arg0, %c0_i32_0 : i32, i32, i32
  }
  func.func @transform_5(%arg0: i32) -> (i32, i32) {
    %c0_i32 = arith.constant 0 : i32
    %c0_i32_0 = arith.constant 0 : i32
    return %arg0, %c0_i32 : i32, i32
  }
  func.func @transform_6(%arg0: i32) -> (i32, i32) {
    %c0_i32 = arith.constant 0 : i32
    %c0_i32_0 = arith.constant 0 : i32
    return %arg0, %c0_i32 : i32, i32
  }
}

module attributes {stable_mosaic.version = 14 : i64} {
  func.func @body(%arg0: i32, %arg1: memref<2x1000x128xf32, #tpu.memory_space<vmem>>, %arg2: memref<1000x1xf32, #tpu.memory_space<vmem>>, %arg3: memref<1x128xf32, #tpu.memory_space<vmem>>, %arg4: memref<128x128xf32, #tpu.memory_space<vmem>>, %arg5: memref<1x128xf32, #tpu.memory_space<vmem>>, %arg6: memref<128x64xf32, #tpu.memory_space<vmem>>, %arg7: memref<1000x128xf32, #tpu.memory_space<vmem>>) attributes {dimension_semantics = [#tpu.dimension_semantics<arbitrary>], iteration_bounds = array<i64: 10>, scalar_prefetch = 0 : i64, scratch_operands = 0 : i64, tpu.core_type = #tpu.core_type<tc>, window_params = [{transform_indices = @transform_0, window_bounds = array<i64: 2, 1000, 128>}, {transform_indices = @transform_1, window_bounds = array<i64: 1000, 1>}, {pipeline_mode = #tpu.pipeline_mode<synchronous>, transform_indices = @transform_2, window_bounds = array<i64: 1, 128>}, {pipeline_mode = #tpu.pipeline_mode<synchronous>, transform_indices = @transform_3, window_bounds = array<i64: 128, 128>}, {pipeline_mode = #tpu.pipeline_mode<synchronous>, transform_indices = @transform_4, window_bounds = array<i64: 1, 128>}, {pipeline_mode = #tpu.pipeline_mode<synchronous>, transform_indices = @transform_5, window_bounds = array<i64: 128, 64>}, {transform_indices = @transform_6, window_bounds = array<i64: 1000, 128>}]} {
    %get3A = arith.constant 0 : index
    %get3A_0 = arith.constant 0 : index
    %get3A_1 = vector.load %arg2[%get3A, %get3A_0] : memref<1000x1xf32, #tpu.memory_space<vmem>>, vector<1000x1xf32>
    %get3A_2 = arith.constant 0 : index
    %get3A_3 = arith.constant 0 : index
    %get3A_4 = arith.constant 0 : index
    %get3A_5 = vector.load %arg1[%get3A_2, %get3A_3, %get3A_4] : memref<2x1000x128xf32, #tpu.memory_space<vmem>>, vector<1x1000x128xf32>
    %get3A_6 = vector.shape_cast %get3A_5 : vector<1x1000x128xf32> to vector<1000x128xf32>
    %get3A_7 = arith.constant 1 : index
    %get3A_8 = arith.constant 0 : index
    %get3A_9 = arith.constant 0 : index
    %get3A_10 = vector.load %arg1[%get3A_7, %get3A_8, %get3A_9] : memref<2x1000x128xf32, #tpu.memory_space<vmem>>, vector<1x1000x128xf32>
    %get3A_11 = vector.shape_cast %get3A_10 : vector<1x1000x128xf32> to vector<1000x128xf32>
    %add3A = arith.addf %get3A_6, %get3A_11 : vector<1000x128xf32>
    %mul3A = vector.broadcast %get3A_1 : vector<1000x1xf32> to vector<1000x128xf32>
    %mul3A_12 = arith.mulf %add3A, %mul3A : vector<1000x128xf32>
    %get3A_13 = arith.constant 0 : index
    %get3A_14 = arith.constant 0 : index
    %get3A_15 = vector.load %arg3[%get3A_13, %get3A_14] : memref<1x128xf32, #tpu.memory_space<vmem>>, vector<1x128xf32>
    %add3A_16 = vector.broadcast %get3A_15 : vector<1x128xf32> to vector<1000x128xf32>
    %add3A_17 = arith.addf %mul3A_12, %add3A_16 : vector<1000x128xf32>
    %tanh3A = math.tanh %add3A_17 : vector<1000x128xf32>
    %get3A_18 = arith.constant 0 : index
    %get3A_19 = arith.constant 0 : index
    %get3A_20 = vector.load %arg4[%get3A_18, %get3A_19] : memref<128x128xf32, #tpu.memory_space<vmem>>, vector<128x128xf32>
    %dot_general3A = arith.constant dense<0.000000e+00> : vector<1000x128xf32>
    %dot_general3A_21 = tpu.matmul %tanh3A, %get3A_20, %dot_general3A {dimension_numbers = #tpu.dot_dimension_numbers<[1], [0], [0], [1], [0, 0, 1, 1], [], []>, transpose_lhs_hint = false} : vector<1000x128xf32>, vector<128x128xf32>, vector<1000x128xf32> -> vector<1000x128xf32>
    %get3A_22 = arith.constant 0 : index
    %get3A_23 = arith.constant 0 : index
    %get3A_24 = vector.load %arg5[%get3A_22, %get3A_23] : memref<1x128xf32, #tpu.memory_space<vmem>>, vector<1x128xf32>
    %add3A_25 = vector.broadcast %get3A_24 : vector<1x128xf32> to vector<1000x128xf32>
    %add3A_26 = arith.addf %dot_general3A_21, %add3A_25 : vector<1000x128xf32>
    %tanh3A_27 = math.tanh %add3A_26 : vector<1000x128xf32>
    %get3A_28 = arith.constant 0 : index
    %get3A_29 = arith.constant 0 : index
    %get3A_30 = vector.load %arg6[%get3A_28, %get3A_29] : memref<128x64xf32, #tpu.memory_space<vmem>>, vector<128x64xf32>
    %dot_general3A_31 = arith.constant dense<0.000000e+00> : vector<1000x64xf32>
    %dot_general3A_32 = tpu.matmul %tanh3A_27, %get3A_30, %dot_general3A_31 {dimension_numbers = #tpu.dot_dimension_numbers<[1], [0], [0], [1], [0, 0, 1, 1], [], []>, transpose_lhs_hint = false} : vector<1000x128xf32>, vector<128x64xf32>, vector<1000x64xf32> -> vector<1000x64xf32>
    %mul3A_33 = vector.broadcast %get3A_1 : vector<1000x1xf32> to vector<1000x64xf32>
    %mul3A_34 = arith.mulf %dot_general3A_32, %mul3A_33 : vector<1000x64xf32>
    %broadcast_in_dim3A = arith.constant 0.000000e+00 : f32
    %broadcast_in_dim3A_35 = vector.broadcast %broadcast_in_dim3A : f32 to vector<1000x64xf32>
    %concatenate3A = tpu.concatenate %mul3A_34, %broadcast_in_dim3A_35 in 1 : vector<1000x64xf32>, vector<1000x64xf32> -> vector<1000x128xf32>
    %swap3A = arith.constant 0 : index
    %swap3A_36 = arith.constant 0 : index
    %swap3A_37 = vector.load %arg7[%swap3A, %swap3A_36] : memref<1000x128xf32, #tpu.memory_space<vmem>>, vector<1000x128xf32>
    tpu.vector_store %arg7[%swap3A, %swap3A_36], %concatenate3A {strides = array<i32>} : memref<1000x128xf32, #tpu.memory_space<vmem>>, vector<1000x128xf32>,
    return
  }
  func.func @transform_0(%arg0: i32) -> (i32, i32, i32) {
    %c0_i32 = arith.constant 0 : i32
    %c0_i32_0 = arith.constant 0 : i32
    %c0_i32_1 = arith.constant 0 : i32
    return %c0_i32, %arg0, %c0_i32_0 : i32, i32, i32
  }
  func.func @transform_1(%arg0: i32) -> (i32, i32) {
    %c0_i32 = arith.constant 0 : i32
    %c0_i32_0 = arith.constant 0 : i32
    return %arg0, %c0_i32 : i32, i32
  }
  func.func @transform_2(%arg0: i32) -> (i32, i32) {
    %c0_i32 = arith.constant 0 : i32
    %c0_i32_0 = arith.constant 0 : i32
    %c0_i32_1 = arith.constant 0 : i32
    return %c0_i32, %c0_i32_0 : i32, i32
  }
  func.func @transform_3(%arg0: i32) -> (i32, i32) {
    %c0_i32 = arith.constant 0 : i32
    %c0_i32_0 = arith.constant 0 : i32
    %c0_i32_1 = arith.constant 0 : i32
    return %c0_i32, %c0_i32_0 : i32, i32
  }
  func.func @transform_4(%arg0: i32) -> (i32, i32) {
    %c0_i32 = arith.constant 0 : i32
    %c0_i32_0 = arith.constant 0 : i32
    %c0_i32_1 = arith.constant 0 : i32
    return %c0_i32, %c0_i32_0 : i32, i32
  }
  func.func @transform_5(%arg0: i32) -> (i32, i32) {
    %c0_i32 = arith.constant 0 : i32
    %c0_i32_0 = arith.constant 0 : i32
    %c0_i32_1 = arith.constant 0 : i32
    return %c0_i32, %c0_i32_0 : i32, i32
  }
  func.func @transform_6(%arg0: i32) -> (i32, i32) {
    %c0_i32 = arith.constant 0 : i32
    %c0_i32_0 = arith.constant 0 : i32
    return %arg0, %c0_i32 : i32, i32
  }
}

module attributes {stable_mosaic.version = 14 : i64} {
  func.func @body(%arg0: i32, %arg1: memref<2x1000x128xf32, #tpu.memory_space<vmem>>, %arg2: memref<1000x1xf32, #tpu.memory_space<vmem>>, %arg3: memref<1x64xf32, #tpu.memory_space<vmem>>, %arg4: memref<1000x64xf32, #tpu.memory_space<vmem>>) attributes {dimension_semantics = [#tpu.dimension_semantics<arbitrary>], iteration_bounds = array<i64: 10>, scalar_prefetch = 0 : i64, scratch_operands = 0 : i64, tpu.core_type = #tpu.core_type<tc>, window_params = [{transform_indices = @transform_0, window_bounds = array<i64: 2, 1000, 128>}, {transform_indices = @transform_1, window_bounds = array<i64: 1000, 1>}, {pipeline_mode = #tpu.pipeline_mode<synchronous>, transform_indices = @transform_2, window_bounds = array<i64: 1, 64>}, {transform_indices = @transform_3, window_bounds = array<i64: 1000, 64>}]} {
    %get3A = arith.constant 0 : index
    %get3A_0 = arith.constant 0 : index
    %get3A_1 = arith.constant 0 : index
    %get3A_2 = vector.load %arg1[%get3A, %get3A_0, %get3A_1] : memref<2x1000x128xf32, #tpu.memory_space<vmem>>, vector<1x1000x64xf32>
    %get3A_3 = vector.shape_cast %get3A_2 : vector<1x1000x64xf32> to vector<1000x64xf32>
    %get3A_4 = arith.constant 1 : index
    %get3A_5 = arith.constant 0 : index
    %get3A_6 = arith.constant 0 : index
    %get3A_7 = vector.load %arg1[%get3A_4, %get3A_5, %get3A_6] : memref<2x1000x128xf32, #tpu.memory_space<vmem>>, vector<1x1000x64xf32>
    %get3A_8 = vector.shape_cast %get3A_7 : vector<1x1000x64xf32> to vector<1000x64xf32>
    %add3A = arith.addf %get3A_3, %get3A_8 : vector<1000x64xf32>
    %get3A_9 = arith.constant 0 : index
    %get3A_10 = arith.constant 0 : index
    %get3A_11 = vector.load %arg2[%get3A_9, %get3A_10] : memref<1000x1xf32, #tpu.memory_space<vmem>>, vector<1000x1xf32>
    %mul3A = vector.broadcast %get3A_11 : vector<1000x1xf32> to vector<1000x64xf32>
    %mul3A_12 = arith.mulf %add3A, %mul3A : vector<1000x64xf32>
    %get3A_13 = arith.constant 0 : index
    %get3A_14 = arith.constant 0 : index
    %get3A_15 = vector.load %arg3[%get3A_13, %get3A_14] : memref<1x64xf32, #tpu.memory_space<vmem>>, vector<1x64xf32>
    %add3A_16 = vector.broadcast %get3A_15 : vector<1x64xf32> to vector<1000x64xf32>
    %add3A_17 = arith.addf %mul3A_12, %add3A_16 : vector<1000x64xf32>
    %tanh3A = math.tanh %add3A_17 : vector<1000x64xf32>
    %swap3A = arith.constant 0 : index
    %swap3A_18 = arith.constant 0 : index
    %swap3A_19 = vector.load %arg4[%swap3A, %swap3A_18] : memref<1000x64xf32, #tpu.memory_space<vmem>>, vector<1000x64xf32>
    tpu.vector_store %arg4[%swap3A, %swap3A_18], %tanh3A {strides = array<i32>} : memref<1000x64xf32, #tpu.memory_space<vmem>>, vector<1000x64xf32>,
    return
  }
  func.func @transform_0(%arg0: i32) -> (i32, i32, i32) {
    %c0_i32 = arith.constant 0 : i32
    %c0_i32_0 = arith.constant 0 : i32
    %c0_i32_1 = arith.constant 0 : i32
    return %c0_i32, %arg0, %c0_i32_0 : i32, i32, i32
  }
  func.func @transform_1(%arg0: i32) -> (i32, i32) {
    %c0_i32 = arith.constant 0 : i32
    %c0_i32_0 = arith.constant 0 : i32
    return %arg0, %c0_i32 : i32, i32
  }
  func.func @transform_2(%arg0: i32) -> (i32, i32) {
    %c0_i32 = arith.constant 0 : i32
    %c0_i32_0 = arith.constant 0 : i32
    %c0_i32_1 = arith.constant 0 : i32
    return %c0_i32, %c0_i32_0 : i32, i32
  }
  func.func @transform_3(%arg0: i32) -> (i32, i32) {
    %c0_i32 = arith.constant 0 : i32
    %c0_i32_0 = arith.constant 0 : i32
    return %arg0, %c0_i32 : i32, i32
  }
}

module attributes {stable_mosaic.version = 14 : i64} {
  func.func @body(%arg0: i32, %arg1: memref<1x16000xf32, #tpu.memory_space<vmem>>, %arg2: memref<64x16000xf32, #tpu.memory_space<vmem>>, %arg3: memref<64x16000xf32, #tpu.memory_space<vmem>>, %arg4: memref<1x1x64xf32, #tpu.memory_space<vmem>>, %arg5: memref<1x1x64xf32, #tpu.memory_space<vmem>>) attributes {dimension_semantics = [#tpu.dimension_semantics<arbitrary>], iteration_bounds = array<i64: 40>, scalar_prefetch = 0 : i64, scratch_operands = 0 : i64, tpu.core_type = #tpu.core_type<tc>, window_params = [{transform_indices = @transform_0, window_bounds = array<i64: 1, 16000>}, {transform_indices = @transform_1, window_bounds = array<i64: 64, 16000>}, {transform_indices = @transform_2, window_bounds = array<i64: 64, 16000>}, {transform_indices = @transform_3, window_bounds = array<i64: 1, 1, 64>}, {transform_indices = @transform_4, window_bounds = array<i64: 1, 1, 64>}]} {
    %get3A = arith.constant 0 : index
    %get3A_0 = arith.constant 0 : index
    %get3A_1 = vector.load %arg1[%get3A, %get3A_0] : memref<1x16000xf32, #tpu.memory_space<vmem>>, vector<1x16000xf32>
    %get3A_2 = arith.constant 0 : index
    %get3A_3 = arith.constant 0 : index
    %get3A_4 = vector.load %arg2[%get3A_2, %get3A_3] : memref<64x16000xf32, #tpu.memory_space<vmem>>, vector<64x16000xf32>
    %dot_general3A = arith.constant dense<0.000000e+00> : vector<1x64xf32>
    %dot_general3A_5 = tpu.matmul %get3A_1, %get3A_4, %dot_general3A {dimension_numbers = #tpu.dot_dimension_numbers<[1], [1], [0], [0], [0, 0, 1, 0], [], []>, transpose_lhs_hint = false} : vector<1x16000xf32>, vector<64x16000xf32>, vector<1x64xf32> -> vector<1x64xf32>
    %broadcast_in_dim3A = vector.shape_cast %dot_general3A_5 : vector<1x64xf32> to vector<1x1x64xf32>
    %swap3A = arith.constant 0 : index
    %swap3A_6 = arith.constant 0 : index
    %swap3A_7 = arith.constant 0 : index
    %swap3A_8 = vector.load %arg4[%swap3A, %swap3A_6, %swap3A_7] : memref<1x1x64xf32, #tpu.memory_space<vmem>>, vector<1x1x64xf32>
    tpu.vector_store %arg4[%swap3A, %swap3A_6, %swap3A_7], %broadcast_in_dim3A {strides = array<i32>} : memref<1x1x64xf32, #tpu.memory_space<vmem>>, vector<1x1x64xf32>,
    %get3A_9 = arith.constant 0 : index
    %get3A_10 = arith.constant 0 : index
    %get3A_11 = vector.load %arg3[%get3A_9, %get3A_10] : memref<64x16000xf32, #tpu.memory_space<vmem>>, vector<64x16000xf32>
    %dot_general3A_12 = arith.constant dense<0.000000e+00> : vector<1x64xf32>
    %dot_general3A_13 = tpu.matmul %get3A_1, %get3A_11, %dot_general3A_12 {dimension_numbers = #tpu.dot_dimension_numbers<[1], [1], [0], [0], [0, 0, 1, 0], [], []>, transpose_lhs_hint = false} : vector<1x16000xf32>, vector<64x16000xf32>, vector<1x64xf32> -> vector<1x64xf32>
    %broadcast_in_dim3A_14 = vector.shape_cast %dot_general3A_13 : vector<1x64xf32> to vector<1x1x64xf32>
    %swap3A_15 = arith.constant 0 : index
    %swap3A_16 = arith.constant 0 : index
    %swap3A_17 = arith.constant 0 : index
    %swap3A_18 = vector.load %arg5[%swap3A_15, %swap3A_16, %swap3A_17] : memref<1x1x64xf32, #tpu.memory_space<vmem>>, vector<1x1x64xf32>
    tpu.vector_store %arg5[%swap3A_15, %swap3A_16, %swap3A_17], %broadcast_in_dim3A_14 {strides = array<i32>} : memref<1x1x64xf32, #tpu.memory_space<vmem>>, vector<1x1x64xf32>,
    return
  }
  func.func @transform_0(%arg0: i32) -> (i32, i32) {
    %c0_i32 = arith.constant 0 : i32
    %c0_i32_0 = arith.constant 0 : i32
    return %c0_i32, %arg0 : i32, i32
  }
  func.func @transform_1(%arg0: i32) -> (i32, i32) {
    %c0_i32 = arith.constant 0 : i32
    %c0_i32_0 = arith.constant 0 : i32
    return %c0_i32, %arg0 : i32, i32
  }
  func.func @transform_2(%arg0: i32) -> (i32, i32) {
    %c0_i32 = arith.constant 0 : i32
    %c0_i32_0 = arith.constant 0 : i32
    return %c0_i32, %arg0 : i32, i32
  }
  func.func @transform_3(%arg0: i32) -> (i32, i32, i32) {
    %c0_i32 = arith.constant 0 : i32
    %c0_i32_0 = arith.constant 0 : i32
    %c0_i32_1 = arith.constant 0 : i32
    return %arg0, %c0_i32, %c0_i32_0 : i32, i32, i32
  }
  func.func @transform_4(%arg0: i32) -> (i32, i32, i32) {
    %c0_i32 = arith.constant 0 : i32
    %c0_i32_0 = arith.constant 0 : i32
    %c0_i32_1 = arith.constant 0 : i32
    return %arg0, %c0_i32, %c0_i32_0 : i32, i32, i32
  }
}

module attributes {stable_mosaic.version = 14 : i64} {
  func.func @body2(%arg0: memref<40x1x64xf32, #tpu.memory_space<vmem>>, %arg1: memref<40x1x64xf32, #tpu.memory_space<vmem>>, %arg2: memref<1x64xf32, #tpu.memory_space<vmem>>, %arg3: memref<64x8xf32, #tpu.memory_space<vmem>>, %arg4: memref<1x8xf32, #tpu.memory_space<vmem>>, %arg5: memref<1x64xf32, #tpu.memory_space<vmem>>, %arg6: memref<64x1xf32, #tpu.memory_space<vmem>>, %arg7: memref<1x1xf32, #tpu.memory_space<vmem>>, %arg8: memref<1x8xf32, #tpu.memory_space<vmem>>, %arg9: memref<1x1xf32, #tpu.memory_space<vmem>>) attributes {dimension_semantics = [], scalar_prefetch = 0 : i64, scratch_operands = 0 : i64, tpu.core_type = #tpu.core_type<tc>} {
    %get3A = arith.constant 0 : index
    %get3A_0 = arith.constant 0 : index
    %get3A_1 = arith.constant 0 : index
    %get3A_2 = vector.load %arg0[%get3A, %get3A_0, %get3A_1] : memref<40x1x64xf32, #tpu.memory_space<vmem>>, vector<40x1x64xf32>
    %reduce_sum3A = arith.constant dense<0.000000e+00> : vector<1x64xf32>
    %reduce_sum3A_3 = vector.multi_reduction <add>, %get3A_2, %reduce_sum3A [0] : vector<40x1x64xf32> to vector<1x64xf32>
    %get3A_4 = arith.constant 0 : index
    %get3A_5 = arith.constant 0 : index
    %get3A_6 = arith.constant 0 : index
    %get3A_7 = vector.load %arg1[%get3A_4, %get3A_5, %get3A_6] : memref<40x1x64xf32, #tpu.memory_space<vmem>>, vector<40x1x64xf32>
    %reduce_sum3A_8 = arith.constant dense<0.000000e+00> : vector<1x64xf32>
    %reduce_sum3A_9 = vector.multi_reduction <add>, %get3A_7, %reduce_sum3A_8 [0] : vector<40x1x64xf32> to vector<1x64xf32>
    %get3A_10 = arith.constant 0 : index
    %get3A_11 = arith.constant 0 : index
    %get3A_12 = vector.load %arg2[%get3A_10, %get3A_11] : memref<1x64xf32, #tpu.memory_space<vmem>>, vector<1x64xf32>
    %add3A = arith.addf %reduce_sum3A_3, %get3A_12 : vector<1x64xf32>
    %tanh3A = math.tanh %add3A : vector<1x64xf32>
    %get3A_13 = arith.constant 0 : index
    %get3A_14 = arith.constant 0 : index
    %get3A_15 = vector.load %arg3[%get3A_13, %get3A_14] : memref<64x8xf32, #tpu.memory_space<vmem>>, vector<64x8xf32>
    %dot_general3A = arith.constant dense<0.000000e+00> : vector<1x8xf32>
    %dot_general3A_16 = tpu.matmul %tanh3A, %get3A_15, %dot_general3A {dimension_numbers = #tpu.dot_dimension_numbers<[1], [0], [0], [1], [0, 0, 1, 1], [], []>, transpose_lhs_hint = false} : vector<1x64xf32>, vector<64x8xf32>, vector<1x8xf32> -> vector<1x8xf32>
    %get3A_17 = arith.constant 0 : index
    %get3A_18 = arith.constant 0 : index
    %get3A_19 = vector.load %arg4[%get3A_17, %get3A_18] : memref<1x8xf32, #tpu.memory_space<vmem>>, vector<1x8xf32>
    %add3A_20 = arith.addf %dot_general3A_16, %get3A_19 : vector<1x8xf32>
    %swap3A = arith.constant 0 : index
    %swap3A_21 = arith.constant 0 : index
    %swap3A_22 = vector.load %arg8[%swap3A, %swap3A_21] : memref<1x8xf32, #tpu.memory_space<vmem>>, vector<1x8xf32>
    tpu.vector_store %arg8[%swap3A, %swap3A_21], %add3A_20 {strides = array<i32>} : memref<1x8xf32, #tpu.memory_space<vmem>>, vector<1x8xf32>,
    %get3A_23 = arith.constant 0 : index
    %get3A_24 = arith.constant 0 : index
    %get3A_25 = vector.load %arg5[%get3A_23, %get3A_24] : memref<1x64xf32, #tpu.memory_space<vmem>>, vector<1x64xf32>
    %add3A_26 = arith.addf %reduce_sum3A_9, %get3A_25 : vector<1x64xf32>
    %tanh3A_27 = math.tanh %add3A_26 : vector<1x64xf32>
    %get3A_28 = arith.constant 0 : index
    %get3A_29 = arith.constant 0 : index
    %get3A_30 = vector.load %arg6[%get3A_28, %get3A_29] : memref<64x1xf32, #tpu.memory_space<vmem>>, vector<64x1xf32>
    %dot_general3A_31 = arith.constant dense<0.000000e+00> : vector<1x1xf32>
    %dot_general3A_32 = tpu.matmul %tanh3A_27, %get3A_30, %dot_general3A_31 {dimension_numbers = #tpu.dot_dimension_numbers<[1], [0], [0], [1], [0, 0, 1, 1], [], []>, transpose_lhs_hint = false} : vector<1x64xf32>, vector<64x1xf32>, vector<1x1xf32> -> vector<1x1xf32>
    %get3A_33 = arith.constant 0 : index
    %get3A_34 = arith.constant 0 : index
    %get3A_35 = vector.load %arg7[%get3A_33, %get3A_34] : memref<1x1xf32, #tpu.memory_space<vmem>>, vector<1x1xf32>
    %add3A_36 = arith.addf %dot_general3A_32, %get3A_35 : vector<1x1xf32>
    %swap3A_37 = arith.constant 0 : index
    %swap3A_38 = arith.constant 0 : index
    %swap3A_39 = vector.load %arg9[%swap3A_37, %swap3A_38] : memref<1x1xf32, #tpu.memory_space<vmem>>, vector<1x1xf32>
    tpu.vector_store %arg9[%swap3A_37, %swap3A_38], %add3A_36 {strides = array<i32>} : memref<1x1xf32, #tpu.memory_space<vmem>>, vector<1x1xf32>,
    return
  }
}

</mosaic_0001>

<sc_bundles>
// kernel: kernel.10.cloned.1.call-start
scs
__scs_entry_jumppad:
0x0: {  	(pc) =	sbr.rel $0x88, $3  }
0x1: {  	(tag) =	ssettag $0x0;
	lr =	simm.s32 $0x1  }
0x2: {  	[smem:$0x3F8F] =	sst lr;
	_ =	strace $0xD0000000  }
0x3: {  	_ = 	snop  }
0x4: {  	_ = 	snop  }
0x5: {  	_ = 	snop  }
0x6: {  	_ = 	snop  }
0x7: {  	_ = 	snop  }
__scs_overlays_trampoline_lowered:
0x8: {  	[smem:$0x3F9E] =	sst s0  }
0x9: {  	[smem:$0x3F9F] =	sst s1  }
0xa: {  	[smem:$0x3FA0] =	sst s2  }
0xb: {  	[smem:$0x3FA1] =	sst s3  }
0xc: {  	[smem:$0x3FA2] =	sst s4  }
0xd: {  	[smem:$0x3FA3] =	sst s5  }
0xe: {  	[smem:$0x3FA4] =	sst s6  }
0xf: {  	[smem:$0x3FA5] =	sst s7  }
0x10: {  	[smem:$0x3FA6] =	sst s8  }
0x11: {  	[smem:$0x3FA7] =	sst s9;
	s0 =	simm.s32 @!p0 $0x0  }
0x12: {  	s1 =	sld [smem:$0x3F8D];
	s0 =	simm.s32 @p0 $0x1  }
0x13: {  	[smem:$0x3FA8] =	sst s0;
	s0 =	simm.s32 @!p1 $0x0  }
0x14: {  	s2 =	sld [smem:$0x3F8C];
	s0 =	simm.s32 @p1 $0x1  }
0x15: {  	[smem:$0x3FA9] =	sst s0;
	s0 =	simm.s32 @!p2 $0x0  }
0x16: {  	s3 =	sld [smem:$0x3FDB];
	s0 =	simm.s32 @p2 $0x1  }
0x17: {  	s4 =	simm.s32 $0x1BF5;
	[smem:$0x3FAB] =	sst s0  }
0x18: {  	s0 =	sld [smem:$0x3F8E];
	_ =	swait.ge [sflag:s4], $0x0  }
0x19: {  	s7 =	sld [smem:$0x3F8F]  }
0x1a: {  	s8 =	sadd.s32 $0xFFFFE003, lr  }
0x1b: {  	s9 =	sadd.s32 $0xFFFFFEF7, lr;
	s5 =	simm.s32 $0xFFFFFFFF;
	p2 =	slt.u32 s8, $0xFFFFF086  }
0x1c: {  	p1 =	slt.u32 s9, $0xF7A;
	s5 =	simm.s32 @!p2 $0x0  }
0x1d: {  	s5 =	simm.s32 @p1 $0x1;
	p0 =	seq.s32 s7, s2  }
0x1e: {  	s7 =	smul.u32 @!p0 $0xF7A, s2;
	p2 =	seq.s32 @!p0 s5, $0x0  }
0x1f: {  	s9 =	smul.u32 $0xF7A, s1;
	s8 =	simm.s32 @!p0 $0x1BF5;
	p2 =	por !p2, p0  }
0x20: {  	[sflag:s8] =	ssyncset.s32 @!p0 $0xFFFFF086;
	s6 =	sadd.s32 @!p0 s3, s7;
	s7 =	simm.s32 @!p0 $0x108  }
0x21: {  	s3 =	sadd.s32 s3, s9;
	s6 =	sadd.s32 @!p0 $0x88, s6;
	s7 =	simm.s32 @p2 $0x1082  }
0x22: {  	[simem:s7], [sflag:s8] =	dma.local @!p0 [hbm:s6], $0xF7A  }
0x23: {  	s9 =	sor.u32 $0xD0000000, s2;
	s6 =	simm.s32 $0x108;
	_ =	swait.ge @!p0 [sflag:s8], $0x0  }
0x24: {  	s3 =	sadd.s32 $0x88, s3;
	s6 =	simm.s32 @!p1 $0x1082;
	[sflag:s4] =	ssyncset.s32 $0xFFFFF086  }
0x25: {  	[simem:s6], [sflag:s4] =	dma.local [hbm:s3], $0xF7A  }
0x26: {  	[smem:$0x3F8F] =	sst s1;
	(tag) =	ssettag s2;
	_ =	strace s9  }
0x27: {  	s1 =	sld [smem:$0x3F9F]  }
0x28: {  	s2 =	sld [smem:$0x3FA0]  }
0x29: {  	s4 =	sld [smem:$0x3FA2]  }
0x2a: {  	p0 =	seq.s32 s5, $0x0;
	s5 =	sld [smem:$0x3FA3]  }
0x2b: {  	s6 =	sld [smem:$0x3FA4]  }
0x2c: {  	s7 =	sld [smem:$0x3FA5]  }
0x2d: {  	s3 =	simm.s32 $0x108;
	s8 =	sld [smem:$0x3FA6]  }
0x2e: {  	s3 =	simm.s32 @!p0 $0x1082;
	s9 =	sld [smem:$0x3FA7]  }
0x2f: {  	lr =	sadd.s32 s0, s3;
	s0 =	sld [smem:$0x3F9E]  }
0x30: {  	s3 =	sld [smem:$0x3FA1]  }
0x31: {  	[smem:$0x3FAA] =	sst s10  }
0x32: {  	s10 =	sld [smem:$0x3FA8];
	_ =	sdelay $0x3  }
0x33: {  	p0 =	seq.s32 s10, $0x1;
	s10 =	sld [smem:$0x3FAA];
	_ =	sdelay $0x3  }
0x34: {  	[smem:$0x3FAA] =	sst s10  }
0x35: {  	s10 =	sld [smem:$0x3FA9];
	_ =	sdelay $0x3  }
0x36: {  	p1 =	seq.s32 s10, $0x1;
	s10 =	sld [smem:$0x3FAA];
	_ =	sdelay $0x3  }
0x37: {  	[smem:$0x3FAA] =	sst s10  }
0x38: {  	s10 =	sld [smem:$0x3FAB]  }
0x39: {  	_ = 	snop;
	(pc) =	sbr.ind lr, $3  }
0x3a: {  	_ = 	snop  }
0x3b: {  	_ = 	snop  }
0x3c: {  	p2 =	seq.s32 s10, $0x1;
	s10 =	sld [smem:$0x3FAA]  }
0x3d: {  	_ =	shalt  }
0x3e: {  	_ =	shalt  }
0x3f: {  	_ =	shalt  }
0x40: {  	_ =	shalt  }
0x41: {  	_ =	shalt  }
0x42: {  	_ =	shalt  }
0x43: {  	_ =	shalt  }
0x44: {  	_ =	shalt  }
0x45: {  	_ =	shalt  }
0x46: {  	_ =	shalt  }
0x47: {  	_ =	shalt  }
0x48: {  	_ =	shalt  }
0x49: {  	_ =	shalt  }
0x4a: {  	_ =	shalt  }
0x4b: {  	_ =	shalt  }
0x4c: {  	_ =	shalt  }
0x4d: {  	_ =	shalt  }
0x4e: {  	_ =	shalt  }
0x4f: {  	_ =	shalt  }
0x50: {  	_ =	shalt  }
0x51: {  	_ =	shalt  }
0x52: {  	_ =	shalt  }
0x53: {  	_ =	shalt  }
0x54: {  	_ =	shalt  }
0x55: {  	_ =	shalt  }
0x56: {  	_ =	shalt  }
0x57: {  	_ =	shalt  }
0x58: {  	_ =	shalt  }
0x59: {  	_ =	shalt  }
0x5a: {  	_ =	shalt  }
0x5b: {  	_ =	shalt  }
0x5c: {  	_ =	shalt  }
0x5d: {  	_ =	shalt  }
0x5e: {  	_ =	shalt  }
0x5f: {  	_ =	shalt  }
0x60: {  	_ =	shalt  }
0x61: {  	_ =	shalt  }
0x62: {  	_ =	shalt  }
0x63: {  	_ =	shalt  }
0x64: {  	_ =	shalt  }
0x65: {  	_ =	shalt  }
0x66: {  	_ =	shalt  }
0x67: {  	_ =	shalt  }
0x68: {  	_ =	shalt  }
0x69: {  	_ =	shalt  }
0x6a: {  	_ =	shalt  }
0x6b: {  	_ =	shalt  }
0x6c: {  	_ =	shalt  }
0x6d: {  	_ =	shalt  }
0x6e: {  	_ =	shalt  }
0x6f: {  	_ =	shalt  }
0x70: {  	_ =	shalt  }
0x71: {  	_ =	shalt  }
0x72: {  	_ =	shalt  }
0x73: {  	_ =	shalt  }
0x74: {  	_ =	shalt  }
0x75: {  	_ =	shalt  }
0x76: {  	_ =	shalt  }
0x77: {  	_ =	shalt  }
0x78: {  	_ =	shalt  }
0x79: {  	_ =	shalt  }
0x7a: {  	_ =	shalt  }
0x7b: {  	_ =	shalt  }
0x7c: {  	_ =	shalt  }
0x7d: {  	_ =	shalt  }
0x7e: {  	_ =	shalt  }
0x7f: {  	_ =	shalt  }
0x80: {  	_ =	shalt  }
0x81: {  	_ =	shalt  }
0x82: {  	_ =	shalt  }
0x83: {  	_ =	shalt  }
0x84: {  	_ =	shalt  }
0x85: {  	_ =	shalt  }
0x86: {  	_ =	shalt  }
0x87: {  	_ =	shalt  }
.Lfunc_end0:
.L_simem_size_0:
called_computation_lowered:
.L_overlay_start_0:
0x88: {  	s2 =	sld [smem:$0x3FD9]  }
0x89: {  	s3 =	sld [smem:$0x3FFE];
	_ =	sdelay $0x1  }
0x8a: {  	s1 =	srdreg.scid  }
0x8b: {  	s0 =	sand.u32 $0x1, s1  }
0x8c: {  	s16 =	sshll.u32 s0, $0xA;
	s2 =	sadd.s32 s3, s2  }
0x8d: {  	s2 =	sadd.s32 s2, s16  }
0x8e: {  	[smem:$0x3FB6] =	sst s2  }
0x8f: {  	_ = 	snop  }
0x90: {  	(tm) =	ssettm $0x1  }
0x91: {  	s17 =	sld [smem:$0x3FFB];
	_ =	sdelay $0x3  }
0x92: {  	_ =	strace s17  }
0x93: {  	s2 =	sld [smem:$0x3FFC];
	_ =	sdelay $0x3  }
0x94: {  	_ =	strace s2  }
0x95: {  	s2 =	sld [smem:$0x3FFD];
	_ =	sdelay $0x3  }
0x96: {  	_ =	strace s2  }
0x97: {  	_ =	strace $0x8FFFFFFF  }
0x98: {  	s18 =	sld [smem:$0x3FDB];
	_ =	sdelay $0x1  }
0x99: {  	s19 =	simm.s32 $_scs_section_size  }
0x9a: {  	s4 =	simm.s32 $_size__tile_overlayer_lowered;
	s5 =	simm.s32 $_tile_overlayer_lowered  }
0x9b: {  	s22 =	simm.s32 $0x1BFF;
	s21 =	sshll.u32 s5, $0x1;
	s2 =	sadd.s32 s19, s18  }
0x9c: {  	s6 =	simm.s32 $0x0;
	s20 =	sshll.u32 s4, $0x1;
	s4 =	sadd.s32 s21, s2  }
0x9d: {  	[timem:s6], [sflag:s22] =	dma.local [hbm:s4], s20  }
0x9e: {  	_ =	swait.ge [sflag:s22], s20  }
0x9f: {  	s3 =	ssub.s32 $0x0, s20;
	[sflag:s22] =	ssyncset.done $0x0  }
0xa0: {  	[sflag:s22] =	ssyncadd.s32 s3;
	_ =	sdelay $0x1  }
0xa1: {  	s23 =	simm.s32 $0x1B8B  }
0xa2: {  	_ =	swait.ge [sflag:s23], $0x1  }
0xa3: {  	[sflag:s23] =	ssyncset.done $0x0  }
0xa4: {  	s25 =	simm.s32 $0x1B8E;
	s24 =	sld [smem:$0x3FFE];
	[sflag:s23] =	ssyncadd.s32 $0xFFFFFFFF  }
0xa5: {  	s26 =	simm.s32 $execute0_lowered;
	[smem:$0x3FD2] =	sst s25  }
0xa6: {  	s4 =	sshll.u32 s26, $0x1;
	_ =	strace $0x80000046;
	[dreg:$0x1] =	wrdreg $0xFFFFFFFF  }
0xa7: {  	s28 =	simm.s32 $_size_execute0_lowered;
	s2 =	sadd.s32 s2, s4;
	[dreg:$0x0] =	wrdreg $0x0  }
0xa8: {  	s4 =	sshll.u32 s28, $0x1;
	[dreg:$0x2] =	wrdreg s2  }
0xa9: {  	[dreg:$0x3] =	wrdreg s4  }
0xaa: {  	[dreg:$0x4] =	wrdreg $0xC0  }
0xab: {  	_ =	task [dreg:s6], $0x5FFFF  }
0xac: {  	[dreg:$0x1] =	wrdreg $0xFFFFFFFF  }
0xad: {  	[dreg:$0x0] =	wrdreg $0x60  }
0xae: {  	[dreg:$0x2] =	wrdreg s24  }
0xaf: {  	[dreg:$0x3] =	wrdreg $0x41800  }
0xb0: {  	[dreg:$0x4] =	wrdreg $0x9  }
0xb1: {  	_ =	task.clear_ibuf [dreg:s6], $0x5FFFF;
	_ =	strace $0x90000046  }
0xb2: {  	s29 =	simm.s32 $0x9;
	_ =	strace $0x80000048  }
0xb3: {  	_ =	swait.ge [sflag:s29], $0x1  }
0xb4: {  	[sflag:s29] =	ssyncadd.s32 $0xFFFFFFFF  }
0xb5: {  	_ =	strace $0x90000048  }
0xb6: {  	_ =	sfence  }
0xb7: {  	s30 =	sld [smem:$0x0];
	_ =	sdelay $0x2  }
0xb8: {  	s31 =	sshll.u32 s1, $0xD;
	s1 =	sshrl.u32 s1, $0x2  }
0xb9: {  	s3 =	sand.u32 $0x4000, s31;
	s1 =	sadd.s32 s1, s30  }
0xba: {  	s0 =	sor.u32 s3, s0;
	s1 =	sshll.u32 s1, $0x11  }
0xbb: {  	s0 =	sor.u32 s1, s0  }
0xbc: {  	s0 =	sadd.s32 $0x8F2B, s0  }
0xbd: {  	[sflag:s0] =	ssyncadd.remote.s32 $0x1  }
0xbe: {  	_ =	sfence.sel $0xFFFF  }
0xbf: {  	[dreg:$0x0] =	wrdreg $0xFFFFFFFF;
	(pc) =	sbr.abs _section_cstart, $3  }
0xc0: {  	[dreg:$0x1] =	wrdreg $0xFFFFFFFF  }
0xc1: {  	_ =	task.clear_ibuf [dreg:s6], $0x2FFFF;
	_ =	strace $0x9FFFFFFF  }
0xc2: {  	(tm) =	ssettm $0x7FFFFFFF  }
0xc3: {  	_ =	shalt  }
tec
execute0_lowered:
.L_overlay_start_1:
0x0: {  	(tag) =	ssettag $0x1  }
0x1: {  	s4 =	rddreg [dreg:$0x0]  }
0x2: {  	s1 =	rddreg [dreg:$0x1]  }
0x3: {  	s0 =	rddreg [dreg:$0x2];
	s2 =	simm.s32 $0x0;
	s7 =	stileid.u32  }
0x4: {  	s5 =	srdreg.scid;
	s11 =	simm.s32 $0x4000;
	s12 =	simm.s32 $0x4100  }
0x5: {  	s13 =	simm.s32 $0x1;
	s14 =	simm.s32 $0x2;
	s15 =	simm.s32 $0x0  }
0x6: {  	[smem:$0x7FF] =	sst s2;
	s3 =	sshll.u32 s7, $0xB;
	s31 =	sand.u32 $0x1, s5  }
0x7: {  	p0 =	sne.s32 s7, $0x0;
	s7 =	simm.s32 $0x3;
	_ =	strace $0x80000047  }
0x8: {  	s6 =	sadd.s32 s3, s4;
	s5 =	smul.u32 $0x4F0, s31;
	s8 =	ssub.s32 $0x2, s31  }
0x9: {  	s9 =	sshll.u32 s31, $0xF;
	s3 =	sadd.s32 $0x13000, s4;
	s10 =	sshrl.u32 s8, $0x1  }
0xa: {  	s6 =	sadd.s32 s9, s6;
	s9 =	simm.s32 $0x50;
	s5 =	sadd.s32 s5, s4  }
0xb: {  	s8 =	ssub.s32 s8, s10;
	s4 =	sadd.s32 $0x3000, s6;
	s10 =	simm.s32 $0x4080  }
0xc: {  	v0 =	vimm.f32 $1.000000000e+00;
	s5 =	sadd.s32 $0x13600, s5;
	s6 =	smax.u32 s8, $0x1;
	s8 =	sshrl.u32 @!p0 s1, $0x3  }
.LBB2_1:
0xd: {  	[tilespmem:$0x4000] =	vst v0  }
0xe: {  	[tilespmem:$0x4010] =	vst v0  }
0xf: {  	[tilespmem:$0x4020] =	vst v0  }
0x10: {  	[tilespmem:$0x4030] =	vst v0  }
0x11: {  	[tilespmem:$0x4040] =	vst v0  }
0x12: {  	[tilespmem:s2], [sflag:$0x3] =	stream.linear.gather [hbm4b:s4+s2], $0x3E80, $0x38;
	[tilespmem:$0x43F8] =	vst v63  }
0x13: {  	_ =	swait.ge [sflag:s7], $0x3E80  }
0x14: {  	[sflag:s7] =	ssyncset.done $0x0  }
0x15: {  	s16 =	simm.s32 @!p0 $0x1C03;
	[sflag:s7] =	ssyncadd.s32 $0xFFFFC180  }
0x16: {  	[spmem:s8], [sflag:s16] =	dma.local @!p0 [hbm:s3], $0x4F0  }
0x17: {  	s16 =	simm.s32 @!p0 $0x3  }
0x18: {  	_ =	swait.ge @!p0 [sflag:s16], $0x4F0  }
0x19: {  	[sflag:s16] =	ssyncset.done @!p0 $0x0  }
0x1a: {  	[sflag:s16] =	ssyncadd.s32 @!p0 $0xFFFFFB10  }
0x1b: {  	[bflag:$0x0] =	sbarrier.arrive $0xFFFF  }
0x1c: {  	v1 =	vld [tilespmem:$0x0]  }
0x1d: {  	v2 =	vld [tilespmem:$0x10]  }
0x1e: {  	v3 =	vld [tilespmem:$0x20]  }
0x1f: {  	v4 =	vld [tilespmem:$0x30]  }
0x20: {  	v5 =	vld [tilespmem:$0x40]  }
0x21: {  	v1 =	vshrl.u32 v1, $0x10  }
0x22: {  	[tilespmem:$0x4080] =	vst v1;
	v1 =	vshrl.u32 v2, $0x10  }
0x23: {  	[tilespmem:$0x4090] =	vst v1;
	v1 =	vshrl.u32 v3, $0x10  }
0x24: {  	[tilespmem:$0x40A0] =	vst v1;
	v1 =	vshrl.u32 v4, $0x10  }
0x25: {  	[tilespmem:$0x40B0] =	vst v1;
	v1 =	vshrl.u32 v5, $0x10  }
0x26: {  	[tilespmem:$0x40C0] =	vst v1  }
0x27: {  	[spmem:s1] =	stream.indirect.scatter.add.f32 [tilespmem:s11], [sflag:$0x1], $0x1, s10, s9, $0xb8;
	[tilespmem:$0x43F8] =	vst v63  }
0x28: {  	v1 =	vld [tilespmem:$0x80]  }
0x29: {  	v2 =	vld [tilespmem:$0x90]  }
0x2a: {  	v3 =	vld [tilespmem:$0xA0]  }
0x2b: {  	v62 =	vld [tilespmem:$0xB0]  }
0x2c: {  	v63 =	vld [tilespmem:$0xC0]  }
0x2d: {  	v1 =	vshrl.u32 v1, $0x10  }
0x2e: {  	[tilespmem:$0x4100] =	vst v1;
	v1 =	vshrl.u32 v2, $0x10  }
0x2f: {  	[tilespmem:$0x4110] =	vst v1;
	v1 =	vshrl.u32 v3, $0x10  }
0x30: {  	[tilespmem:$0x4120] =	vst v1;
	v1 =	vshrl.u32 v62, $0x10  }
0x31: {  	[tilespmem:$0x4130] =	vst v1;
	v1 =	vshrl.u32 v63, $0x10  }
0x32: {  	[tilespmem:$0x4140] =	vst v1  }
0x33: {  	[spmem:s1] =	stream.indirect.scatter.add.f32 [tilespmem:s11], [sflag:$0x2], $0x1, s12, s9, $0xb8;
	[tilespmem:$0x43F8] =	vst v63  }
0x34: {  	_ =	swait.ge [sflag:s13], $0x50  }
0x35: {  	[sflag:s13] =	ssyncset.done $0x0  }
0x36: {  	s31 =	simm.s32 $0x1C0;
	[sflag:s13] =	ssyncadd.s32 $0xFFFFFFB0  }
0x37: {  	v1 =	vld [tilespmem:s31+$0xFFFFFF40];
	_ =	sdelay $0x4  }
0x38: {  	v1 =	vshrl.u32 v1, $0x10  }
0x39: {  	[tilespmem:$0x4080] =	vst v1  }
0x3a: {  	v1 =	vld [tilespmem:s31+$0xFFFFFF50];
	_ =	sdelay $0x4  }
0x3b: {  	v1 =	vshrl.u32 v1, $0x10  }
0x3c: {  	[tilespmem:$0x4090] =	vst v1  }
0x3d: {  	v1 =	vld [tilespmem:s31+$0xFFFFFF60];
	_ =	sdelay $0x4  }
0x3e: {  	v1 =	vshrl.u32 v1, $0x10  }
0x3f: {  	[tilespmem:$0x40A0] =	vst v1  }
0x40: {  	v1 =	vld [tilespmem:s31+$0xFFFFFF70];
	_ =	sdelay $0x4  }
0x41: {  	v1 =	vshrl.u32 v1, $0x10  }
0x42: {  	[tilespmem:$0x40B0] =	vst v1  }
0x43: {  	v1 =	vld [tilespmem:s31+$0xFFFFFF80];
	_ =	sdelay $0x4  }
0x44: {  	v1 =	vshrl.u32 v1, $0x10  }
0x45: {  	[tilespmem:$0x40C0] =	vst v1  }
0x46: {  	[spmem:s1] =	stream.indirect.scatter.add.f32 [tilespmem:s11], [sflag:$0x1], $0x1, s10, s9, $0xb8;
	[tilespmem:$0x43F8] =	vst v63  }
0x47: {  	_ =	swait.ge [sflag:s14], $0x50  }
0x48: {  	[sflag:s14] =	ssyncset.done $0x0  }
0x49: {  	[sflag:s14] =	ssyncadd.s32 $0xFFFFFFB0  }
0x4a: {  	v1 =	vld [tilespmem:s31+$0xFFFFFFC0];
	_ =	sdelay $0x4  }
0x4b: {  	v1 =	vshrl.u32 v1, $0x10  }
0x4c: {  	[tilespmem:$0x4100] =	vst v1  }
0x4d: {  	v1 =	vld [tilespmem:s31+$0xFFFFFFD0];
	_ =	sdelay $0x4  }
0x4e: {  	v1 =	vshrl.u32 v1, $0x10  }
0x4f: {  	[tilespmem:$0x4110] =	vst v1  }
0x50: {  	v1 =	vld [tilespmem:s31+$0xFFFFFFE0];
	_ =	sdelay $0x4  }
0x51: {  	v1 =	vshrl.u32 v1, $0x10  }
0x52: {  	[tilespmem:$0x4120] =	vst v1  }
0x53: {  	v1 =	vld [tilespmem:s31+$0xFFFFFFF0];
	_ =	sdelay $0x4  }
0x54: {  	v1 =	vshrl.u32 v1, $0x10  }
0x55: {  	[tilespmem:$0x4130] =	vst v1  }
0x56: {  	v1 =	vld [tilespmem:s31+$0x0];
	_ =	sdelay $0x4  }
0x57: {  	v1 =	vshrl.u32 v1, $0x10  }
0x58: {  	s16 =	simm.s32 $0xB00;
	[tilespmem:$0x4140] =	vst v1  }
.LBB2_2:
0x59: {  	[spmem:s1] =	stream.indirect.scatter.add.f32 [tilespmem:s11], [sflag:$0x2], $0x1, s12, s9, $0xb8;
	[tilespmem:$0x43F8] =	vst v63  }
0x5a: {  	s17 =	smov.u32 s16  }
0x5b: {  	p1 =	sne.s32 s16, $0xF700;
	s16 =	sadd.s32 $0x400, s16;
	_ =	swait.ge [sflag:s13], $0x50  }
0x5c: {  	[sflag:s13] =	ssyncset.done $0x0  }
0x5d: {  	s17 =	sshra.s32 s17, $0x2;
	[sflag:s13] =	ssyncadd.s32 $0xFFFFFFB0  }
0x5e: {  	v1 =	vld [tilespmem:s17+$0xFFFFFF40];
	_ =	sdelay $0x4  }
0x5f: {  	v1 =	vshrl.u32 v1, $0x10  }
0x60: {  	[tilespmem:$0x4080] =	vst v1  }
0x61: {  	v1 =	vld [tilespmem:s17+$0xFFFFFF50];
	_ =	sdelay $0x4  }
0x62: {  	v1 =	vshrl.u32 v1, $0x10  }
0x63: {  	[tilespmem:$0x4090] =	vst v1  }
0x64: {  	v1 =	vld [tilespmem:s17+$0xFFFFFF60];
	_ =	sdelay $0x4  }
0x65: {  	v1 =	vshrl.u32 v1, $0x10  }
0x66: {  	[tilespmem:$0x40A0] =	vst v1  }
0x67: {  	v1 =	vld [tilespmem:s17+$0xFFFFFF70];
	_ =	sdelay $0x4  }
0x68: {  	v1 =	vshrl.u32 v1, $0x10  }
0x69: {  	[tilespmem:$0x40B0] =	vst v1  }
0x6a: {  	v1 =	vld [tilespmem:s17+$0xFFFFFF80];
	_ =	sdelay $0x4  }
0x6b: {  	v1 =	vshrl.u32 v1, $0x10  }
0x6c: {  	[tilespmem:$0x40C0] =	vst v1  }
0x6d: {  	[spmem:s1] =	stream.indirect.scatter.add.f32 [tilespmem:s11], [sflag:$0x1], $0x1, s10, s9, $0xb8;
	[tilespmem:$0x43F8] =	vst v63  }
0x6e: {  	_ =	swait.ge [sflag:s14], $0x50  }
0x6f: {  	[sflag:s14] =	ssyncset.done $0x0  }
0x70: {  	[sflag:s14] =	ssyncadd.s32 $0xFFFFFFB0  }
0x71: {  	v1 =	vld [tilespmem:s17+$0xFFFFFFC0];
	_ =	sdelay $0x4  }
0x72: {  	v1 =	vshrl.u32 v1, $0x10  }
0x73: {  	[tilespmem:$0x4100] =	vst v1  }
0x74: {  	v1 =	vld [tilespmem:s17+$0xFFFFFFD0];
	_ =	sdelay $0x4  }
0x75: {  	v1 =	vshrl.u32 v1, $0x10  }
0x76: {  	[tilespmem:$0x4110] =	vst v1  }
0x77: {  	v1 =	vld [tilespmem:s17+$0xFFFFFFE0];
	_ =	sdelay $0x4  }
0x78: {  	v1 =	vshrl.u32 v1, $0x10  }
0x79: {  	[tilespmem:$0x4120] =	vst v1  }
0x7a: {  	v1 =	vld [tilespmem:s17+$0xFFFFFFF0];
	_ =	sdelay $0x4  }
0x7b: {  	v1 =	vshrl.u32 v1, $0x10  }
0x7c: {  	[tilespmem:$0x4130] =	vst v1  }
0x7d: {  	v1 =	vld [tilespmem:s17+$0x0];
	_ =	sdelay $0x1  }
.Ltmp0:
0x7e: {  	(pc) =	sbr.rel @p1 .LBB2_2-.Ltmp0, $3  }
0x7f: {  	_ =	sdelay $0x1  }
0x80: {  	v1 =	vshrl.u32 v1, $0x10  }
0x81: {  	[tilespmem:$0x4140] =	vst v1  }
0x82: {  	[spmem:s1] =	stream.indirect.scatter.add.f32 [tilespmem:s11], [sflag:$0x2], $0x1, s12, s9, $0xb8;
	[tilespmem:$0x43F8] =	vst v63  }
0x83: {  	_ =	swait.ge [sflag:s13], $0x50  }
0x84: {  	[sflag:s13] =	ssyncset.done $0x0  }
0x85: {  	[sflag:s13] =	ssyncadd.s32 $0xFFFFFFB0  }
0x86: {  	v1 =	vld [tilespmem:$0x3E00]  }
0x87: {  	v2 =	vld [tilespmem:$0x3E10]  }
0x88: {  	v3 =	vld [tilespmem:$0x3E20]  }
0x89: {  	v4 =	vld [tilespmem:$0x3E30]  }
0x8a: {  	v5 =	vld [tilespmem:$0x3E40]  }
0x8b: {  	v1 =	vshrl.u32 v1, $0x10  }
0x8c: {  	[tilespmem:$0x4080] =	vst v1;
	v1 =	vshrl.u32 v2, $0x10  }
0x8d: {  	[tilespmem:$0x4090] =	vst v1;
	v1 =	vshrl.u32 v3, $0x10  }
0x8e: {  	[tilespmem:$0x40A0] =	vst v1;
	v1 =	vshrl.u32 v4, $0x10  }
0x8f: {  	[tilespmem:$0x40B0] =	vst v1;
	v1 =	vshrl.u32 v5, $0x10  }
0x90: {  	[tilespmem:$0x40C0] =	vst v1  }
0x91: {  	[spmem:s1] =	stream.indirect.scatter.add.f32 [tilespmem:s11], [sflag:$0x1], $0x1, s10, s9, $0xb8;
	[tilespmem:$0x43F8] =	vst v63  }
0x92: {  	_ =	swait.ge [sflag:s14], $0x50  }
0x93: {  	[sflag:s14] =	ssyncset.done $0x0  }
0x94: {  	[sflag:s14] =	ssyncadd.s32 $0xFFFFFFB0  }
0x95: {  	_ =	swait.ge [sflag:s13], $0x50  }
0x96: {  	[sflag:s13] =	ssyncset.done $0x0  }
0x97: {  	s15 =	sadd.s32 $0x1, s15;
	[sflag:s13] =	ssyncadd.s32 $0xFFFFFFB0  }
0x98: {  	s16 =	simm.s32 @!p0 $0x1C03;
	p1 =	sne.s32 s15, s6;
	[bflag:$0x0] =	sbarrier.arrive $0xFFFF  }
0x99: {  	[hbm:s5], [sflag:s16] =	dma.local @!p0 [spmem:s8], $0x4F0  }
.Ltmp1:
0x9a: {  	_ = 	snop;
	(pc) =	sbr.rel @p1 .LBB2_1-.Ltmp1, $4  }
0x9b: {  	s16 =	simm.s32 @!p0 $0x3  }
0x9c: {  	_ =	swait.ge @!p0 [sflag:s16], $0x4F0  }
0x9d: {  	[sflag:s16] =	ssyncset.done @!p0 $0x0  }
0x9e: {  	[sflag:s16] =	ssyncadd.s32 @!p0 $0xFFFFFB10  }
0x9f: {  	_ =	sfence.sel $0x180000  }
0xa0: {  	[bflag:$0x0] =	sbarrier.arrive $0xFFFF  }
0xa1: {  	_ =	strace $0x90000047  }
0xa2: {  	s0 =	sadd.s32 @!p0 $0x100000, s0;
	[bflag:$0x2] =	sbarrier.arrive $0xFFFF  }
0xa3: {  	[sflag:s0] =	ssyncadd.tile.s32 @!p0 $0x1;
	_ =	shalt  }
.Lfunc_end2:
_tile_overlayer_lowered:
.L_overlay_start_2:
0xa4: {  	(tag) =	ssettag $0x2  }
0xa5: {  	s0 =	rddreg [dreg:$0x0];
	s2 =	stileid.u32  }
0xa6: {  	s1 =	rddreg [dreg:$0x1];
	p0 =	sne.s32 s2, $0x0  }
0xa7: {  	s3 =	rddreg [dreg:$0x2];
	[bflag:$0x3] =	sbarrier.arrive $0xFFFF;
	s2 =	simm.s32 @!p0 $0x1C03  }
0xa8: {  	[timem:s3], [sflag:s2] =	dma.local @!p0 [hbm:s0], s1  }
0xa9: {  	s0 =	simm.s32 @!p0 $0x3  }
0xaa: {  	_ =	swait.ge @!p0 [sflag:s0], s1  }
0xab: {  	s1 =	ssub.s32 @!p0 $0x0, s1;
	[sflag:s0] =	ssyncset.done @!p0 $0x0  }
0xac: {  	[sflag:s0] =	ssyncadd.s32 @!p0 s1  }
0xad: {  	[bflag:$0x3] =	sbarrier.arrive $0xFFFF  }
0xae: {  	_ =	shalt  }

// kernel: kernel.13.cloned.1.call-start
scs
__scs_entry_jumppad:
0x0: {  	(pc) =	sbr.rel $0x88, $3  }
0x1: {  	(tag) =	ssettag $0x0;
	lr =	simm.s32 $0x1  }
0x2: {  	[smem:$0x3F8F] =	sst lr;
	_ =	strace $0xD0000000  }
0x3: {  	_ = 	snop  }
0x4: {  	_ = 	snop  }
0x5: {  	_ = 	snop  }
0x6: {  	_ = 	snop  }
0x7: {  	_ = 	snop  }
__scs_overlays_trampoline_lowered:
0x8: {  	[smem:$0x3F9E] =	sst s0  }
0x9: {  	[smem:$0x3F9F] =	sst s1  }
0xa: {  	[smem:$0x3FA0] =	sst s2  }
0xb: {  	[smem:$0x3FA1] =	sst s3  }
0xc: {  	[smem:$0x3FA2] =	sst s4  }
0xd: {  	[smem:$0x3FA3] =	sst s5  }
0xe: {  	[smem:$0x3FA4] =	sst s6  }
0xf: {  	[smem:$0x3FA5] =	sst s7  }
0x10: {  	[smem:$0x3FA6] =	sst s8  }
0x11: {  	[smem:$0x3FA7] =	sst s9;
	s0 =	simm.s32 @!p0 $0x0  }
0x12: {  	s1 =	sld [smem:$0x3F8D];
	s0 =	simm.s32 @p0 $0x1  }
0x13: {  	[smem:$0x3FA8] =	sst s0;
	s0 =	simm.s32 @!p1 $0x0  }
0x14: {  	s2 =	sld [smem:$0x3F8C];
	s0 =	simm.s32 @p1 $0x1  }
0x15: {  	[smem:$0x3FA9] =	sst s0;
	s0 =	simm.s32 @!p2 $0x0  }
0x16: {  	s3 =	sld [smem:$0x3FDB];
	s0 =	simm.s32 @p2 $0x1  }
0x17: {  	s4 =	simm.s32 $0x1BF5;
	[smem:$0x3FAB] =	sst s0  }
0x18: {  	s0 =	sld [smem:$0x3F8E];
	_ =	swait.ge [sflag:s4], $0x0  }
0x19: {  	s7 =	sld [smem:$0x3F8F]  }
0x1a: {  	s8 =	sadd.s32 $0xFFFFE003, lr  }
0x1b: {  	s9 =	sadd.s32 $0xFFFFFEF7, lr;
	s5 =	simm.s32 $0xFFFFFFFF;
	p2 =	slt.u32 s8, $0xFFFFF086  }
0x1c: {  	p1 =	slt.u32 s9, $0xF7A;
	s5 =	simm.s32 @!p2 $0x0  }
0x1d: {  	s5 =	simm.s32 @p1 $0x1;
	p0 =	seq.s32 s7, s2  }
0x1e: {  	s7 =	smul.u32 @!p0 $0xF7A, s2;
	p2 =	seq.s32 @!p0 s5, $0x0  }
0x1f: {  	s9 =	smul.u32 $0xF7A, s1;
	s8 =	simm.s32 @!p0 $0x1BF5;
	p2 =	por !p2, p0  }
0x20: {  	[sflag:s8] =	ssyncset.s32 @!p0 $0xFFFFF086;
	s6 =	sadd.s32 @!p0 s3, s7;
	s7 =	simm.s32 @!p0 $0x108  }
0x21: {  	s3 =	sadd.s32 s3, s9;
	s6 =	sadd.s32 @!p0 $0x88, s6;
	s7 =	simm.s32 @p2 $0x1082  }
0x22: {  	[simem:s7], [sflag:s8] =	dma.local @!p0 [hbm:s6], $0xF7A  }
0x23: {  	s9 =	sor.u32 $0xD0000000, s2;
	s6 =	simm.s32 $0x108;
	_ =	swait.ge @!p0 [sflag:s8], $0x0  }
0x24: {  	s3 =	sadd.s32 $0x88, s3;
	s6 =	simm.s32 @!p1 $0x1082;
	[sflag:s4] =	ssyncset.s32 $0xFFFFF086  }
0x25: {  	[simem:s6], [sflag:s4] =	dma.local [hbm:s3], $0xF7A  }
0x26: {  	[smem:$0x3F8F] =	sst s1;
	(tag) =	ssettag s2;
	_ =	strace s9  }
0x27: {  	s1 =	sld [smem:$0x3F9F]  }
0x28: {  	s2 =	sld [smem:$0x3FA0]  }
0x29: {  	s4 =	sld [smem:$0x3FA2]  }
0x2a: {  	p0 =	seq.s32 s5, $0x0;
	s5 =	sld [smem:$0x3FA3]  }
0x2b: {  	s6 =	sld [smem:$0x3FA4]  }
0x2c: {  	s7 =	sld [smem:$0x3FA5]  }
0x2d: {  	s3 =	simm.s32 $0x108;
	s8 =	sld [smem:$0x3FA6]  }
0x2e: {  	s3 =	simm.s32 @!p0 $0x1082;
	s9 =	sld [smem:$0x3FA7]  }
0x2f: {  	lr =	sadd.s32 s0, s3;
	s0 =	sld [smem:$0x3F9E]  }
0x30: {  	s3 =	sld [smem:$0x3FA1]  }
0x31: {  	[smem:$0x3FAA] =	sst s10  }
0x32: {  	s10 =	sld [smem:$0x3FA8];
	_ =	sdelay $0x3  }
0x33: {  	p0 =	seq.s32 s10, $0x1;
	s10 =	sld [smem:$0x3FAA];
	_ =	sdelay $0x3  }
0x34: {  	[smem:$0x3FAA] =	sst s10  }
0x35: {  	s10 =	sld [smem:$0x3FA9];
	_ =	sdelay $0x3  }
0x36: {  	p1 =	seq.s32 s10, $0x1;
	s10 =	sld [smem:$0x3FAA];
	_ =	sdelay $0x3  }
0x37: {  	[smem:$0x3FAA] =	sst s10  }
0x38: {  	s10 =	sld [smem:$0x3FAB]  }
0x39: {  	_ = 	snop;
	(pc) =	sbr.ind lr, $3  }
0x3a: {  	_ = 	snop  }
0x3b: {  	_ = 	snop  }
0x3c: {  	p2 =	seq.s32 s10, $0x1;
	s10 =	sld [smem:$0x3FAA]  }
0x3d: {  	_ =	shalt  }
0x3e: {  	_ =	shalt  }
0x3f: {  	_ =	shalt  }
0x40: {  	_ =	shalt  }
0x41: {  	_ =	shalt  }
0x42: {  	_ =	shalt  }
0x43: {  	_ =	shalt  }
0x44: {  	_ =	shalt  }
0x45: {  	_ =	shalt  }
0x46: {  	_ =	shalt  }
0x47: {  	_ =	shalt  }
0x48: {  	_ =	shalt  }
0x49: {  	_ =	shalt  }
0x4a: {  	_ =	shalt  }
0x4b: {  	_ =	shalt  }
0x4c: {  	_ =	shalt  }
0x4d: {  	_ =	shalt  }
0x4e: {  	_ =	shalt  }
0x4f: {  	_ =	shalt  }
0x50: {  	_ =	shalt  }
0x51: {  	_ =	shalt  }
0x52: {  	_ =	shalt  }
0x53: {  	_ =	shalt  }
0x54: {  	_ =	shalt  }
0x55: {  	_ =	shalt  }
0x56: {  	_ =	shalt  }
0x57: {  	_ =	shalt  }
0x58: {  	_ =	shalt  }
0x59: {  	_ =	shalt  }
0x5a: {  	_ =	shalt  }
0x5b: {  	_ =	shalt  }
0x5c: {  	_ =	shalt  }
0x5d: {  	_ =	shalt  }
0x5e: {  	_ =	shalt  }
0x5f: {  	_ =	shalt  }
0x60: {  	_ =	shalt  }
0x61: {  	_ =	shalt  }
0x62: {  	_ =	shalt  }
0x63: {  	_ =	shalt  }
0x64: {  	_ =	shalt  }
0x65: {  	_ =	shalt  }
0x66: {  	_ =	shalt  }
0x67: {  	_ =	shalt  }
0x68: {  	_ =	shalt  }
0x69: {  	_ =	shalt  }
0x6a: {  	_ =	shalt  }
0x6b: {  	_ =	shalt  }
0x6c: {  	_ =	shalt  }
0x6d: {  	_ =	shalt  }
0x6e: {  	_ =	shalt  }
0x6f: {  	_ =	shalt  }
0x70: {  	_ =	shalt  }
0x71: {  	_ =	shalt  }
0x72: {  	_ =	shalt  }
0x73: {  	_ =	shalt  }
0x74: {  	_ =	shalt  }
0x75: {  	_ =	shalt  }
0x76: {  	_ =	shalt  }
0x77: {  	_ =	shalt  }
0x78: {  	_ =	shalt  }
0x79: {  	_ =	shalt  }
0x7a: {  	_ =	shalt  }
0x7b: {  	_ =	shalt  }
0x7c: {  	_ =	shalt  }
0x7d: {  	_ =	shalt  }
0x7e: {  	_ =	shalt  }
0x7f: {  	_ =	shalt  }
0x80: {  	_ =	shalt  }
0x81: {  	_ =	shalt  }
0x82: {  	_ =	shalt  }
0x83: {  	_ =	shalt  }
0x84: {  	_ =	shalt  }
0x85: {  	_ =	shalt  }
0x86: {  	_ =	shalt  }
0x87: {  	_ =	shalt  }
.Lfunc_end0:
.L_simem_size_0:
called_computation.1_lowered:
.L_overlay_start_0:
0x88: {  	s2 =	sld [smem:$0x3FD9]  }
0x89: {  	s3 =	sld [smem:$0x3FFE];
	_ =	sdelay $0x1  }
0x8a: {  	s1 =	srdreg.scid  }
0x8b: {  	s0 =	sand.u32 $0x1, s1  }
0x8c: {  	s16 =	sshll.u32 s0, $0xA;
	s2 =	sadd.s32 s3, s2  }
0x8d: {  	s2 =	sadd.s32 s2, s16  }
0x8e: {  	[smem:$0x3FB6] =	sst s2  }
0x8f: {  	_ = 	snop  }
0x90: {  	(tm) =	ssettm $0x1  }
0x91: {  	s17 =	sld [smem:$0x3FFB];
	_ =	sdelay $0x3  }
0x92: {  	_ =	strace s17  }
0x93: {  	s2 =	sld [smem:$0x3FFC];
	_ =	sdelay $0x3  }
0x94: {  	_ =	strace s2  }
0x95: {  	s2 =	sld [smem:$0x3FFD];
	_ =	sdelay $0x3  }
0x96: {  	_ =	strace s2  }
0x97: {  	_ =	strace $0x8FFFFFFF  }
0x98: {  	s18 =	sld [smem:$0x3FDB];
	_ =	sdelay $0x1  }
0x99: {  	s19 =	simm.s32 $_scs_section_size  }
0x9a: {  	s4 =	simm.s32 $_size__tile_overlayer_lowered;
	s5 =	simm.s32 $_tile_overlayer_lowered  }
0x9b: {  	s22 =	simm.s32 $0x1BFF;
	s21 =	sshll.u32 s5, $0x1;
	s2 =	sadd.s32 s19, s18  }
0x9c: {  	s6 =	simm.s32 $0x0;
	s20 =	sshll.u32 s4, $0x1;
	s4 =	sadd.s32 s21, s2  }
0x9d: {  	[timem:s6], [sflag:s22] =	dma.local [hbm:s4], s20  }
0x9e: {  	_ =	swait.ge [sflag:s22], s20  }
0x9f: {  	s3 =	ssub.s32 $0x0, s20;
	[sflag:s22] =	ssyncset.done $0x0  }
0xa0: {  	[sflag:s22] =	ssyncadd.s32 s3;
	_ =	sdelay $0x1  }
0xa1: {  	s23 =	simm.s32 $0x1B8B  }
0xa2: {  	_ =	swait.ge [sflag:s23], $0x1  }
0xa3: {  	[sflag:s23] =	ssyncset.done $0x0  }
0xa4: {  	s25 =	simm.s32 $0x1B8E;
	s24 =	sld [smem:$0x3FFE];
	[sflag:s23] =	ssyncadd.s32 $0xFFFFFFFF  }
0xa5: {  	s26 =	simm.s32 $execute0_lowered;
	[smem:$0x3FD2] =	sst s25  }
0xa6: {  	s4 =	sshll.u32 s26, $0x1;
	_ =	strace $0x80000049;
	[dreg:$0x1] =	wrdreg $0xFFFFFFFF  }
0xa7: {  	s28 =	simm.s32 $_size_execute0_lowered;
	s2 =	sadd.s32 s2, s4;
	[dreg:$0x0] =	wrdreg $0x0  }
0xa8: {  	s4 =	sshll.u32 s28, $0x1;
	[dreg:$0x2] =	wrdreg s2  }
0xa9: {  	[dreg:$0x3] =	wrdreg s4  }
0xaa: {  	[dreg:$0x4] =	wrdreg $0xC0  }
0xab: {  	_ =	task [dreg:s6], $0x5FFFF  }
0xac: {  	[dreg:$0x1] =	wrdreg $0xFFFFFFFF  }
0xad: {  	[dreg:$0x0] =	wrdreg $0x60  }
0xae: {  	[dreg:$0x2] =	wrdreg s24  }
0xaf: {  	[dreg:$0x3] =	wrdreg $0xBB000  }
0xb0: {  	[dreg:$0x4] =	wrdreg $0x9  }
0xb1: {  	_ =	task.clear_ibuf [dreg:s6], $0x5FFFF;
	_ =	strace $0x90000049  }
0xb2: {  	s29 =	simm.s32 $0x9;
	_ =	strace $0x8000004B  }
0xb3: {  	_ =	swait.ge [sflag:s29], $0x1  }
0xb4: {  	[sflag:s29] =	ssyncadd.s32 $0xFFFFFFFF  }
0xb5: {  	_ =	strace $0x9000004B  }
0xb6: {  	_ =	sfence  }
0xb7: {  	s30 =	sld [smem:$0x0];
	_ =	sdelay $0x2  }
0xb8: {  	s31 =	sshll.u32 s1, $0xD;
	s1 =	sshrl.u32 s1, $0x2  }
0xb9: {  	s3 =	sand.u32 $0x4000, s31;
	s1 =	sadd.s32 s1, s30  }
0xba: {  	s0 =	sor.u32 s3, s0;
	s1 =	sshll.u32 s1, $0x11  }
0xbb: {  	s0 =	sor.u32 s1, s0  }
0xbc: {  	s0 =	sadd.s32 $0x8F2B, s0  }
0xbd: {  	[sflag:s0] =	ssyncadd.remote.s32 $0x1  }
0xbe: {  	_ =	sfence.sel $0xFFFF  }
0xbf: {  	[dreg:$0x0] =	wrdreg $0xFFFFFFFF;
	(pc) =	sbr.abs _section_cstart, $3  }
0xc0: {  	[dreg:$0x1] =	wrdreg $0xFFFFFFFF  }
0xc1: {  	_ =	task.clear_ibuf [dreg:s6], $0x2FFFF;
	_ =	strace $0x9FFFFFFF  }
0xc2: {  	(tm) =	ssettm $0x7FFFFFFF  }
0xc3: {  	_ =	shalt  }
tec
execute0_lowered:
.L_overlay_start_1:
0x0: {  	(tag) =	ssettag $0x1  }
0x1: {  	s0 =	rddreg [dreg:$0x0]  }
0x2: {  	s2 =	rddreg [dreg:$0x1];
	s1 =	simm.s32 $0x0;
	s9 =	stileid.u32  }
0x3: {  	s3 =	srdreg.scid;
	s28 =	simm.s32 $0x4000;
	s29 =	simm.s32 $0x4100  }
0x4: {  	s30 =	simm.s32 $0x6B00;
	s31 =	simm.s32 $0x4200;
	s10 =	simm.s32 $0x0  }
0x5: {  	[smem:$0x7FF] =	sst s1;
	s18 =	sshll.u32 s9, $0xB;
	s5 =	smul.u32 $0x4E000, s9  }
0x6: {  	s3 =	sand.u32 $0x1, s3;
	s4 =	sadd.s32 $0x13000, s0;
	s26 =	smul.u32 $0x13800, s9  }
0x7: {  	p0 =	sne.s32 s9, $0xF;
	p1 =	seq.s32 s9, $0xF;
	s9 =	simm.s32 $0x4280  }
0x8: {  	_ =	strace $0x8000004A;
	s1 =	sadd.s32 s18, s0;
	s0 =	sadd.s32 $0x3A200, s0  }
0x9: {  	s6 =	ssub.s32 $0x2, s3;
	s8 =	sshll.u32 s3, $0xF;
	s23 =	smul.u32 $0x138800, s3  }
0xa: {  	s7 =	sshrl.u32 s6, $0x1;
	s5 =	sshrl.u32 s5, $0x2;
	s1 =	sadd.s32 s8, s1  }
0xb: {  	s8 =	simm.s32 $0x3;
	s6 =	ssub.s32 s6, s7;
	s5 =	sadd.s32 s5, s2  }
0xc: {  	s1 =	sadd.s32 $0x3000, s1;
	s3 =	sadd.s32 s26, s23;
	s26 =	simm.s32 $0x50  }
0xd: {  	s7 =	simm.s32 $0x4180;
	[dreg:$0x3] =	wrdreg s1;
	s19 =	sadd.s32 $0x1800, s5  }
0xe: {  	s20 =	sadd.s32 $0x3000, s5;
	s21 =	sadd.s32 $0x4800, s5;
	s22 =	sadd.s32 $0x6000, s5  }
0xf: {  	s24 =	sadd.s32 $0x7800, s5;
	s25 =	sadd.s32 $0x9000, s5;
	[dreg:$0x4] =	wrdreg s19  }
0x10: {  	s13 =	sadd.s32 $0xA800, s5;
	s14 =	sadd.s32 $0xC000, s5;
	[dreg:$0x5] =	wrdreg s20  }
0x11: {  	s15 =	sadd.s32 $0xD800, s5;
	s16 =	sadd.s32 $0xF000, s5;
	[dreg:$0x6] =	wrdreg s21  }
0x12: {  	s17 =	sadd.s32 $0x10800, s5;
	s18 =	sadd.s32 $0x12000, s5;
	[dreg:$0x7] =	wrdreg s22  }
0x13: {  	s3 =	sshrl.u32 s3, $0x3;
	s1 =	sshrl.u32 s23, $0x3;
	[dreg:$0x8] =	wrdreg s24  }
.Ltmp0:
0x14: {  	s23 =	simm.s32 $0x4;
	[dreg:$0x9] =	wrdreg s25;
	(pc) =	sbr.rel .LBB2_1-.Ltmp0, $4  }
0x15: {  	s19 =	sadd.s32 $0x138000, s2;
	s20 =	sadd.s32 s0, s3;
	s0 =	sadd.s32 s0, s1  }
0x16: {  	s22 =	smax.u32 s6, $0x1;
	s24 =	simm.s32 $0x4300;
	s3 =	simm.s32 $0x1  }
0x17: {  	s1 =	simm.s32 $0x4080;
	s21 =	sadd.s32 $0x24900, s0;
	s0 =	sadd.s32 $0x124800, s2  }
0x18: {  	v0 =	vimm.f32 $0.0e+00;
	s6 =	simm.s32 $0x2;
	s25 =	sshrl.u32 @p1 s0, $0x3;
	s0 =	simm.s32 $0x9300  }
.LBB2_6:
0x19: {  	_ =	swait.ge [sflag:s3], $0x2800  }
0x1a: {  	[sflag:s3] =	ssyncset.done $0x0  }
0x1b: {  	[sflag:s3] =	ssyncadd.s32 $0xFFFFD800  }
0x1c: {  	[spmem:s2] =	stream.indirect.scatter.add.f32 [tilespmem:s24], [sflag:$0x4], $0x80, s1, s26, $0xb8;
	[tilespmem:$0x1F380] =	vst v63  }
0x1d: {  	_ =	swait.ge [sflag:s23], $0x2800  }
0x1e: {  	[sflag:s23] =	ssyncset.done $0x0  }
0x1f: {  	[sflag:s23] =	ssyncadd.s32 $0xFFFFD800  }
0x20: {  	_ =	swait.ge [sflag:s6], $0x2800  }
0x21: {  	[sflag:s6] =	ssyncset.done $0x0  }
0x22: {  	[sflag:s6] =	ssyncadd.s32 $0xFFFFD800  }
0x23: {  	[spmem:s2] =	stream.indirect.scatter.add.f32 [tilespmem:s30], [sflag:$0x4], $0x80, s7, s26, $0xb8;
	[tilespmem:$0x1F380] =	vst v63  }
0x24: {  	_ =	swait.ge [sflag:s23], $0x2800  }
0x25: {  	[sflag:s23] =	ssyncset.done $0x0  }
0x26: {  	[sflag:s23] =	ssyncadd.s32 $0xFFFFD800  }
0x27: {  	s11 =	simm.s32 @p1 $0x1FC4;
	[bflag:$0x0] =	sbarrier.arrive $0xFFFF  }
0x28: {  	[hbm:s21], [sflag:s11] =	dma.local @p1 [spmem:s25], $0x2800  }
0x29: {  	s11 =	simm.s32 @p1 $0x4  }
0x2a: {  	s12 =	stileid.u32;
	s10 =	sadd.s32 $0x1, s10;
	_ =	swait.ge @p1 [sflag:s11], $0x2800  }
0x2b: {  	s12 =	sshll.u32 @!p1 s12, $0x6;
	p2 =	sne.s32 s10, s22;
	[sflag:s11] =	ssyncset.done @p1 $0x0  }
0x2c: {  	[sflag:s11] =	ssyncadd.s32 @p1 $0xFFFFD800;
	s11 =	sor.u32 @!p1 $0x1C04, s12;
	s12 =	sshrl.u32 @!p1 s5, $0x3  }
0x2d: {  	[hbm:s20], [sflag:s11] =	dma.local @!p1 [spmem:s12], $0x2700  }
.Ltmp1:
0x2e: {  	_ = 	snop;
	(pc) =	sbr.rel @!p2 .LBB2_7-.Ltmp1, $4  }
0x2f: {  	s11 =	simm.s32 @!p1 $0x4  }
0x30: {  	_ =	swait.ge @!p1 [sflag:s11], $0x2700  }
0x31: {  	[sflag:s11] =	ssyncset.done @!p1 $0x0  }
0x32: {  	[sflag:s11] =	ssyncadd.s32 @!p1 $0xFFFFD900  }
.LBB2_1:
0x33: {  	s11 =	simm.s32 $0x0;
	s12 =	rddreg [dreg:$0x3]  }
0x34: {  	[tilespmem:s11], [sflag:$0x4] =	stream.linear.gather [hbm4b:s12+s11], $0x3E80, $0x38;
	[tilespmem:$0x1F380] =	vst v63  }
0x35: {  	_ =	swait.ge [sflag:s23], $0x3E80  }
0x36: {  	[sflag:s23] =	ssyncset.done $0x0  }
0x37: {  	s11 =	simm.s32 $0x0;
	s12 =	simm.s32 $0x200;
	[sflag:s23] =	ssyncadd.s32 $0xFFFFC180  }
.LBB2_2:
0x38: {  	p2 =	sne.s32 s12, $0x9E00;
	[tilespmem:s11+$0x4370] =	vst v0  }
0x39: {  	[tilespmem:s11+$0x4300] =	vst v0  }
0x3a: {  	[tilespmem:s11+$0x4310] =	vst v0  }
.Ltmp2:
0x3b: {  	[tilespmem:s11+$0x4320] =	vst v0;
	(pc) =	sbr.rel @p2 .LBB2_2-.Ltmp2, $4  }
0x3c: {  	[tilespmem:s11+$0x4330] =	vst v0  }
0x3d: {  	[tilespmem:s11+$0x4340] =	vst v0  }
0x3e: {  	[tilespmem:s11+$0x4350] =	vst v0  }
0x3f: {  	[tilespmem:s11+$0x4360] =	vst v0;
	s11 =	sshra.s32 s12, $0x2;
	s12 =	sadd.s32 $0x200, s12  }
0x40: {  	[tilespmem:s11+$0x4370] =	vst v0  }
0x41: {  	[tilespmem:s11+$0x4300] =	vst v0  }
0x42: {  	[tilespmem:s11+$0x4310] =	vst v0  }
0x43: {  	[tilespmem:s11+$0x4320] =	vst v0  }
0x44: {  	[tilespmem:s11+$0x4330] =	vst v0  }
0x45: {  	[tilespmem:s11+$0x4340] =	vst v0  }
0x46: {  	[tilespmem:s11+$0x4350] =	vst v0  }
0x47: {  	[tilespmem:s11+$0x4360] =	vst v0  }
0x48: {  	[spmem:s5] =	stream.linear.scatter [tilespmem:s24], [sflag:$0x4], $0x1800, $0x38;
	[tilespmem:$0x1F380] =	vst v63  }
0x49: {  	_ =	swait.ge [sflag:s23], $0x1800  }
0x4a: {  	[sflag:s23] =	ssyncset.done $0x0  }
0x4b: {  	s12 =	rddreg [dreg:$0x4];
	[sflag:s23] =	ssyncadd.s32 $0xFFFFE800  }
0x4c: {  	[spmem:s12] =	stream.linear.scatter [tilespmem:s24], [sflag:$0x4], $0x1800, $0x38;
	[tilespmem:$0x1F380] =	vst v63  }
0x4d: {  	_ =	swait.ge [sflag:s23], $0x1800  }
0x4e: {  	[sflag:s23] =	ssyncset.done $0x0  }
0x4f: {  	s12 =	rddreg [dreg:$0x5];
	[sflag:s23] =	ssyncadd.s32 $0xFFFFE800  }
0x50: {  	[spmem:s12] =	stream.linear.scatter [tilespmem:s24], [sflag:$0x4], $0x1800, $0x38;
	[tilespmem:$0x1F380] =	vst v63  }
0x51: {  	_ =	swait.ge [sflag:s23], $0x1800  }
0x52: {  	[sflag:s23] =	ssyncset.done $0x0  }
0x53: {  	s12 =	rddreg [dreg:$0x6];
	[sflag:s23] =	ssyncadd.s32 $0xFFFFE800  }
0x54: {  	[spmem:s12] =	stream.linear.scatter [tilespmem:s24], [sflag:$0x4], $0x1800, $0x38;
	[tilespmem:$0x1F380] =	vst v63  }
0x55: {  	_ =	swait.ge [sflag:s23], $0x1800  }
0x56: {  	[sflag:s23] =	ssyncset.done $0x0  }
0x57: {  	s12 =	rddreg [dreg:$0x7];
	[sflag:s23] =	ssyncadd.s32 $0xFFFFE800  }
0x58: {  	[spmem:s12] =	stream.linear.scatter [tilespmem:s24], [sflag:$0x4], $0x1800, $0x38;
	[tilespmem:$0x1F380] =	vst v63  }
0x59: {  	_ =	swait.ge [sflag:s23], $0x1800  }
0x5a: {  	[sflag:s23] =	ssyncset.done $0x0  }
0x5b: {  	s12 =	rddreg [dreg:$0x8];
	[sflag:s23] =	ssyncadd.s32 $0xFFFFE800  }
0x5c: {  	[spmem:s12] =	stream.linear.scatter [tilespmem:s24], [sflag:$0x4], $0x1800, $0x38;
	[tilespmem:$0x1F380] =	vst v63  }
0x5d: {  	_ =	swait.ge [sflag:s23], $0x1800  }
0x5e: {  	[sflag:s23] =	ssyncset.done $0x0  }
0x5f: {  	s12 =	rddreg [dreg:$0x9];
	[sflag:s23] =	ssyncadd.s32 $0xFFFFE800  }
0x60: {  	[spmem:s12] =	stream.linear.scatter [tilespmem:s24], [sflag:$0x4], $0x1800, $0x38;
	[tilespmem:$0x1F380] =	vst v63  }
0x61: {  	_ =	swait.ge [sflag:s23], $0x1800  }
0x62: {  	[sflag:s23] =	ssyncset.done $0x0  }
0x63: {  	[sflag:s23] =	ssyncadd.s32 $0xFFFFE800  }
0x64: {  	[spmem:s13] =	stream.linear.scatter [tilespmem:s24], [sflag:$0x4], $0x1800, $0x38;
	[tilespmem:$0x1F380] =	vst v63  }
0x65: {  	_ =	swait.ge [sflag:s23], $0x1800  }
0x66: {  	[sflag:s23] =	ssyncset.done $0x0  }
0x67: {  	[sflag:s23] =	ssyncadd.s32 $0xFFFFE800  }
0x68: {  	[spmem:s14] =	stream.linear.scatter [tilespmem:s24], [sflag:$0x4], $0x1800, $0x38;
	[tilespmem:$0x1F380] =	vst v63  }
0x69: {  	_ =	swait.ge [sflag:s23], $0x1800  }
0x6a: {  	[sflag:s23] =	ssyncset.done $0x0  }
0x6b: {  	[sflag:s23] =	ssyncadd.s32 $0xFFFFE800  }
0x6c: {  	[spmem:s15] =	stream.linear.scatter [tilespmem:s24], [sflag:$0x4], $0x1800, $0x38;
	[tilespmem:$0x1F380] =	vst v63  }
0x6d: {  	_ =	swait.ge [sflag:s23], $0x1800  }
0x6e: {  	[sflag:s23] =	ssyncset.done $0x0  }
0x6f: {  	[sflag:s23] =	ssyncadd.s32 $0xFFFFE800  }
0x70: {  	[spmem:s16] =	stream.linear.scatter [tilespmem:s24], [sflag:$0x4], $0x1800, $0x38;
	[tilespmem:$0x1F380] =	vst v63  }
0x71: {  	_ =	swait.ge [sflag:s23], $0x1800  }
0x72: {  	[sflag:s23] =	ssyncset.done $0x0  }
0x73: {  	[sflag:s23] =	ssyncadd.s32 $0xFFFFE800  }
0x74: {  	[spmem:s17] =	stream.linear.scatter [tilespmem:s24], [sflag:$0x4], $0x1800, $0x38;
	[tilespmem:$0x1F380] =	vst v63  }
0x75: {  	_ =	swait.ge [sflag:s23], $0x1800  }
0x76: {  	[sflag:s23] =	ssyncset.done $0x0  }
0x77: {  	[sflag:s23] =	ssyncadd.s32 $0xFFFFE800  }
0x78: {  	[spmem:s18] =	stream.linear.scatter [tilespmem:s24], [sflag:$0x4], $0x1800, $0x38;
	[tilespmem:$0x1F380] =	vst v63  }
0x79: {  	_ =	swait.ge [sflag:s23], $0x1800  }
0x7a: {  	[sflag:s23] =	ssyncset.done $0x0  }
0x7b: {  	s11 =	simm.s32 @!p0 $0x4300;
	[sflag:s23] =	ssyncadd.s32 $0xFFFFE800  }
0x7c: {  	[spmem:s19] =	stream.linear.scatter @!p0 [tilespmem:s11], [sflag:$0x4], $0x800, $0x38;
	[tilespmem:$0x1F380] =	vst v63  }
0x7d: {  	s11 =	simm.s32 @!p0 $0x4  }
0x7e: {  	_ =	swait.ge @!p0 [sflag:s11], $0x800  }
0x7f: {  	[sflag:s11] =	ssyncset.done @!p0 $0x0  }
0x80: {  	[sflag:s11] =	ssyncadd.s32 @!p0 $0xFFFFF800  }
0x81: {  	[bflag:$0x0] =	sbarrier.arrive $0xFFFF  }
0x82: {  	v1 =	vld [tilespmem:$0x0];
	_ =	sdelay $0x1  }
0x83: {  	v2 =	vld [tilespmem:$0x10];
	_ =	sdelay $0x1  }
0x84: {  	v3 =	vld [tilespmem:$0x20]  }
0x85: {  	v4 =	vand.u32 $0xFFFF, v1  }
0x86: {  	v59 =	vld [tilespmem:$0x30];
	v1 =	vshrl.u32 v1, $0x10;
	[tilespmem:$0x4000] =	vst v4  }
0x87: {  	[tilespmem:$0x4080] =	vst v1;
	v1 =	vand.u32 $0xFFFF, v2  }
0x88: {  	[tilespmem:$0x4010] =	vst v1;
	v1 =	vshrl.u32 v2, $0x10;
	v2 =	vld [tilespmem:$0x40]  }
0x89: {  	[tilespmem:$0x4090] =	vst v1;
	v1 =	vand.u32 $0xFFFF, v3  }
0x8a: {  	[tilespmem:$0x4020] =	vst v1;
	v1 =	vshrl.u32 v3, $0x10  }
0x8b: {  	[tilespmem:$0x40A0] =	vst v1;
	v1 =	vand.u32 $0xFFFF, v59  }
0x8c: {  	[tilespmem:$0x4030] =	vst v1;
	v1 =	vshrl.u32 v59, $0x10  }
0x8d: {  	[tilespmem:$0x40B0] =	vst v1;
	v1 =	vand.u32 $0xFFFF, v2  }
0x8e: {  	[tilespmem:$0x4040] =	vst v1;
	v1 =	vshrl.u32 v2, $0x10  }
0x8f: {  	[tilespmem:$0x40C0] =	vst v1  }
0x90: {  	[tilespmem:s24], [sflag:$0x1] =	stream.indirect.gather [hbm4b:s4+s26], $0x80, s28, s26, $0xb8;
	[tilespmem:$0x1F380] =	vst v63  }
0x91: {  	v1 =	vld [tilespmem:$0x80];
	_ =	sdelay $0x1  }
0x92: {  	v2 =	vld [tilespmem:$0x90];
	_ =	sdelay $0x1  }
0x93: {  	v3 =	vld [tilespmem:$0xA0]  }
0x94: {  	v60 =	vand.u32 $0xFFFF, v1  }
0x95: {  	v61 =	vld [tilespmem:$0xB0];
	v1 =	vshrl.u32 v1, $0x10;
	[tilespmem:$0x4100] =	vst v60  }
0x96: {  	[tilespmem:$0x4180] =	vst v1;
	v1 =	vand.u32 $0xFFFF, v2  }
0x97: {  	[tilespmem:$0x4110] =	vst v1;
	v1 =	vshrl.u32 v2, $0x10;
	v2 =	vld [tilespmem:$0xC0]  }
0x98: {  	[tilespmem:$0x4190] =	vst v1;
	v1 =	vand.u32 $0xFFFF, v3  }
0x99: {  	[tilespmem:$0x4120] =	vst v1;
	v1 =	vshrl.u32 v3, $0x10  }
0x9a: {  	[tilespmem:$0x41A0] =	vst v1;
	v1 =	vand.u32 $0xFFFF, v61  }
0x9b: {  	[tilespmem:$0x4130] =	vst v1;
	v1 =	vshrl.u32 v61, $0x10  }
0x9c: {  	[tilespmem:$0x41B0] =	vst v1;
	v1 =	vand.u32 $0xFFFF, v2  }
0x9d: {  	[tilespmem:$0x4140] =	vst v1;
	v1 =	vshrl.u32 v2, $0x10  }
0x9e: {  	[tilespmem:$0x41C0] =	vst v1  }
0x9f: {  	[tilespmem:s30], [sflag:$0x2] =	stream.indirect.gather [hbm4b:s4+s26], $0x80, s29, s26, $0xb8;
	[tilespmem:$0x1F380] =	vst v63  }
0xa0: {  	v1 =	vld [tilespmem:$0x100];
	_ =	sdelay $0x1  }
0xa1: {  	v2 =	vld [tilespmem:$0x110];
	_ =	sdelay $0x1  }
0xa2: {  	v3 =	vld [tilespmem:$0x120]  }
0xa3: {  	v62 =	vand.u32 $0xFFFF, v1  }
0xa4: {  	v63 =	vld [tilespmem:$0x130];
	v1 =	vshrl.u32 v1, $0x10;
	[tilespmem:$0x4200] =	vst v62  }
0xa5: {  	[tilespmem:$0x4280] =	vst v1;
	v1 =	vand.u32 $0xFFFF, v2  }
0xa6: {  	[tilespmem:$0x4210] =	vst v1;
	v1 =	vshrl.u32 v2, $0x10;
	v2 =	vld [tilespmem:$0x140]  }
0xa7: {  	[tilespmem:$0x4290] =	vst v1;
	v1 =	vand.u32 $0xFFFF, v3  }
0xa8: {  	[tilespmem:$0x4220] =	vst v1;
	v1 =	vshrl.u32 v3, $0x10  }
0xa9: {  	[tilespmem:$0x42A0] =	vst v1;
	v1 =	vand.u32 $0xFFFF, v63  }
0xaa: {  	[tilespmem:$0x4230] =	vst v1;
	v1 =	vshrl.u32 v63, $0x10  }
0xab: {  	[tilespmem:$0x42B0] =	vst v1;
	v1 =	vand.u32 $0xFFFF, v2  }
0xac: {  	[tilespmem:$0x4240] =	vst v1;
	v1 =	vshrl.u32 v2, $0x10  }
0xad: {  	s11 =	simm.s32 $0xB00;
	[tilespmem:$0x42C0] =	vst v1  }
0xae: {  	[tilespmem:s0], [sflag:$0x3] =	stream.indirect.gather [hbm4b:s4+s26], $0x80, s31, s26, $0xb8;
	[tilespmem:$0x1F380] =	vst v63  }
.LBB2_4:
0xaf: {  	_ =	swait.ge [sflag:s3], $0x2800  }
0xb0: {  	[sflag:s3] =	ssyncset.done $0x0  }
0xb1: {  	[sflag:s3] =	ssyncadd.s32 $0xFFFFD800  }
0xb2: {  	[spmem:s2] =	stream.indirect.scatter.add.f32 [tilespmem:s24], [sflag:$0x4], $0x80, s1, s26, $0xb8;
	[tilespmem:$0x1F380] =	vst v63  }
0xb3: {  	_ =	swait.ge [sflag:s23], $0x2800  }
0xb4: {  	[sflag:s23] =	ssyncset.done $0x0  }
0xb5: {  	s12 =	sshra.s32 s11, $0x2;
	[sflag:s23] =	ssyncadd.s32 $0xFFFFD800  }
0xb6: {  	v1 =	vld [tilespmem:s12+$0xFFFFFEC0];
	_ =	sdelay $0x4  }
0xb7: {  	v2 =	vand.u32 $0xFFFF, v1  }
0xb8: {  	v1 =	vshrl.u32 v1, $0x10;
	[tilespmem:$0x4000] =	vst v2  }
0xb9: {  	[tilespmem:$0x4080] =	vst v1  }
0xba: {  	v1 =	vld [tilespmem:s12+$0xFFFFFED0];
	_ =	sdelay $0x4  }
0xbb: {  	v2 =	vand.u32 $0xFFFF, v1  }
0xbc: {  	v1 =	vshrl.u32 v1, $0x10;
	[tilespmem:$0x4010] =	vst v2  }
0xbd: {  	[tilespmem:$0x4090] =	vst v1  }
0xbe: {  	v1 =	vld [tilespmem:s12+$0xFFFFFEE0];
	_ =	sdelay $0x4  }
0xbf: {  	v2 =	vand.u32 $0xFFFF, v1  }
0xc0: {  	v1 =	vshrl.u32 v1, $0x10;
	[tilespmem:$0x4020] =	vst v2  }
0xc1: {  	[tilespmem:$0x40A0] =	vst v1  }
0xc2: {  	v1 =	vld [tilespmem:s12+$0xFFFFFEF0];
	_ =	sdelay $0x4  }
0xc3: {  	v2 =	vand.u32 $0xFFFF, v1  }
0xc4: {  	v1 =	vshrl.u32 v1, $0x10;
	[tilespmem:$0x4030] =	vst v2  }
0xc5: {  	[tilespmem:$0x40B0] =	vst v1  }
0xc6: {  	v1 =	vld [tilespmem:s12+$0xFFFFFF00];
	_ =	sdelay $0x4  }
0xc7: {  	v2 =	vand.u32 $0xFFFF, v1  }
0xc8: {  	v1 =	vshrl.u32 v1, $0x10;
	[tilespmem:$0x4040] =	vst v2  }
0xc9: {  	[tilespmem:$0x40C0] =	vst v1  }
0xca: {  	[tilespmem:s24], [sflag:$0x1] =	stream.indirect.gather [hbm4b:s4+s26], $0x80, s28, s26, $0xb8;
	[tilespmem:$0x1F380] =	vst v63  }
0xcb: {  	_ =	swait.ge [sflag:s6], $0x2800  }
0xcc: {  	[sflag:s6] =	ssyncset.done $0x0  }
0xcd: {  	[sflag:s6] =	ssyncadd.s32 $0xFFFFD800  }
0xce: {  	[spmem:s2] =	stream.indirect.scatter.add.f32 [tilespmem:s30], [sflag:$0x4], $0x80, s7, s26, $0xb8;
	[tilespmem:$0x1F380] =	vst v63  }
0xcf: {  	_ =	swait.ge [sflag:s23], $0x2800  }
0xd0: {  	[sflag:s23] =	ssyncset.done $0x0  }
0xd1: {  	[sflag:s23] =	ssyncadd.s32 $0xFFFFD800  }
0xd2: {  	v1 =	vld [tilespmem:s12+$0xFFFFFF40];
	_ =	sdelay $0x4  }
0xd3: {  	v2 =	vand.u32 $0xFFFF, v1  }
0xd4: {  	v1 =	vshrl.u32 v1, $0x10;
	[tilespmem:$0x4100] =	vst v2  }
0xd5: {  	[tilespmem:$0x4180] =	vst v1  }
0xd6: {  	v1 =	vld [tilespmem:s12+$0xFFFFFF50];
	_ =	sdelay $0x4  }
0xd7: {  	v2 =	vand.u32 $0xFFFF, v1  }
0xd8: {  	v1 =	vshrl.u32 v1, $0x10;
	[tilespmem:$0x4110] =	vst v2  }
0xd9: {  	[tilespmem:$0x4190] =	vst v1  }
0xda: {  	v1 =	vld [tilespmem:s12+$0xFFFFFF60];
	_ =	sdelay $0x4  }
0xdb: {  	v2 =	vand.u32 $0xFFFF, v1  }
0xdc: {  	v1 =	vshrl.u32 v1, $0x10;
	[tilespmem:$0x4120] =	vst v2  }
0xdd: {  	[tilespmem:$0x41A0] =	vst v1  }
0xde: {  	v1 =	vld [tilespmem:s12+$0xFFFFFF70];
	_ =	sdelay $0x4  }
0xdf: {  	v2 =	vand.u32 $0xFFFF, v1  }
0xe0: {  	v1 =	vshrl.u32 v1, $0x10;
	[tilespmem:$0x4130] =	vst v2  }
0xe1: {  	[tilespmem:$0x41B0] =	vst v1  }
0xe2: {  	v1 =	vld [tilespmem:s12+$0xFFFFFF80];
	_ =	sdelay $0x4  }
0xe3: {  	v2 =	vand.u32 $0xFFFF, v1  }
0xe4: {  	v1 =	vshrl.u32 v1, $0x10;
	[tilespmem:$0x4140] =	vst v2  }
0xe5: {  	[tilespmem:$0x41C0] =	vst v1  }
0xe6: {  	[tilespmem:s30], [sflag:$0x2] =	stream.indirect.gather [hbm4b:s4+s26], $0x80, s29, s26, $0xb8;
	[tilespmem:$0x1F380] =	vst v63  }
0xe7: {  	_ =	swait.ge [sflag:s8], $0x2800  }
0xe8: {  	p2 =	seq.s32 s11, $0xFB00;
	[sflag:s8] =	ssyncset.done $0x0  }
.Ltmp3:
0xe9: {  	[sflag:s8] =	ssyncadd.s32 $0xFFFFD800;
	(pc) =	sbr.rel @p2 .LBB2_6-.Ltmp3, $4  }
0xea: {  	[spmem:s2] =	stream.indirect.scatter.add.f32 [tilespmem:s0], [sflag:$0x4], $0x80, s9, s26, $0xb8;
	[tilespmem:$0x1F380] =	vst v63  }
0xeb: {  	_ =	swait.ge [sflag:s23], $0x2800  }
0xec: {  	[sflag:s23] =	ssyncset.done $0x0  }
0xed: {  	[sflag:s23] =	ssyncadd.s32 $0xFFFFD800  }
0xee: {  	v1 =	vld [tilespmem:s12+$0xFFFFFFC0];
	_ =	sdelay $0x4  }
0xef: {  	v2 =	vand.u32 $0xFFFF, v1  }
0xf0: {  	v1 =	vshrl.u32 v1, $0x10;
	[tilespmem:$0x4200] =	vst v2  }
0xf1: {  	[tilespmem:$0x4280] =	vst v1  }
0xf2: {  	v1 =	vld [tilespmem:s12+$0xFFFFFFD0];
	_ =	sdelay $0x4  }
0xf3: {  	v2 =	vand.u32 $0xFFFF, v1  }
0xf4: {  	v1 =	vshrl.u32 v1, $0x10;
	[tilespmem:$0x4210] =	vst v2  }
0xf5: {  	[tilespmem:$0x4290] =	vst v1  }
0xf6: {  	v1 =	vld [tilespmem:s12+$0xFFFFFFE0];
	_ =	sdelay $0x4  }
0xf7: {  	v2 =	vand.u32 $0xFFFF, v1  }
0xf8: {  	v1 =	vshrl.u32 v1, $0x10;
	[tilespmem:$0x4220] =	vst v2  }
0xf9: {  	[tilespmem:$0x42A0] =	vst v1  }
0xfa: {  	v1 =	vld [tilespmem:s12+$0xFFFFFFF0];
	_ =	sdelay $0x4  }
0xfb: {  	v2 =	vand.u32 $0xFFFF, v1  }
0xfc: {  	v1 =	vshrl.u32 v1, $0x10;
	[tilespmem:$0x4230] =	vst v2  }
0xfd: {  	[tilespmem:$0x42B0] =	vst v1  }
0xfe: {  	v1 =	vld [tilespmem:s12+$0x0];
	_ =	sdelay $0x3  }
.Ltmp4:
0xff: {  	_ = 	snop;
	(pc) =	sbr.rel .LBB2_4-.Ltmp4, $4  }
0x100: {  	v2 =	vand.u32 $0xFFFF, v1  }
0x101: {  	v1 =	vshrl.u32 v1, $0x10;
	[tilespmem:$0x4240] =	vst v2  }
0x102: {  	s11 =	sadd.s32 $0x600, s11;
	[tilespmem:$0x42C0] =	vst v1  }
0x103: {  	[tilespmem:s0], [sflag:$0x3] =	stream.indirect.gather [hbm4b:s4+s26], $0x80, s31, s26, $0xb8;
	[tilespmem:$0x1F380] =	vst v63  }
.LBB2_7:
0x104: {  	_ =	sfence.sel $0x180000  }
0x105: {  	[bflag:$0x0] =	sbarrier.arrive $0xFFFF  }
0x106: {  	_ =	strace $0x9000004A  }
0x107: {  	s0 =	stileid.u32;
	[bflag:$0x2] =	sbarrier.arrive $0xFFFF  }
0x108: {  	p0 =	sne.s32 s0, $0x0;
	s0 =	rddreg [dreg:$0x2]  }
0x109: {  	s0 =	sadd.s32 @!p0 $0x100000, s0  }
0x10a: {  	[sflag:s0] =	ssyncadd.tile.s32 @!p0 $0x1;
	_ =	shalt  }
.Lfunc_end2:
_tile_overlayer_lowered:
.L_overlay_start_2:
0x10b: {  	(tag) =	ssettag $0x2  }
0x10c: {  	s0 =	rddreg [dreg:$0x0];
	s2 =	stileid.u32  }
0x10d: {  	s1 =	rddreg [dreg:$0x1];
	p0 =	sne.s32 s2, $0x0  }
0x10e: {  	s3 =	rddreg [dreg:$0x2];
	[bflag:$0x3] =	sbarrier.arrive $0xFFFF;
	s2 =	simm.s32 @!p0 $0x1C04  }
0x10f: {  	[timem:s3], [sflag:s2] =	dma.local @!p0 [hbm:s0], s1  }
0x110: {  	s0 =	simm.s32 @!p0 $0x4  }
0x111: {  	_ =	swait.ge @!p0 [sflag:s0], s1  }
0x112: {  	s1 =	ssub.s32 @!p0 $0x0, s1;
	[sflag:s0] =	ssyncset.done @!p0 $0x0  }
0x113: {  	[sflag:s0] =	ssyncadd.s32 @!p0 s1  }
0x114: {  	[bflag:$0x3] =	sbarrier.arrive $0xFFFF  }
0x115: {  	_ =	shalt  }

// kernel: kernel.16.cloned.1.call-start
scs
__scs_entry_jumppad:
0x0: {  	(pc) =	sbr.rel $0x88, $3  }
0x1: {  	(tag) =	ssettag $0x0;
	lr =	simm.s32 $0x1  }
0x2: {  	[smem:$0x3F8F] =	sst lr;
	_ =	strace $0xD0000000  }
0x3: {  	_ = 	snop  }
0x4: {  	_ = 	snop  }
0x5: {  	_ = 	snop  }
0x6: {  	_ = 	snop  }
0x7: {  	_ = 	snop  }
__scs_overlays_trampoline_lowered:
0x8: {  	[smem:$0x3F9E] =	sst s0  }
0x9: {  	[smem:$0x3F9F] =	sst s1  }
0xa: {  	[smem:$0x3FA0] =	sst s2  }
0xb: {  	[smem:$0x3FA1] =	sst s3  }
0xc: {  	[smem:$0x3FA2] =	sst s4  }
0xd: {  	[smem:$0x3FA3] =	sst s5  }
0xe: {  	[smem:$0x3FA4] =	sst s6  }
0xf: {  	[smem:$0x3FA5] =	sst s7  }
0x10: {  	[smem:$0x3FA6] =	sst s8  }
0x11: {  	[smem:$0x3FA7] =	sst s9;
	s0 =	simm.s32 @!p0 $0x0  }
0x12: {  	s1 =	sld [smem:$0x3F8D];
	s0 =	simm.s32 @p0 $0x1  }
0x13: {  	[smem:$0x3FA8] =	sst s0;
	s0 =	simm.s32 @!p1 $0x0  }
0x14: {  	s2 =	sld [smem:$0x3F8C];
	s0 =	simm.s32 @p1 $0x1  }
0x15: {  	[smem:$0x3FA9] =	sst s0;
	s0 =	simm.s32 @!p2 $0x0  }
0x16: {  	s3 =	sld [smem:$0x3FDB];
	s0 =	simm.s32 @p2 $0x1  }
0x17: {  	s4 =	simm.s32 $0x1BF5;
	[smem:$0x3FAB] =	sst s0  }
0x18: {  	s0 =	sld [smem:$0x3F8E];
	_ =	swait.ge [sflag:s4], $0x0  }
0x19: {  	s7 =	sld [smem:$0x3F8F]  }
0x1a: {  	s8 =	sadd.s32 $0xFFFFE003, lr  }
0x1b: {  	s9 =	sadd.s32 $0xFFFFFEF7, lr;
	s5 =	simm.s32 $0xFFFFFFFF;
	p2 =	slt.u32 s8, $0xFFFFF086  }
0x1c: {  	p1 =	slt.u32 s9, $0xF7A;
	s5 =	simm.s32 @!p2 $0x0  }
0x1d: {  	s5 =	simm.s32 @p1 $0x1;
	p0 =	seq.s32 s7, s2  }
0x1e: {  	s7 =	smul.u32 @!p0 $0xF7A, s2;
	p2 =	seq.s32 @!p0 s5, $0x0  }
0x1f: {  	s9 =	smul.u32 $0xF7A, s1;
	s8 =	simm.s32 @!p0 $0x1BF5;
	p2 =	por !p2, p0  }
0x20: {  	[sflag:s8] =	ssyncset.s32 @!p0 $0xFFFFF086;
	s6 =	sadd.s32 @!p0 s3, s7;
	s7 =	simm.s32 @!p0 $0x108  }
0x21: {  	s3 =	sadd.s32 s3, s9;
	s6 =	sadd.s32 @!p0 $0x88, s6;
	s7 =	simm.s32 @p2 $0x1082  }
0x22: {  	[simem:s7], [sflag:s8] =	dma.local @!p0 [hbm:s6], $0xF7A  }
0x23: {  	s9 =	sor.u32 $0xD0000000, s2;
	s6 =	simm.s32 $0x108;
	_ =	swait.ge @!p0 [sflag:s8], $0x0  }
0x24: {  	s3 =	sadd.s32 $0x88, s3;
	s6 =	simm.s32 @!p1 $0x1082;
	[sflag:s4] =	ssyncset.s32 $0xFFFFF086  }
0x25: {  	[simem:s6], [sflag:s4] =	dma.local [hbm:s3], $0xF7A  }
0x26: {  	[smem:$0x3F8F] =	sst s1;
	(tag) =	ssettag s2;
	_ =	strace s9  }
0x27: {  	s1 =	sld [smem:$0x3F9F]  }
0x28: {  	s2 =	sld [smem:$0x3FA0]  }
0x29: {  	s4 =	sld [smem:$0x3FA2]  }
0x2a: {  	p0 =	seq.s32 s5, $0x0;
	s5 =	sld [smem:$0x3FA3]  }
0x2b: {  	s6 =	sld [smem:$0x3FA4]  }
0x2c: {  	s7 =	sld [smem:$0x3FA5]  }
0x2d: {  	s3 =	simm.s32 $0x108;
	s8 =	sld [smem:$0x3FA6]  }
0x2e: {  	s3 =	simm.s32 @!p0 $0x1082;
	s9 =	sld [smem:$0x3FA7]  }
0x2f: {  	lr =	sadd.s32 s0, s3;
	s0 =	sld [smem:$0x3F9E]  }
0x30: {  	s3 =	sld [smem:$0x3FA1]  }
0x31: {  	[smem:$0x3FAA] =	sst s10  }
0x32: {  	s10 =	sld [smem:$0x3FA8];
	_ =	sdelay $0x3  }
0x33: {  	p0 =	seq.s32 s10, $0x1;
	s10 =	sld [smem:$0x3FAA];
	_ =	sdelay $0x3  }
0x34: {  	[smem:$0x3FAA] =	sst s10  }
0x35: {  	s10 =	sld [smem:$0x3FA9];
	_ =	sdelay $0x3  }
0x36: {  	p1 =	seq.s32 s10, $0x1;
	s10 =	sld [smem:$0x3FAA];
	_ =	sdelay $0x3  }
0x37: {  	[smem:$0x3FAA] =	sst s10  }
0x38: {  	s10 =	sld [smem:$0x3FAB]  }
0x39: {  	_ = 	snop;
	(pc) =	sbr.ind lr, $3  }
0x3a: {  	_ = 	snop  }
0x3b: {  	_ = 	snop  }
0x3c: {  	p2 =	seq.s32 s10, $0x1;
	s10 =	sld [smem:$0x3FAA]  }
0x3d: {  	_ =	shalt  }
0x3e: {  	_ =	shalt  }
0x3f: {  	_ =	shalt  }
0x40: {  	_ =	shalt  }
0x41: {  	_ =	shalt  }
0x42: {  	_ =	shalt  }
0x43: {  	_ =	shalt  }
0x44: {  	_ =	shalt  }
0x45: {  	_ =	shalt  }
0x46: {  	_ =	shalt  }
0x47: {  	_ =	shalt  }
0x48: {  	_ =	shalt  }
0x49: {  	_ =	shalt  }
0x4a: {  	_ =	shalt  }
0x4b: {  	_ =	shalt  }
0x4c: {  	_ =	shalt  }
0x4d: {  	_ =	shalt  }
0x4e: {  	_ =	shalt  }
0x4f: {  	_ =	shalt  }
0x50: {  	_ =	shalt  }
0x51: {  	_ =	shalt  }
0x52: {  	_ =	shalt  }
0x53: {  	_ =	shalt  }
0x54: {  	_ =	shalt  }
0x55: {  	_ =	shalt  }
0x56: {  	_ =	shalt  }
0x57: {  	_ =	shalt  }
0x58: {  	_ =	shalt  }
0x59: {  	_ =	shalt  }
0x5a: {  	_ =	shalt  }
0x5b: {  	_ =	shalt  }
0x5c: {  	_ =	shalt  }
0x5d: {  	_ =	shalt  }
0x5e: {  	_ =	shalt  }
0x5f: {  	_ =	shalt  }
0x60: {  	_ =	shalt  }
0x61: {  	_ =	shalt  }
0x62: {  	_ =	shalt  }
0x63: {  	_ =	shalt  }
0x64: {  	_ =	shalt  }
0x65: {  	_ =	shalt  }
0x66: {  	_ =	shalt  }
0x67: {  	_ =	shalt  }
0x68: {  	_ =	shalt  }
0x69: {  	_ =	shalt  }
0x6a: {  	_ =	shalt  }
0x6b: {  	_ =	shalt  }
0x6c: {  	_ =	shalt  }
0x6d: {  	_ =	shalt  }
0x6e: {  	_ =	shalt  }
0x6f: {  	_ =	shalt  }
0x70: {  	_ =	shalt  }
0x71: {  	_ =	shalt  }
0x72: {  	_ =	shalt  }
0x73: {  	_ =	shalt  }
0x74: {  	_ =	shalt  }
0x75: {  	_ =	shalt  }
0x76: {  	_ =	shalt  }
0x77: {  	_ =	shalt  }
0x78: {  	_ =	shalt  }
0x79: {  	_ =	shalt  }
0x7a: {  	_ =	shalt  }
0x7b: {  	_ =	shalt  }
0x7c: {  	_ =	shalt  }
0x7d: {  	_ =	shalt  }
0x7e: {  	_ =	shalt  }
0x7f: {  	_ =	shalt  }
0x80: {  	_ =	shalt  }
0x81: {  	_ =	shalt  }
0x82: {  	_ =	shalt  }
0x83: {  	_ =	shalt  }
0x84: {  	_ =	shalt  }
0x85: {  	_ =	shalt  }
0x86: {  	_ =	shalt  }
0x87: {  	_ =	shalt  }
.Lfunc_end0:
.L_simem_size_0:
called_computation.2_lowered:
.L_overlay_start_0:
0x88: {  	s2 =	sld [smem:$0x3FD9]  }
0x89: {  	s3 =	sld [smem:$0x3FFE];
	_ =	sdelay $0x1  }
0x8a: {  	s1 =	srdreg.scid  }
0x8b: {  	s0 =	sand.u32 $0x1, s1  }
0x8c: {  	s16 =	sshll.u32 s0, $0xA;
	s2 =	sadd.s32 s3, s2  }
0x8d: {  	s2 =	sadd.s32 s2, s16  }
0x8e: {  	[smem:$0x3FB6] =	sst s2  }
0x8f: {  	_ = 	snop  }
0x90: {  	(tm) =	ssettm $0x1  }
0x91: {  	s17 =	sld [smem:$0x3FFB];
	_ =	sdelay $0x3  }
0x92: {  	_ =	strace s17  }
0x93: {  	s2 =	sld [smem:$0x3FFC];
	_ =	sdelay $0x3  }
0x94: {  	_ =	strace s2  }
0x95: {  	s2 =	sld [smem:$0x3FFD];
	_ =	sdelay $0x3  }
0x96: {  	_ =	strace s2  }
0x97: {  	_ =	strace $0x8FFFFFFF  }
0x98: {  	s18 =	sld [smem:$0x3FDB];
	_ =	sdelay $0x1  }
0x99: {  	s19 =	simm.s32 $_scs_section_size  }
0x9a: {  	s4 =	simm.s32 $_size__tile_overlayer_lowered;
	s5 =	simm.s32 $_tile_overlayer_lowered  }
0x9b: {  	s22 =	simm.s32 $0x1BFF;
	s21 =	sshll.u32 s5, $0x1;
	s2 =	sadd.s32 s19, s18  }
0x9c: {  	s6 =	simm.s32 $0x0;
	s20 =	sshll.u32 s4, $0x1;
	s4 =	sadd.s32 s21, s2  }
0x9d: {  	[timem:s6], [sflag:s22] =	dma.local [hbm:s4], s20  }
0x9e: {  	_ =	swait.ge [sflag:s22], s20  }
0x9f: {  	s3 =	ssub.s32 $0x0, s20;
	[sflag:s22] =	ssyncset.done $0x0  }
0xa0: {  	[sflag:s22] =	ssyncadd.s32 s3;
	_ =	sdelay $0x1  }
0xa1: {  	s23 =	simm.s32 $0x1B8B  }
0xa2: {  	_ =	swait.ge [sflag:s23], $0x1  }
0xa3: {  	[sflag:s23] =	ssyncset.done $0x0  }
0xa4: {  	s25 =	simm.s32 $0x1B8E;
	s24 =	sld [smem:$0x3FFE];
	[sflag:s23] =	ssyncadd.s32 $0xFFFFFFFF  }
0xa5: {  	s26 =	simm.s32 $execute0_lowered;
	[smem:$0x3FD2] =	sst s25  }
0xa6: {  	s4 =	sshll.u32 s26, $0x1;
	_ =	strace $0x8000004C;
	[dreg:$0x1] =	wrdreg $0xFFFFFFFF  }
0xa7: {  	s28 =	simm.s32 $_size_execute0_lowered;
	s2 =	sadd.s32 s2, s4;
	[dreg:$0x0] =	wrdreg $0x0  }
0xa8: {  	s4 =	sshll.u32 s28, $0x1;
	[dreg:$0x2] =	wrdreg s2  }
0xa9: {  	[dreg:$0x3] =	wrdreg s4  }
0xaa: {  	[dreg:$0x4] =	wrdreg $0xC0  }
0xab: {  	_ =	task [dreg:s6], $0x5FFFF  }
0xac: {  	[dreg:$0x1] =	wrdreg $0xFFFFFFFF  }
0xad: {  	[dreg:$0x0] =	wrdreg $0x60  }
0xae: {  	[dreg:$0x2] =	wrdreg s24  }
0xaf: {  	[dreg:$0x3] =	wrdreg $0xBB000  }
0xb0: {  	[dreg:$0x4] =	wrdreg $0x9  }
0xb1: {  	_ =	task.clear_ibuf [dreg:s6], $0x5FFFF;
	_ =	strace $0x9000004C  }
0xb2: {  	s29 =	simm.s32 $0x9;
	_ =	strace $0x8000004E  }
0xb3: {  	_ =	swait.ge [sflag:s29], $0x1  }
0xb4: {  	[sflag:s29] =	ssyncadd.s32 $0xFFFFFFFF  }
0xb5: {  	_ =	strace $0x9000004E  }
0xb6: {  	_ =	sfence  }
0xb7: {  	s30 =	sld [smem:$0x0];
	_ =	sdelay $0x2  }
0xb8: {  	s31 =	sshll.u32 s1, $0xD;
	s1 =	sshrl.u32 s1, $0x2  }
0xb9: {  	s3 =	sand.u32 $0x4000, s31;
	s1 =	sadd.s32 s1, s30  }
0xba: {  	s0 =	sor.u32 s3, s0;
	s1 =	sshll.u32 s1, $0x11  }
0xbb: {  	s0 =	sor.u32 s1, s0  }
0xbc: {  	s0 =	sadd.s32 $0x8F2B, s0  }
0xbd: {  	[sflag:s0] =	ssyncadd.remote.s32 $0x1  }
0xbe: {  	_ =	sfence.sel $0xFFFF  }
0xbf: {  	[dreg:$0x0] =	wrdreg $0xFFFFFFFF;
	(pc) =	sbr.abs _section_cstart, $3  }
0xc0: {  	[dreg:$0x1] =	wrdreg $0xFFFFFFFF  }
0xc1: {  	_ =	task.clear_ibuf [dreg:s6], $0x2FFFF;
	_ =	strace $0x9FFFFFFF  }
0xc2: {  	(tm) =	ssettm $0x7FFFFFFF  }
0xc3: {  	_ =	shalt  }
tec
execute0_lowered:
.L_overlay_start_1:
0x0: {  	(tag) =	ssettag $0x1  }
0x1: {  	s0 =	rddreg [dreg:$0x0]  }
0x2: {  	s2 =	rddreg [dreg:$0x1];
	s1 =	simm.s32 $0x0;
	s9 =	stileid.u32  }
0x3: {  	s3 =	srdreg.scid;
	s28 =	simm.s32 $0x4000;
	s29 =	simm.s32 $0x4100  }
0x4: {  	s30 =	simm.s32 $0x6B00;
	s31 =	simm.s32 $0x4200;
	s10 =	simm.s32 $0x0  }
0x5: {  	[smem:$0x7FF] =	sst s1;
	s18 =	sshll.u32 s9, $0xB;
	s5 =	smul.u32 $0x4E000, s9  }
0x6: {  	s3 =	sand.u32 $0x1, s3;
	s4 =	sadd.s32 $0x13000, s0;
	s26 =	smul.u32 $0x13800, s9  }
0x7: {  	p0 =	sne.s32 s9, $0xF;
	p1 =	seq.s32 s9, $0xF;
	s9 =	simm.s32 $0x4280  }
0x8: {  	_ =	strace $0x8000004D;
	s1 =	sadd.s32 s18, s0;
	s0 =	sadd.s32 $0x3A200, s0  }
0x9: {  	s6 =	ssub.s32 $0x2, s3;
	s8 =	sshll.u32 s3, $0xF;
	s23 =	smul.u32 $0x138800, s3  }
0xa: {  	s7 =	sshrl.u32 s6, $0x1;
	s5 =	sshrl.u32 s5, $0x2;
	s1 =	sadd.s32 s8, s1  }
0xb: {  	s8 =	simm.s32 $0x3;
	s6 =	ssub.s32 s6, s7;
	s5 =	sadd.s32 s5, s2  }
0xc: {  	s1 =	sadd.s32 $0x3000, s1;
	s3 =	sadd.s32 s26, s23;
	s26 =	simm.s32 $0x50  }
0xd: {  	s7 =	simm.s32 $0x4180;
	[dreg:$0x3] =	wrdreg s1;
	s19 =	sadd.s32 $0x1800, s5  }
0xe: {  	s20 =	sadd.s32 $0x3000, s5;
	s21 =	sadd.s32 $0x4800, s5;
	s22 =	sadd.s32 $0x6000, s5  }
0xf: {  	s24 =	sadd.s32 $0x7800, s5;
	s25 =	sadd.s32 $0x9000, s5;
	[dreg:$0x4] =	wrdreg s19  }
0x10: {  	s13 =	sadd.s32 $0xA800, s5;
	s14 =	sadd.s32 $0xC000, s5;
	[dreg:$0x5] =	wrdreg s20  }
0x11: {  	s15 =	sadd.s32 $0xD800, s5;
	s16 =	sadd.s32 $0xF000, s5;
	[dreg:$0x6] =	wrdreg s21  }
0x12: {  	s17 =	sadd.s32 $0x10800, s5;
	s18 =	sadd.s32 $0x12000, s5;
	[dreg:$0x7] =	wrdreg s22  }
0x13: {  	s3 =	sshrl.u32 s3, $0x3;
	s1 =	sshrl.u32 s23, $0x3;
	[dreg:$0x8] =	wrdreg s24  }
.Ltmp0:
0x14: {  	s23 =	simm.s32 $0x4;
	[dreg:$0x9] =	wrdreg s25;
	(pc) =	sbr.rel .LBB2_1-.Ltmp0, $4  }
0x15: {  	s19 =	sadd.s32 $0x138000, s2;
	s20 =	sadd.s32 s0, s3;
	s0 =	sadd.s32 s0, s1  }
0x16: {  	s22 =	smax.u32 s6, $0x1;
	s24 =	simm.s32 $0x4300;
	s3 =	simm.s32 $0x1  }
0x17: {  	s1 =	simm.s32 $0x4080;
	s21 =	sadd.s32 $0x24900, s0;
	s0 =	sadd.s32 $0x124800, s2  }
0x18: {  	v0 =	vimm.f32 $0.0e+00;
	s6 =	simm.s32 $0x2;
	s25 =	sshrl.u32 @p1 s0, $0x3;
	s0 =	simm.s32 $0x9300  }
.LBB2_6:
0x19: {  	_ =	swait.ge [sflag:s3], $0x2800  }
0x1a: {  	[sflag:s3] =	ssyncset.done $0x0  }
0x1b: {  	[sflag:s3] =	ssyncadd.s32 $0xFFFFD800  }
0x1c: {  	[spmem:s2] =	stream.indirect.scatter.add.f32 [tilespmem:s24], [sflag:$0x4], $0x80, s1, s26, $0xb8;
	[tilespmem:$0x1F380] =	vst v63  }
0x1d: {  	_ =	swait.ge [sflag:s23], $0x2800  }
0x1e: {  	[sflag:s23] =	ssyncset.done $0x0  }
0x1f: {  	[sflag:s23] =	ssyncadd.s32 $0xFFFFD800  }
0x20: {  	_ =	swait.ge [sflag:s6], $0x2800  }
0x21: {  	[sflag:s6] =	ssyncset.done $0x0  }
0x22: {  	[sflag:s6] =	ssyncadd.s32 $0xFFFFD800  }
0x23: {  	[spmem:s2] =	stream.indirect.scatter.add.f32 [tilespmem:s30], [sflag:$0x4], $0x80, s7, s26, $0xb8;
	[tilespmem:$0x1F380] =	vst v63  }
0x24: {  	_ =	swait.ge [sflag:s23], $0x2800  }
0x25: {  	[sflag:s23] =	ssyncset.done $0x0  }
0x26: {  	[sflag:s23] =	ssyncadd.s32 $0xFFFFD800  }
0x27: {  	s11 =	simm.s32 @p1 $0x1FC4;
	[bflag:$0x0] =	sbarrier.arrive $0xFFFF  }
0x28: {  	[hbm:s21], [sflag:s11] =	dma.local @p1 [spmem:s25], $0x2800  }
0x29: {  	s11 =	simm.s32 @p1 $0x4  }
0x2a: {  	s12 =	stileid.u32;
	s10 =	sadd.s32 $0x1, s10;
	_ =	swait.ge @p1 [sflag:s11], $0x2800  }
0x2b: {  	s12 =	sshll.u32 @!p1 s12, $0x6;
	p2 =	sne.s32 s10, s22;
	[sflag:s11] =	ssyncset.done @p1 $0x0  }
0x2c: {  	[sflag:s11] =	ssyncadd.s32 @p1 $0xFFFFD800;
	s11 =	sor.u32 @!p1 $0x1C04, s12;
	s12 =	sshrl.u32 @!p1 s5, $0x3  }
0x2d: {  	[hbm:s20], [sflag:s11] =	dma.local @!p1 [spmem:s12], $0x2700  }
.Ltmp1:
0x2e: {  	_ = 	snop;
	(pc) =	sbr.rel @!p2 .LBB2_7-.Ltmp1, $4  }
0x2f: {  	s11 =	simm.s32 @!p1 $0x4  }
0x30: {  	_ =	swait.ge @!p1 [sflag:s11], $0x2700  }
0x31: {  	[sflag:s11] =	ssyncset.done @!p1 $0x0  }
0x32: {  	[sflag:s11] =	ssyncadd.s32 @!p1 $0xFFFFD900  }
.LBB2_1:
0x33: {  	s11 =	simm.s32 $0x0;
	s12 =	rddreg [dreg:$0x3]  }
0x34: {  	[tilespmem:s11], [sflag:$0x4] =	stream.linear.gather [hbm4b:s12+s11], $0x3E80, $0x38;
	[tilespmem:$0x1F380] =	vst v63  }
0x35: {  	_ =	swait.ge [sflag:s23], $0x3E80  }
0x36: {  	[sflag:s23] =	ssyncset.done $0x0  }
0x37: {  	s11 =	simm.s32 $0x0;
	s12 =	simm.s32 $0x200;
	[sflag:s23] =	ssyncadd.s32 $0xFFFFC180  }
.LBB2_2:
0x38: {  	p2 =	sne.s32 s12, $0x9E00;
	[tilespmem:s11+$0x4370] =	vst v0  }
0x39: {  	[tilespmem:s11+$0x4300] =	vst v0  }
0x3a: {  	[tilespmem:s11+$0x4310] =	vst v0  }
.Ltmp2:
0x3b: {  	[tilespmem:s11+$0x4320] =	vst v0;
	(pc) =	sbr.rel @p2 .LBB2_2-.Ltmp2, $4  }
0x3c: {  	[tilespmem:s11+$0x4330] =	vst v0  }
0x3d: {  	[tilespmem:s11+$0x4340] =	vst v0  }
0x3e: {  	[tilespmem:s11+$0x4350] =	vst v0  }
0x3f: {  	[tilespmem:s11+$0x4360] =	vst v0;
	s11 =	sshra.s32 s12, $0x2;
	s12 =	sadd.s32 $0x200, s12  }
0x40: {  	[tilespmem:s11+$0x4370] =	vst v0  }
0x41: {  	[tilespmem:s11+$0x4300] =	vst v0  }
0x42: {  	[tilespmem:s11+$0x4310] =	vst v0  }
0x43: {  	[tilespmem:s11+$0x4320] =	vst v0  }
0x44: {  	[tilespmem:s11+$0x4330] =	vst v0  }
0x45: {  	[tilespmem:s11+$0x4340] =	vst v0  }
0x46: {  	[tilespmem:s11+$0x4350] =	vst v0  }
0x47: {  	[tilespmem:s11+$0x4360] =	vst v0  }
0x48: {  	[spmem:s5] =	stream.linear.scatter [tilespmem:s24], [sflag:$0x4], $0x1800, $0x38;
	[tilespmem:$0x1F380] =	vst v63  }
0x49: {  	_ =	swait.ge [sflag:s23], $0x1800  }
0x4a: {  	[sflag:s23] =	ssyncset.done $0x0  }
0x4b: {  	s12 =	rddreg [dreg:$0x4];
	[sflag:s23] =	ssyncadd.s32 $0xFFFFE800  }
0x4c: {  	[spmem:s12] =	stream.linear.scatter [tilespmem:s24], [sflag:$0x4], $0x1800, $0x38;
	[tilespmem:$0x1F380] =	vst v63  }
0x4d: {  	_ =	swait.ge [sflag:s23], $0x1800  }
0x4e: {  	[sflag:s23] =	ssyncset.done $0x0  }
0x4f: {  	s12 =	rddreg [dreg:$0x5];
	[sflag:s23] =	ssyncadd.s32 $0xFFFFE800  }
0x50: {  	[spmem:s12] =	stream.linear.scatter [tilespmem:s24], [sflag:$0x4], $0x1800, $0x38;
	[tilespmem:$0x1F380] =	vst v63  }
0x51: {  	_ =	swait.ge [sflag:s23], $0x1800  }
0x52: {  	[sflag:s23] =	ssyncset.done $0x0  }
0x53: {  	s12 =	rddreg [dreg:$0x6];
	[sflag:s23] =	ssyncadd.s32 $0xFFFFE800  }
0x54: {  	[spmem:s12] =	stream.linear.scatter [tilespmem:s24], [sflag:$0x4], $0x1800, $0x38;
	[tilespmem:$0x1F380] =	vst v63  }
0x55: {  	_ =	swait.ge [sflag:s23], $0x1800  }
0x56: {  	[sflag:s23] =	ssyncset.done $0x0  }
0x57: {  	s12 =	rddreg [dreg:$0x7];
	[sflag:s23] =	ssyncadd.s32 $0xFFFFE800  }
0x58: {  	[spmem:s12] =	stream.linear.scatter [tilespmem:s24], [sflag:$0x4], $0x1800, $0x38;
	[tilespmem:$0x1F380] =	vst v63  }
0x59: {  	_ =	swait.ge [sflag:s23], $0x1800  }
0x5a: {  	[sflag:s23] =	ssyncset.done $0x0  }
0x5b: {  	s12 =	rddreg [dreg:$0x8];
	[sflag:s23] =	ssyncadd.s32 $0xFFFFE800  }
0x5c: {  	[spmem:s12] =	stream.linear.scatter [tilespmem:s24], [sflag:$0x4], $0x1800, $0x38;
	[tilespmem:$0x1F380] =	vst v63  }
0x5d: {  	_ =	swait.ge [sflag:s23], $0x1800  }
0x5e: {  	[sflag:s23] =	ssyncset.done $0x0  }
0x5f: {  	s12 =	rddreg [dreg:$0x9];
	[sflag:s23] =	ssyncadd.s32 $0xFFFFE800  }
0x60: {  	[spmem:s12] =	stream.linear.scatter [tilespmem:s24], [sflag:$0x4], $0x1800, $0x38;
	[tilespmem:$0x1F380] =	vst v63  }
0x61: {  	_ =	swait.ge [sflag:s23], $0x1800  }
0x62: {  	[sflag:s23] =	ssyncset.done $0x0  }
0x63: {  	[sflag:s23] =	ssyncadd.s32 $0xFFFFE800  }
0x64: {  	[spmem:s13] =	stream.linear.scatter [tilespmem:s24], [sflag:$0x4], $0x1800, $0x38;
	[tilespmem:$0x1F380] =	vst v63  }
0x65: {  	_ =	swait.ge [sflag:s23], $0x1800  }
0x66: {  	[sflag:s23] =	ssyncset.done $0x0  }
0x67: {  	[sflag:s23] =	ssyncadd.s32 $0xFFFFE800  }
0x68: {  	[spmem:s14] =	stream.linear.scatter [tilespmem:s24], [sflag:$0x4], $0x1800, $0x38;
	[tilespmem:$0x1F380] =	vst v63  }
0x69: {  	_ =	swait.ge [sflag:s23], $0x1800  }
0x6a: {  	[sflag:s23] =	ssyncset.done $0x0  }
0x6b: {  	[sflag:s23] =	ssyncadd.s32 $0xFFFFE800  }
0x6c: {  	[spmem:s15] =	stream.linear.scatter [tilespmem:s24], [sflag:$0x4], $0x1800, $0x38;
	[tilespmem:$0x1F380] =	vst v63  }
0x6d: {  	_ =	swait.ge [sflag:s23], $0x1800  }
0x6e: {  	[sflag:s23] =	ssyncset.done $0x0  }
0x6f: {  	[sflag:s23] =	ssyncadd.s32 $0xFFFFE800  }
0x70: {  	[spmem:s16] =	stream.linear.scatter [tilespmem:s24], [sflag:$0x4], $0x1800, $0x38;
	[tilespmem:$0x1F380] =	vst v63  }
0x71: {  	_ =	swait.ge [sflag:s23], $0x1800  }
0x72: {  	[sflag:s23] =	ssyncset.done $0x0  }
0x73: {  	[sflag:s23] =	ssyncadd.s32 $0xFFFFE800  }
0x74: {  	[spmem:s17] =	stream.linear.scatter [tilespmem:s24], [sflag:$0x4], $0x1800, $0x38;
	[tilespmem:$0x1F380] =	vst v63  }
0x75: {  	_ =	swait.ge [sflag:s23], $0x1800  }
0x76: {  	[sflag:s23] =	ssyncset.done $0x0  }
0x77: {  	[sflag:s23] =	ssyncadd.s32 $0xFFFFE800  }
0x78: {  	[spmem:s18] =	stream.linear.scatter [tilespmem:s24], [sflag:$0x4], $0x1800, $0x38;
	[tilespmem:$0x1F380] =	vst v63  }
0x79: {  	_ =	swait.ge [sflag:s23], $0x1800  }
0x7a: {  	[sflag:s23] =	ssyncset.done $0x0  }
0x7b: {  	s11 =	simm.s32 @!p0 $0x4300;
	[sflag:s23] =	ssyncadd.s32 $0xFFFFE800  }
0x7c: {  	[spmem:s19] =	stream.linear.scatter @!p0 [tilespmem:s11], [sflag:$0x4], $0x800, $0x38;
	[tilespmem:$0x1F380] =	vst v63  }
0x7d: {  	s11 =	simm.s32 @!p0 $0x4  }
0x7e: {  	_ =	swait.ge @!p0 [sflag:s11], $0x800  }
0x7f: {  	[sflag:s11] =	ssyncset.done @!p0 $0x0  }
0x80: {  	[sflag:s11] =	ssyncadd.s32 @!p0 $0xFFFFF800  }
0x81: {  	[bflag:$0x0] =	sbarrier.arrive $0xFFFF  }
0x82: {  	v1 =	vld [tilespmem:$0x0];
	_ =	sdelay $0x1  }
0x83: {  	v2 =	vld [tilespmem:$0x10];
	_ =	sdelay $0x1  }
0x84: {  	v3 =	vld [tilespmem:$0x20]  }
0x85: {  	v4 =	vand.u32 $0xFFFF, v1  }
0x86: {  	v59 =	vld [tilespmem:$0x30];
	v1 =	vshrl.u32 v1, $0x10;
	[tilespmem:$0x4000] =	vst v4  }
0x87: {  	[tilespmem:$0x4080] =	vst v1;
	v1 =	vand.u32 $0xFFFF, v2  }
0x88: {  	[tilespmem:$0x4010] =	vst v1;
	v1 =	vshrl.u32 v2, $0x10;
	v2 =	vld [tilespmem:$0x40]  }
0x89: {  	[tilespmem:$0x4090] =	vst v1;
	v1 =	vand.u32 $0xFFFF, v3  }
0x8a: {  	[tilespmem:$0x4020] =	vst v1;
	v1 =	vshrl.u32 v3, $0x10  }
0x8b: {  	[tilespmem:$0x40A0] =	vst v1;
	v1 =	vand.u32 $0xFFFF, v59  }
0x8c: {  	[tilespmem:$0x4030] =	vst v1;
	v1 =	vshrl.u32 v59, $0x10  }
0x8d: {  	[tilespmem:$0x40B0] =	vst v1;
	v1 =	vand.u32 $0xFFFF, v2  }
0x8e: {  	[tilespmem:$0x4040] =	vst v1;
	v1 =	vshrl.u32 v2, $0x10  }
0x8f: {  	[tilespmem:$0x40C0] =	vst v1  }
0x90: {  	[tilespmem:s24], [sflag:$0x1] =	stream.indirect.gather [hbm4b:s4+s26], $0x80, s28, s26, $0xb8;
	[tilespmem:$0x1F380] =	vst v63  }
0x91: {  	v1 =	vld [tilespmem:$0x80];
	_ =	sdelay $0x1  }
0x92: {  	v2 =	vld [tilespmem:$0x90];
	_ =	sdelay $0x1  }
0x93: {  	v3 =	vld [tilespmem:$0xA0]  }
0x94: {  	v60 =	vand.u32 $0xFFFF, v1  }
0x95: {  	v61 =	vld [tilespmem:$0xB0];
	v1 =	vshrl.u32 v1, $0x10;
	[tilespmem:$0x4100] =	vst v60  }
0x96: {  	[tilespmem:$0x4180] =	vst v1;
	v1 =	vand.u32 $0xFFFF, v2  }
0x97: {  	[tilespmem:$0x4110] =	vst v1;
	v1 =	vshrl.u32 v2, $0x10;
	v2 =	vld [tilespmem:$0xC0]  }
0x98: {  	[tilespmem:$0x4190] =	vst v1;
	v1 =	vand.u32 $0xFFFF, v3  }
0x99: {  	[tilespmem:$0x4120] =	vst v1;
	v1 =	vshrl.u32 v3, $0x10  }
0x9a: {  	[tilespmem:$0x41A0] =	vst v1;
	v1 =	vand.u32 $0xFFFF, v61  }
0x9b: {  	[tilespmem:$0x4130] =	vst v1;
	v1 =	vshrl.u32 v61, $0x10  }
0x9c: {  	[tilespmem:$0x41B0] =	vst v1;
	v1 =	vand.u32 $0xFFFF, v2  }
0x9d: {  	[tilespmem:$0x4140] =	vst v1;
	v1 =	vshrl.u32 v2, $0x10  }
0x9e: {  	[tilespmem:$0x41C0] =	vst v1  }
0x9f: {  	[tilespmem:s30], [sflag:$0x2] =	stream.indirect.gather [hbm4b:s4+s26], $0x80, s29, s26, $0xb8;
	[tilespmem:$0x1F380] =	vst v63  }
0xa0: {  	v1 =	vld [tilespmem:$0x100];
	_ =	sdelay $0x1  }
0xa1: {  	v2 =	vld [tilespmem:$0x110];
	_ =	sdelay $0x1  }
0xa2: {  	v3 =	vld [tilespmem:$0x120]  }
0xa3: {  	v62 =	vand.u32 $0xFFFF, v1  }
0xa4: {  	v63 =	vld [tilespmem:$0x130];
	v1 =	vshrl.u32 v1, $0x10;
	[tilespmem:$0x4200] =	vst v62  }
0xa5: {  	[tilespmem:$0x4280] =	vst v1;
	v1 =	vand.u32 $0xFFFF, v2  }
0xa6: {  	[tilespmem:$0x4210] =	vst v1;
	v1 =	vshrl.u32 v2, $0x10;
	v2 =	vld [tilespmem:$0x140]  }
0xa7: {  	[tilespmem:$0x4290] =	vst v1;
	v1 =	vand.u32 $0xFFFF, v3  }
0xa8: {  	[tilespmem:$0x4220] =	vst v1;
	v1 =	vshrl.u32 v3, $0x10  }
0xa9: {  	[tilespmem:$0x42A0] =	vst v1;
	v1 =	vand.u32 $0xFFFF, v63  }
0xaa: {  	[tilespmem:$0x4230] =	vst v1;
	v1 =	vshrl.u32 v63, $0x10  }
0xab: {  	[tilespmem:$0x42B0] =	vst v1;
	v1 =	vand.u32 $0xFFFF, v2  }
0xac: {  	[tilespmem:$0x4240] =	vst v1;
	v1 =	vshrl.u32 v2, $0x10  }
0xad: {  	s11 =	simm.s32 $0xB00;
	[tilespmem:$0x42C0] =	vst v1  }
0xae: {  	[tilespmem:s0], [sflag:$0x3] =	stream.indirect.gather [hbm4b:s4+s26], $0x80, s31, s26, $0xb8;
	[tilespmem:$0x1F380] =	vst v63  }
.LBB2_4:
0xaf: {  	_ =	swait.ge [sflag:s3], $0x2800  }
0xb0: {  	[sflag:s3] =	ssyncset.done $0x0  }
0xb1: {  	[sflag:s3] =	ssyncadd.s32 $0xFFFFD800  }
0xb2: {  	[spmem:s2] =	stream.indirect.scatter.add.f32 [tilespmem:s24], [sflag:$0x4], $0x80, s1, s26, $0xb8;
	[tilespmem:$0x1F380] =	vst v63  }
0xb3: {  	_ =	swait.ge [sflag:s23], $0x2800  }
0xb4: {  	[sflag:s23] =	ssyncset.done $0x0  }
0xb5: {  	s12 =	sshra.s32 s11, $0x2;
	[sflag:s23] =	ssyncadd.s32 $0xFFFFD800  }
0xb6: {  	v1 =	vld [tilespmem:s12+$0xFFFFFEC0];
	_ =	sdelay $0x4  }
0xb7: {  	v2 =	vand.u32 $0xFFFF, v1  }
0xb8: {  	v1 =	vshrl.u32 v1, $0x10;
	[tilespmem:$0x4000] =	vst v2  }
0xb9: {  	[tilespmem:$0x4080] =	vst v1  }
0xba: {  	v1 =	vld [tilespmem:s12+$0xFFFFFED0];
	_ =	sdelay $0x4  }
0xbb: {  	v2 =	vand.u32 $0xFFFF, v1  }
0xbc: {  	v1 =	vshrl.u32 v1, $0x10;
	[tilespmem:$0x4010] =	vst v2  }
0xbd: {  	[tilespmem:$0x4090] =	vst v1  }
0xbe: {  	v1 =	vld [tilespmem:s12+$0xFFFFFEE0];
	_ =	sdelay $0x4  }
0xbf: {  	v2 =	vand.u32 $0xFFFF, v1  }
0xc0: {  	v1 =	vshrl.u32 v1, $0x10;
	[tilespmem:$0x4020] =	vst v2  }
0xc1: {  	[tilespmem:$0x40A0] =	vst v1  }
0xc2: {  	v1 =	vld [tilespmem:s12+$0xFFFFFEF0];
	_ =	sdelay $0x4  }
0xc3: {  	v2 =	vand.u32 $0xFFFF, v1  }
0xc4: {  	v1 =	vshrl.u32 v1, $0x10;
	[tilespmem:$0x4030] =	vst v2  }
0xc5: {  	[tilespmem:$0x40B0] =	vst v1  }
0xc6: {  	v1 =	vld [tilespmem:s12+$0xFFFFFF00];
	_ =	sdelay $0x4  }
0xc7: {  	v2 =	vand.u32 $0xFFFF, v1  }
0xc8: {  	v1 =	vshrl.u32 v1, $0x10;
	[tilespmem:$0x4040] =	vst v2  }
0xc9: {  	[tilespmem:$0x40C0] =	vst v1  }
0xca: {  	[tilespmem:s24], [sflag:$0x1] =	stream.indirect.gather [hbm4b:s4+s26], $0x80, s28, s26, $0xb8;
	[tilespmem:$0x1F380] =	vst v63  }
0xcb: {  	_ =	swait.ge [sflag:s6], $0x2800  }
0xcc: {  	[sflag:s6] =	ssyncset.done $0x0  }
0xcd: {  	[sflag:s6] =	ssyncadd.s32 $0xFFFFD800  }
0xce: {  	[spmem:s2] =	stream.indirect.scatter.add.f32 [tilespmem:s30], [sflag:$0x4], $0x80, s7, s26, $0xb8;
	[tilespmem:$0x1F380] =	vst v63  }
0xcf: {  	_ =	swait.ge [sflag:s23], $0x2800  }
0xd0: {  	[sflag:s23] =	ssyncset.done $0x0  }
0xd1: {  	[sflag:s23] =	ssyncadd.s32 $0xFFFFD800  }
0xd2: {  	v1 =	vld [tilespmem:s12+$0xFFFFFF40];
	_ =	sdelay $0x4  }
0xd3: {  	v2 =	vand.u32 $0xFFFF, v1  }
0xd4: {  	v1 =	vshrl.u32 v1, $0x10;
	[tilespmem:$0x4100] =	vst v2  }
0xd5: {  	[tilespmem:$0x4180] =	vst v1  }
0xd6: {  	v1 =	vld [tilespmem:s12+$0xFFFFFF50];
	_ =	sdelay $0x4  }
0xd7: {  	v2 =	vand.u32 $0xFFFF, v1  }
0xd8: {  	v1 =	vshrl.u32 v1, $0x10;
	[tilespmem:$0x4110] =	vst v2  }
0xd9: {  	[tilespmem:$0x4190] =	vst v1  }
0xda: {  	v1 =	vld [tilespmem:s12+$0xFFFFFF60];
	_ =	sdelay $0x4  }
0xdb: {  	v2 =	vand.u32 $0xFFFF, v1  }
0xdc: {  	v1 =	vshrl.u32 v1, $0x10;
	[tilespmem:$0x4120] =	vst v2  }
0xdd: {  	[tilespmem:$0x41A0] =	vst v1  }
0xde: {  	v1 =	vld [tilespmem:s12+$0xFFFFFF70];
	_ =	sdelay $0x4  }
0xdf: {  	v2 =	vand.u32 $0xFFFF, v1  }
0xe0: {  	v1 =	vshrl.u32 v1, $0x10;
	[tilespmem:$0x4130] =	vst v2  }
0xe1: {  	[tilespmem:$0x41B0] =	vst v1  }
0xe2: {  	v1 =	vld [tilespmem:s12+$0xFFFFFF80];
	_ =	sdelay $0x4  }
0xe3: {  	v2 =	vand.u32 $0xFFFF, v1  }
0xe4: {  	v1 =	vshrl.u32 v1, $0x10;
	[tilespmem:$0x4140] =	vst v2  }
0xe5: {  	[tilespmem:$0x41C0] =	vst v1  }
0xe6: {  	[tilespmem:s30], [sflag:$0x2] =	stream.indirect.gather [hbm4b:s4+s26], $0x80, s29, s26, $0xb8;
	[tilespmem:$0x1F380] =	vst v63  }
0xe7: {  	_ =	swait.ge [sflag:s8], $0x2800  }
0xe8: {  	p2 =	seq.s32 s11, $0xFB00;
	[sflag:s8] =	ssyncset.done $0x0  }
.Ltmp3:
0xe9: {  	[sflag:s8] =	ssyncadd.s32 $0xFFFFD800;
	(pc) =	sbr.rel @p2 .LBB2_6-.Ltmp3, $4  }
0xea: {  	[spmem:s2] =	stream.indirect.scatter.add.f32 [tilespmem:s0], [sflag:$0x4], $0x80, s9, s26, $0xb8;
	[tilespmem:$0x1F380] =	vst v63  }
0xeb: {  	_ =	swait.ge [sflag:s23], $0x2800  }
0xec: {  	[sflag:s23] =	ssyncset.done $0x0  }
0xed: {  	[sflag:s23] =	ssyncadd.s32 $0xFFFFD800  }
0xee: {  	v1 =	vld [tilespmem:s12+$0xFFFFFFC0];
	_ =	sdelay $0x4  }
0xef: {  	v2 =	vand.u32 $0xFFFF, v1  }
0xf0: {  	v1 =	vshrl.u32 v1, $0x10;
	[tilespmem:$0x4200] =	vst v2  }
0xf1: {  	[tilespmem:$0x4280] =	vst v1  }
0xf2: {  	v1 =	vld [tilespmem:s12+$0xFFFFFFD0];
	_ =	sdelay $0x4  }
0xf3: {  	v2 =	vand.u32 $0xFFFF, v1  }
0xf4: {  	v1 =	vshrl.u32 v1, $0x10;
	[tilespmem:$0x4210] =	vst v2  }
0xf5: {  	[tilespmem:$0x4290] =	vst v1  }
0xf6: {  	v1 =	vld [tilespmem:s12+$0xFFFFFFE0];
	_ =	sdelay $0x4  }
0xf7: {  	v2 =	vand.u32 $0xFFFF, v1  }
0xf8: {  	v1 =	vshrl.u32 v1, $0x10;
	[tilespmem:$0x4220] =	vst v2  }
0xf9: {  	[tilespmem:$0x42A0] =	vst v1  }
0xfa: {  	v1 =	vld [tilespmem:s12+$0xFFFFFFF0];
	_ =	sdelay $0x4  }
0xfb: {  	v2 =	vand.u32 $0xFFFF, v1  }
0xfc: {  	v1 =	vshrl.u32 v1, $0x10;
	[tilespmem:$0x4230] =	vst v2  }
0xfd: {  	[tilespmem:$0x42B0] =	vst v1  }
0xfe: {  	v1 =	vld [tilespmem:s12+$0x0];
	_ =	sdelay $0x3  }
.Ltmp4:
0xff: {  	_ = 	snop;
	(pc) =	sbr.rel .LBB2_4-.Ltmp4, $4  }
0x100: {  	v2 =	vand.u32 $0xFFFF, v1  }
0x101: {  	v1 =	vshrl.u32 v1, $0x10;
	[tilespmem:$0x4240] =	vst v2  }
0x102: {  	s11 =	sadd.s32 $0x600, s11;
	[tilespmem:$0x42C0] =	vst v1  }
0x103: {  	[tilespmem:s0], [sflag:$0x3] =	stream.indirect.gather [hbm4b:s4+s26], $0x80, s31, s26, $0xb8;
	[tilespmem:$0x1F380] =	vst v63  }
.LBB2_7:
0x104: {  	_ =	sfence.sel $0x180000  }
0x105: {  	[bflag:$0x0] =	sbarrier.arrive $0xFFFF  }
0x106: {  	_ =	strace $0x9000004D  }
0x107: {  	s0 =	stileid.u32;
	[bflag:$0x2] =	sbarrier.arrive $0xFFFF  }
0x108: {  	p0 =	sne.s32 s0, $0x0;
	s0 =	rddreg [dreg:$0x2]  }
0x109: {  	s0 =	sadd.s32 @!p0 $0x100000, s0  }
0x10a: {  	[sflag:s0] =	ssyncadd.tile.s32 @!p0 $0x1;
	_ =	shalt  }
.Lfunc_end2:
_tile_overlayer_lowered:
.L_overlay_start_2:
0x10b: {  	(tag) =	ssettag $0x2  }
0x10c: {  	s0 =	rddreg [dreg:$0x0];
	s2 =	stileid.u32  }
0x10d: {  	s1 =	rddreg [dreg:$0x1];
	p0 =	sne.s32 s2, $0x0  }
0x10e: {  	s3 =	rddreg [dreg:$0x2];
	[bflag:$0x3] =	sbarrier.arrive $0xFFFF;
	s2 =	simm.s32 @!p0 $0x1C04  }
0x10f: {  	[timem:s3], [sflag:s2] =	dma.local @!p0 [hbm:s0], s1  }
0x110: {  	s0 =	simm.s32 @!p0 $0x4  }
0x111: {  	_ =	swait.ge @!p0 [sflag:s0], s1  }
0x112: {  	s1 =	ssub.s32 @!p0 $0x0, s1;
	[sflag:s0] =	ssyncset.done @!p0 $0x0  }
0x113: {  	[sflag:s0] =	ssyncadd.s32 @!p0 s1  }
0x114: {  	[bflag:$0x3] =	sbarrier.arrive $0xFFFF  }
0x115: {  	_ =	shalt  }

</sc_bundles>
